<compile_context>
chip_gen: v7x
topology: tpu7x:2x2x1
jax: 0.10.2.dev20260603
libtpu: 0.0.44.dev20260713+nightly
codegen_flags: <defaults>
</compile_context>

<pallas_src>
import functools

import jax
import jax.numpy as jnp
from jax import lax
from jax.experimental import pallas as pl
from jax.experimental.pallas import tpu as pltpu
from jax.experimental.pallas import tpu_sc as plsc

N = 10000
NPAD = 10240
E = 320000
G = 64
DF = 128
HID = 64
NC = 2
NS = 16
NW = NC * NS
EW = E // NW
MIN_SCORE = 1e-3
TOL = 1e-7
NEG = float("-inf")
F32 = jnp.float32


HALF = NPAD // 2
JUNK = HALF
ACC_R = 5376
EW2 = E // NS
SC_D = 128
SC_C = 200
ZC = 48


@functools.lru_cache(maxsize=None)
def _make_sc_scatter():
    RW = ACC_R // NS
    mesh = plsc.VectorSubcoreMesh(core_axis_name="c", subcore_axis_name="s")

    @functools.partial(
        pl.kernel,
        out_type=jax.ShapeDtypeStruct((NC, ACC_R, SC_D), F32),
        mesh=mesh,
        scratch_types=[
            pltpu.VMEM((SC_C,), jnp.int32),
            pltpu.VMEM((SC_C,), jnp.int32),
            pltpu.VMEM((SC_C,), jnp.int32),
            pltpu.VMEM((SC_C,), jnp.int32),
            pltpu.VMEM((SC_C, SC_D), F32),
            pltpu.VMEM((SC_C, SC_D), F32),
            pltpu.VMEM((ZC, SC_D), F32),
            pltpu.VMEM_SHARED((ACC_R, SC_D), F32),
            pltpu.SemaphoreType.DMA,
            pltpu.SemaphoreType.DMA,
        ],
    )
    def scatter_kernel(table_hbm, src_hbm, dsta_hbm, dstb_hbm, zeros_hbm,
                       out_hbm, src_v0, dst_v0, src_v1, dst_v1, rows_v0,
                       rows_v1, zbuf_v, acc_s, sem0, sem1):
        c = lax.axis_index("c")
        s = lax.axis_index("s")

        pltpu.sync_copy(zeros_hbm, zbuf_v)

        @pl.loop(0, RW // ZC)
        def _zero(i):
            pltpu.sync_copy(zbuf_v, acc_s.at[pl.ds(s * RW + i * ZC, ZC)])

        plsc.subcore_barrier()

        base = s * EW2

        def run(dst_hbm):
            @pl.loop(0, EW2 // (2 * SC_C))
            def _scat(jj):
                off0 = base + 2 * jj * SC_C
                off1 = off0 + SC_C
                pltpu.sync_copy(src_hbm.at[pl.ds(off0, SC_C)], src_v0)
                pltpu.sync_copy(dst_hbm.at[pl.ds(off0, SC_C)], dst_v0)
                d0 = pltpu.async_copy(table_hbm.at[src_v0], rows_v0, sem0)
                pltpu.sync_copy(src_hbm.at[pl.ds(off1, SC_C)], src_v1)
                pltpu.sync_copy(dst_hbm.at[pl.ds(off1, SC_C)], dst_v1)
                d1 = pltpu.async_copy(table_hbm.at[src_v1], rows_v1, sem1)
                d0.wait()
                pltpu.sync_copy(rows_v0, acc_s.at[dst_v0], add=True)
                d1.wait()
                pltpu.sync_copy(rows_v1, acc_s.at[dst_v1], add=True)

        @pl.when(c == 0)
        def _ca():
            run(dsta_hbm)

        @pl.when(c == 1)
        def _cb():
            run(dstb_hbm)

        plsc.subcore_barrier()

        @pl.loop(0, RW // ZC)
        def _out(i):
            off = s * RW + i * ZC
            pltpu.sync_copy(acc_s.at[pl.ds(off, ZC)], zbuf_v)
            pltpu.sync_copy(zbuf_v, out_hbm.at[c, pl.ds(off, ZC)])

    return scatter_kernel


def _sc_scatter(table, src, dst2):
    halves = _make_sc_scatter()(table, src, dst2[0], dst2[1],
                                jnp.zeros((ZC, SC_D), F32))
    return jnp.concatenate([halves[0, :HALF], halves[1, :HALF]], axis=0)


RB = 1024


def _t1_body(x_ref, aa_ref, w1_ref, b1_ref, w2_ref, b2_ref, pw_ref,
             h_ref, xw_ref):
    h0 = x_ref[...] + aa_ref[...]
    h = jnp.maximum(jnp.dot(h0, w1_ref[...], preferred_element_type=F32)
                    + b1_ref[...], 0.0)
    h = jnp.dot(h, w2_ref[...], preferred_element_type=F32) + b2_ref[...]
    h = jnp.maximum(h, 0.0)
    h_ref[...] = h
    xw_ref[...] = jnp.dot(h, pw_ref[...], preferred_element_type=F32)


@functools.lru_cache(maxsize=None)
def _make_t1(din):
    grid = NPAD // RB
    row = lambda i: (i, 0)
    full = lambda i: (0, 0)
    return pl.pallas_call(
        _t1_body,
        grid=(grid,),
        in_specs=[
            pl.BlockSpec((RB, din), row),
            pl.BlockSpec((RB, din), row),
            pl.BlockSpec((din, HID), full),
            pl.BlockSpec((1, HID), full),
            pl.BlockSpec((HID, HID), full),
            pl.BlockSpec((1, HID), full),
            pl.BlockSpec((HID, 1), full),
        ],
        out_specs=[
            pl.BlockSpec((RB, HID), row),
            pl.BlockSpec((RB, 1), row),
        ],
        out_shape=[
            jax.ShapeDtypeStruct((NPAD, HID), F32),
            jax.ShapeDtypeStruct((NPAD, 1), F32),
        ],
    )


def _t1(x, agg, w1, b1, w2, b2, pw):
    return _make_t1(x.shape[1])(x, agg, w1, b1.reshape(1, HID),
                                w2, b2.reshape(1, HID), pw)


def _t2a_body(xw_ref, da_ref, u_ref, v_ref, dinv_ref):
    u = u_ref[...]
    deg = u * da_ref[...] + u
    dinv = jnp.where(deg > 0, 1.0 / jnp.sqrt(deg), 0.0)
    dinv_ref[...] = dinv
    v_ref[...] = dinv * u * xw_ref[...]


_t2a_call = None


def _t2a(xw, da, u):
    global _t2a_call
    if _t2a_call is None:
        _t2a_call = pl.pallas_call(
            _t2a_body,
            out_shape=[jax.ShapeDtypeStruct((NPAD, 1), F32),
                       jax.ShapeDtypeStruct((NPAD, 1), F32)],
        )
    return _t2a_call(xw, da, u)


CB2 = 1024
NCH2 = NPAD // CB2


def _t2b_body(sa_ref, dinv_ref, u_ref, xw_ref, pb_ref, batch_ref,
              h_ref, xk_ref, un_ref, sk_ref):
    iot = lax.broadcasted_iota(jnp.int32, (CB2, G + 1), 1)

    def chunk(i):
        sl = pl.ds(i * CB2, CB2)
        u = u_ref[sl, :]
        b = batch_ref[sl, :]
        dinv = dinv_ref[sl, :]
        oh = jnp.where(u > 0, b, G) == iot
        attn = (dinv * u * sa_ref[sl, :]
                + dinv * dinv * u * xw_ref[sl, :] + pb_ref[0, 0])
        return sl, u, b, oh, attn

    def p_max(i, m):
        _, _, _, oh, attn = chunk(i)
        return jnp.maximum(m, jnp.max(jnp.where(oh, attn, NEG), axis=0,
                                      keepdims=True))

    m = lax.fori_loop(0, NCH2, p_max, jnp.full((1, G + 1), NEG, F32))

    def score_chunk(i, d):
        sl, u, b, oh, attn = chunk(i)
        m_pn = jnp.sum(jnp.where(oh, m, 0.0), axis=1, keepdims=True)
        e = jnp.exp(attn - m_pn)
        if d is None:
            return sl, u, b, oh, e
        d_pn = jnp.sum(jnp.where(oh, d, 0.0), axis=1, keepdims=True)
        return sl, u, b, oh, e / d_pn

    def p_den(i, d):
        _, _, _, oh, e = score_chunk(i, None)
        return d + jnp.sum(jnp.where(oh, e, 0.0), axis=0, keepdims=True)

    d = lax.fori_loop(0, NCH2, p_den, jnp.zeros((1, G + 1), F32))

    def p_smax(i, smax):
        _, _, _, oh, score = score_chunk(i, d)
        return jnp.maximum(smax, jnp.max(jnp.where(oh, score, NEG), axis=0,
                                         keepdims=True))

    smax_seg = lax.fori_loop(0, NCH2, p_smax, jnp.full((1, G + 1), NEG, F32))

    def p_out(i, carry):
        sl, u, b, oh, score = score_chunk(i, d)
        oh_b = b == iot
        smax_pn = jnp.sum(jnp.where(oh_b, smax_seg, 0.0), axis=1,
                          keepdims=True) - TOL
        smin = jnp.minimum(smax_pn, MIN_SCORE)
        perm = (u > 0) & (score > smin)
        xk_ref[sl, :] = jnp.where(perm, h_ref[sl, :] * score, 0.0)
        un_ref[sl, :] = perm.astype(F32)
        sk_ref[sl, :] = jnp.where(perm, score, 0.0)
        return carry

    lax.fori_loop(0, NCH2, p_out, 0)


_t2b_call = None


def _t2b(sa, dinv, u, xw, pb, batchp, h):
    global _t2b_call
    if _t2b_call is None:
        _t2b_call = pl.pallas_call(
            _t2b_body,
            out_shape=[jax.ShapeDtypeStruct((NPAD, HID), F32),
                       jax.ShapeDtypeStruct((NPAD, 1), F32),
                       jax.ShapeDtypeStruct((NPAD, 1), F32)],
        )
    return _t2b_call(sa, dinv, u, xw, pb.reshape(1, 1), batchp, h)


RB3 = 256
NB3 = NPAD // RB3


def _t3_body(x_ref, aa_ref, w1_ref, b1_ref, w2_ref, b2_ref,
             lw_ref, lb_ref, batch_ref, m2_ref, s2_ref, t_ref,
             pred_ref, loss_ref, ratio_ref,
             gm_sc, kl_sc, cnt_sc, rat_sc):
    i = pl.program_id(0)

    @pl.when(i == 0)
    def _init():
        gm_sc[...] = jnp.full((G + 1, HID), NEG, F32)
        kl_sc[...] = jnp.zeros((1, G + 1), F32)
        cnt_sc[...] = jnp.zeros((1, G + 1), F32)
        rat_sc[...] = jnp.zeros((1, 1), F32)

    h0 = x_ref[...] + aa_ref[...]
    h = jnp.maximum(jnp.dot(h0, w1_ref[...], preferred_element_type=F32)
                    + b1_ref[...], 0.0)
    h = jnp.dot(h, w2_ref[...], preferred_element_type=F32) + b2_ref[...]
    h = jnp.maximum(h, 0.0)

    m2f = m2_ref[...]
    m2 = m2f > 0
    b2 = jnp.where(m2, batch_ref[...], G)
    iot = lax.broadcasted_iota(jnp.int32, (RB3, G + 1), 1)
    oh = b2 == iot
    def gmax(g, carry):
        row = jnp.max(jnp.where(b2 == g, h, NEG), axis=0, keepdims=True)
        gm_sc[pl.ds(g, 1), :] = jnp.maximum(gm_sc[pl.ds(g, 1), :], row)
        return carry

    lax.fori_loop(0, G, gmax, 0)

    t = t_ref[...]
    xlogy = jnp.where(t > 0, t * jnp.log(t), 0.0)
    klm = jnp.where(m2, xlogy - t * jnp.log(s2_ref[...] + 1e-14), 0.0)
    ohf = oh.astype(F32)
    kl_sc[...] += jnp.sum(ohf * klm, axis=0, keepdims=True)
    cnt_sc[...] += jnp.sum(ohf, axis=0, keepdims=True)
    rat_sc[...] += jnp.sum(m2f).reshape(1, 1)

    @pl.when(i == NB3 - 1)
    def _fin():
        gm = gm_sc[...][:G]
        pred_ref[...] = jnp.dot(gm, lw_ref[...],
                                preferred_element_type=F32) + lb_ref[...]
        cnt = jnp.maximum(cnt_sc[...][:, :G], 1.0)
        loss_ref[...] = kl_sc[...][:, :G] / cnt
        ratio_ref[...] = rat_sc[...] / jnp.float32(N)


_t3_call = None


def _t3(x2, agg, w1, b1, w2, b2, lw, lb, batchp, m2f, s2, tp):
    global _t3_call
    if _t3_call is None:
        row = lambda i: (i, 0)
        full = lambda i: (0, 0)
        _t3_call = pl.pallas_call(
            _t3_body,
            grid=(NB3,),
            in_specs=[
                pl.BlockSpec((RB3, HID), row),
                pl.BlockSpec((RB3, HID), row),
                pl.BlockSpec((HID, HID), full),
                pl.BlockSpec((1, HID), full),
                pl.BlockSpec((HID, HID), full),
                pl.BlockSpec((1, HID), full),
                pl.BlockSpec((HID, 1), full),
                pl.BlockSpec((1, 1), full),
                pl.BlockSpec((RB3, 1), row),
                pl.BlockSpec((RB3, 1), row),
                pl.BlockSpec((RB3, 1), row),
                pl.BlockSpec((RB3, 1), row),
            ],
            out_specs=[
                pl.BlockSpec((G, 1), full),
                pl.BlockSpec((1, G), full),
                pl.BlockSpec((1, 1), full),
            ],
            out_shape=[
                jax.ShapeDtypeStruct((G, 1), F32),
                jax.ShapeDtypeStruct((1, G), F32),
                jax.ShapeDtypeStruct((1, 1), F32),
            ],
            scratch_shapes=[
                pltpu.VMEM((G + 1, HID), F32),
                pltpu.VMEM((1, G + 1), F32),
                pltpu.VMEM((1, G + 1), F32),
                pltpu.VMEM((1, 1), F32),
            ],
        )
    return _t3_call(x2, agg, w1, b1.reshape(1, HID), w2,
                    b2.reshape(1, HID), lw, lb.reshape(1, 1), batchp, m2f,
                    s2, tp)


def kernel(x, edge_index, batch, node_attention,
           gin1_w1, gin1_b1, gin1_w2, gin1_b2, pool1_w, pool1_b,
           gin2_w1, gin2_b1, gin2_w2, gin2_b2, pool2_w, pool2_b,
           gin3_w1, gin3_b1, gin3_w2, gin3_b2, lin_w, lin_b):
    src = edge_index[0]
    dst = edge_index[1]
    dst2 = jnp.stack([jnp.where(dst < HALF, dst, JUNK),
                      jnp.where(dst >= HALF, dst - HALF, JUNK)])
    pad = NPAD - N
    xp = jnp.pad(x, ((0, pad), (0, 0)))
    batchp = jnp.pad(batch, (0, pad), constant_values=G).reshape(NPAD, 1)
    tp = jnp.pad(node_attention, (0, pad)).reshape(NPAD, 1)
    u1 = jnp.pad(jnp.ones((N,), F32), (0, pad)).reshape(NPAD, 1)
    z127 = jnp.zeros((NPAD, 127), F32)
    z63 = jnp.zeros((NPAD, 63), F32)
    z64 = jnp.zeros((NPAD, 64), F32)

    agg1 = _sc_scatter(xp, src, dst2)
    deg1 = _sc_scatter(jnp.concatenate([u1, z127], axis=1), src, dst2)
    h1, xw1 = _t1(xp, agg1, gin1_w1, gin1_b1, gin1_w2, gin1_b2, pool1_w)
    v1, dinv1 = _t2a(xw1, deg1[:, :1], u1)
    s1 = _sc_scatter(jnp.concatenate([v1, z127], axis=1), src, dst2)
    xk1, u2, _sk1 = _t2b(s1[:, :1], dinv1, u1, xw1, pool1_b, batchp, h1)

    agg2 = _sc_scatter(jnp.concatenate([xk1, u2, z63], axis=1), src, dst2)
    h2, xw2 = _t1(xk1, agg2[:, :HID],
                  gin2_w1, gin2_b1, gin2_w2, gin2_b2, pool2_w)
    v2, dinv2 = _t2a(xw2, agg2[:, HID:HID + 1], u2)
    s2 = _sc_scatter(jnp.concatenate([v2, z127], axis=1), src, dst2)
    xk2, u3, sk2 = _t2b(s2[:, :1], dinv2, u2, xw2, pool2_b, batchp, h2)

    agg3 = _sc_scatter(jnp.concatenate([xk2, z64], axis=1), src, dst2)
    pred, loss, ratio = _t3(xk2, agg3[:, :HID],
                            gin3_w1, gin3_b1, gin3_w2, gin3_b2,
                            lin_w, lin_b, batchp, u3, sk2, tp)
    return pred, loss.reshape(G), ratio.reshape(())

# --- scband reference (transcript-rebuilt; emitter-appended) ---
"""Pipeline reference for scband-net-317827579949 (READ-ONLY COPY).

The authoritative reference and input builder live on the scoring server;
editing this copy changes nothing except your own understanding.
"""

import jax, jax.numpy as jnp
import numpy as np
from jax.scipy.special import xlogy

N_NODES = 10000
N_EDGES = 320000
D_FEAT = 128
HIDDEN = 64
NUM_GRAPHS = 64
MIN_SCORE = 1e-3
TOL = 1e-7


def _lin_init(k, fi, fo):
    k1, k2 = jax.random.split(k)
    bound = 1.0 / np.sqrt(fi)
    w = jax.random.uniform(k1, (fi, fo), minval=-bound, maxval=bound, dtype=jnp.float32)
    b = jax.random.uniform(k2, (fo,), minval=-bound, maxval=bound, dtype=jnp.float32)
    return w, b


def setup_inputs(seed: int = 0) -> dict:
    key = jax.random.key(seed)
    ks = jax.random.split(key, 16)
    inp = {}
    inp["x"] = jax.random.normal(ks[0], (N_NODES, D_FEAT), dtype=jnp.float32)
    inp["edge_index"] = jax.random.randint(ks[1], (2, N_EDGES), 0, N_NODES, dtype=jnp.int32)
    inp["batch"] = jnp.sort(jax.random.randint(ks[2], (N_NODES,), 0, NUM_GRAPHS, dtype=jnp.int32))
    inp["node_attention"] = jax.random.uniform(ks[3], (N_NODES,), dtype=jnp.float32)
    inp["gin1_w1"], inp["gin1_b1"] = _lin_init(ks[4], D_FEAT, HIDDEN)
    inp["gin1_w2"], inp["gin1_b2"] = _lin_init(ks[5], HIDDEN, HIDDEN)
    inp["pool1_w"], inp["pool1_b"] = _lin_init(ks[6], HIDDEN, 1)
    inp["gin2_w1"], inp["gin2_b1"] = _lin_init(ks[7], HIDDEN, HIDDEN)
    inp["gin2_w2"], inp["gin2_b2"] = _lin_init(ks[8], HIDDEN, HIDDEN)
    inp["pool2_w"], inp["pool2_b"] = _lin_init(ks[9], HIDDEN, 1)
    inp["gin3_w1"], inp["gin3_b1"] = _lin_init(ks[10], HIDDEN, HIDDEN)
    inp["gin3_w2"], inp["gin3_b2"] = _lin_init(ks[11], HIDDEN, HIDDEN)
    inp["lin_w"], inp["lin_b"] = _lin_init(ks[12], HIDDEN, 1)
    return inp


def _gin(x, ei, w1, b1, w2, b2, em):
    n = x.shape[0]
    agg = jax.ops.segment_sum(jnp.where(em[:, None], x[ei[0]], 0.0), ei[1], num_segments=n)
    h = x + agg  # (1 + eps) * x + aggr, eps = 0
    h = jax.nn.relu(h @ w1 + b1)
    return h @ w2 + b2


def _gcn_score(x, ei, w, b, nm, em):
    n = x.shape[0]
    loop = jnp.arange(n, dtype=ei.dtype)
    src = jnp.concatenate([ei[0], loop])
    dst = jnp.concatenate([ei[1], loop])
    wgt = jnp.concatenate([em, nm]).astype(x.dtype)
    deg = jax.ops.segment_sum(wgt, dst, num_segments=n)
    dinv = jnp.where(deg > 0, deg ** -0.5, 0.0)
    norm = dinv[src] * dinv[dst] * wgt
    xw = x @ w
    out = jax.ops.segment_sum(norm[:, None] * xw[src], dst, num_segments=n) + b
    return out[:, 0]


def _seg_softmax(attn, beff, g1):
    m = jax.ops.segment_max(attn, beff, num_segments=g1)
    e = jnp.exp(attn - m[beff])
    d = jax.ops.segment_sum(e, beff, num_segments=g1)
    return e / d[beff]


def _sag_pool(x, ei, batch, w, b, g, nm, em, perm=None, ei_new=None):
    attn = _gcn_score(x, ei, w, b, nm, em)
    beff = jnp.where(nm, batch, g)
    score = _seg_softmax(attn, beff, g + 1)
    if perm is None:
        smax = jax.ops.segment_max(score, beff, num_segments=g + 1)[batch] - TOL
        smin = jnp.minimum(smax, MIN_SCORE)
        perm = nm & (score > smin)
        ei_new = em & perm[ei[0]] & perm[ei[1]]
    xk = jnp.where(perm[:, None], x * score[:, None], 0.0)
    sk = jnp.where(perm, score, 0.0)
    return xk, ei_new, jnp.where(perm, batch, g), perm, sk


def _forward(x, node_attention, params, edge_index, batch, idx=None):
    g = NUM_GRAPHS
    n = x.shape[0]
    nm0 = jnp.ones(n, dtype=bool)
    em0 = jnp.ones(edge_index.shape[1], dtype=bool)
    (g1w1, g1b1, g1w2, g1b2, p1w, p1b,
     g2w1, g2b1, g2w2, g2b2, p2w, p2b,
     g3w1, g3b1, g3w2, g3b2, lw, lb) = params
    h = jax.nn.relu(_gin(x, edge_index, g1w1, g1b1, g1w2, g1b2, em0))
    if idx is None:
        h, em1, b1, m1, s1 = _sag_pool(h, edge_index, batch, p1w, p1b, g, nm0, em0)
    else:
        h, em1, b1, m1, s1 = _sag_pool(h, edge_index, batch, p1w, p1b, g, nm0, em0, idx["perm1"], idx["ei1"])
    h = jax.nn.relu(_gin(h, edge_index, g2w1, g2b1, g2w2, g2b2, em1))
    if idx is None:
        h, em2, b2, m2, s2 = _sag_pool(h, edge_index, batch, p2w, p2b, g, m1, em1)
    else:
        h, em2, b2, m2, s2 = _sag_pool(h, edge_index, batch, p2w, p2b, g, m1, em1, idx["perm2"], idx["ei2"])
    ratio = jnp.sum(m2.astype(jnp.float32)) / jnp.float32(n)
    h = jax.nn.relu(_gin(h, edge_index, g3w1, g3b1, g3w2, g3b2, em2))
    gm = jax.ops.segment_max(h, b2, num_segments=g + 1)[:g]
    pred = gm @ lw + lb
    t = node_attention
    kl = xlogy(t, t) - t * jnp.log(s2 + 1e-14)
    klm = jnp.where(m2, kl, 0.0)
    cnt = jnp.maximum(jax.ops.segment_sum(m2.astype(kl.dtype), b2, num_segments=g + 1)[:g], 1.0)
    attn_loss = jax.ops.segment_sum(klm, b2, num_segments=g + 1)[:g] / cnt
    new_idx = {"perm1": m1, "ei1": em1, "perm2": m2, "ei2": em2}
    return pred, attn_loss, jnp.asarray(ratio, dtype=jnp.float32), new_idx


def reference(x, edge_index, batch, node_attention,
              gin1_w1, gin1_b1, gin1_w2, gin1_b2, pool1_w, pool1_b,
              gin2_w1, gin2_b1, gin2_w2, gin2_b2, pool2_w, pool2_b,
              gin3_w1, gin3_b1, gin3_w2, gin3_b2, lin_w, lin_b):
    params = (gin1_w1, gin1_b1, gin1_w2, gin1_b2, pool1_w, pool1_b,
              gin2_w1, gin2_b1, gin2_w2, gin2_b2, pool2_w, pool2_b,
              gin3_w1, gin3_b1, gin3_w2, gin3_b2, lin_w, lin_b)
    pred, attn_loss, ratio, _ = _forward(x, node_attention, params, edge_index, batch)
    return pred, attn_loss, ratio


if False:  # reference __main__ guard neutralized (emitter)
    out = reference(**setup_inputs())
    print(out[0].shape, out[1].shape, out[2])

if __name__ == "__main__":
    import jax
    _d = setup_inputs()
    print(jax.jit(kernel)(*tuple(_d.values())))

</pallas_src>

<mosaic_0001>
#map = affine_map<(d0, d1) -> (0, 0)>
#map1 = affine_map<(d0, d1) -> (0)>
#map2 = affine_map<(d0, d1) -> (0, 0, 0)>
module attributes {stable_mosaic.version = 14 : i64} {
  func.func @scatter_kernel(%arg0: i32, %arg1: i32, %arg2: memref<10240x128xf32, #tpu.memory_space<hbm>>, %arg3: memref<320000xi32, #tpu.memory_space<hbm>>, %arg4: memref<320000xi32, #tpu.memory_space<hbm>>, %arg5: memref<320000xi32, #tpu.memory_space<hbm>>, %arg6: memref<48x128xf32, #tpu.memory_space<hbm>>, %arg7: memref<2x5376x128xf32, #tpu.memory_space<hbm>>, %arg8: memref<200xi32, #tpu.memory_space<vmem>>, %arg9: memref<200xi32, #tpu.memory_space<vmem>>, %arg10: memref<200xi32, #tpu.memory_space<vmem>>, %arg11: memref<200xi32, #tpu.memory_space<vmem>>, %arg12: memref<200x128xf32, #tpu.memory_space<vmem>>, %arg13: memref<200x128xf32, #tpu.memory_space<vmem>>, %arg14: memref<48x128xf32, #tpu.memory_space<vmem>>, %arg15: memref<5376x128xf32, #tpu.memory_space<vmem_shared>>, %arg16: memref<!tpu.dma_semaphore, #tpu.memory_space<semaphore_mem>>, %arg17: memref<!tpu.dma_semaphore, #tpu.memory_space<semaphore_mem>>) attributes {dimension_semantics = [#tpu.dimension_semantics<core_parallel>, #tpu.dimension_semantics<subcore_parallel>], iteration_bounds = array<i64: 2, 16>, scalar_prefetch = 0 : i64, scratch_operands = 10 : i64, tpu.core_type = #tpu.core_type<sc_vector_subcore>, window_params = [{transform_indices = #map}, {transform_indices = #map1}, {transform_indices = #map1}, {transform_indices = #map1}, {transform_indices = #map}, {transform_indices = #map2}]} {
    "tpu.region"() ({
      %run_scoped3A = tpu.sem_alloc : memref<!tpu.dma_semaphore, #tpu.memory_space<semaphore_mem>>
      tpu.enqueue_dma source(%arg6 : memref<48x128xf32, #tpu.memory_space<hbm>>) target(%arg14 : memref<48x128xf32, #tpu.memory_space<vmem>>) target_semaphore(%run_scoped3A : memref<!tpu.dma_semaphore, #tpu.memory_space<semaphore_mem>>)
      tpu.wait_dma2 semaphore(%run_scoped3A : memref<!tpu.dma_semaphore, #tpu.memory_space<semaphore_mem>>) src(%arg6 : memref<48x128xf32, #tpu.memory_space<hbm>>) dst(%arg14 : memref<48x128xf32, #tpu.memory_space<vmem>>)
      tpu.yield
    }) : () -> ()
    %scan3A = arith.constant 0 : i32
    %scan3A_0 = arith.constant 7 : i32
    %scan3A_1 = arith.addi %scan3A, %scan3A_0 : i32
    %scan3A_2 = arith.constant 1 : i32
    scf.for %scan3A_18 = %scan3A to %scan3A_1 step %scan3A_2  : i32 {
      %mul3A_19 = arith.constant 1 : i32
      %mul3A_20 = arith.muli %scan3A_18, %mul3A_19 : i32
      %add3A = arith.constant 0 : i32
      %add3A_21 = arith.addi %add3A, %mul3A_20 : i32
      %mul3A_22 = arith.constant 336 : i32
      %mul3A_23 = arith.muli %arg1, %mul3A_22 : i32
      %mul3A_24 = arith.constant 48 : i32
      %mul3A_25 = arith.muli %add3A_21, %mul3A_24 : i32
      %add3A_26 = arith.addi %mul3A_23, %mul3A_25 : i32
      "tpu.region"() ({
        %run_scoped3A = tpu.sem_alloc : memref<!tpu.dma_semaphore, #tpu.memory_space<semaphore_mem>>
        %dma_start3A = arith.constant 0 : i32
        %dma_start3A_27 = tpu.memref_slice %arg15[%add3A_26, %dma_start3A] : memref<5376x128xf32, #tpu.memory_space<vmem_shared>> -> memref<48x128xf32, #tpu.memory_space<vmem_shared>>
        %dma_start3A_28 = arith.constant 0 : i32
        %dma_start3A_29 = tpu.memref_slice %arg15[%add3A_26, %dma_start3A_28] : memref<5376x128xf32, #tpu.memory_space<vmem_shared>> -> memref<48x128xf32, #tpu.memory_space<vmem_shared>>
        tpu.enqueue_dma source(%arg14 : memref<48x128xf32, #tpu.memory_space<vmem>>) target(%dma_start3A_29 : memref<48x128xf32, #tpu.memory_space<vmem_shared>>) target_semaphore(%run_scoped3A : memref<!tpu.dma_semaphore, #tpu.memory_space<semaphore_mem>>)
        %dma_wait3A = arith.constant 0 : i32
        %dma_wait3A_30 = tpu.memref_slice %arg15[%add3A_26, %dma_wait3A] : memref<5376x128xf32, #tpu.memory_space<vmem_shared>> -> memref<48x128xf32, #tpu.memory_space<vmem_shared>>
        %dma_wait3A_31 = arith.constant 0 : i32
        %dma_wait3A_32 = tpu.memref_slice %arg15[%add3A_26, %dma_wait3A_31] : memref<5376x128xf32, #tpu.memory_space<vmem_shared>> -> memref<48x128xf32, #tpu.memory_space<vmem_shared>>
        tpu.wait_dma2 semaphore(%run_scoped3A : memref<!tpu.dma_semaphore, #tpu.memory_space<semaphore_mem>>) src(%arg14 : memref<48x128xf32, #tpu.memory_space<vmem>>) dst(%dma_wait3A_32 : memref<48x128xf32, #tpu.memory_space<vmem_shared>>)
        tpu.yield
      }) : () -> ()
    }
    %scan3A_3 = arith.constant 7 : i32
    %barrier3A = arith.constant 0 : index
    tpu.barrier barrier_id(%barrier3A)
    %mul3A = arith.constant 20000 : i32
    %mul3A_4 = arith.muli %arg1, %mul3A : i32
    %eq3A = arith.constant 0 : i32
    %eq3A_5 = arith.cmpi eq, %arg0, %eq3A : i32
    %convert_element_type3A = arith.extui %eq3A_5 : i1 to i32
    %cond3A = arith.constant 0 : i32
    %cond3A_6 = arith.cmpi ne, %convert_element_type3A, %cond3A : i32
    scf.if %cond3A_6 {
      %scan3A_18 = arith.constant 0 : i32
      %scan3A_19 = arith.constant 50 : i32
      %scan3A_20 = arith.addi %scan3A_18, %scan3A_19 : i32
      %scan3A_21 = arith.constant 1 : i32
      scf.for %scan3A_23 = %scan3A_18 to %scan3A_20 step %scan3A_21  : i32 {
        %mul3A_24 = arith.constant 1 : i32
        %mul3A_25 = arith.muli %scan3A_23, %mul3A_24 : i32
        %add3A = arith.constant 0 : i32
        %add3A_26 = arith.addi %add3A, %mul3A_25 : i32
        %mul3A_27 = arith.constant 2 : i32
        %mul3A_28 = arith.muli %mul3A_27, %add3A_26 : i32
        %mul3A_29 = arith.constant 200 : i32
        %mul3A_30 = arith.muli %mul3A_28, %mul3A_29 : i32
        %add3A_31 = arith.addi %mul3A_4, %mul3A_30 : i32
        %add3A_32 = arith.constant 200 : i32
        %add3A_33 = arith.addi %add3A_31, %add3A_32 : i32
        "tpu.region"() ({
          %run_scoped3A = tpu.sem_alloc : memref<!tpu.dma_semaphore, #tpu.memory_space<semaphore_mem>>
          %dma_start3A_44 = tpu.memref_slice %arg3[%add3A_31] : memref<320000xi32, #tpu.memory_space<hbm>> -> memref<200xi32, #tpu.memory_space<hbm>>
          %dma_start3A_45 = tpu.memref_slice %arg3[%add3A_31] : memref<320000xi32, #tpu.memory_space<hbm>> -> memref<200xi32, #tpu.memory_space<hbm>>
          tpu.enqueue_dma source(%dma_start3A_45 : memref<200xi32, #tpu.memory_space<hbm>>) target(%arg8 : memref<200xi32, #tpu.memory_space<vmem>>) target_semaphore(%run_scoped3A : memref<!tpu.dma_semaphore, #tpu.memory_space<semaphore_mem>>)
          %dma_wait3A_46 = tpu.memref_slice %arg3[%add3A_31] : memref<320000xi32, #tpu.memory_space<hbm>> -> memref<200xi32, #tpu.memory_space<hbm>>
          %dma_wait3A_47 = tpu.memref_slice %arg3[%add3A_31] : memref<320000xi32, #tpu.memory_space<hbm>> -> memref<200xi32, #tpu.memory_space<hbm>>
          tpu.wait_dma2 semaphore(%run_scoped3A : memref<!tpu.dma_semaphore, #tpu.memory_space<semaphore_mem>>) src(%dma_wait3A_47 : memref<200xi32, #tpu.memory_space<hbm>>) dst(%arg8 : memref<200xi32, #tpu.memory_space<vmem>>)
          tpu.yield
        }) : () -> ()
        "tpu.region"() ({
          %run_scoped3A = tpu.sem_alloc : memref<!tpu.dma_semaphore, #tpu.memory_space<semaphore_mem>>
          %dma_start3A_44 = tpu.memref_slice %arg4[%add3A_31] : memref<320000xi32, #tpu.memory_space<hbm>> -> memref<200xi32, #tpu.memory_space<hbm>>
          %dma_start3A_45 = tpu.memref_slice %arg4[%add3A_31] : memref<320000xi32, #tpu.memory_space<hbm>> -> memref<200xi32, #tpu.memory_space<hbm>>
          tpu.enqueue_dma source(%dma_start3A_45 : memref<200xi32, #tpu.memory_space<hbm>>) target(%arg9 : memref<200xi32, #tpu.memory_space<vmem>>) target_semaphore(%run_scoped3A : memref<!tpu.dma_semaphore, #tpu.memory_space<semaphore_mem>>)
          %dma_wait3A_46 = tpu.memref_slice %arg4[%add3A_31] : memref<320000xi32, #tpu.memory_space<hbm>> -> memref<200xi32, #tpu.memory_space<hbm>>
          %dma_wait3A_47 = tpu.memref_slice %arg4[%add3A_31] : memref<320000xi32, #tpu.memory_space<hbm>> -> memref<200xi32, #tpu.memory_space<hbm>>
          tpu.wait_dma2 semaphore(%run_scoped3A : memref<!tpu.dma_semaphore, #tpu.memory_space<semaphore_mem>>) src(%dma_wait3A_47 : memref<200xi32, #tpu.memory_space<hbm>>) dst(%arg9 : memref<200xi32, #tpu.memory_space<vmem>>)
          tpu.yield
        }) : () -> ()
        %dma_start3A = arith.constant 0 : i32
        %dma_start3A_34 = arith.constant 0 : i32
        %dma_start3A_35 = tpu.memref_slice %arg2[%dma_start3A, %dma_start3A_34] : memref<10240x128xf32, #tpu.memory_space<hbm>> -> memref<10240x128xf32, #tpu.memory_space<hbm>>
        tpu.enqueue_indirect_dma source(%dma_start3A_35 : memref<10240x128xf32, #tpu.memory_space<hbm>>) target(%arg12 : memref<200x128xf32, #tpu.memory_space<vmem>>) offsets(%arg8 : memref<200xi32, #tpu.memory_space<vmem>>) semaphore(%arg16 : memref<!tpu.dma_semaphore, #tpu.memory_space<semaphore_mem>>)
        "tpu.region"() ({
          %run_scoped3A = tpu.sem_alloc : memref<!tpu.dma_semaphore, #tpu.memory_space<semaphore_mem>>
          %dma_start3A_44 = tpu.memref_slice %arg3[%add3A_33] : memref<320000xi32, #tpu.memory_space<hbm>> -> memref<200xi32, #tpu.memory_space<hbm>>
          %dma_start3A_45 = tpu.memref_slice %arg3[%add3A_33] : memref<320000xi32, #tpu.memory_space<hbm>> -> memref<200xi32, #tpu.memory_space<hbm>>
          tpu.enqueue_dma source(%dma_start3A_45 : memref<200xi32, #tpu.memory_space<hbm>>) target(%arg10 : memref<200xi32, #tpu.memory_space<vmem>>) target_semaphore(%run_scoped3A : memref<!tpu.dma_semaphore, #tpu.memory_space<semaphore_mem>>)
          %dma_wait3A_46 = tpu.memref_slice %arg3[%add3A_33] : memref<320000xi32, #tpu.memory_space<hbm>> -> memref<200xi32, #tpu.memory_space<hbm>>
          %dma_wait3A_47 = tpu.memref_slice %arg3[%add3A_33] : memref<320000xi32, #tpu.memory_space<hbm>> -> memref<200xi32, #tpu.memory_space<hbm>>
          tpu.wait_dma2 semaphore(%run_scoped3A : memref<!tpu.dma_semaphore, #tpu.memory_space<semaphore_mem>>) src(%dma_wait3A_47 : memref<200xi32, #tpu.memory_space<hbm>>) dst(%arg10 : memref<200xi32, #tpu.memory_space<vmem>>)
          tpu.yield
        }) : () -> ()
        "tpu.region"() ({
          %run_scoped3A = tpu.sem_alloc : memref<!tpu.dma_semaphore, #tpu.memory_space<semaphore_mem>>
          %dma_start3A_44 = tpu.memref_slice %arg4[%add3A_33] : memref<320000xi32, #tpu.memory_space<hbm>> -> memref<200xi32, #tpu.memory_space<hbm>>
          %dma_start3A_45 = tpu.memref_slice %arg4[%add3A_33] : memref<320000xi32, #tpu.memory_space<hbm>> -> memref<200xi32, #tpu.memory_space<hbm>>
          tpu.enqueue_dma source(%dma_start3A_45 : memref<200xi32, #tpu.memory_space<hbm>>) target(%arg11 : memref<200xi32, #tpu.memory_space<vmem>>) target_semaphore(%run_scoped3A : memref<!tpu.dma_semaphore, #tpu.memory_space<semaphore_mem>>)
          %dma_wait3A_46 = tpu.memref_slice %arg4[%add3A_33] : memref<320000xi32, #tpu.memory_space<hbm>> -> memref<200xi32, #tpu.memory_space<hbm>>
          %dma_wait3A_47 = tpu.memref_slice %arg4[%add3A_33] : memref<320000xi32, #tpu.memory_space<hbm>> -> memref<200xi32, #tpu.memory_space<hbm>>
          tpu.wait_dma2 semaphore(%run_scoped3A : memref<!tpu.dma_semaphore, #tpu.memory_space<semaphore_mem>>) src(%dma_wait3A_47 : memref<200xi32, #tpu.memory_space<hbm>>) dst(%arg11 : memref<200xi32, #tpu.memory_space<vmem>>)
          tpu.yield
        }) : () -> ()
        %dma_start3A_36 = arith.constant 0 : i32
        %dma_start3A_37 = arith.constant 0 : i32
        %dma_start3A_38 = tpu.memref_slice %arg2[%dma_start3A_36, %dma_start3A_37] : memref<10240x128xf32, #tpu.memory_space<hbm>> -> memref<10240x128xf32, #tpu.memory_space<hbm>>
        tpu.enqueue_indirect_dma source(%dma_start3A_38 : memref<10240x128xf32, #tpu.memory_space<hbm>>) target(%arg13 : memref<200x128xf32, #tpu.memory_space<vmem>>) offsets(%arg10 : memref<200xi32, #tpu.memory_space<vmem>>) semaphore(%arg17 : memref<!tpu.dma_semaphore, #tpu.memory_space<semaphore_mem>>)
        %dma_wait3A = arith.constant 0 : i32
        %dma_wait3A_39 = arith.constant 0 : i32
        %dma_wait3A_40 = tpu.memref_slice %arg2[%dma_wait3A, %dma_wait3A_39] : memref<10240x128xf32, #tpu.memory_space<hbm>> -> memref<10240x128xf32, #tpu.memory_space<hbm>>
        tpu.wait_indirect_dma semaphore(%arg16 : memref<!tpu.dma_semaphore, #tpu.memory_space<semaphore_mem>>) src(%dma_wait3A_40 : memref<10240x128xf32, #tpu.memory_space<hbm>>) dst(%arg12 : memref<200x128xf32, #tpu.memory_space<vmem>>)
        "tpu.region"() ({
          %run_scoped3A = tpu.sem_alloc : memref<!tpu.dma_semaphore, #tpu.memory_space<semaphore_mem>>
          %dma_start3A_44 = arith.constant 0 : i32
          %dma_start3A_45 = arith.constant 0 : i32
          %dma_start3A_46 = tpu.memref_slice %arg15[%dma_start3A_44, %dma_start3A_45] : memref<5376x128xf32, #tpu.memory_space<vmem_shared>> -> memref<5376x128xf32, #tpu.memory_space<vmem_shared>>
          tpu.enqueue_indirect_dma source(%arg12 : memref<200x128xf32, #tpu.memory_space<vmem>>) target(%dma_start3A_46 : memref<5376x128xf32, #tpu.memory_space<vmem_shared>>) offsets(%arg9 : memref<200xi32, #tpu.memory_space<vmem>>) semaphore(%run_scoped3A : memref<!tpu.dma_semaphore, #tpu.memory_space<semaphore_mem>>) {add = true}
          %dma_wait3A_47 = arith.constant 0 : i32
          %dma_wait3A_48 = arith.constant 0 : i32
          %dma_wait3A_49 = tpu.memref_slice %arg15[%dma_wait3A_47, %dma_wait3A_48] : memref<5376x128xf32, #tpu.memory_space<vmem_shared>> -> memref<5376x128xf32, #tpu.memory_space<vmem_shared>>
          tpu.wait_indirect_dma semaphore(%run_scoped3A : memref<!tpu.dma_semaphore, #tpu.memory_space<semaphore_mem>>) src(%arg12 : memref<200x128xf32, #tpu.memory_space<vmem>>) dst(%dma_wait3A_49 : memref<5376x128xf32, #tpu.memory_space<vmem_shared>>)
          tpu.yield
        }) : () -> ()
        %dma_wait3A_41 = arith.constant 0 : i32
        %dma_wait3A_42 = arith.constant 0 : i32
        %dma_wait3A_43 = tpu.memref_slice %arg2[%dma_wait3A_41, %dma_wait3A_42] : memref<10240x128xf32, #tpu.memory_space<hbm>> -> memref<10240x128xf32, #tpu.memory_space<hbm>>
        tpu.wait_indirect_dma semaphore(%arg17 : memref<!tpu.dma_semaphore, #tpu.memory_space<semaphore_mem>>) src(%dma_wait3A_43 : memref<10240x128xf32, #tpu.memory_space<hbm>>) dst(%arg13 : memref<200x128xf32, #tpu.memory_space<vmem>>)
        "tpu.region"() ({
          %run_scoped3A = tpu.sem_alloc : memref<!tpu.dma_semaphore, #tpu.memory_space<semaphore_mem>>
          %dma_start3A_44 = arith.constant 0 : i32
          %dma_start3A_45 = arith.constant 0 : i32
          %dma_start3A_46 = tpu.memref_slice %arg15[%dma_start3A_44, %dma_start3A_45] : memref<5376x128xf32, #tpu.memory_space<vmem_shared>> -> memref<5376x128xf32, #tpu.memory_space<vmem_shared>>
          tpu.enqueue_indirect_dma source(%arg13 : memref<200x128xf32, #tpu.memory_space<vmem>>) target(%dma_start3A_46 : memref<5376x128xf32, #tpu.memory_space<vmem_shared>>) offsets(%arg11 : memref<200xi32, #tpu.memory_space<vmem>>) semaphore(%run_scoped3A : memref<!tpu.dma_semaphore, #tpu.memory_space<semaphore_mem>>) {add = true}
          %dma_wait3A_47 = arith.constant 0 : i32
          %dma_wait3A_48 = arith.constant 0 : i32
          %dma_wait3A_49 = tpu.memref_slice %arg15[%dma_wait3A_47, %dma_wait3A_48] : memref<5376x128xf32, #tpu.memory_space<vmem_shared>> -> memref<5376x128xf32, #tpu.memory_space<vmem_shared>>
          tpu.wait_indirect_dma semaphore(%run_scoped3A : memref<!tpu.dma_semaphore, #tpu.memory_space<semaphore_mem>>) src(%arg13 : memref<200x128xf32, #tpu.memory_space<vmem>>) dst(%dma_wait3A_49 : memref<5376x128xf32, #tpu.memory_space<vmem_shared>>)
          tpu.yield
        }) : () -> ()
      }
      %scan3A_22 = arith.constant 50 : i32
    } else {
    }
    %eq3A_7 = arith.constant 1 : i32
    %eq3A_8 = arith.cmpi eq, %arg0, %eq3A_7 : i32
    %convert_element_type3A_9 = arith.extui %eq3A_8 : i1 to i32
    %cond3A_10 = arith.constant 0 : i32
    %cond3A_11 = arith.cmpi ne, %convert_element_type3A_9, %cond3A_10 : i32
    scf.if %cond3A_11 {
      %scan3A_18 = arith.constant 0 : i32
      %scan3A_19 = arith.constant 50 : i32
      %scan3A_20 = arith.addi %scan3A_18, %scan3A_19 : i32
      %scan3A_21 = arith.constant 1 : i32
      scf.for %scan3A_23 = %scan3A_18 to %scan3A_20 step %scan3A_21  : i32 {
        %mul3A_24 = arith.constant 1 : i32
        %mul3A_25 = arith.muli %scan3A_23, %mul3A_24 : i32
        %add3A = arith.constant 0 : i32
        %add3A_26 = arith.addi %add3A, %mul3A_25 : i32
        %mul3A_27 = arith.constant 2 : i32
        %mul3A_28 = arith.muli %mul3A_27, %add3A_26 : i32
        %mul3A_29 = arith.constant 200 : i32
        %mul3A_30 = arith.muli %mul3A_28, %mul3A_29 : i32
        %add3A_31 = arith.addi %mul3A_4, %mul3A_30 : i32
        %add3A_32 = arith.constant 200 : i32
        %add3A_33 = arith.addi %add3A_31, %add3A_32 : i32
        "tpu.region"() ({
          %run_scoped3A = tpu.sem_alloc : memref<!tpu.dma_semaphore, #tpu.memory_space<semaphore_mem>>
          %dma_start3A_44 = tpu.memref_slice %arg3[%add3A_31] : memref<320000xi32, #tpu.memory_space<hbm>> -> memref<200xi32, #tpu.memory_space<hbm>>
          %dma_start3A_45 = tpu.memref_slice %arg3[%add3A_31] : memref<320000xi32, #tpu.memory_space<hbm>> -> memref<200xi32, #tpu.memory_space<hbm>>
          tpu.enqueue_dma source(%dma_start3A_45 : memref<200xi32, #tpu.memory_space<hbm>>) target(%arg8 : memref<200xi32, #tpu.memory_space<vmem>>) target_semaphore(%run_scoped3A : memref<!tpu.dma_semaphore, #tpu.memory_space<semaphore_mem>>)
          %dma_wait3A_46 = tpu.memref_slice %arg3[%add3A_31] : memref<320000xi32, #tpu.memory_space<hbm>> -> memref<200xi32, #tpu.memory_space<hbm>>
          %dma_wait3A_47 = tpu.memref_slice %arg3[%add3A_31] : memref<320000xi32, #tpu.memory_space<hbm>> -> memref<200xi32, #tpu.memory_space<hbm>>
          tpu.wait_dma2 semaphore(%run_scoped3A : memref<!tpu.dma_semaphore, #tpu.memory_space<semaphore_mem>>) src(%dma_wait3A_47 : memref<200xi32, #tpu.memory_space<hbm>>) dst(%arg8 : memref<200xi32, #tpu.memory_space<vmem>>)
          tpu.yield
        }) : () -> ()
        "tpu.region"() ({
          %run_scoped3A = tpu.sem_alloc : memref<!tpu.dma_semaphore, #tpu.memory_space<semaphore_mem>>
          %dma_start3A_44 = tpu.memref_slice %arg5[%add3A_31] : memref<320000xi32, #tpu.memory_space<hbm>> -> memref<200xi32, #tpu.memory_space<hbm>>
          %dma_start3A_45 = tpu.memref_slice %arg5[%add3A_31] : memref<320000xi32, #tpu.memory_space<hbm>> -> memref<200xi32, #tpu.memory_space<hbm>>
          tpu.enqueue_dma source(%dma_start3A_45 : memref<200xi32, #tpu.memory_space<hbm>>) target(%arg9 : memref<200xi32, #tpu.memory_space<vmem>>) target_semaphore(%run_scoped3A : memref<!tpu.dma_semaphore, #tpu.memory_space<semaphore_mem>>)
          %dma_wait3A_46 = tpu.memref_slice %arg5[%add3A_31] : memref<320000xi32, #tpu.memory_space<hbm>> -> memref<200xi32, #tpu.memory_space<hbm>>
          %dma_wait3A_47 = tpu.memref_slice %arg5[%add3A_31] : memref<320000xi32, #tpu.memory_space<hbm>> -> memref<200xi32, #tpu.memory_space<hbm>>
          tpu.wait_dma2 semaphore(%run_scoped3A : memref<!tpu.dma_semaphore, #tpu.memory_space<semaphore_mem>>) src(%dma_wait3A_47 : memref<200xi32, #tpu.memory_space<hbm>>) dst(%arg9 : memref<200xi32, #tpu.memory_space<vmem>>)
          tpu.yield
        }) : () -> ()
        %dma_start3A = arith.constant 0 : i32
        %dma_start3A_34 = arith.constant 0 : i32
        %dma_start3A_35 = tpu.memref_slice %arg2[%dma_start3A, %dma_start3A_34] : memref<10240x128xf32, #tpu.memory_space<hbm>> -> memref<10240x128xf32, #tpu.memory_space<hbm>>
        tpu.enqueue_indirect_dma source(%dma_start3A_35 : memref<10240x128xf32, #tpu.memory_space<hbm>>) target(%arg12 : memref<200x128xf32, #tpu.memory_space<vmem>>) offsets(%arg8 : memref<200xi32, #tpu.memory_space<vmem>>) semaphore(%arg16 : memref<!tpu.dma_semaphore, #tpu.memory_space<semaphore_mem>>)
        "tpu.region"() ({
          %run_scoped3A = tpu.sem_alloc : memref<!tpu.dma_semaphore, #tpu.memory_space<semaphore_mem>>
          %dma_start3A_44 = tpu.memref_slice %arg3[%add3A_33] : memref<320000xi32, #tpu.memory_space<hbm>> -> memref<200xi32, #tpu.memory_space<hbm>>
          %dma_start3A_45 = tpu.memref_slice %arg3[%add3A_33] : memref<320000xi32, #tpu.memory_space<hbm>> -> memref<200xi32, #tpu.memory_space<hbm>>
          tpu.enqueue_dma source(%dma_start3A_45 : memref<200xi32, #tpu.memory_space<hbm>>) target(%arg10 : memref<200xi32, #tpu.memory_space<vmem>>) target_semaphore(%run_scoped3A : memref<!tpu.dma_semaphore, #tpu.memory_space<semaphore_mem>>)
          %dma_wait3A_46 = tpu.memref_slice %arg3[%add3A_33] : memref<320000xi32, #tpu.memory_space<hbm>> -> memref<200xi32, #tpu.memory_space<hbm>>
          %dma_wait3A_47 = tpu.memref_slice %arg3[%add3A_33] : memref<320000xi32, #tpu.memory_space<hbm>> -> memref<200xi32, #tpu.memory_space<hbm>>
          tpu.wait_dma2 semaphore(%run_scoped3A : memref<!tpu.dma_semaphore, #tpu.memory_space<semaphore_mem>>) src(%dma_wait3A_47 : memref<200xi32, #tpu.memory_space<hbm>>) dst(%arg10 : memref<200xi32, #tpu.memory_space<vmem>>)
          tpu.yield
        }) : () -> ()
        "tpu.region"() ({
          %run_scoped3A = tpu.sem_alloc : memref<!tpu.dma_semaphore, #tpu.memory_space<semaphore_mem>>
          %dma_start3A_44 = tpu.memref_slice %arg5[%add3A_33] : memref<320000xi32, #tpu.memory_space<hbm>> -> memref<200xi32, #tpu.memory_space<hbm>>
          %dma_start3A_45 = tpu.memref_slice %arg5[%add3A_33] : memref<320000xi32, #tpu.memory_space<hbm>> -> memref<200xi32, #tpu.memory_space<hbm>>
          tpu.enqueue_dma source(%dma_start3A_45 : memref<200xi32, #tpu.memory_space<hbm>>) target(%arg11 : memref<200xi32, #tpu.memory_space<vmem>>) target_semaphore(%run_scoped3A : memref<!tpu.dma_semaphore, #tpu.memory_space<semaphore_mem>>)
          %dma_wait3A_46 = tpu.memref_slice %arg5[%add3A_33] : memref<320000xi32, #tpu.memory_space<hbm>> -> memref<200xi32, #tpu.memory_space<hbm>>
          %dma_wait3A_47 = tpu.memref_slice %arg5[%add3A_33] : memref<320000xi32, #tpu.memory_space<hbm>> -> memref<200xi32, #tpu.memory_space<hbm>>
          tpu.wait_dma2 semaphore(%run_scoped3A : memref<!tpu.dma_semaphore, #tpu.memory_space<semaphore_mem>>) src(%dma_wait3A_47 : memref<200xi32, #tpu.memory_space<hbm>>) dst(%arg11 : memref<200xi32, #tpu.memory_space<vmem>>)
          tpu.yield
        }) : () -> ()
        %dma_start3A_36 = arith.constant 0 : i32
        %dma_start3A_37 = arith.constant 0 : i32
        %dma_start3A_38 = tpu.memref_slice %arg2[%dma_start3A_36, %dma_start3A_37] : memref<10240x128xf32, #tpu.memory_space<hbm>> -> memref<10240x128xf32, #tpu.memory_space<hbm>>
        tpu.enqueue_indirect_dma source(%dma_start3A_38 : memref<10240x128xf32, #tpu.memory_space<hbm>>) target(%arg13 : memref<200x128xf32, #tpu.memory_space<vmem>>) offsets(%arg10 : memref<200xi32, #tpu.memory_space<vmem>>) semaphore(%arg17 : memref<!tpu.dma_semaphore, #tpu.memory_space<semaphore_mem>>)
        %dma_wait3A = arith.constant 0 : i32
        %dma_wait3A_39 = arith.constant 0 : i32
        %dma_wait3A_40 = tpu.memref_slice %arg2[%dma_wait3A, %dma_wait3A_39] : memref<10240x128xf32, #tpu.memory_space<hbm>> -> memref<10240x128xf32, #tpu.memory_space<hbm>>
        tpu.wait_indirect_dma semaphore(%arg16 : memref<!tpu.dma_semaphore, #tpu.memory_space<semaphore_mem>>) src(%dma_wait3A_40 : memref<10240x128xf32, #tpu.memory_space<hbm>>) dst(%arg12 : memref<200x128xf32, #tpu.memory_space<vmem>>)
        "tpu.region"() ({
          %run_scoped3A = tpu.sem_alloc : memref<!tpu.dma_semaphore, #tpu.memory_space<semaphore_mem>>
          %dma_start3A_44 = arith.constant 0 : i32
          %dma_start3A_45 = arith.constant 0 : i32
          %dma_start3A_46 = tpu.memref_slice %arg15[%dma_start3A_44, %dma_start3A_45] : memref<5376x128xf32, #tpu.memory_space<vmem_shared>> -> memref<5376x128xf32, #tpu.memory_space<vmem_shared>>
          tpu.enqueue_indirect_dma source(%arg12 : memref<200x128xf32, #tpu.memory_space<vmem>>) target(%dma_start3A_46 : memref<5376x128xf32, #tpu.memory_space<vmem_shared>>) offsets(%arg9 : memref<200xi32, #tpu.memory_space<vmem>>) semaphore(%run_scoped3A : memref<!tpu.dma_semaphore, #tpu.memory_space<semaphore_mem>>) {add = true}
          %dma_wait3A_47 = arith.constant 0 : i32
          %dma_wait3A_48 = arith.constant 0 : i32
          %dma_wait3A_49 = tpu.memref_slice %arg15[%dma_wait3A_47, %dma_wait3A_48] : memref<5376x128xf32, #tpu.memory_space<vmem_shared>> -> memref<5376x128xf32, #tpu.memory_space<vmem_shared>>
          tpu.wait_indirect_dma semaphore(%run_scoped3A : memref<!tpu.dma_semaphore, #tpu.memory_space<semaphore_mem>>) src(%arg12 : memref<200x128xf32, #tpu.memory_space<vmem>>) dst(%dma_wait3A_49 : memref<5376x128xf32, #tpu.memory_space<vmem_shared>>)
          tpu.yield
        }) : () -> ()
        %dma_wait3A_41 = arith.constant 0 : i32
        %dma_wait3A_42 = arith.constant 0 : i32
        %dma_wait3A_43 = tpu.memref_slice %arg2[%dma_wait3A_41, %dma_wait3A_42] : memref<10240x128xf32, #tpu.memory_space<hbm>> -> memref<10240x128xf32, #tpu.memory_space<hbm>>
        tpu.wait_indirect_dma semaphore(%arg17 : memref<!tpu.dma_semaphore, #tpu.memory_space<semaphore_mem>>) src(%dma_wait3A_43 : memref<10240x128xf32, #tpu.memory_space<hbm>>) dst(%arg13 : memref<200x128xf32, #tpu.memory_space<vmem>>)
        "tpu.region"() ({
          %run_scoped3A = tpu.sem_alloc : memref<!tpu.dma_semaphore, #tpu.memory_space<semaphore_mem>>
          %dma_start3A_44 = arith.constant 0 : i32
          %dma_start3A_45 = arith.constant 0 : i32
          %dma_start3A_46 = tpu.memref_slice %arg15[%dma_start3A_44, %dma_start3A_45] : memref<5376x128xf32, #tpu.memory_space<vmem_shared>> -> memref<5376x128xf32, #tpu.memory_space<vmem_shared>>
          tpu.enqueue_indirect_dma source(%arg13 : memref<200x128xf32, #tpu.memory_space<vmem>>) target(%dma_start3A_46 : memref<5376x128xf32, #tpu.memory_space<vmem_shared>>) offsets(%arg11 : memref<200xi32, #tpu.memory_space<vmem>>) semaphore(%run_scoped3A : memref<!tpu.dma_semaphore, #tpu.memory_space<semaphore_mem>>) {add = true}
          %dma_wait3A_47 = arith.constant 0 : i32
          %dma_wait3A_48 = arith.constant 0 : i32
          %dma_wait3A_49 = tpu.memref_slice %arg15[%dma_wait3A_47, %dma_wait3A_48] : memref<5376x128xf32, #tpu.memory_space<vmem_shared>> -> memref<5376x128xf32, #tpu.memory_space<vmem_shared>>
          tpu.wait_indirect_dma semaphore(%run_scoped3A : memref<!tpu.dma_semaphore, #tpu.memory_space<semaphore_mem>>) src(%arg13 : memref<200x128xf32, #tpu.memory_space<vmem>>) dst(%dma_wait3A_49 : memref<5376x128xf32, #tpu.memory_space<vmem_shared>>)
          tpu.yield
        }) : () -> ()
      }
      %scan3A_22 = arith.constant 50 : i32
    } else {
    }
    %barrier3A_12 = arith.constant 0 : index
    tpu.barrier barrier_id(%barrier3A_12)
    %scan3A_13 = arith.constant 0 : i32
    %scan3A_14 = arith.constant 7 : i32
    %scan3A_15 = arith.addi %scan3A_13, %scan3A_14 : i32
    %scan3A_16 = arith.constant 1 : i32
    scf.for %scan3A_18 = %scan3A_13 to %scan3A_15 step %scan3A_16  : i32 {
      %mul3A_19 = arith.constant 1 : i32
      %mul3A_20 = arith.muli %scan3A_18, %mul3A_19 : i32
      %add3A = arith.constant 0 : i32
      %add3A_21 = arith.addi %add3A, %mul3A_20 : i32
      %mul3A_22 = arith.constant 336 : i32
      %mul3A_23 = arith.muli %arg1, %mul3A_22 : i32
      %mul3A_24 = arith.constant 48 : i32
      %mul3A_25 = arith.muli %add3A_21, %mul3A_24 : i32
      %add3A_26 = arith.addi %mul3A_23, %mul3A_25 : i32
      "tpu.region"() ({
        %run_scoped3A = tpu.sem_alloc : memref<!tpu.dma_semaphore, #tpu.memory_space<semaphore_mem>>
        %dma_start3A = arith.constant 0 : i32
        %dma_start3A_27 = tpu.memref_slice %arg15[%add3A_26, %dma_start3A] : memref<5376x128xf32, #tpu.memory_space<vmem_shared>> -> memref<48x128xf32, #tpu.memory_space<vmem_shared>>
        %dma_start3A_28 = arith.constant 0 : i32
        %dma_start3A_29 = tpu.memref_slice %arg15[%add3A_26, %dma_start3A_28] : memref<5376x128xf32, #tpu.memory_space<vmem_shared>> -> memref<48x128xf32, #tpu.memory_space<vmem_shared>>
        tpu.enqueue_dma source(%dma_start3A_29 : memref<48x128xf32, #tpu.memory_space<vmem_shared>>) target(%arg14 : memref<48x128xf32, #tpu.memory_space<vmem>>) target_semaphore(%run_scoped3A : memref<!tpu.dma_semaphore, #tpu.memory_space<semaphore_mem>>)
        %dma_wait3A = arith.constant 0 : i32
        %dma_wait3A_30 = tpu.memref_slice %arg15[%add3A_26, %dma_wait3A] : memref<5376x128xf32, #tpu.memory_space<vmem_shared>> -> memref<48x128xf32, #tpu.memory_space<vmem_shared>>
        %dma_wait3A_31 = arith.constant 0 : i32
        %dma_wait3A_32 = tpu.memref_slice %arg15[%add3A_26, %dma_wait3A_31] : memref<5376x128xf32, #tpu.memory_space<vmem_shared>> -> memref<48x128xf32, #tpu.memory_space<vmem_shared>>
        tpu.wait_dma2 semaphore(%run_scoped3A : memref<!tpu.dma_semaphore, #tpu.memory_space<semaphore_mem>>) src(%dma_wait3A_32 : memref<48x128xf32, #tpu.memory_space<vmem_shared>>) dst(%arg14 : memref<48x128xf32, #tpu.memory_space<vmem>>)
        tpu.yield
      }) : () -> ()
      "tpu.region"() ({
        %run_scoped3A = tpu.sem_alloc : memref<!tpu.dma_semaphore, #tpu.memory_space<semaphore_mem>>
        %dma_start3A = arith.constant 0 : i32
        %dma_start3A_27 = tpu.memref_slice %arg7[%arg0, %add3A_26, %dma_start3A] : memref<2x5376x128xf32, #tpu.memory_space<hbm>> -> memref<1x48x128xf32, #tpu.memory_space<hbm>>
        %dma_start3A_28 = tpu.memref_squeeze %dma_start3A_27 : memref<1x48x128xf32, #tpu.memory_space<hbm>> -> memref<48x128xf32, #tpu.memory_space<hbm>>
        %dma_start3A_29 = arith.constant 0 : i32
        %dma_start3A_30 = tpu.memref_slice %arg7[%arg0, %add3A_26, %dma_start3A_29] : memref<2x5376x128xf32, #tpu.memory_space<hbm>> -> memref<1x48x128xf32, #tpu.memory_space<hbm>>
        %dma_start3A_31 = tpu.memref_squeeze %dma_start3A_30 : memref<1x48x128xf32, #tpu.memory_space<hbm>> -> memref<48x128xf32, #tpu.memory_space<hbm>>
        tpu.enqueue_dma source(%arg14 : memref<48x128xf32, #tpu.memory_space<vmem>>) target(%dma_start3A_31 : memref<48x128xf32, #tpu.memory_space<hbm>>) target_semaphore(%run_scoped3A : memref<!tpu.dma_semaphore, #tpu.memory_space<semaphore_mem>>)
        %dma_wait3A = arith.constant 0 : i32
        %dma_wait3A_32 = tpu.memref_slice %arg7[%arg0, %add3A_26, %dma_wait3A] : memref<2x5376x128xf32, #tpu.memory_space<hbm>> -> memref<1x48x128xf32, #tpu.memory_space<hbm>>
        %dma_wait3A_33 = tpu.memref_squeeze %dma_wait3A_32 : memref<1x48x128xf32, #tpu.memory_space<hbm>> -> memref<48x128xf32, #tpu.memory_space<hbm>>
        %dma_wait3A_34 = arith.constant 0 : i32
        %dma_wait3A_35 = tpu.memref_slice %arg7[%arg0, %add3A_26, %dma_wait3A_34] : memref<2x5376x128xf32, #tpu.memory_space<hbm>> -> memref<1x48x128xf32, #tpu.memory_space<hbm>>
        %dma_wait3A_36 = tpu.memref_squeeze %dma_wait3A_35 : memref<1x48x128xf32, #tpu.memory_space<hbm>> -> memref<48x128xf32, #tpu.memory_space<hbm>>
        tpu.wait_dma2 semaphore(%run_scoped3A : memref<!tpu.dma_semaphore, #tpu.memory_space<semaphore_mem>>) src(%arg14 : memref<48x128xf32, #tpu.memory_space<vmem>>) dst(%dma_wait3A_36 : memref<48x128xf32, #tpu.memory_space<hbm>>)
        tpu.yield
      }) : () -> ()
    }
    %scan3A_17 = arith.constant 7 : i32
    return
  }
}

#map = affine_map<(d0, d1) -> (0, 0)>
#map1 = affine_map<(d0, d1) -> (0)>
#map2 = affine_map<(d0, d1) -> (0, 0, 0)>
module attributes {stable_mosaic.version = 14 : i64} {
  func.func @scatter_kernel(%arg0: i32, %arg1: i32, %arg2: memref<10240x128xf32, #tpu.memory_space<hbm>>, %arg3: memref<320000xi32, #tpu.memory_space<hbm>>, %arg4: memref<320000xi32, #tpu.memory_space<hbm>>, %arg5: memref<320000xi32, #tpu.memory_space<hbm>>, %arg6: memref<48x128xf32, #tpu.memory_space<hbm>>, %arg7: memref<2x5376x128xf32, #tpu.memory_space<hbm>>, %arg8: memref<200xi32, #tpu.memory_space<vmem>>, %arg9: memref<200xi32, #tpu.memory_space<vmem>>, %arg10: memref<200xi32, #tpu.memory_space<vmem>>, %arg11: memref<200xi32, #tpu.memory_space<vmem>>, %arg12: memref<200x128xf32, #tpu.memory_space<vmem>>, %arg13: memref<200x128xf32, #tpu.memory_space<vmem>>, %arg14: memref<48x128xf32, #tpu.memory_space<vmem>>, %arg15: memref<5376x128xf32, #tpu.memory_space<vmem_shared>>, %arg16: memref<!tpu.dma_semaphore, #tpu.memory_space<semaphore_mem>>, %arg17: memref<!tpu.dma_semaphore, #tpu.memory_space<semaphore_mem>>) attributes {dimension_semantics = [#tpu.dimension_semantics<core_parallel>, #tpu.dimension_semantics<subcore_parallel>], iteration_bounds = array<i64: 2, 16>, scalar_prefetch = 0 : i64, scratch_operands = 10 : i64, tpu.core_type = #tpu.core_type<sc_vector_subcore>, window_params = [{transform_indices = #map}, {transform_indices = #map1}, {transform_indices = #map1}, {transform_indices = #map1}, {transform_indices = #map}, {transform_indices = #map2}]} {
    "tpu.region"() ({
      %run_scoped3A = tpu.sem_alloc : memref<!tpu.dma_semaphore, #tpu.memory_space<semaphore_mem>>
      tpu.enqueue_dma source(%arg6 : memref<48x128xf32, #tpu.memory_space<hbm>>) target(%arg14 : memref<48x128xf32, #tpu.memory_space<vmem>>) target_semaphore(%run_scoped3A : memref<!tpu.dma_semaphore, #tpu.memory_space<semaphore_mem>>)
      tpu.wait_dma2 semaphore(%run_scoped3A : memref<!tpu.dma_semaphore, #tpu.memory_space<semaphore_mem>>) src(%arg6 : memref<48x128xf32, #tpu.memory_space<hbm>>) dst(%arg14 : memref<48x128xf32, #tpu.memory_space<vmem>>)
      tpu.yield
    }) : () -> ()
    %scan3A = arith.constant 0 : i32
    %scan3A_0 = arith.constant 7 : i32
    %scan3A_1 = arith.addi %scan3A, %scan3A_0 : i32
    %scan3A_2 = arith.constant 1 : i32
    scf.for %scan3A_18 = %scan3A to %scan3A_1 step %scan3A_2  : i32 {
      %mul3A_19 = arith.constant 1 : i32
      %mul3A_20 = arith.muli %scan3A_18, %mul3A_19 : i32
      %add3A = arith.constant 0 : i32
      %add3A_21 = arith.addi %add3A, %mul3A_20 : i32
      %mul3A_22 = arith.constant 336 : i32
      %mul3A_23 = arith.muli %arg1, %mul3A_22 : i32
      %mul3A_24 = arith.constant 48 : i32
      %mul3A_25 = arith.muli %add3A_21, %mul3A_24 : i32
      %add3A_26 = arith.addi %mul3A_23, %mul3A_25 : i32
      "tpu.region"() ({
        %run_scoped3A = tpu.sem_alloc : memref<!tpu.dma_semaphore, #tpu.memory_space<semaphore_mem>>
        %dma_start3A = arith.constant 0 : i32
        %dma_start3A_27 = tpu.memref_slice %arg15[%add3A_26, %dma_start3A] : memref<5376x128xf32, #tpu.memory_space<vmem_shared>> -> memref<48x128xf32, #tpu.memory_space<vmem_shared>>
        %dma_start3A_28 = arith.constant 0 : i32
        %dma_start3A_29 = tpu.memref_slice %arg15[%add3A_26, %dma_start3A_28] : memref<5376x128xf32, #tpu.memory_space<vmem_shared>> -> memref<48x128xf32, #tpu.memory_space<vmem_shared>>
        tpu.enqueue_dma source(%arg14 : memref<48x128xf32, #tpu.memory_space<vmem>>) target(%dma_start3A_29 : memref<48x128xf32, #tpu.memory_space<vmem_shared>>) target_semaphore(%run_scoped3A : memref<!tpu.dma_semaphore, #tpu.memory_space<semaphore_mem>>)
        %dma_wait3A = arith.constant 0 : i32
        %dma_wait3A_30 = tpu.memref_slice %arg15[%add3A_26, %dma_wait3A] : memref<5376x128xf32, #tpu.memory_space<vmem_shared>> -> memref<48x128xf32, #tpu.memory_space<vmem_shared>>
        %dma_wait3A_31 = arith.constant 0 : i32
        %dma_wait3A_32 = tpu.memref_slice %arg15[%add3A_26, %dma_wait3A_31] : memref<5376x128xf32, #tpu.memory_space<vmem_shared>> -> memref<48x128xf32, #tpu.memory_space<vmem_shared>>
        tpu.wait_dma2 semaphore(%run_scoped3A : memref<!tpu.dma_semaphore, #tpu.memory_space<semaphore_mem>>) src(%arg14 : memref<48x128xf32, #tpu.memory_space<vmem>>) dst(%dma_wait3A_32 : memref<48x128xf32, #tpu.memory_space<vmem_shared>>)
        tpu.yield
      }) : () -> ()
    }
    %scan3A_3 = arith.constant 7 : i32
    %barrier3A = arith.constant 0 : index
    tpu.barrier barrier_id(%barrier3A)
    %mul3A = arith.constant 20000 : i32
    %mul3A_4 = arith.muli %arg1, %mul3A : i32
    %eq3A = arith.constant 0 : i32
    %eq3A_5 = arith.cmpi eq, %arg0, %eq3A : i32
    %convert_element_type3A = arith.extui %eq3A_5 : i1 to i32
    %cond3A = arith.constant 0 : i32
    %cond3A_6 = arith.cmpi ne, %convert_element_type3A, %cond3A : i32
    scf.if %cond3A_6 {
      %scan3A_18 = arith.constant 0 : i32
      %scan3A_19 = arith.constant 50 : i32
      %scan3A_20 = arith.addi %scan3A_18, %scan3A_19 : i32
      %scan3A_21 = arith.constant 1 : i32
      scf.for %scan3A_23 = %scan3A_18 to %scan3A_20 step %scan3A_21  : i32 {
        %mul3A_24 = arith.constant 1 : i32
        %mul3A_25 = arith.muli %scan3A_23, %mul3A_24 : i32
        %add3A = arith.constant 0 : i32
        %add3A_26 = arith.addi %add3A, %mul3A_25 : i32
        %mul3A_27 = arith.constant 2 : i32
        %mul3A_28 = arith.muli %mul3A_27, %add3A_26 : i32
        %mul3A_29 = arith.constant 200 : i32
        %mul3A_30 = arith.muli %mul3A_28, %mul3A_29 : i32
        %add3A_31 = arith.addi %mul3A_4, %mul3A_30 : i32
        %add3A_32 = arith.constant 200 : i32
        %add3A_33 = arith.addi %add3A_31, %add3A_32 : i32
        "tpu.region"() ({
          %run_scoped3A = tpu.sem_alloc : memref<!tpu.dma_semaphore, #tpu.memory_space<semaphore_mem>>
          %dma_start3A_44 = tpu.memref_slice %arg3[%add3A_31] : memref<320000xi32, #tpu.memory_space<hbm>> -> memref<200xi32, #tpu.memory_space<hbm>>
          %dma_start3A_45 = tpu.memref_slice %arg3[%add3A_31] : memref<320000xi32, #tpu.memory_space<hbm>> -> memref<200xi32, #tpu.memory_space<hbm>>
          tpu.enqueue_dma source(%dma_start3A_45 : memref<200xi32, #tpu.memory_space<hbm>>) target(%arg8 : memref<200xi32, #tpu.memory_space<vmem>>) target_semaphore(%run_scoped3A : memref<!tpu.dma_semaphore, #tpu.memory_space<semaphore_mem>>)
          %dma_wait3A_46 = tpu.memref_slice %arg3[%add3A_31] : memref<320000xi32, #tpu.memory_space<hbm>> -> memref<200xi32, #tpu.memory_space<hbm>>
          %dma_wait3A_47 = tpu.memref_slice %arg3[%add3A_31] : memref<320000xi32, #tpu.memory_space<hbm>> -> memref<200xi32, #tpu.memory_space<hbm>>
          tpu.wait_dma2 semaphore(%run_scoped3A : memref<!tpu.dma_semaphore, #tpu.memory_space<semaphore_mem>>) src(%dma_wait3A_47 : memref<200xi32, #tpu.memory_space<hbm>>) dst(%arg8 : memref<200xi32, #tpu.memory_space<vmem>>)
          tpu.yield
        }) : () -> ()
        "tpu.region"() ({
          %run_scoped3A = tpu.sem_alloc : memref<!tpu.dma_semaphore, #tpu.memory_space<semaphore_mem>>
          %dma_start3A_44 = tpu.memref_slice %arg4[%add3A_31] : memref<320000xi32, #tpu.memory_space<hbm>> -> memref<200xi32, #tpu.memory_space<hbm>>
          %dma_start3A_45 = tpu.memref_slice %arg4[%add3A_31] : memref<320000xi32, #tpu.memory_space<hbm>> -> memref<200xi32, #tpu.memory_space<hbm>>
          tpu.enqueue_dma source(%dma_start3A_45 : memref<200xi32, #tpu.memory_space<hbm>>) target(%arg9 : memref<200xi32, #tpu.memory_space<vmem>>) target_semaphore(%run_scoped3A : memref<!tpu.dma_semaphore, #tpu.memory_space<semaphore_mem>>)
          %dma_wait3A_46 = tpu.memref_slice %arg4[%add3A_31] : memref<320000xi32, #tpu.memory_space<hbm>> -> memref<200xi32, #tpu.memory_space<hbm>>
          %dma_wait3A_47 = tpu.memref_slice %arg4[%add3A_31] : memref<320000xi32, #tpu.memory_space<hbm>> -> memref<200xi32, #tpu.memory_space<hbm>>
          tpu.wait_dma2 semaphore(%run_scoped3A : memref<!tpu.dma_semaphore, #tpu.memory_space<semaphore_mem>>) src(%dma_wait3A_47 : memref<200xi32, #tpu.memory_space<hbm>>) dst(%arg9 : memref<200xi32, #tpu.memory_space<vmem>>)
          tpu.yield
        }) : () -> ()
        %dma_start3A = arith.constant 0 : i32
        %dma_start3A_34 = arith.constant 0 : i32
        %dma_start3A_35 = tpu.memref_slice %arg2[%dma_start3A, %dma_start3A_34] : memref<10240x128xf32, #tpu.memory_space<hbm>> -> memref<10240x128xf32, #tpu.memory_space<hbm>>
        tpu.enqueue_indirect_dma source(%dma_start3A_35 : memref<10240x128xf32, #tpu.memory_space<hbm>>) target(%arg12 : memref<200x128xf32, #tpu.memory_space<vmem>>) offsets(%arg8 : memref<200xi32, #tpu.memory_space<vmem>>) semaphore(%arg16 : memref<!tpu.dma_semaphore, #tpu.memory_space<semaphore_mem>>)
        "tpu.region"() ({
          %run_scoped3A = tpu.sem_alloc : memref<!tpu.dma_semaphore, #tpu.memory_space<semaphore_mem>>
          %dma_start3A_44 = tpu.memref_slice %arg3[%add3A_33] : memref<320000xi32, #tpu.memory_space<hbm>> -> memref<200xi32, #tpu.memory_space<hbm>>
          %dma_start3A_45 = tpu.memref_slice %arg3[%add3A_33] : memref<320000xi32, #tpu.memory_space<hbm>> -> memref<200xi32, #tpu.memory_space<hbm>>
          tpu.enqueue_dma source(%dma_start3A_45 : memref<200xi32, #tpu.memory_space<hbm>>) target(%arg10 : memref<200xi32, #tpu.memory_space<vmem>>) target_semaphore(%run_scoped3A : memref<!tpu.dma_semaphore, #tpu.memory_space<semaphore_mem>>)
          %dma_wait3A_46 = tpu.memref_slice %arg3[%add3A_33] : memref<320000xi32, #tpu.memory_space<hbm>> -> memref<200xi32, #tpu.memory_space<hbm>>
          %dma_wait3A_47 = tpu.memref_slice %arg3[%add3A_33] : memref<320000xi32, #tpu.memory_space<hbm>> -> memref<200xi32, #tpu.memory_space<hbm>>
          tpu.wait_dma2 semaphore(%run_scoped3A : memref<!tpu.dma_semaphore, #tpu.memory_space<semaphore_mem>>) src(%dma_wait3A_47 : memref<200xi32, #tpu.memory_space<hbm>>) dst(%arg10 : memref<200xi32, #tpu.memory_space<vmem>>)
          tpu.yield
        }) : () -> ()
        "tpu.region"() ({
          %run_scoped3A = tpu.sem_alloc : memref<!tpu.dma_semaphore, #tpu.memory_space<semaphore_mem>>
          %dma_start3A_44 = tpu.memref_slice %arg4[%add3A_33] : memref<320000xi32, #tpu.memory_space<hbm>> -> memref<200xi32, #tpu.memory_space<hbm>>
          %dma_start3A_45 = tpu.memref_slice %arg4[%add3A_33] : memref<320000xi32, #tpu.memory_space<hbm>> -> memref<200xi32, #tpu.memory_space<hbm>>
          tpu.enqueue_dma source(%dma_start3A_45 : memref<200xi32, #tpu.memory_space<hbm>>) target(%arg11 : memref<200xi32, #tpu.memory_space<vmem>>) target_semaphore(%run_scoped3A : memref<!tpu.dma_semaphore, #tpu.memory_space<semaphore_mem>>)
          %dma_wait3A_46 = tpu.memref_slice %arg4[%add3A_33] : memref<320000xi32, #tpu.memory_space<hbm>> -> memref<200xi32, #tpu.memory_space<hbm>>
          %dma_wait3A_47 = tpu.memref_slice %arg4[%add3A_33] : memref<320000xi32, #tpu.memory_space<hbm>> -> memref<200xi32, #tpu.memory_space<hbm>>
          tpu.wait_dma2 semaphore(%run_scoped3A : memref<!tpu.dma_semaphore, #tpu.memory_space<semaphore_mem>>) src(%dma_wait3A_47 : memref<200xi32, #tpu.memory_space<hbm>>) dst(%arg11 : memref<200xi32, #tpu.memory_space<vmem>>)
          tpu.yield
        }) : () -> ()
        %dma_start3A_36 = arith.constant 0 : i32
        %dma_start3A_37 = arith.constant 0 : i32
        %dma_start3A_38 = tpu.memref_slice %arg2[%dma_start3A_36, %dma_start3A_37] : memref<10240x128xf32, #tpu.memory_space<hbm>> -> memref<10240x128xf32, #tpu.memory_space<hbm>>
        tpu.enqueue_indirect_dma source(%dma_start3A_38 : memref<10240x128xf32, #tpu.memory_space<hbm>>) target(%arg13 : memref<200x128xf32, #tpu.memory_space<vmem>>) offsets(%arg10 : memref<200xi32, #tpu.memory_space<vmem>>) semaphore(%arg17 : memref<!tpu.dma_semaphore, #tpu.memory_space<semaphore_mem>>)
        %dma_wait3A = arith.constant 0 : i32
        %dma_wait3A_39 = arith.constant 0 : i32
        %dma_wait3A_40 = tpu.memref_slice %arg2[%dma_wait3A, %dma_wait3A_39] : memref<10240x128xf32, #tpu.memory_space<hbm>> -> memref<10240x128xf32, #tpu.memory_space<hbm>>
        tpu.wait_indirect_dma semaphore(%arg16 : memref<!tpu.dma_semaphore, #tpu.memory_space<semaphore_mem>>) src(%dma_wait3A_40 : memref<10240x128xf32, #tpu.memory_space<hbm>>) dst(%arg12 : memref<200x128xf32, #tpu.memory_space<vmem>>)
        "tpu.region"() ({
          %run_scoped3A = tpu.sem_alloc : memref<!tpu.dma_semaphore, #tpu.memory_space<semaphore_mem>>
          %dma_start3A_44 = arith.constant 0 : i32
          %dma_start3A_45 = arith.constant 0 : i32
          %dma_start3A_46 = tpu.memref_slice %arg15[%dma_start3A_44, %dma_start3A_45] : memref<5376x128xf32, #tpu.memory_space<vmem_shared>> -> memref<5376x128xf32, #tpu.memory_space<vmem_shared>>
          tpu.enqueue_indirect_dma source(%arg12 : memref<200x128xf32, #tpu.memory_space<vmem>>) target(%dma_start3A_46 : memref<5376x128xf32, #tpu.memory_space<vmem_shared>>) offsets(%arg9 : memref<200xi32, #tpu.memory_space<vmem>>) semaphore(%run_scoped3A : memref<!tpu.dma_semaphore, #tpu.memory_space<semaphore_mem>>) {add = true}
          %dma_wait3A_47 = arith.constant 0 : i32
          %dma_wait3A_48 = arith.constant 0 : i32
          %dma_wait3A_49 = tpu.memref_slice %arg15[%dma_wait3A_47, %dma_wait3A_48] : memref<5376x128xf32, #tpu.memory_space<vmem_shared>> -> memref<5376x128xf32, #tpu.memory_space<vmem_shared>>
          tpu.wait_indirect_dma semaphore(%run_scoped3A : memref<!tpu.dma_semaphore, #tpu.memory_space<semaphore_mem>>) src(%arg12 : memref<200x128xf32, #tpu.memory_space<vmem>>) dst(%dma_wait3A_49 : memref<5376x128xf32, #tpu.memory_space<vmem_shared>>)
          tpu.yield
        }) : () -> ()
        %dma_wait3A_41 = arith.constant 0 : i32
        %dma_wait3A_42 = arith.constant 0 : i32
        %dma_wait3A_43 = tpu.memref_slice %arg2[%dma_wait3A_41, %dma_wait3A_42] : memref<10240x128xf32, #tpu.memory_space<hbm>> -> memref<10240x128xf32, #tpu.memory_space<hbm>>
        tpu.wait_indirect_dma semaphore(%arg17 : memref<!tpu.dma_semaphore, #tpu.memory_space<semaphore_mem>>) src(%dma_wait3A_43 : memref<10240x128xf32, #tpu.memory_space<hbm>>) dst(%arg13 : memref<200x128xf32, #tpu.memory_space<vmem>>)
        "tpu.region"() ({
          %run_scoped3A = tpu.sem_alloc : memref<!tpu.dma_semaphore, #tpu.memory_space<semaphore_mem>>
          %dma_start3A_44 = arith.constant 0 : i32
          %dma_start3A_45 = arith.constant 0 : i32
          %dma_start3A_46 = tpu.memref_slice %arg15[%dma_start3A_44, %dma_start3A_45] : memref<5376x128xf32, #tpu.memory_space<vmem_shared>> -> memref<5376x128xf32, #tpu.memory_space<vmem_shared>>
          tpu.enqueue_indirect_dma source(%arg13 : memref<200x128xf32, #tpu.memory_space<vmem>>) target(%dma_start3A_46 : memref<5376x128xf32, #tpu.memory_space<vmem_shared>>) offsets(%arg11 : memref<200xi32, #tpu.memory_space<vmem>>) semaphore(%run_scoped3A : memref<!tpu.dma_semaphore, #tpu.memory_space<semaphore_mem>>) {add = true}
          %dma_wait3A_47 = arith.constant 0 : i32
          %dma_wait3A_48 = arith.constant 0 : i32
          %dma_wait3A_49 = tpu.memref_slice %arg15[%dma_wait3A_47, %dma_wait3A_48] : memref<5376x128xf32, #tpu.memory_space<vmem_shared>> -> memref<5376x128xf32, #tpu.memory_space<vmem_shared>>
          tpu.wait_indirect_dma semaphore(%run_scoped3A : memref<!tpu.dma_semaphore, #tpu.memory_space<semaphore_mem>>) src(%arg13 : memref<200x128xf32, #tpu.memory_space<vmem>>) dst(%dma_wait3A_49 : memref<5376x128xf32, #tpu.memory_space<vmem_shared>>)
          tpu.yield
        }) : () -> ()
      }
      %scan3A_22 = arith.constant 50 : i32
    } else {
    }
    %eq3A_7 = arith.constant 1 : i32
    %eq3A_8 = arith.cmpi eq, %arg0, %eq3A_7 : i32
    %convert_element_type3A_9 = arith.extui %eq3A_8 : i1 to i32
    %cond3A_10 = arith.constant 0 : i32
    %cond3A_11 = arith.cmpi ne, %convert_element_type3A_9, %cond3A_10 : i32
    scf.if %cond3A_11 {
      %scan3A_18 = arith.constant 0 : i32
      %scan3A_19 = arith.constant 50 : i32
      %scan3A_20 = arith.addi %scan3A_18, %scan3A_19 : i32
      %scan3A_21 = arith.constant 1 : i32
      scf.for %scan3A_23 = %scan3A_18 to %scan3A_20 step %scan3A_21  : i32 {
        %mul3A_24 = arith.constant 1 : i32
        %mul3A_25 = arith.muli %scan3A_23, %mul3A_24 : i32
        %add3A = arith.constant 0 : i32
        %add3A_26 = arith.addi %add3A, %mul3A_25 : i32
        %mul3A_27 = arith.constant 2 : i32
        %mul3A_28 = arith.muli %mul3A_27, %add3A_26 : i32
        %mul3A_29 = arith.constant 200 : i32
        %mul3A_30 = arith.muli %mul3A_28, %mul3A_29 : i32
        %add3A_31 = arith.addi %mul3A_4, %mul3A_30 : i32
        %add3A_32 = arith.constant 200 : i32
        %add3A_33 = arith.addi %add3A_31, %add3A_32 : i32
        "tpu.region"() ({
          %run_scoped3A = tpu.sem_alloc : memref<!tpu.dma_semaphore, #tpu.memory_space<semaphore_mem>>
          %dma_start3A_44 = tpu.memref_slice %arg3[%add3A_31] : memref<320000xi32, #tpu.memory_space<hbm>> -> memref<200xi32, #tpu.memory_space<hbm>>
          %dma_start3A_45 = tpu.memref_slice %arg3[%add3A_31] : memref<320000xi32, #tpu.memory_space<hbm>> -> memref<200xi32, #tpu.memory_space<hbm>>
          tpu.enqueue_dma source(%dma_start3A_45 : memref<200xi32, #tpu.memory_space<hbm>>) target(%arg8 : memref<200xi32, #tpu.memory_space<vmem>>) target_semaphore(%run_scoped3A : memref<!tpu.dma_semaphore, #tpu.memory_space<semaphore_mem>>)
          %dma_wait3A_46 = tpu.memref_slice %arg3[%add3A_31] : memref<320000xi32, #tpu.memory_space<hbm>> -> memref<200xi32, #tpu.memory_space<hbm>>
          %dma_wait3A_47 = tpu.memref_slice %arg3[%add3A_31] : memref<320000xi32, #tpu.memory_space<hbm>> -> memref<200xi32, #tpu.memory_space<hbm>>
          tpu.wait_dma2 semaphore(%run_scoped3A : memref<!tpu.dma_semaphore, #tpu.memory_space<semaphore_mem>>) src(%dma_wait3A_47 : memref<200xi32, #tpu.memory_space<hbm>>) dst(%arg8 : memref<200xi32, #tpu.memory_space<vmem>>)
          tpu.yield
        }) : () -> ()
        "tpu.region"() ({
          %run_scoped3A = tpu.sem_alloc : memref<!tpu.dma_semaphore, #tpu.memory_space<semaphore_mem>>
          %dma_start3A_44 = tpu.memref_slice %arg5[%add3A_31] : memref<320000xi32, #tpu.memory_space<hbm>> -> memref<200xi32, #tpu.memory_space<hbm>>
          %dma_start3A_45 = tpu.memref_slice %arg5[%add3A_31] : memref<320000xi32, #tpu.memory_space<hbm>> -> memref<200xi32, #tpu.memory_space<hbm>>
          tpu.enqueue_dma source(%dma_start3A_45 : memref<200xi32, #tpu.memory_space<hbm>>) target(%arg9 : memref<200xi32, #tpu.memory_space<vmem>>) target_semaphore(%run_scoped3A : memref<!tpu.dma_semaphore, #tpu.memory_space<semaphore_mem>>)
          %dma_wait3A_46 = tpu.memref_slice %arg5[%add3A_31] : memref<320000xi32, #tpu.memory_space<hbm>> -> memref<200xi32, #tpu.memory_space<hbm>>
          %dma_wait3A_47 = tpu.memref_slice %arg5[%add3A_31] : memref<320000xi32, #tpu.memory_space<hbm>> -> memref<200xi32, #tpu.memory_space<hbm>>
          tpu.wait_dma2 semaphore(%run_scoped3A : memref<!tpu.dma_semaphore, #tpu.memory_space<semaphore_mem>>) src(%dma_wait3A_47 : memref<200xi32, #tpu.memory_space<hbm>>) dst(%arg9 : memref<200xi32, #tpu.memory_space<vmem>>)
          tpu.yield
        }) : () -> ()
        %dma_start3A = arith.constant 0 : i32
        %dma_start3A_34 = arith.constant 0 : i32
        %dma_start3A_35 = tpu.memref_slice %arg2[%dma_start3A, %dma_start3A_34] : memref<10240x128xf32, #tpu.memory_space<hbm>> -> memref<10240x128xf32, #tpu.memory_space<hbm>>
        tpu.enqueue_indirect_dma source(%dma_start3A_35 : memref<10240x128xf32, #tpu.memory_space<hbm>>) target(%arg12 : memref<200x128xf32, #tpu.memory_space<vmem>>) offsets(%arg8 : memref<200xi32, #tpu.memory_space<vmem>>) semaphore(%arg16 : memref<!tpu.dma_semaphore, #tpu.memory_space<semaphore_mem>>)
        "tpu.region"() ({
          %run_scoped3A = tpu.sem_alloc : memref<!tpu.dma_semaphore, #tpu.memory_space<semaphore_mem>>
          %dma_start3A_44 = tpu.memref_slice %arg3[%add3A_33] : memref<320000xi32, #tpu.memory_space<hbm>> -> memref<200xi32, #tpu.memory_space<hbm>>
          %dma_start3A_45 = tpu.memref_slice %arg3[%add3A_33] : memref<320000xi32, #tpu.memory_space<hbm>> -> memref<200xi32, #tpu.memory_space<hbm>>
          tpu.enqueue_dma source(%dma_start3A_45 : memref<200xi32, #tpu.memory_space<hbm>>) target(%arg10 : memref<200xi32, #tpu.memory_space<vmem>>) target_semaphore(%run_scoped3A : memref<!tpu.dma_semaphore, #tpu.memory_space<semaphore_mem>>)
          %dma_wait3A_46 = tpu.memref_slice %arg3[%add3A_33] : memref<320000xi32, #tpu.memory_space<hbm>> -> memref<200xi32, #tpu.memory_space<hbm>>
          %dma_wait3A_47 = tpu.memref_slice %arg3[%add3A_33] : memref<320000xi32, #tpu.memory_space<hbm>> -> memref<200xi32, #tpu.memory_space<hbm>>
          tpu.wait_dma2 semaphore(%run_scoped3A : memref<!tpu.dma_semaphore, #tpu.memory_space<semaphore_mem>>) src(%dma_wait3A_47 : memref<200xi32, #tpu.memory_space<hbm>>) dst(%arg10 : memref<200xi32, #tpu.memory_space<vmem>>)
          tpu.yield
        }) : () -> ()
        "tpu.region"() ({
          %run_scoped3A = tpu.sem_alloc : memref<!tpu.dma_semaphore, #tpu.memory_space<semaphore_mem>>
          %dma_start3A_44 = tpu.memref_slice %arg5[%add3A_33] : memref<320000xi32, #tpu.memory_space<hbm>> -> memref<200xi32, #tpu.memory_space<hbm>>
          %dma_start3A_45 = tpu.memref_slice %arg5[%add3A_33] : memref<320000xi32, #tpu.memory_space<hbm>> -> memref<200xi32, #tpu.memory_space<hbm>>
          tpu.enqueue_dma source(%dma_start3A_45 : memref<200xi32, #tpu.memory_space<hbm>>) target(%arg11 : memref<200xi32, #tpu.memory_space<vmem>>) target_semaphore(%run_scoped3A : memref<!tpu.dma_semaphore, #tpu.memory_space<semaphore_mem>>)
          %dma_wait3A_46 = tpu.memref_slice %arg5[%add3A_33] : memref<320000xi32, #tpu.memory_space<hbm>> -> memref<200xi32, #tpu.memory_space<hbm>>
          %dma_wait3A_47 = tpu.memref_slice %arg5[%add3A_33] : memref<320000xi32, #tpu.memory_space<hbm>> -> memref<200xi32, #tpu.memory_space<hbm>>
          tpu.wait_dma2 semaphore(%run_scoped3A : memref<!tpu.dma_semaphore, #tpu.memory_space<semaphore_mem>>) src(%dma_wait3A_47 : memref<200xi32, #tpu.memory_space<hbm>>) dst(%arg11 : memref<200xi32, #tpu.memory_space<vmem>>)
          tpu.yield
        }) : () -> ()
        %dma_start3A_36 = arith.constant 0 : i32
        %dma_start3A_37 = arith.constant 0 : i32
        %dma_start3A_38 = tpu.memref_slice %arg2[%dma_start3A_36, %dma_start3A_37] : memref<10240x128xf32, #tpu.memory_space<hbm>> -> memref<10240x128xf32, #tpu.memory_space<hbm>>
        tpu.enqueue_indirect_dma source(%dma_start3A_38 : memref<10240x128xf32, #tpu.memory_space<hbm>>) target(%arg13 : memref<200x128xf32, #tpu.memory_space<vmem>>) offsets(%arg10 : memref<200xi32, #tpu.memory_space<vmem>>) semaphore(%arg17 : memref<!tpu.dma_semaphore, #tpu.memory_space<semaphore_mem>>)
        %dma_wait3A = arith.constant 0 : i32
        %dma_wait3A_39 = arith.constant 0 : i32
        %dma_wait3A_40 = tpu.memref_slice %arg2[%dma_wait3A, %dma_wait3A_39] : memref<10240x128xf32, #tpu.memory_space<hbm>> -> memref<10240x128xf32, #tpu.memory_space<hbm>>
        tpu.wait_indirect_dma semaphore(%arg16 : memref<!tpu.dma_semaphore, #tpu.memory_space<semaphore_mem>>) src(%dma_wait3A_40 : memref<10240x128xf32, #tpu.memory_space<hbm>>) dst(%arg12 : memref<200x128xf32, #tpu.memory_space<vmem>>)
        "tpu.region"() ({
          %run_scoped3A = tpu.sem_alloc : memref<!tpu.dma_semaphore, #tpu.memory_space<semaphore_mem>>
          %dma_start3A_44 = arith.constant 0 : i32
          %dma_start3A_45 = arith.constant 0 : i32
          %dma_start3A_46 = tpu.memref_slice %arg15[%dma_start3A_44, %dma_start3A_45] : memref<5376x128xf32, #tpu.memory_space<vmem_shared>> -> memref<5376x128xf32, #tpu.memory_space<vmem_shared>>
          tpu.enqueue_indirect_dma source(%arg12 : memref<200x128xf32, #tpu.memory_space<vmem>>) target(%dma_start3A_46 : memref<5376x128xf32, #tpu.memory_space<vmem_shared>>) offsets(%arg9 : memref<200xi32, #tpu.memory_space<vmem>>) semaphore(%run_scoped3A : memref<!tpu.dma_semaphore, #tpu.memory_space<semaphore_mem>>) {add = true}
          %dma_wait3A_47 = arith.constant 0 : i32
          %dma_wait3A_48 = arith.constant 0 : i32
          %dma_wait3A_49 = tpu.memref_slice %arg15[%dma_wait3A_47, %dma_wait3A_48] : memref<5376x128xf32, #tpu.memory_space<vmem_shared>> -> memref<5376x128xf32, #tpu.memory_space<vmem_shared>>
          tpu.wait_indirect_dma semaphore(%run_scoped3A : memref<!tpu.dma_semaphore, #tpu.memory_space<semaphore_mem>>) src(%arg12 : memref<200x128xf32, #tpu.memory_space<vmem>>) dst(%dma_wait3A_49 : memref<5376x128xf32, #tpu.memory_space<vmem_shared>>)
          tpu.yield
        }) : () -> ()
        %dma_wait3A_41 = arith.constant 0 : i32
        %dma_wait3A_42 = arith.constant 0 : i32
        %dma_wait3A_43 = tpu.memref_slice %arg2[%dma_wait3A_41, %dma_wait3A_42] : memref<10240x128xf32, #tpu.memory_space<hbm>> -> memref<10240x128xf32, #tpu.memory_space<hbm>>
        tpu.wait_indirect_dma semaphore(%arg17 : memref<!tpu.dma_semaphore, #tpu.memory_space<semaphore_mem>>) src(%dma_wait3A_43 : memref<10240x128xf32, #tpu.memory_space<hbm>>) dst(%arg13 : memref<200x128xf32, #tpu.memory_space<vmem>>)
        "tpu.region"() ({
          %run_scoped3A = tpu.sem_alloc : memref<!tpu.dma_semaphore, #tpu.memory_space<semaphore_mem>>
          %dma_start3A_44 = arith.constant 0 : i32
          %dma_start3A_45 = arith.constant 0 : i32
          %dma_start3A_46 = tpu.memref_slice %arg15[%dma_start3A_44, %dma_start3A_45] : memref<5376x128xf32, #tpu.memory_space<vmem_shared>> -> memref<5376x128xf32, #tpu.memory_space<vmem_shared>>
          tpu.enqueue_indirect_dma source(%arg13 : memref<200x128xf32, #tpu.memory_space<vmem>>) target(%dma_start3A_46 : memref<5376x128xf32, #tpu.memory_space<vmem_shared>>) offsets(%arg11 : memref<200xi32, #tpu.memory_space<vmem>>) semaphore(%run_scoped3A : memref<!tpu.dma_semaphore, #tpu.memory_space<semaphore_mem>>) {add = true}
          %dma_wait3A_47 = arith.constant 0 : i32
          %dma_wait3A_48 = arith.constant 0 : i32
          %dma_wait3A_49 = tpu.memref_slice %arg15[%dma_wait3A_47, %dma_wait3A_48] : memref<5376x128xf32, #tpu.memory_space<vmem_shared>> -> memref<5376x128xf32, #tpu.memory_space<vmem_shared>>
          tpu.wait_indirect_dma semaphore(%run_scoped3A : memref<!tpu.dma_semaphore, #tpu.memory_space<semaphore_mem>>) src(%arg13 : memref<200x128xf32, #tpu.memory_space<vmem>>) dst(%dma_wait3A_49 : memref<5376x128xf32, #tpu.memory_space<vmem_shared>>)
          tpu.yield
        }) : () -> ()
      }
      %scan3A_22 = arith.constant 50 : i32
    } else {
    }
    %barrier3A_12 = arith.constant 0 : index
    tpu.barrier barrier_id(%barrier3A_12)
    %scan3A_13 = arith.constant 0 : i32
    %scan3A_14 = arith.constant 7 : i32
    %scan3A_15 = arith.addi %scan3A_13, %scan3A_14 : i32
    %scan3A_16 = arith.constant 1 : i32
    scf.for %scan3A_18 = %scan3A_13 to %scan3A_15 step %scan3A_16  : i32 {
      %mul3A_19 = arith.constant 1 : i32
      %mul3A_20 = arith.muli %scan3A_18, %mul3A_19 : i32
      %add3A = arith.constant 0 : i32
      %add3A_21 = arith.addi %add3A, %mul3A_20 : i32
      %mul3A_22 = arith.constant 336 : i32
      %mul3A_23 = arith.muli %arg1, %mul3A_22 : i32
      %mul3A_24 = arith.constant 48 : i32
      %mul3A_25 = arith.muli %add3A_21, %mul3A_24 : i32
      %add3A_26 = arith.addi %mul3A_23, %mul3A_25 : i32
      "tpu.region"() ({
        %run_scoped3A = tpu.sem_alloc : memref<!tpu.dma_semaphore, #tpu.memory_space<semaphore_mem>>
        %dma_start3A = arith.constant 0 : i32
        %dma_start3A_27 = tpu.memref_slice %arg15[%add3A_26, %dma_start3A] : memref<5376x128xf32, #tpu.memory_space<vmem_shared>> -> memref<48x128xf32, #tpu.memory_space<vmem_shared>>
        %dma_start3A_28 = arith.constant 0 : i32
        %dma_start3A_29 = tpu.memref_slice %arg15[%add3A_26, %dma_start3A_28] : memref<5376x128xf32, #tpu.memory_space<vmem_shared>> -> memref<48x128xf32, #tpu.memory_space<vmem_shared>>
        tpu.enqueue_dma source(%dma_start3A_29 : memref<48x128xf32, #tpu.memory_space<vmem_shared>>) target(%arg14 : memref<48x128xf32, #tpu.memory_space<vmem>>) target_semaphore(%run_scoped3A : memref<!tpu.dma_semaphore, #tpu.memory_space<semaphore_mem>>)
        %dma_wait3A = arith.constant 0 : i32
        %dma_wait3A_30 = tpu.memref_slice %arg15[%add3A_26, %dma_wait3A] : memref<5376x128xf32, #tpu.memory_space<vmem_shared>> -> memref<48x128xf32, #tpu.memory_space<vmem_shared>>
        %dma_wait3A_31 = arith.constant 0 : i32
        %dma_wait3A_32 = tpu.memref_slice %arg15[%add3A_26, %dma_wait3A_31] : memref<5376x128xf32, #tpu.memory_space<vmem_shared>> -> memref<48x128xf32, #tpu.memory_space<vmem_shared>>
        tpu.wait_dma2 semaphore(%run_scoped3A : memref<!tpu.dma_semaphore, #tpu.memory_space<semaphore_mem>>) src(%dma_wait3A_32 : memref<48x128xf32, #tpu.memory_space<vmem_shared>>) dst(%arg14 : memref<48x128xf32, #tpu.memory_space<vmem>>)
        tpu.yield
      }) : () -> ()
      "tpu.region"() ({
        %run_scoped3A = tpu.sem_alloc : memref<!tpu.dma_semaphore, #tpu.memory_space<semaphore_mem>>
        %dma_start3A = arith.constant 0 : i32
        %dma_start3A_27 = tpu.memref_slice %arg7[%arg0, %add3A_26, %dma_start3A] : memref<2x5376x128xf32, #tpu.memory_space<hbm>> -> memref<1x48x128xf32, #tpu.memory_space<hbm>>
        %dma_start3A_28 = tpu.memref_squeeze %dma_start3A_27 : memref<1x48x128xf32, #tpu.memory_space<hbm>> -> memref<48x128xf32, #tpu.memory_space<hbm>>
        %dma_start3A_29 = arith.constant 0 : i32
        %dma_start3A_30 = tpu.memref_slice %arg7[%arg0, %add3A_26, %dma_start3A_29] : memref<2x5376x128xf32, #tpu.memory_space<hbm>> -> memref<1x48x128xf32, #tpu.memory_space<hbm>>
        %dma_start3A_31 = tpu.memref_squeeze %dma_start3A_30 : memref<1x48x128xf32, #tpu.memory_space<hbm>> -> memref<48x128xf32, #tpu.memory_space<hbm>>
        tpu.enqueue_dma source(%arg14 : memref<48x128xf32, #tpu.memory_space<vmem>>) target(%dma_start3A_31 : memref<48x128xf32, #tpu.memory_space<hbm>>) target_semaphore(%run_scoped3A : memref<!tpu.dma_semaphore, #tpu.memory_space<semaphore_mem>>)
        %dma_wait3A = arith.constant 0 : i32
        %dma_wait3A_32 = tpu.memref_slice %arg7[%arg0, %add3A_26, %dma_wait3A] : memref<2x5376x128xf32, #tpu.memory_space<hbm>> -> memref<1x48x128xf32, #tpu.memory_space<hbm>>
        %dma_wait3A_33 = tpu.memref_squeeze %dma_wait3A_32 : memref<1x48x128xf32, #tpu.memory_space<hbm>> -> memref<48x128xf32, #tpu.memory_space<hbm>>
        %dma_wait3A_34 = arith.constant 0 : i32
        %dma_wait3A_35 = tpu.memref_slice %arg7[%arg0, %add3A_26, %dma_wait3A_34] : memref<2x5376x128xf32, #tpu.memory_space<hbm>> -> memref<1x48x128xf32, #tpu.memory_space<hbm>>
        %dma_wait3A_36 = tpu.memref_squeeze %dma_wait3A_35 : memref<1x48x128xf32, #tpu.memory_space<hbm>> -> memref<48x128xf32, #tpu.memory_space<hbm>>
        tpu.wait_dma2 semaphore(%run_scoped3A : memref<!tpu.dma_semaphore, #tpu.memory_space<semaphore_mem>>) src(%arg14 : memref<48x128xf32, #tpu.memory_space<vmem>>) dst(%dma_wait3A_36 : memref<48x128xf32, #tpu.memory_space<hbm>>)
        tpu.yield
      }) : () -> ()
    }
    %scan3A_17 = arith.constant 7 : i32
    return
  }
}

#map = affine_map<(d0, d1) -> (0, 0)>
#map1 = affine_map<(d0, d1) -> (0)>
#map2 = affine_map<(d0, d1) -> (0, 0, 0)>
module attributes {stable_mosaic.version = 14 : i64} {
  func.func @scatter_kernel(%arg0: i32, %arg1: i32, %arg2: memref<10240x128xf32, #tpu.memory_space<hbm>>, %arg3: memref<320000xi32, #tpu.memory_space<hbm>>, %arg4: memref<320000xi32, #tpu.memory_space<hbm>>, %arg5: memref<320000xi32, #tpu.memory_space<hbm>>, %arg6: memref<48x128xf32, #tpu.memory_space<hbm>>, %arg7: memref<2x5376x128xf32, #tpu.memory_space<hbm>>, %arg8: memref<200xi32, #tpu.memory_space<vmem>>, %arg9: memref<200xi32, #tpu.memory_space<vmem>>, %arg10: memref<200xi32, #tpu.memory_space<vmem>>, %arg11: memref<200xi32, #tpu.memory_space<vmem>>, %arg12: memref<200x128xf32, #tpu.memory_space<vmem>>, %arg13: memref<200x128xf32, #tpu.memory_space<vmem>>, %arg14: memref<48x128xf32, #tpu.memory_space<vmem>>, %arg15: memref<5376x128xf32, #tpu.memory_space<vmem_shared>>, %arg16: memref<!tpu.dma_semaphore, #tpu.memory_space<semaphore_mem>>, %arg17: memref<!tpu.dma_semaphore, #tpu.memory_space<semaphore_mem>>) attributes {dimension_semantics = [#tpu.dimension_semantics<core_parallel>, #tpu.dimension_semantics<subcore_parallel>], iteration_bounds = array<i64: 2, 16>, scalar_prefetch = 0 : i64, scratch_operands = 10 : i64, tpu.core_type = #tpu.core_type<sc_vector_subcore>, window_params = [{transform_indices = #map}, {transform_indices = #map1}, {transform_indices = #map1}, {transform_indices = #map1}, {transform_indices = #map}, {transform_indices = #map2}]} {
    "tpu.region"() ({
      %run_scoped3A = tpu.sem_alloc : memref<!tpu.dma_semaphore, #tpu.memory_space<semaphore_mem>>
      tpu.enqueue_dma source(%arg6 : memref<48x128xf32, #tpu.memory_space<hbm>>) target(%arg14 : memref<48x128xf32, #tpu.memory_space<vmem>>) target_semaphore(%run_scoped3A : memref<!tpu.dma_semaphore, #tpu.memory_space<semaphore_mem>>)
      tpu.wait_dma2 semaphore(%run_scoped3A : memref<!tpu.dma_semaphore, #tpu.memory_space<semaphore_mem>>) src(%arg6 : memref<48x128xf32, #tpu.memory_space<hbm>>) dst(%arg14 : memref<48x128xf32, #tpu.memory_space<vmem>>)
      tpu.yield
    }) : () -> ()
    %scan3A = arith.constant 0 : i32
    %scan3A_0 = arith.constant 7 : i32
    %scan3A_1 = arith.addi %scan3A, %scan3A_0 : i32
    %scan3A_2 = arith.constant 1 : i32
    scf.for %scan3A_18 = %scan3A to %scan3A_1 step %scan3A_2  : i32 {
      %mul3A_19 = arith.constant 1 : i32
      %mul3A_20 = arith.muli %scan3A_18, %mul3A_19 : i32
      %add3A = arith.constant 0 : i32
      %add3A_21 = arith.addi %add3A, %mul3A_20 : i32
      %mul3A_22 = arith.constant 336 : i32
      %mul3A_23 = arith.muli %arg1, %mul3A_22 : i32
      %mul3A_24 = arith.constant 48 : i32
      %mul3A_25 = arith.muli %add3A_21, %mul3A_24 : i32
      %add3A_26 = arith.addi %mul3A_23, %mul3A_25 : i32
      "tpu.region"() ({
        %run_scoped3A = tpu.sem_alloc : memref<!tpu.dma_semaphore, #tpu.memory_space<semaphore_mem>>
        %dma_start3A = arith.constant 0 : i32
        %dma_start3A_27 = tpu.memref_slice %arg15[%add3A_26, %dma_start3A] : memref<5376x128xf32, #tpu.memory_space<vmem_shared>> -> memref<48x128xf32, #tpu.memory_space<vmem_shared>>
        %dma_start3A_28 = arith.constant 0 : i32
        %dma_start3A_29 = tpu.memref_slice %arg15[%add3A_26, %dma_start3A_28] : memref<5376x128xf32, #tpu.memory_space<vmem_shared>> -> memref<48x128xf32, #tpu.memory_space<vmem_shared>>
        tpu.enqueue_dma source(%arg14 : memref<48x128xf32, #tpu.memory_space<vmem>>) target(%dma_start3A_29 : memref<48x128xf32, #tpu.memory_space<vmem_shared>>) target_semaphore(%run_scoped3A : memref<!tpu.dma_semaphore, #tpu.memory_space<semaphore_mem>>)
        %dma_wait3A = arith.constant 0 : i32
        %dma_wait3A_30 = tpu.memref_slice %arg15[%add3A_26, %dma_wait3A] : memref<5376x128xf32, #tpu.memory_space<vmem_shared>> -> memref<48x128xf32, #tpu.memory_space<vmem_shared>>
        %dma_wait3A_31 = arith.constant 0 : i32
        %dma_wait3A_32 = tpu.memref_slice %arg15[%add3A_26, %dma_wait3A_31] : memref<5376x128xf32, #tpu.memory_space<vmem_shared>> -> memref<48x128xf32, #tpu.memory_space<vmem_shared>>
        tpu.wait_dma2 semaphore(%run_scoped3A : memref<!tpu.dma_semaphore, #tpu.memory_space<semaphore_mem>>) src(%arg14 : memref<48x128xf32, #tpu.memory_space<vmem>>) dst(%dma_wait3A_32 : memref<48x128xf32, #tpu.memory_space<vmem_shared>>)
        tpu.yield
      }) : () -> ()
    }
    %scan3A_3 = arith.constant 7 : i32
    %barrier3A = arith.constant 0 : index
    tpu.barrier barrier_id(%barrier3A)
    %mul3A = arith.constant 20000 : i32
    %mul3A_4 = arith.muli %arg1, %mul3A : i32
    %eq3A = arith.constant 0 : i32
    %eq3A_5 = arith.cmpi eq, %arg0, %eq3A : i32
    %convert_element_type3A = arith.extui %eq3A_5 : i1 to i32
    %cond3A = arith.constant 0 : i32
    %cond3A_6 = arith.cmpi ne, %convert_element_type3A, %cond3A : i32
    scf.if %cond3A_6 {
      %scan3A_18 = arith.constant 0 : i32
      %scan3A_19 = arith.constant 50 : i32
      %scan3A_20 = arith.addi %scan3A_18, %scan3A_19 : i32
      %scan3A_21 = arith.constant 1 : i32
      scf.for %scan3A_23 = %scan3A_18 to %scan3A_20 step %scan3A_21  : i32 {
        %mul3A_24 = arith.constant 1 : i32
        %mul3A_25 = arith.muli %scan3A_23, %mul3A_24 : i32
        %add3A = arith.constant 0 : i32
        %add3A_26 = arith.addi %add3A, %mul3A_25 : i32
        %mul3A_27 = arith.constant 2 : i32
        %mul3A_28 = arith.muli %mul3A_27, %add3A_26 : i32
        %mul3A_29 = arith.constant 200 : i32
        %mul3A_30 = arith.muli %mul3A_28, %mul3A_29 : i32
        %add3A_31 = arith.addi %mul3A_4, %mul3A_30 : i32
        %add3A_32 = arith.constant 200 : i32
        %add3A_33 = arith.addi %add3A_31, %add3A_32 : i32
        "tpu.region"() ({
          %run_scoped3A = tpu.sem_alloc : memref<!tpu.dma_semaphore, #tpu.memory_space<semaphore_mem>>
          %dma_start3A_44 = tpu.memref_slice %arg3[%add3A_31] : memref<320000xi32, #tpu.memory_space<hbm>> -> memref<200xi32, #tpu.memory_space<hbm>>
          %dma_start3A_45 = tpu.memref_slice %arg3[%add3A_31] : memref<320000xi32, #tpu.memory_space<hbm>> -> memref<200xi32, #tpu.memory_space<hbm>>
          tpu.enqueue_dma source(%dma_start3A_45 : memref<200xi32, #tpu.memory_space<hbm>>) target(%arg8 : memref<200xi32, #tpu.memory_space<vmem>>) target_semaphore(%run_scoped3A : memref<!tpu.dma_semaphore, #tpu.memory_space<semaphore_mem>>)
          %dma_wait3A_46 = tpu.memref_slice %arg3[%add3A_31] : memref<320000xi32, #tpu.memory_space<hbm>> -> memref<200xi32, #tpu.memory_space<hbm>>
          %dma_wait3A_47 = tpu.memref_slice %arg3[%add3A_31] : memref<320000xi32, #tpu.memory_space<hbm>> -> memref<200xi32, #tpu.memory_space<hbm>>
          tpu.wait_dma2 semaphore(%run_scoped3A : memref<!tpu.dma_semaphore, #tpu.memory_space<semaphore_mem>>) src(%dma_wait3A_47 : memref<200xi32, #tpu.memory_space<hbm>>) dst(%arg8 : memref<200xi32, #tpu.memory_space<vmem>>)
          tpu.yield
        }) : () -> ()
        "tpu.region"() ({
          %run_scoped3A = tpu.sem_alloc : memref<!tpu.dma_semaphore, #tpu.memory_space<semaphore_mem>>
          %dma_start3A_44 = tpu.memref_slice %arg4[%add3A_31] : memref<320000xi32, #tpu.memory_space<hbm>> -> memref<200xi32, #tpu.memory_space<hbm>>
          %dma_start3A_45 = tpu.memref_slice %arg4[%add3A_31] : memref<320000xi32, #tpu.memory_space<hbm>> -> memref<200xi32, #tpu.memory_space<hbm>>
          tpu.enqueue_dma source(%dma_start3A_45 : memref<200xi32, #tpu.memory_space<hbm>>) target(%arg9 : memref<200xi32, #tpu.memory_space<vmem>>) target_semaphore(%run_scoped3A : memref<!tpu.dma_semaphore, #tpu.memory_space<semaphore_mem>>)
          %dma_wait3A_46 = tpu.memref_slice %arg4[%add3A_31] : memref<320000xi32, #tpu.memory_space<hbm>> -> memref<200xi32, #tpu.memory_space<hbm>>
          %dma_wait3A_47 = tpu.memref_slice %arg4[%add3A_31] : memref<320000xi32, #tpu.memory_space<hbm>> -> memref<200xi32, #tpu.memory_space<hbm>>
          tpu.wait_dma2 semaphore(%run_scoped3A : memref<!tpu.dma_semaphore, #tpu.memory_space<semaphore_mem>>) src(%dma_wait3A_47 : memref<200xi32, #tpu.memory_space<hbm>>) dst(%arg9 : memref<200xi32, #tpu.memory_space<vmem>>)
          tpu.yield
        }) : () -> ()
        %dma_start3A = arith.constant 0 : i32
        %dma_start3A_34 = arith.constant 0 : i32
        %dma_start3A_35 = tpu.memref_slice %arg2[%dma_start3A, %dma_start3A_34] : memref<10240x128xf32, #tpu.memory_space<hbm>> -> memref<10240x128xf32, #tpu.memory_space<hbm>>
        tpu.enqueue_indirect_dma source(%dma_start3A_35 : memref<10240x128xf32, #tpu.memory_space<hbm>>) target(%arg12 : memref<200x128xf32, #tpu.memory_space<vmem>>) offsets(%arg8 : memref<200xi32, #tpu.memory_space<vmem>>) semaphore(%arg16 : memref<!tpu.dma_semaphore, #tpu.memory_space<semaphore_mem>>)
        "tpu.region"() ({
          %run_scoped3A = tpu.sem_alloc : memref<!tpu.dma_semaphore, #tpu.memory_space<semaphore_mem>>
          %dma_start3A_44 = tpu.memref_slice %arg3[%add3A_33] : memref<320000xi32, #tpu.memory_space<hbm>> -> memref<200xi32, #tpu.memory_space<hbm>>
          %dma_start3A_45 = tpu.memref_slice %arg3[%add3A_33] : memref<320000xi32, #tpu.memory_space<hbm>> -> memref<200xi32, #tpu.memory_space<hbm>>
          tpu.enqueue_dma source(%dma_start3A_45 : memref<200xi32, #tpu.memory_space<hbm>>) target(%arg10 : memref<200xi32, #tpu.memory_space<vmem>>) target_semaphore(%run_scoped3A : memref<!tpu.dma_semaphore, #tpu.memory_space<semaphore_mem>>)
          %dma_wait3A_46 = tpu.memref_slice %arg3[%add3A_33] : memref<320000xi32, #tpu.memory_space<hbm>> -> memref<200xi32, #tpu.memory_space<hbm>>
          %dma_wait3A_47 = tpu.memref_slice %arg3[%add3A_33] : memref<320000xi32, #tpu.memory_space<hbm>> -> memref<200xi32, #tpu.memory_space<hbm>>
          tpu.wait_dma2 semaphore(%run_scoped3A : memref<!tpu.dma_semaphore, #tpu.memory_space<semaphore_mem>>) src(%dma_wait3A_47 : memref<200xi32, #tpu.memory_space<hbm>>) dst(%arg10 : memref<200xi32, #tpu.memory_space<vmem>>)
          tpu.yield
        }) : () -> ()
        "tpu.region"() ({
          %run_scoped3A = tpu.sem_alloc : memref<!tpu.dma_semaphore, #tpu.memory_space<semaphore_mem>>
          %dma_start3A_44 = tpu.memref_slice %arg4[%add3A_33] : memref<320000xi32, #tpu.memory_space<hbm>> -> memref<200xi32, #tpu.memory_space<hbm>>
          %dma_start3A_45 = tpu.memref_slice %arg4[%add3A_33] : memref<320000xi32, #tpu.memory_space<hbm>> -> memref<200xi32, #tpu.memory_space<hbm>>
          tpu.enqueue_dma source(%dma_start3A_45 : memref<200xi32, #tpu.memory_space<hbm>>) target(%arg11 : memref<200xi32, #tpu.memory_space<vmem>>) target_semaphore(%run_scoped3A : memref<!tpu.dma_semaphore, #tpu.memory_space<semaphore_mem>>)
          %dma_wait3A_46 = tpu.memref_slice %arg4[%add3A_33] : memref<320000xi32, #tpu.memory_space<hbm>> -> memref<200xi32, #tpu.memory_space<hbm>>
          %dma_wait3A_47 = tpu.memref_slice %arg4[%add3A_33] : memref<320000xi32, #tpu.memory_space<hbm>> -> memref<200xi32, #tpu.memory_space<hbm>>
          tpu.wait_dma2 semaphore(%run_scoped3A : memref<!tpu.dma_semaphore, #tpu.memory_space<semaphore_mem>>) src(%dma_wait3A_47 : memref<200xi32, #tpu.memory_space<hbm>>) dst(%arg11 : memref<200xi32, #tpu.memory_space<vmem>>)
          tpu.yield
        }) : () -> ()
        %dma_start3A_36 = arith.constant 0 : i32
        %dma_start3A_37 = arith.constant 0 : i32
        %dma_start3A_38 = tpu.memref_slice %arg2[%dma_start3A_36, %dma_start3A_37] : memref<10240x128xf32, #tpu.memory_space<hbm>> -> memref<10240x128xf32, #tpu.memory_space<hbm>>
        tpu.enqueue_indirect_dma source(%dma_start3A_38 : memref<10240x128xf32, #tpu.memory_space<hbm>>) target(%arg13 : memref<200x128xf32, #tpu.memory_space<vmem>>) offsets(%arg10 : memref<200xi32, #tpu.memory_space<vmem>>) semaphore(%arg17 : memref<!tpu.dma_semaphore, #tpu.memory_space<semaphore_mem>>)
        %dma_wait3A = arith.constant 0 : i32
        %dma_wait3A_39 = arith.constant 0 : i32
        %dma_wait3A_40 = tpu.memref_slice %arg2[%dma_wait3A, %dma_wait3A_39] : memref<10240x128xf32, #tpu.memory_space<hbm>> -> memref<10240x128xf32, #tpu.memory_space<hbm>>
        tpu.wait_indirect_dma semaphore(%arg16 : memref<!tpu.dma_semaphore, #tpu.memory_space<semaphore_mem>>) src(%dma_wait3A_40 : memref<10240x128xf32, #tpu.memory_space<hbm>>) dst(%arg12 : memref<200x128xf32, #tpu.memory_space<vmem>>)
        "tpu.region"() ({
          %run_scoped3A = tpu.sem_alloc : memref<!tpu.dma_semaphore, #tpu.memory_space<semaphore_mem>>
          %dma_start3A_44 = arith.constant 0 : i32
          %dma_start3A_45 = arith.constant 0 : i32
          %dma_start3A_46 = tpu.memref_slice %arg15[%dma_start3A_44, %dma_start3A_45] : memref<5376x128xf32, #tpu.memory_space<vmem_shared>> -> memref<5376x128xf32, #tpu.memory_space<vmem_shared>>
          tpu.enqueue_indirect_dma source(%arg12 : memref<200x128xf32, #tpu.memory_space<vmem>>) target(%dma_start3A_46 : memref<5376x128xf32, #tpu.memory_space<vmem_shared>>) offsets(%arg9 : memref<200xi32, #tpu.memory_space<vmem>>) semaphore(%run_scoped3A : memref<!tpu.dma_semaphore, #tpu.memory_space<semaphore_mem>>) {add = true}
          %dma_wait3A_47 = arith.constant 0 : i32
          %dma_wait3A_48 = arith.constant 0 : i32
          %dma_wait3A_49 = tpu.memref_slice %arg15[%dma_wait3A_47, %dma_wait3A_48] : memref<5376x128xf32, #tpu.memory_space<vmem_shared>> -> memref<5376x128xf32, #tpu.memory_space<vmem_shared>>
          tpu.wait_indirect_dma semaphore(%run_scoped3A : memref<!tpu.dma_semaphore, #tpu.memory_space<semaphore_mem>>) src(%arg12 : memref<200x128xf32, #tpu.memory_space<vmem>>) dst(%dma_wait3A_49 : memref<5376x128xf32, #tpu.memory_space<vmem_shared>>)
          tpu.yield
        }) : () -> ()
        %dma_wait3A_41 = arith.constant 0 : i32
        %dma_wait3A_42 = arith.constant 0 : i32
        %dma_wait3A_43 = tpu.memref_slice %arg2[%dma_wait3A_41, %dma_wait3A_42] : memref<10240x128xf32, #tpu.memory_space<hbm>> -> memref<10240x128xf32, #tpu.memory_space<hbm>>
        tpu.wait_indirect_dma semaphore(%arg17 : memref<!tpu.dma_semaphore, #tpu.memory_space<semaphore_mem>>) src(%dma_wait3A_43 : memref<10240x128xf32, #tpu.memory_space<hbm>>) dst(%arg13 : memref<200x128xf32, #tpu.memory_space<vmem>>)
        "tpu.region"() ({
          %run_scoped3A = tpu.sem_alloc : memref<!tpu.dma_semaphore, #tpu.memory_space<semaphore_mem>>
          %dma_start3A_44 = arith.constant 0 : i32
          %dma_start3A_45 = arith.constant 0 : i32
          %dma_start3A_46 = tpu.memref_slice %arg15[%dma_start3A_44, %dma_start3A_45] : memref<5376x128xf32, #tpu.memory_space<vmem_shared>> -> memref<5376x128xf32, #tpu.memory_space<vmem_shared>>
          tpu.enqueue_indirect_dma source(%arg13 : memref<200x128xf32, #tpu.memory_space<vmem>>) target(%dma_start3A_46 : memref<5376x128xf32, #tpu.memory_space<vmem_shared>>) offsets(%arg11 : memref<200xi32, #tpu.memory_space<vmem>>) semaphore(%run_scoped3A : memref<!tpu.dma_semaphore, #tpu.memory_space<semaphore_mem>>) {add = true}
          %dma_wait3A_47 = arith.constant 0 : i32
          %dma_wait3A_48 = arith.constant 0 : i32
          %dma_wait3A_49 = tpu.memref_slice %arg15[%dma_wait3A_47, %dma_wait3A_48] : memref<5376x128xf32, #tpu.memory_space<vmem_shared>> -> memref<5376x128xf32, #tpu.memory_space<vmem_shared>>
          tpu.wait_indirect_dma semaphore(%run_scoped3A : memref<!tpu.dma_semaphore, #tpu.memory_space<semaphore_mem>>) src(%arg13 : memref<200x128xf32, #tpu.memory_space<vmem>>) dst(%dma_wait3A_49 : memref<5376x128xf32, #tpu.memory_space<vmem_shared>>)
          tpu.yield
        }) : () -> ()
      }
      %scan3A_22 = arith.constant 50 : i32
    } else {
    }
    %eq3A_7 = arith.constant 1 : i32
    %eq3A_8 = arith.cmpi eq, %arg0, %eq3A_7 : i32
    %convert_element_type3A_9 = arith.extui %eq3A_8 : i1 to i32
    %cond3A_10 = arith.constant 0 : i32
    %cond3A_11 = arith.cmpi ne, %convert_element_type3A_9, %cond3A_10 : i32
    scf.if %cond3A_11 {
      %scan3A_18 = arith.constant 0 : i32
      %scan3A_19 = arith.constant 50 : i32
      %scan3A_20 = arith.addi %scan3A_18, %scan3A_19 : i32
      %scan3A_21 = arith.constant 1 : i32
      scf.for %scan3A_23 = %scan3A_18 to %scan3A_20 step %scan3A_21  : i32 {
        %mul3A_24 = arith.constant 1 : i32
        %mul3A_25 = arith.muli %scan3A_23, %mul3A_24 : i32
        %add3A = arith.constant 0 : i32
        %add3A_26 = arith.addi %add3A, %mul3A_25 : i32
        %mul3A_27 = arith.constant 2 : i32
        %mul3A_28 = arith.muli %mul3A_27, %add3A_26 : i32
        %mul3A_29 = arith.constant 200 : i32
        %mul3A_30 = arith.muli %mul3A_28, %mul3A_29 : i32
        %add3A_31 = arith.addi %mul3A_4, %mul3A_30 : i32
        %add3A_32 = arith.constant 200 : i32
        %add3A_33 = arith.addi %add3A_31, %add3A_32 : i32
        "tpu.region"() ({
          %run_scoped3A = tpu.sem_alloc : memref<!tpu.dma_semaphore, #tpu.memory_space<semaphore_mem>>
          %dma_start3A_44 = tpu.memref_slice %arg3[%add3A_31] : memref<320000xi32, #tpu.memory_space<hbm>> -> memref<200xi32, #tpu.memory_space<hbm>>
          %dma_start3A_45 = tpu.memref_slice %arg3[%add3A_31] : memref<320000xi32, #tpu.memory_space<hbm>> -> memref<200xi32, #tpu.memory_space<hbm>>
          tpu.enqueue_dma source(%dma_start3A_45 : memref<200xi32, #tpu.memory_space<hbm>>) target(%arg8 : memref<200xi32, #tpu.memory_space<vmem>>) target_semaphore(%run_scoped3A : memref<!tpu.dma_semaphore, #tpu.memory_space<semaphore_mem>>)
          %dma_wait3A_46 = tpu.memref_slice %arg3[%add3A_31] : memref<320000xi32, #tpu.memory_space<hbm>> -> memref<200xi32, #tpu.memory_space<hbm>>
          %dma_wait3A_47 = tpu.memref_slice %arg3[%add3A_31] : memref<320000xi32, #tpu.memory_space<hbm>> -> memref<200xi32, #tpu.memory_space<hbm>>
          tpu.wait_dma2 semaphore(%run_scoped3A : memref<!tpu.dma_semaphore, #tpu.memory_space<semaphore_mem>>) src(%dma_wait3A_47 : memref<200xi32, #tpu.memory_space<hbm>>) dst(%arg8 : memref<200xi32, #tpu.memory_space<vmem>>)
          tpu.yield
        }) : () -> ()
        "tpu.region"() ({
          %run_scoped3A = tpu.sem_alloc : memref<!tpu.dma_semaphore, #tpu.memory_space<semaphore_mem>>
          %dma_start3A_44 = tpu.memref_slice %arg5[%add3A_31] : memref<320000xi32, #tpu.memory_space<hbm>> -> memref<200xi32, #tpu.memory_space<hbm>>
          %dma_start3A_45 = tpu.memref_slice %arg5[%add3A_31] : memref<320000xi32, #tpu.memory_space<hbm>> -> memref<200xi32, #tpu.memory_space<hbm>>
          tpu.enqueue_dma source(%dma_start3A_45 : memref<200xi32, #tpu.memory_space<hbm>>) target(%arg9 : memref<200xi32, #tpu.memory_space<vmem>>) target_semaphore(%run_scoped3A : memref<!tpu.dma_semaphore, #tpu.memory_space<semaphore_mem>>)
          %dma_wait3A_46 = tpu.memref_slice %arg5[%add3A_31] : memref<320000xi32, #tpu.memory_space<hbm>> -> memref<200xi32, #tpu.memory_space<hbm>>
          %dma_wait3A_47 = tpu.memref_slice %arg5[%add3A_31] : memref<320000xi32, #tpu.memory_space<hbm>> -> memref<200xi32, #tpu.memory_space<hbm>>
          tpu.wait_dma2 semaphore(%run_scoped3A : memref<!tpu.dma_semaphore, #tpu.memory_space<semaphore_mem>>) src(%dma_wait3A_47 : memref<200xi32, #tpu.memory_space<hbm>>) dst(%arg9 : memref<200xi32, #tpu.memory_space<vmem>>)
          tpu.yield
        }) : () -> ()
        %dma_start3A = arith.constant 0 : i32
        %dma_start3A_34 = arith.constant 0 : i32
        %dma_start3A_35 = tpu.memref_slice %arg2[%dma_start3A, %dma_start3A_34] : memref<10240x128xf32, #tpu.memory_space<hbm>> -> memref<10240x128xf32, #tpu.memory_space<hbm>>
        tpu.enqueue_indirect_dma source(%dma_start3A_35 : memref<10240x128xf32, #tpu.memory_space<hbm>>) target(%arg12 : memref<200x128xf32, #tpu.memory_space<vmem>>) offsets(%arg8 : memref<200xi32, #tpu.memory_space<vmem>>) semaphore(%arg16 : memref<!tpu.dma_semaphore, #tpu.memory_space<semaphore_mem>>)
        "tpu.region"() ({
          %run_scoped3A = tpu.sem_alloc : memref<!tpu.dma_semaphore, #tpu.memory_space<semaphore_mem>>
          %dma_start3A_44 = tpu.memref_slice %arg3[%add3A_33] : memref<320000xi32, #tpu.memory_space<hbm>> -> memref<200xi32, #tpu.memory_space<hbm>>
          %dma_start3A_45 = tpu.memref_slice %arg3[%add3A_33] : memref<320000xi32, #tpu.memory_space<hbm>> -> memref<200xi32, #tpu.memory_space<hbm>>
          tpu.enqueue_dma source(%dma_start3A_45 : memref<200xi32, #tpu.memory_space<hbm>>) target(%arg10 : memref<200xi32, #tpu.memory_space<vmem>>) target_semaphore(%run_scoped3A : memref<!tpu.dma_semaphore, #tpu.memory_space<semaphore_mem>>)
          %dma_wait3A_46 = tpu.memref_slice %arg3[%add3A_33] : memref<320000xi32, #tpu.memory_space<hbm>> -> memref<200xi32, #tpu.memory_space<hbm>>
          %dma_wait3A_47 = tpu.memref_slice %arg3[%add3A_33] : memref<320000xi32, #tpu.memory_space<hbm>> -> memref<200xi32, #tpu.memory_space<hbm>>
          tpu.wait_dma2 semaphore(%run_scoped3A : memref<!tpu.dma_semaphore, #tpu.memory_space<semaphore_mem>>) src(%dma_wait3A_47 : memref<200xi32, #tpu.memory_space<hbm>>) dst(%arg10 : memref<200xi32, #tpu.memory_space<vmem>>)
          tpu.yield
        }) : () -> ()
        "tpu.region"() ({
          %run_scoped3A = tpu.sem_alloc : memref<!tpu.dma_semaphore, #tpu.memory_space<semaphore_mem>>
          %dma_start3A_44 = tpu.memref_slice %arg5[%add3A_33] : memref<320000xi32, #tpu.memory_space<hbm>> -> memref<200xi32, #tpu.memory_space<hbm>>
          %dma_start3A_45 = tpu.memref_slice %arg5[%add3A_33] : memref<320000xi32, #tpu.memory_space<hbm>> -> memref<200xi32, #tpu.memory_space<hbm>>
          tpu.enqueue_dma source(%dma_start3A_45 : memref<200xi32, #tpu.memory_space<hbm>>) target(%arg11 : memref<200xi32, #tpu.memory_space<vmem>>) target_semaphore(%run_scoped3A : memref<!tpu.dma_semaphore, #tpu.memory_space<semaphore_mem>>)
          %dma_wait3A_46 = tpu.memref_slice %arg5[%add3A_33] : memref<320000xi32, #tpu.memory_space<hbm>> -> memref<200xi32, #tpu.memory_space<hbm>>
          %dma_wait3A_47 = tpu.memref_slice %arg5[%add3A_33] : memref<320000xi32, #tpu.memory_space<hbm>> -> memref<200xi32, #tpu.memory_space<hbm>>
          tpu.wait_dma2 semaphore(%run_scoped3A : memref<!tpu.dma_semaphore, #tpu.memory_space<semaphore_mem>>) src(%dma_wait3A_47 : memref<200xi32, #tpu.memory_space<hbm>>) dst(%arg11 : memref<200xi32, #tpu.memory_space<vmem>>)
          tpu.yield
        }) : () -> ()
        %dma_start3A_36 = arith.constant 0 : i32
        %dma_start3A_37 = arith.constant 0 : i32
        %dma_start3A_38 = tpu.memref_slice %arg2[%dma_start3A_36, %dma_start3A_37] : memref<10240x128xf32, #tpu.memory_space<hbm>> -> memref<10240x128xf32, #tpu.memory_space<hbm>>
        tpu.enqueue_indirect_dma source(%dma_start3A_38 : memref<10240x128xf32, #tpu.memory_space<hbm>>) target(%arg13 : memref<200x128xf32, #tpu.memory_space<vmem>>) offsets(%arg10 : memref<200xi32, #tpu.memory_space<vmem>>) semaphore(%arg17 : memref<!tpu.dma_semaphore, #tpu.memory_space<semaphore_mem>>)
        %dma_wait3A = arith.constant 0 : i32
        %dma_wait3A_39 = arith.constant 0 : i32
        %dma_wait3A_40 = tpu.memref_slice %arg2[%dma_wait3A, %dma_wait3A_39] : memref<10240x128xf32, #tpu.memory_space<hbm>> -> memref<10240x128xf32, #tpu.memory_space<hbm>>
        tpu.wait_indirect_dma semaphore(%arg16 : memref<!tpu.dma_semaphore, #tpu.memory_space<semaphore_mem>>) src(%dma_wait3A_40 : memref<10240x128xf32, #tpu.memory_space<hbm>>) dst(%arg12 : memref<200x128xf32, #tpu.memory_space<vmem>>)
        "tpu.region"() ({
          %run_scoped3A = tpu.sem_alloc : memref<!tpu.dma_semaphore, #tpu.memory_space<semaphore_mem>>
          %dma_start3A_44 = arith.constant 0 : i32
          %dma_start3A_45 = arith.constant 0 : i32
          %dma_start3A_46 = tpu.memref_slice %arg15[%dma_start3A_44, %dma_start3A_45] : memref<5376x128xf32, #tpu.memory_space<vmem_shared>> -> memref<5376x128xf32, #tpu.memory_space<vmem_shared>>
          tpu.enqueue_indirect_dma source(%arg12 : memref<200x128xf32, #tpu.memory_space<vmem>>) target(%dma_start3A_46 : memref<5376x128xf32, #tpu.memory_space<vmem_shared>>) offsets(%arg9 : memref<200xi32, #tpu.memory_space<vmem>>) semaphore(%run_scoped3A : memref<!tpu.dma_semaphore, #tpu.memory_space<semaphore_mem>>) {add = true}
          %dma_wait3A_47 = arith.constant 0 : i32
          %dma_wait3A_48 = arith.constant 0 : i32
          %dma_wait3A_49 = tpu.memref_slice %arg15[%dma_wait3A_47, %dma_wait3A_48] : memref<5376x128xf32, #tpu.memory_space<vmem_shared>> -> memref<5376x128xf32, #tpu.memory_space<vmem_shared>>
          tpu.wait_indirect_dma semaphore(%run_scoped3A : memref<!tpu.dma_semaphore, #tpu.memory_space<semaphore_mem>>) src(%arg12 : memref<200x128xf32, #tpu.memory_space<vmem>>) dst(%dma_wait3A_49 : memref<5376x128xf32, #tpu.memory_space<vmem_shared>>)
          tpu.yield
        }) : () -> ()
        %dma_wait3A_41 = arith.constant 0 : i32
        %dma_wait3A_42 = arith.constant 0 : i32
        %dma_wait3A_43 = tpu.memref_slice %arg2[%dma_wait3A_41, %dma_wait3A_42] : memref<10240x128xf32, #tpu.memory_space<hbm>> -> memref<10240x128xf32, #tpu.memory_space<hbm>>
        tpu.wait_indirect_dma semaphore(%arg17 : memref<!tpu.dma_semaphore, #tpu.memory_space<semaphore_mem>>) src(%dma_wait3A_43 : memref<10240x128xf32, #tpu.memory_space<hbm>>) dst(%arg13 : memref<200x128xf32, #tpu.memory_space<vmem>>)
        "tpu.region"() ({
          %run_scoped3A = tpu.sem_alloc : memref<!tpu.dma_semaphore, #tpu.memory_space<semaphore_mem>>
          %dma_start3A_44 = arith.constant 0 : i32
          %dma_start3A_45 = arith.constant 0 : i32
          %dma_start3A_46 = tpu.memref_slice %arg15[%dma_start3A_44, %dma_start3A_45] : memref<5376x128xf32, #tpu.memory_space<vmem_shared>> -> memref<5376x128xf32, #tpu.memory_space<vmem_shared>>
          tpu.enqueue_indirect_dma source(%arg13 : memref<200x128xf32, #tpu.memory_space<vmem>>) target(%dma_start3A_46 : memref<5376x128xf32, #tpu.memory_space<vmem_shared>>) offsets(%arg11 : memref<200xi32, #tpu.memory_space<vmem>>) semaphore(%run_scoped3A : memref<!tpu.dma_semaphore, #tpu.memory_space<semaphore_mem>>) {add = true}
          %dma_wait3A_47 = arith.constant 0 : i32
          %dma_wait3A_48 = arith.constant 0 : i32
          %dma_wait3A_49 = tpu.memref_slice %arg15[%dma_wait3A_47, %dma_wait3A_48] : memref<5376x128xf32, #tpu.memory_space<vmem_shared>> -> memref<5376x128xf32, #tpu.memory_space<vmem_shared>>
          tpu.wait_indirect_dma semaphore(%run_scoped3A : memref<!tpu.dma_semaphore, #tpu.memory_space<semaphore_mem>>) src(%arg13 : memref<200x128xf32, #tpu.memory_space<vmem>>) dst(%dma_wait3A_49 : memref<5376x128xf32, #tpu.memory_space<vmem_shared>>)
          tpu.yield
        }) : () -> ()
      }
      %scan3A_22 = arith.constant 50 : i32
    } else {
    }
    %barrier3A_12 = arith.constant 0 : index
    tpu.barrier barrier_id(%barrier3A_12)
    %scan3A_13 = arith.constant 0 : i32
    %scan3A_14 = arith.constant 7 : i32
    %scan3A_15 = arith.addi %scan3A_13, %scan3A_14 : i32
    %scan3A_16 = arith.constant 1 : i32
    scf.for %scan3A_18 = %scan3A_13 to %scan3A_15 step %scan3A_16  : i32 {
      %mul3A_19 = arith.constant 1 : i32
      %mul3A_20 = arith.muli %scan3A_18, %mul3A_19 : i32
      %add3A = arith.constant 0 : i32
      %add3A_21 = arith.addi %add3A, %mul3A_20 : i32
      %mul3A_22 = arith.constant 336 : i32
      %mul3A_23 = arith.muli %arg1, %mul3A_22 : i32
      %mul3A_24 = arith.constant 48 : i32
      %mul3A_25 = arith.muli %add3A_21, %mul3A_24 : i32
      %add3A_26 = arith.addi %mul3A_23, %mul3A_25 : i32
      "tpu.region"() ({
        %run_scoped3A = tpu.sem_alloc : memref<!tpu.dma_semaphore, #tpu.memory_space<semaphore_mem>>
        %dma_start3A = arith.constant 0 : i32
        %dma_start3A_27 = tpu.memref_slice %arg15[%add3A_26, %dma_start3A] : memref<5376x128xf32, #tpu.memory_space<vmem_shared>> -> memref<48x128xf32, #tpu.memory_space<vmem_shared>>
        %dma_start3A_28 = arith.constant 0 : i32
        %dma_start3A_29 = tpu.memref_slice %arg15[%add3A_26, %dma_start3A_28] : memref<5376x128xf32, #tpu.memory_space<vmem_shared>> -> memref<48x128xf32, #tpu.memory_space<vmem_shared>>
        tpu.enqueue_dma source(%dma_start3A_29 : memref<48x128xf32, #tpu.memory_space<vmem_shared>>) target(%arg14 : memref<48x128xf32, #tpu.memory_space<vmem>>) target_semaphore(%run_scoped3A : memref<!tpu.dma_semaphore, #tpu.memory_space<semaphore_mem>>)
        %dma_wait3A = arith.constant 0 : i32
        %dma_wait3A_30 = tpu.memref_slice %arg15[%add3A_26, %dma_wait3A] : memref<5376x128xf32, #tpu.memory_space<vmem_shared>> -> memref<48x128xf32, #tpu.memory_space<vmem_shared>>
        %dma_wait3A_31 = arith.constant 0 : i32
        %dma_wait3A_32 = tpu.memref_slice %arg15[%add3A_26, %dma_wait3A_31] : memref<5376x128xf32, #tpu.memory_space<vmem_shared>> -> memref<48x128xf32, #tpu.memory_space<vmem_shared>>
        tpu.wait_dma2 semaphore(%run_scoped3A : memref<!tpu.dma_semaphore, #tpu.memory_space<semaphore_mem>>) src(%dma_wait3A_32 : memref<48x128xf32, #tpu.memory_space<vmem_shared>>) dst(%arg14 : memref<48x128xf32, #tpu.memory_space<vmem>>)
        tpu.yield
      }) : () -> ()
      "tpu.region"() ({
        %run_scoped3A = tpu.sem_alloc : memref<!tpu.dma_semaphore, #tpu.memory_space<semaphore_mem>>
        %dma_start3A = arith.constant 0 : i32
        %dma_start3A_27 = tpu.memref_slice %arg7[%arg0, %add3A_26, %dma_start3A] : memref<2x5376x128xf32, #tpu.memory_space<hbm>> -> memref<1x48x128xf32, #tpu.memory_space<hbm>>
        %dma_start3A_28 = tpu.memref_squeeze %dma_start3A_27 : memref<1x48x128xf32, #tpu.memory_space<hbm>> -> memref<48x128xf32, #tpu.memory_space<hbm>>
        %dma_start3A_29 = arith.constant 0 : i32
        %dma_start3A_30 = tpu.memref_slice %arg7[%arg0, %add3A_26, %dma_start3A_29] : memref<2x5376x128xf32, #tpu.memory_space<hbm>> -> memref<1x48x128xf32, #tpu.memory_space<hbm>>
        %dma_start3A_31 = tpu.memref_squeeze %dma_start3A_30 : memref<1x48x128xf32, #tpu.memory_space<hbm>> -> memref<48x128xf32, #tpu.memory_space<hbm>>
        tpu.enqueue_dma source(%arg14 : memref<48x128xf32, #tpu.memory_space<vmem>>) target(%dma_start3A_31 : memref<48x128xf32, #tpu.memory_space<hbm>>) target_semaphore(%run_scoped3A : memref<!tpu.dma_semaphore, #tpu.memory_space<semaphore_mem>>)
        %dma_wait3A = arith.constant 0 : i32
        %dma_wait3A_32 = tpu.memref_slice %arg7[%arg0, %add3A_26, %dma_wait3A] : memref<2x5376x128xf32, #tpu.memory_space<hbm>> -> memref<1x48x128xf32, #tpu.memory_space<hbm>>
        %dma_wait3A_33 = tpu.memref_squeeze %dma_wait3A_32 : memref<1x48x128xf32, #tpu.memory_space<hbm>> -> memref<48x128xf32, #tpu.memory_space<hbm>>
        %dma_wait3A_34 = arith.constant 0 : i32
        %dma_wait3A_35 = tpu.memref_slice %arg7[%arg0, %add3A_26, %dma_wait3A_34] : memref<2x5376x128xf32, #tpu.memory_space<hbm>> -> memref<1x48x128xf32, #tpu.memory_space<hbm>>
        %dma_wait3A_36 = tpu.memref_squeeze %dma_wait3A_35 : memref<1x48x128xf32, #tpu.memory_space<hbm>> -> memref<48x128xf32, #tpu.memory_space<hbm>>
        tpu.wait_dma2 semaphore(%run_scoped3A : memref<!tpu.dma_semaphore, #tpu.memory_space<semaphore_mem>>) src(%arg14 : memref<48x128xf32, #tpu.memory_space<vmem>>) dst(%dma_wait3A_36 : memref<48x128xf32, #tpu.memory_space<hbm>>)
        tpu.yield
      }) : () -> ()
    }
    %scan3A_17 = arith.constant 7 : i32
    return
  }
}

#map = affine_map<(d0, d1) -> (0, 0)>
#map1 = affine_map<(d0, d1) -> (0)>
#map2 = affine_map<(d0, d1) -> (0, 0, 0)>
module attributes {stable_mosaic.version = 14 : i64} {
  func.func @scatter_kernel(%arg0: i32, %arg1: i32, %arg2: memref<10240x128xf32, #tpu.memory_space<hbm>>, %arg3: memref<320000xi32, #tpu.memory_space<hbm>>, %arg4: memref<320000xi32, #tpu.memory_space<hbm>>, %arg5: memref<320000xi32, #tpu.memory_space<hbm>>, %arg6: memref<48x128xf32, #tpu.memory_space<hbm>>, %arg7: memref<2x5376x128xf32, #tpu.memory_space<hbm>>, %arg8: memref<200xi32, #tpu.memory_space<vmem>>, %arg9: memref<200xi32, #tpu.memory_space<vmem>>, %arg10: memref<200xi32, #tpu.memory_space<vmem>>, %arg11: memref<200xi32, #tpu.memory_space<vmem>>, %arg12: memref<200x128xf32, #tpu.memory_space<vmem>>, %arg13: memref<200x128xf32, #tpu.memory_space<vmem>>, %arg14: memref<48x128xf32, #tpu.memory_space<vmem>>, %arg15: memref<5376x128xf32, #tpu.memory_space<vmem_shared>>, %arg16: memref<!tpu.dma_semaphore, #tpu.memory_space<semaphore_mem>>, %arg17: memref<!tpu.dma_semaphore, #tpu.memory_space<semaphore_mem>>) attributes {dimension_semantics = [#tpu.dimension_semantics<core_parallel>, #tpu.dimension_semantics<subcore_parallel>], iteration_bounds = array<i64: 2, 16>, scalar_prefetch = 0 : i64, scratch_operands = 10 : i64, tpu.core_type = #tpu.core_type<sc_vector_subcore>, window_params = [{transform_indices = #map}, {transform_indices = #map1}, {transform_indices = #map1}, {transform_indices = #map1}, {transform_indices = #map}, {transform_indices = #map2}]} {
    "tpu.region"() ({
      %run_scoped3A = tpu.sem_alloc : memref<!tpu.dma_semaphore, #tpu.memory_space<semaphore_mem>>
      tpu.enqueue_dma source(%arg6 : memref<48x128xf32, #tpu.memory_space<hbm>>) target(%arg14 : memref<48x128xf32, #tpu.memory_space<vmem>>) target_semaphore(%run_scoped3A : memref<!tpu.dma_semaphore, #tpu.memory_space<semaphore_mem>>)
      tpu.wait_dma2 semaphore(%run_scoped3A : memref<!tpu.dma_semaphore, #tpu.memory_space<semaphore_mem>>) src(%arg6 : memref<48x128xf32, #tpu.memory_space<hbm>>) dst(%arg14 : memref<48x128xf32, #tpu.memory_space<vmem>>)
      tpu.yield
    }) : () -> ()
    %scan3A = arith.constant 0 : i32
    %scan3A_0 = arith.constant 7 : i32
    %scan3A_1 = arith.addi %scan3A, %scan3A_0 : i32
    %scan3A_2 = arith.constant 1 : i32
    scf.for %scan3A_18 = %scan3A to %scan3A_1 step %scan3A_2  : i32 {
      %mul3A_19 = arith.constant 1 : i32
      %mul3A_20 = arith.muli %scan3A_18, %mul3A_19 : i32
      %add3A = arith.constant 0 : i32
      %add3A_21 = arith.addi %add3A, %mul3A_20 : i32
      %mul3A_22 = arith.constant 336 : i32
      %mul3A_23 = arith.muli %arg1, %mul3A_22 : i32
      %mul3A_24 = arith.constant 48 : i32
      %mul3A_25 = arith.muli %add3A_21, %mul3A_24 : i32
      %add3A_26 = arith.addi %mul3A_23, %mul3A_25 : i32
      "tpu.region"() ({
        %run_scoped3A = tpu.sem_alloc : memref<!tpu.dma_semaphore, #tpu.memory_space<semaphore_mem>>
        %dma_start3A = arith.constant 0 : i32
        %dma_start3A_27 = tpu.memref_slice %arg15[%add3A_26, %dma_start3A] : memref<5376x128xf32, #tpu.memory_space<vmem_shared>> -> memref<48x128xf32, #tpu.memory_space<vmem_shared>>
        %dma_start3A_28 = arith.constant 0 : i32
        %dma_start3A_29 = tpu.memref_slice %arg15[%add3A_26, %dma_start3A_28] : memref<5376x128xf32, #tpu.memory_space<vmem_shared>> -> memref<48x128xf32, #tpu.memory_space<vmem_shared>>
        tpu.enqueue_dma source(%arg14 : memref<48x128xf32, #tpu.memory_space<vmem>>) target(%dma_start3A_29 : memref<48x128xf32, #tpu.memory_space<vmem_shared>>) target_semaphore(%run_scoped3A : memref<!tpu.dma_semaphore, #tpu.memory_space<semaphore_mem>>)
        %dma_wait3A = arith.constant 0 : i32
        %dma_wait3A_30 = tpu.memref_slice %arg15[%add3A_26, %dma_wait3A] : memref<5376x128xf32, #tpu.memory_space<vmem_shared>> -> memref<48x128xf32, #tpu.memory_space<vmem_shared>>
        %dma_wait3A_31 = arith.constant 0 : i32
        %dma_wait3A_32 = tpu.memref_slice %arg15[%add3A_26, %dma_wait3A_31] : memref<5376x128xf32, #tpu.memory_space<vmem_shared>> -> memref<48x128xf32, #tpu.memory_space<vmem_shared>>
        tpu.wait_dma2 semaphore(%run_scoped3A : memref<!tpu.dma_semaphore, #tpu.memory_space<semaphore_mem>>) src(%arg14 : memref<48x128xf32, #tpu.memory_space<vmem>>) dst(%dma_wait3A_32 : memref<48x128xf32, #tpu.memory_space<vmem_shared>>)
        tpu.yield
      }) : () -> ()
    }
    %scan3A_3 = arith.constant 7 : i32
    %barrier3A = arith.constant 0 : index
    tpu.barrier barrier_id(%barrier3A)
    %mul3A = arith.constant 20000 : i32
    %mul3A_4 = arith.muli %arg1, %mul3A : i32
    %eq3A = arith.constant 0 : i32
    %eq3A_5 = arith.cmpi eq, %arg0, %eq3A : i32
    %convert_element_type3A = arith.extui %eq3A_5 : i1 to i32
    %cond3A = arith.constant 0 : i32
    %cond3A_6 = arith.cmpi ne, %convert_element_type3A, %cond3A : i32
    scf.if %cond3A_6 {
      %scan3A_18 = arith.constant 0 : i32
      %scan3A_19 = arith.constant 50 : i32
      %scan3A_20 = arith.addi %scan3A_18, %scan3A_19 : i32
      %scan3A_21 = arith.constant 1 : i32
      scf.for %scan3A_23 = %scan3A_18 to %scan3A_20 step %scan3A_21  : i32 {
        %mul3A_24 = arith.constant 1 : i32
        %mul3A_25 = arith.muli %scan3A_23, %mul3A_24 : i32
        %add3A = arith.constant 0 : i32
        %add3A_26 = arith.addi %add3A, %mul3A_25 : i32
        %mul3A_27 = arith.constant 2 : i32
        %mul3A_28 = arith.muli %mul3A_27, %add3A_26 : i32
        %mul3A_29 = arith.constant 200 : i32
        %mul3A_30 = arith.muli %mul3A_28, %mul3A_29 : i32
        %add3A_31 = arith.addi %mul3A_4, %mul3A_30 : i32
        %add3A_32 = arith.constant 200 : i32
        %add3A_33 = arith.addi %add3A_31, %add3A_32 : i32
        "tpu.region"() ({
          %run_scoped3A = tpu.sem_alloc : memref<!tpu.dma_semaphore, #tpu.memory_space<semaphore_mem>>
          %dma_start3A_44 = tpu.memref_slice %arg3[%add3A_31] : memref<320000xi32, #tpu.memory_space<hbm>> -> memref<200xi32, #tpu.memory_space<hbm>>
          %dma_start3A_45 = tpu.memref_slice %arg3[%add3A_31] : memref<320000xi32, #tpu.memory_space<hbm>> -> memref<200xi32, #tpu.memory_space<hbm>>
          tpu.enqueue_dma source(%dma_start3A_45 : memref<200xi32, #tpu.memory_space<hbm>>) target(%arg8 : memref<200xi32, #tpu.memory_space<vmem>>) target_semaphore(%run_scoped3A : memref<!tpu.dma_semaphore, #tpu.memory_space<semaphore_mem>>)
          %dma_wait3A_46 = tpu.memref_slice %arg3[%add3A_31] : memref<320000xi32, #tpu.memory_space<hbm>> -> memref<200xi32, #tpu.memory_space<hbm>>
          %dma_wait3A_47 = tpu.memref_slice %arg3[%add3A_31] : memref<320000xi32, #tpu.memory_space<hbm>> -> memref<200xi32, #tpu.memory_space<hbm>>
          tpu.wait_dma2 semaphore(%run_scoped3A : memref<!tpu.dma_semaphore, #tpu.memory_space<semaphore_mem>>) src(%dma_wait3A_47 : memref<200xi32, #tpu.memory_space<hbm>>) dst(%arg8 : memref<200xi32, #tpu.memory_space<vmem>>)
          tpu.yield
        }) : () -> ()
        "tpu.region"() ({
          %run_scoped3A = tpu.sem_alloc : memref<!tpu.dma_semaphore, #tpu.memory_space<semaphore_mem>>
          %dma_start3A_44 = tpu.memref_slice %arg4[%add3A_31] : memref<320000xi32, #tpu.memory_space<hbm>> -> memref<200xi32, #tpu.memory_space<hbm>>
          %dma_start3A_45 = tpu.memref_slice %arg4[%add3A_31] : memref<320000xi32, #tpu.memory_space<hbm>> -> memref<200xi32, #tpu.memory_space<hbm>>
          tpu.enqueue_dma source(%dma_start3A_45 : memref<200xi32, #tpu.memory_space<hbm>>) target(%arg9 : memref<200xi32, #tpu.memory_space<vmem>>) target_semaphore(%run_scoped3A : memref<!tpu.dma_semaphore, #tpu.memory_space<semaphore_mem>>)
          %dma_wait3A_46 = tpu.memref_slice %arg4[%add3A_31] : memref<320000xi32, #tpu.memory_space<hbm>> -> memref<200xi32, #tpu.memory_space<hbm>>
          %dma_wait3A_47 = tpu.memref_slice %arg4[%add3A_31] : memref<320000xi32, #tpu.memory_space<hbm>> -> memref<200xi32, #tpu.memory_space<hbm>>
          tpu.wait_dma2 semaphore(%run_scoped3A : memref<!tpu.dma_semaphore, #tpu.memory_space<semaphore_mem>>) src(%dma_wait3A_47 : memref<200xi32, #tpu.memory_space<hbm>>) dst(%arg9 : memref<200xi32, #tpu.memory_space<vmem>>)
          tpu.yield
        }) : () -> ()
        %dma_start3A = arith.constant 0 : i32
        %dma_start3A_34 = arith.constant 0 : i32
        %dma_start3A_35 = tpu.memref_slice %arg2[%dma_start3A, %dma_start3A_34] : memref<10240x128xf32, #tpu.memory_space<hbm>> -> memref<10240x128xf32, #tpu.memory_space<hbm>>
        tpu.enqueue_indirect_dma source(%dma_start3A_35 : memref<10240x128xf32, #tpu.memory_space<hbm>>) target(%arg12 : memref<200x128xf32, #tpu.memory_space<vmem>>) offsets(%arg8 : memref<200xi32, #tpu.memory_space<vmem>>) semaphore(%arg16 : memref<!tpu.dma_semaphore, #tpu.memory_space<semaphore_mem>>)
        "tpu.region"() ({
          %run_scoped3A = tpu.sem_alloc : memref<!tpu.dma_semaphore, #tpu.memory_space<semaphore_mem>>
          %dma_start3A_44 = tpu.memref_slice %arg3[%add3A_33] : memref<320000xi32, #tpu.memory_space<hbm>> -> memref<200xi32, #tpu.memory_space<hbm>>
          %dma_start3A_45 = tpu.memref_slice %arg3[%add3A_33] : memref<320000xi32, #tpu.memory_space<hbm>> -> memref<200xi32, #tpu.memory_space<hbm>>
          tpu.enqueue_dma source(%dma_start3A_45 : memref<200xi32, #tpu.memory_space<hbm>>) target(%arg10 : memref<200xi32, #tpu.memory_space<vmem>>) target_semaphore(%run_scoped3A : memref<!tpu.dma_semaphore, #tpu.memory_space<semaphore_mem>>)
          %dma_wait3A_46 = tpu.memref_slice %arg3[%add3A_33] : memref<320000xi32, #tpu.memory_space<hbm>> -> memref<200xi32, #tpu.memory_space<hbm>>
          %dma_wait3A_47 = tpu.memref_slice %arg3[%add3A_33] : memref<320000xi32, #tpu.memory_space<hbm>> -> memref<200xi32, #tpu.memory_space<hbm>>
          tpu.wait_dma2 semaphore(%run_scoped3A : memref<!tpu.dma_semaphore, #tpu.memory_space<semaphore_mem>>) src(%dma_wait3A_47 : memref<200xi32, #tpu.memory_space<hbm>>) dst(%arg10 : memref<200xi32, #tpu.memory_space<vmem>>)
          tpu.yield
        }) : () -> ()
        "tpu.region"() ({
          %run_scoped3A = tpu.sem_alloc : memref<!tpu.dma_semaphore, #tpu.memory_space<semaphore_mem>>
          %dma_start3A_44 = tpu.memref_slice %arg4[%add3A_33] : memref<320000xi32, #tpu.memory_space<hbm>> -> memref<200xi32, #tpu.memory_space<hbm>>
          %dma_start3A_45 = tpu.memref_slice %arg4[%add3A_33] : memref<320000xi32, #tpu.memory_space<hbm>> -> memref<200xi32, #tpu.memory_space<hbm>>
          tpu.enqueue_dma source(%dma_start3A_45 : memref<200xi32, #tpu.memory_space<hbm>>) target(%arg11 : memref<200xi32, #tpu.memory_space<vmem>>) target_semaphore(%run_scoped3A : memref<!tpu.dma_semaphore, #tpu.memory_space<semaphore_mem>>)
          %dma_wait3A_46 = tpu.memref_slice %arg4[%add3A_33] : memref<320000xi32, #tpu.memory_space<hbm>> -> memref<200xi32, #tpu.memory_space<hbm>>
          %dma_wait3A_47 = tpu.memref_slice %arg4[%add3A_33] : memref<320000xi32, #tpu.memory_space<hbm>> -> memref<200xi32, #tpu.memory_space<hbm>>
          tpu.wait_dma2 semaphore(%run_scoped3A : memref<!tpu.dma_semaphore, #tpu.memory_space<semaphore_mem>>) src(%dma_wait3A_47 : memref<200xi32, #tpu.memory_space<hbm>>) dst(%arg11 : memref<200xi32, #tpu.memory_space<vmem>>)
          tpu.yield
        }) : () -> ()
        %dma_start3A_36 = arith.constant 0 : i32
        %dma_start3A_37 = arith.constant 0 : i32
        %dma_start3A_38 = tpu.memref_slice %arg2[%dma_start3A_36, %dma_start3A_37] : memref<10240x128xf32, #tpu.memory_space<hbm>> -> memref<10240x128xf32, #tpu.memory_space<hbm>>
        tpu.enqueue_indirect_dma source(%dma_start3A_38 : memref<10240x128xf32, #tpu.memory_space<hbm>>) target(%arg13 : memref<200x128xf32, #tpu.memory_space<vmem>>) offsets(%arg10 : memref<200xi32, #tpu.memory_space<vmem>>) semaphore(%arg17 : memref<!tpu.dma_semaphore, #tpu.memory_space<semaphore_mem>>)
        %dma_wait3A = arith.constant 0 : i32
        %dma_wait3A_39 = arith.constant 0 : i32
        %dma_wait3A_40 = tpu.memref_slice %arg2[%dma_wait3A, %dma_wait3A_39] : memref<10240x128xf32, #tpu.memory_space<hbm>> -> memref<10240x128xf32, #tpu.memory_space<hbm>>
        tpu.wait_indirect_dma semaphore(%arg16 : memref<!tpu.dma_semaphore, #tpu.memory_space<semaphore_mem>>) src(%dma_wait3A_40 : memref<10240x128xf32, #tpu.memory_space<hbm>>) dst(%arg12 : memref<200x128xf32, #tpu.memory_space<vmem>>)
        "tpu.region"() ({
          %run_scoped3A = tpu.sem_alloc : memref<!tpu.dma_semaphore, #tpu.memory_space<semaphore_mem>>
          %dma_start3A_44 = arith.constant 0 : i32
          %dma_start3A_45 = arith.constant 0 : i32
          %dma_start3A_46 = tpu.memref_slice %arg15[%dma_start3A_44, %dma_start3A_45] : memref<5376x128xf32, #tpu.memory_space<vmem_shared>> -> memref<5376x128xf32, #tpu.memory_space<vmem_shared>>
          tpu.enqueue_indirect_dma source(%arg12 : memref<200x128xf32, #tpu.memory_space<vmem>>) target(%dma_start3A_46 : memref<5376x128xf32, #tpu.memory_space<vmem_shared>>) offsets(%arg9 : memref<200xi32, #tpu.memory_space<vmem>>) semaphore(%run_scoped3A : memref<!tpu.dma_semaphore, #tpu.memory_space<semaphore_mem>>) {add = true}
          %dma_wait3A_47 = arith.constant 0 : i32
          %dma_wait3A_48 = arith.constant 0 : i32
          %dma_wait3A_49 = tpu.memref_slice %arg15[%dma_wait3A_47, %dma_wait3A_48] : memref<5376x128xf32, #tpu.memory_space<vmem_shared>> -> memref<5376x128xf32, #tpu.memory_space<vmem_shared>>
          tpu.wait_indirect_dma semaphore(%run_scoped3A : memref<!tpu.dma_semaphore, #tpu.memory_space<semaphore_mem>>) src(%arg12 : memref<200x128xf32, #tpu.memory_space<vmem>>) dst(%dma_wait3A_49 : memref<5376x128xf32, #tpu.memory_space<vmem_shared>>)
          tpu.yield
        }) : () -> ()
        %dma_wait3A_41 = arith.constant 0 : i32
        %dma_wait3A_42 = arith.constant 0 : i32
        %dma_wait3A_43 = tpu.memref_slice %arg2[%dma_wait3A_41, %dma_wait3A_42] : memref<10240x128xf32, #tpu.memory_space<hbm>> -> memref<10240x128xf32, #tpu.memory_space<hbm>>
        tpu.wait_indirect_dma semaphore(%arg17 : memref<!tpu.dma_semaphore, #tpu.memory_space<semaphore_mem>>) src(%dma_wait3A_43 : memref<10240x128xf32, #tpu.memory_space<hbm>>) dst(%arg13 : memref<200x128xf32, #tpu.memory_space<vmem>>)
        "tpu.region"() ({
          %run_scoped3A = tpu.sem_alloc : memref<!tpu.dma_semaphore, #tpu.memory_space<semaphore_mem>>
          %dma_start3A_44 = arith.constant 0 : i32
          %dma_start3A_45 = arith.constant 0 : i32
          %dma_start3A_46 = tpu.memref_slice %arg15[%dma_start3A_44, %dma_start3A_45] : memref<5376x128xf32, #tpu.memory_space<vmem_shared>> -> memref<5376x128xf32, #tpu.memory_space<vmem_shared>>
          tpu.enqueue_indirect_dma source(%arg13 : memref<200x128xf32, #tpu.memory_space<vmem>>) target(%dma_start3A_46 : memref<5376x128xf32, #tpu.memory_space<vmem_shared>>) offsets(%arg11 : memref<200xi32, #tpu.memory_space<vmem>>) semaphore(%run_scoped3A : memref<!tpu.dma_semaphore, #tpu.memory_space<semaphore_mem>>) {add = true}
          %dma_wait3A_47 = arith.constant 0 : i32
          %dma_wait3A_48 = arith.constant 0 : i32
          %dma_wait3A_49 = tpu.memref_slice %arg15[%dma_wait3A_47, %dma_wait3A_48] : memref<5376x128xf32, #tpu.memory_space<vmem_shared>> -> memref<5376x128xf32, #tpu.memory_space<vmem_shared>>
          tpu.wait_indirect_dma semaphore(%run_scoped3A : memref<!tpu.dma_semaphore, #tpu.memory_space<semaphore_mem>>) src(%arg13 : memref<200x128xf32, #tpu.memory_space<vmem>>) dst(%dma_wait3A_49 : memref<5376x128xf32, #tpu.memory_space<vmem_shared>>)
          tpu.yield
        }) : () -> ()
      }
      %scan3A_22 = arith.constant 50 : i32
    } else {
    }
    %eq3A_7 = arith.constant 1 : i32
    %eq3A_8 = arith.cmpi eq, %arg0, %eq3A_7 : i32
    %convert_element_type3A_9 = arith.extui %eq3A_8 : i1 to i32
    %cond3A_10 = arith.constant 0 : i32
    %cond3A_11 = arith.cmpi ne, %convert_element_type3A_9, %cond3A_10 : i32
    scf.if %cond3A_11 {
      %scan3A_18 = arith.constant 0 : i32
      %scan3A_19 = arith.constant 50 : i32
      %scan3A_20 = arith.addi %scan3A_18, %scan3A_19 : i32
      %scan3A_21 = arith.constant 1 : i32
      scf.for %scan3A_23 = %scan3A_18 to %scan3A_20 step %scan3A_21  : i32 {
        %mul3A_24 = arith.constant 1 : i32
        %mul3A_25 = arith.muli %scan3A_23, %mul3A_24 : i32
        %add3A = arith.constant 0 : i32
        %add3A_26 = arith.addi %add3A, %mul3A_25 : i32
        %mul3A_27 = arith.constant 2 : i32
        %mul3A_28 = arith.muli %mul3A_27, %add3A_26 : i32
        %mul3A_29 = arith.constant 200 : i32
        %mul3A_30 = arith.muli %mul3A_28, %mul3A_29 : i32
        %add3A_31 = arith.addi %mul3A_4, %mul3A_30 : i32
        %add3A_32 = arith.constant 200 : i32
        %add3A_33 = arith.addi %add3A_31, %add3A_32 : i32
        "tpu.region"() ({
          %run_scoped3A = tpu.sem_alloc : memref<!tpu.dma_semaphore, #tpu.memory_space<semaphore_mem>>
          %dma_start3A_44 = tpu.memref_slice %arg3[%add3A_31] : memref<320000xi32, #tpu.memory_space<hbm>> -> memref<200xi32, #tpu.memory_space<hbm>>
          %dma_start3A_45 = tpu.memref_slice %arg3[%add3A_31] : memref<320000xi32, #tpu.memory_space<hbm>> -> memref<200xi32, #tpu.memory_space<hbm>>
          tpu.enqueue_dma source(%dma_start3A_45 : memref<200xi32, #tpu.memory_space<hbm>>) target(%arg8 : memref<200xi32, #tpu.memory_space<vmem>>) target_semaphore(%run_scoped3A : memref<!tpu.dma_semaphore, #tpu.memory_space<semaphore_mem>>)
          %dma_wait3A_46 = tpu.memref_slice %arg3[%add3A_31] : memref<320000xi32, #tpu.memory_space<hbm>> -> memref<200xi32, #tpu.memory_space<hbm>>
          %dma_wait3A_47 = tpu.memref_slice %arg3[%add3A_31] : memref<320000xi32, #tpu.memory_space<hbm>> -> memref<200xi32, #tpu.memory_space<hbm>>
          tpu.wait_dma2 semaphore(%run_scoped3A : memref<!tpu.dma_semaphore, #tpu.memory_space<semaphore_mem>>) src(%dma_wait3A_47 : memref<200xi32, #tpu.memory_space<hbm>>) dst(%arg8 : memref<200xi32, #tpu.memory_space<vmem>>)
          tpu.yield
        }) : () -> ()
        "tpu.region"() ({
          %run_scoped3A = tpu.sem_alloc : memref<!tpu.dma_semaphore, #tpu.memory_space<semaphore_mem>>
          %dma_start3A_44 = tpu.memref_slice %arg5[%add3A_31] : memref<320000xi32, #tpu.memory_space<hbm>> -> memref<200xi32, #tpu.memory_space<hbm>>
          %dma_start3A_45 = tpu.memref_slice %arg5[%add3A_31] : memref<320000xi32, #tpu.memory_space<hbm>> -> memref<200xi32, #tpu.memory_space<hbm>>
          tpu.enqueue_dma source(%dma_start3A_45 : memref<200xi32, #tpu.memory_space<hbm>>) target(%arg9 : memref<200xi32, #tpu.memory_space<vmem>>) target_semaphore(%run_scoped3A : memref<!tpu.dma_semaphore, #tpu.memory_space<semaphore_mem>>)
          %dma_wait3A_46 = tpu.memref_slice %arg5[%add3A_31] : memref<320000xi32, #tpu.memory_space<hbm>> -> memref<200xi32, #tpu.memory_space<hbm>>
          %dma_wait3A_47 = tpu.memref_slice %arg5[%add3A_31] : memref<320000xi32, #tpu.memory_space<hbm>> -> memref<200xi32, #tpu.memory_space<hbm>>
          tpu.wait_dma2 semaphore(%run_scoped3A : memref<!tpu.dma_semaphore, #tpu.memory_space<semaphore_mem>>) src(%dma_wait3A_47 : memref<200xi32, #tpu.memory_space<hbm>>) dst(%arg9 : memref<200xi32, #tpu.memory_space<vmem>>)
          tpu.yield
        }) : () -> ()
        %dma_start3A = arith.constant 0 : i32
        %dma_start3A_34 = arith.constant 0 : i32
        %dma_start3A_35 = tpu.memref_slice %arg2[%dma_start3A, %dma_start3A_34] : memref<10240x128xf32, #tpu.memory_space<hbm>> -> memref<10240x128xf32, #tpu.memory_space<hbm>>
        tpu.enqueue_indirect_dma source(%dma_start3A_35 : memref<10240x128xf32, #tpu.memory_space<hbm>>) target(%arg12 : memref<200x128xf32, #tpu.memory_space<vmem>>) offsets(%arg8 : memref<200xi32, #tpu.memory_space<vmem>>) semaphore(%arg16 : memref<!tpu.dma_semaphore, #tpu.memory_space<semaphore_mem>>)
        "tpu.region"() ({
          %run_scoped3A = tpu.sem_alloc : memref<!tpu.dma_semaphore, #tpu.memory_space<semaphore_mem>>
          %dma_start3A_44 = tpu.memref_slice %arg3[%add3A_33] : memref<320000xi32, #tpu.memory_space<hbm>> -> memref<200xi32, #tpu.memory_space<hbm>>
          %dma_start3A_45 = tpu.memref_slice %arg3[%add3A_33] : memref<320000xi32, #tpu.memory_space<hbm>> -> memref<200xi32, #tpu.memory_space<hbm>>
          tpu.enqueue_dma source(%dma_start3A_45 : memref<200xi32, #tpu.memory_space<hbm>>) target(%arg10 : memref<200xi32, #tpu.memory_space<vmem>>) target_semaphore(%run_scoped3A : memref<!tpu.dma_semaphore, #tpu.memory_space<semaphore_mem>>)
          %dma_wait3A_46 = tpu.memref_slice %arg3[%add3A_33] : memref<320000xi32, #tpu.memory_space<hbm>> -> memref<200xi32, #tpu.memory_space<hbm>>
          %dma_wait3A_47 = tpu.memref_slice %arg3[%add3A_33] : memref<320000xi32, #tpu.memory_space<hbm>> -> memref<200xi32, #tpu.memory_space<hbm>>
          tpu.wait_dma2 semaphore(%run_scoped3A : memref<!tpu.dma_semaphore, #tpu.memory_space<semaphore_mem>>) src(%dma_wait3A_47 : memref<200xi32, #tpu.memory_space<hbm>>) dst(%arg10 : memref<200xi32, #tpu.memory_space<vmem>>)
          tpu.yield
        }) : () -> ()
        "tpu.region"() ({
          %run_scoped3A = tpu.sem_alloc : memref<!tpu.dma_semaphore, #tpu.memory_space<semaphore_mem>>
          %dma_start3A_44 = tpu.memref_slice %arg5[%add3A_33] : memref<320000xi32, #tpu.memory_space<hbm>> -> memref<200xi32, #tpu.memory_space<hbm>>
          %dma_start3A_45 = tpu.memref_slice %arg5[%add3A_33] : memref<320000xi32, #tpu.memory_space<hbm>> -> memref<200xi32, #tpu.memory_space<hbm>>
          tpu.enqueue_dma source(%dma_start3A_45 : memref<200xi32, #tpu.memory_space<hbm>>) target(%arg11 : memref<200xi32, #tpu.memory_space<vmem>>) target_semaphore(%run_scoped3A : memref<!tpu.dma_semaphore, #tpu.memory_space<semaphore_mem>>)
          %dma_wait3A_46 = tpu.memref_slice %arg5[%add3A_33] : memref<320000xi32, #tpu.memory_space<hbm>> -> memref<200xi32, #tpu.memory_space<hbm>>
          %dma_wait3A_47 = tpu.memref_slice %arg5[%add3A_33] : memref<320000xi32, #tpu.memory_space<hbm>> -> memref<200xi32, #tpu.memory_space<hbm>>
          tpu.wait_dma2 semaphore(%run_scoped3A : memref<!tpu.dma_semaphore, #tpu.memory_space<semaphore_mem>>) src(%dma_wait3A_47 : memref<200xi32, #tpu.memory_space<hbm>>) dst(%arg11 : memref<200xi32, #tpu.memory_space<vmem>>)
          tpu.yield
        }) : () -> ()
        %dma_start3A_36 = arith.constant 0 : i32
        %dma_start3A_37 = arith.constant 0 : i32
        %dma_start3A_38 = tpu.memref_slice %arg2[%dma_start3A_36, %dma_start3A_37] : memref<10240x128xf32, #tpu.memory_space<hbm>> -> memref<10240x128xf32, #tpu.memory_space<hbm>>
        tpu.enqueue_indirect_dma source(%dma_start3A_38 : memref<10240x128xf32, #tpu.memory_space<hbm>>) target(%arg13 : memref<200x128xf32, #tpu.memory_space<vmem>>) offsets(%arg10 : memref<200xi32, #tpu.memory_space<vmem>>) semaphore(%arg17 : memref<!tpu.dma_semaphore, #tpu.memory_space<semaphore_mem>>)
        %dma_wait3A = arith.constant 0 : i32
        %dma_wait3A_39 = arith.constant 0 : i32
        %dma_wait3A_40 = tpu.memref_slice %arg2[%dma_wait3A, %dma_wait3A_39] : memref<10240x128xf32, #tpu.memory_space<hbm>> -> memref<10240x128xf32, #tpu.memory_space<hbm>>
        tpu.wait_indirect_dma semaphore(%arg16 : memref<!tpu.dma_semaphore, #tpu.memory_space<semaphore_mem>>) src(%dma_wait3A_40 : memref<10240x128xf32, #tpu.memory_space<hbm>>) dst(%arg12 : memref<200x128xf32, #tpu.memory_space<vmem>>)
        "tpu.region"() ({
          %run_scoped3A = tpu.sem_alloc : memref<!tpu.dma_semaphore, #tpu.memory_space<semaphore_mem>>
          %dma_start3A_44 = arith.constant 0 : i32
          %dma_start3A_45 = arith.constant 0 : i32
          %dma_start3A_46 = tpu.memref_slice %arg15[%dma_start3A_44, %dma_start3A_45] : memref<5376x128xf32, #tpu.memory_space<vmem_shared>> -> memref<5376x128xf32, #tpu.memory_space<vmem_shared>>
          tpu.enqueue_indirect_dma source(%arg12 : memref<200x128xf32, #tpu.memory_space<vmem>>) target(%dma_start3A_46 : memref<5376x128xf32, #tpu.memory_space<vmem_shared>>) offsets(%arg9 : memref<200xi32, #tpu.memory_space<vmem>>) semaphore(%run_scoped3A : memref<!tpu.dma_semaphore, #tpu.memory_space<semaphore_mem>>) {add = true}
          %dma_wait3A_47 = arith.constant 0 : i32
          %dma_wait3A_48 = arith.constant 0 : i32
          %dma_wait3A_49 = tpu.memref_slice %arg15[%dma_wait3A_47, %dma_wait3A_48] : memref<5376x128xf32, #tpu.memory_space<vmem_shared>> -> memref<5376x128xf32, #tpu.memory_space<vmem_shared>>
          tpu.wait_indirect_dma semaphore(%run_scoped3A : memref<!tpu.dma_semaphore, #tpu.memory_space<semaphore_mem>>) src(%arg12 : memref<200x128xf32, #tpu.memory_space<vmem>>) dst(%dma_wait3A_49 : memref<5376x128xf32, #tpu.memory_space<vmem_shared>>)
          tpu.yield
        }) : () -> ()
        %dma_wait3A_41 = arith.constant 0 : i32
        %dma_wait3A_42 = arith.constant 0 : i32
        %dma_wait3A_43 = tpu.memref_slice %arg2[%dma_wait3A_41, %dma_wait3A_42] : memref<10240x128xf32, #tpu.memory_space<hbm>> -> memref<10240x128xf32, #tpu.memory_space<hbm>>
        tpu.wait_indirect_dma semaphore(%arg17 : memref<!tpu.dma_semaphore, #tpu.memory_space<semaphore_mem>>) src(%dma_wait3A_43 : memref<10240x128xf32, #tpu.memory_space<hbm>>) dst(%arg13 : memref<200x128xf32, #tpu.memory_space<vmem>>)
        "tpu.region"() ({
          %run_scoped3A = tpu.sem_alloc : memref<!tpu.dma_semaphore, #tpu.memory_space<semaphore_mem>>
          %dma_start3A_44 = arith.constant 0 : i32
          %dma_start3A_45 = arith.constant 0 : i32
          %dma_start3A_46 = tpu.memref_slice %arg15[%dma_start3A_44, %dma_start3A_45] : memref<5376x128xf32, #tpu.memory_space<vmem_shared>> -> memref<5376x128xf32, #tpu.memory_space<vmem_shared>>
          tpu.enqueue_indirect_dma source(%arg13 : memref<200x128xf32, #tpu.memory_space<vmem>>) target(%dma_start3A_46 : memref<5376x128xf32, #tpu.memory_space<vmem_shared>>) offsets(%arg11 : memref<200xi32, #tpu.memory_space<vmem>>) semaphore(%run_scoped3A : memref<!tpu.dma_semaphore, #tpu.memory_space<semaphore_mem>>) {add = true}
          %dma_wait3A_47 = arith.constant 0 : i32
          %dma_wait3A_48 = arith.constant 0 : i32
          %dma_wait3A_49 = tpu.memref_slice %arg15[%dma_wait3A_47, %dma_wait3A_48] : memref<5376x128xf32, #tpu.memory_space<vmem_shared>> -> memref<5376x128xf32, #tpu.memory_space<vmem_shared>>
          tpu.wait_indirect_dma semaphore(%run_scoped3A : memref<!tpu.dma_semaphore, #tpu.memory_space<semaphore_mem>>) src(%arg13 : memref<200x128xf32, #tpu.memory_space<vmem>>) dst(%dma_wait3A_49 : memref<5376x128xf32, #tpu.memory_space<vmem_shared>>)
          tpu.yield
        }) : () -> ()
      }
      %scan3A_22 = arith.constant 50 : i32
    } else {
    }
    %barrier3A_12 = arith.constant 0 : index
    tpu.barrier barrier_id(%barrier3A_12)
    %scan3A_13 = arith.constant 0 : i32
    %scan3A_14 = arith.constant 7 : i32
    %scan3A_15 = arith.addi %scan3A_13, %scan3A_14 : i32
    %scan3A_16 = arith.constant 1 : i32
    scf.for %scan3A_18 = %scan3A_13 to %scan3A_15 step %scan3A_16  : i32 {
      %mul3A_19 = arith.constant 1 : i32
      %mul3A_20 = arith.muli %scan3A_18, %mul3A_19 : i32
      %add3A = arith.constant 0 : i32
      %add3A_21 = arith.addi %add3A, %mul3A_20 : i32
      %mul3A_22 = arith.constant 336 : i32
      %mul3A_23 = arith.muli %arg1, %mul3A_22 : i32
      %mul3A_24 = arith.constant 48 : i32
      %mul3A_25 = arith.muli %add3A_21, %mul3A_24 : i32
      %add3A_26 = arith.addi %mul3A_23, %mul3A_25 : i32
      "tpu.region"() ({
        %run_scoped3A = tpu.sem_alloc : memref<!tpu.dma_semaphore, #tpu.memory_space<semaphore_mem>>
        %dma_start3A = arith.constant 0 : i32
        %dma_start3A_27 = tpu.memref_slice %arg15[%add3A_26, %dma_start3A] : memref<5376x128xf32, #tpu.memory_space<vmem_shared>> -> memref<48x128xf32, #tpu.memory_space<vmem_shared>>
        %dma_start3A_28 = arith.constant 0 : i32
        %dma_start3A_29 = tpu.memref_slice %arg15[%add3A_26, %dma_start3A_28] : memref<5376x128xf32, #tpu.memory_space<vmem_shared>> -> memref<48x128xf32, #tpu.memory_space<vmem_shared>>
        tpu.enqueue_dma source(%dma_start3A_29 : memref<48x128xf32, #tpu.memory_space<vmem_shared>>) target(%arg14 : memref<48x128xf32, #tpu.memory_space<vmem>>) target_semaphore(%run_scoped3A : memref<!tpu.dma_semaphore, #tpu.memory_space<semaphore_mem>>)
        %dma_wait3A = arith.constant 0 : i32
        %dma_wait3A_30 = tpu.memref_slice %arg15[%add3A_26, %dma_wait3A] : memref<5376x128xf32, #tpu.memory_space<vmem_shared>> -> memref<48x128xf32, #tpu.memory_space<vmem_shared>>
        %dma_wait3A_31 = arith.constant 0 : i32
        %dma_wait3A_32 = tpu.memref_slice %arg15[%add3A_26, %dma_wait3A_31] : memref<5376x128xf32, #tpu.memory_space<vmem_shared>> -> memref<48x128xf32, #tpu.memory_space<vmem_shared>>
        tpu.wait_dma2 semaphore(%run_scoped3A : memref<!tpu.dma_semaphore, #tpu.memory_space<semaphore_mem>>) src(%dma_wait3A_32 : memref<48x128xf32, #tpu.memory_space<vmem_shared>>) dst(%arg14 : memref<48x128xf32, #tpu.memory_space<vmem>>)
        tpu.yield
      }) : () -> ()
      "tpu.region"() ({
        %run_scoped3A = tpu.sem_alloc : memref<!tpu.dma_semaphore, #tpu.memory_space<semaphore_mem>>
        %dma_start3A = arith.constant 0 : i32
        %dma_start3A_27 = tpu.memref_slice %arg7[%arg0, %add3A_26, %dma_start3A] : memref<2x5376x128xf32, #tpu.memory_space<hbm>> -> memref<1x48x128xf32, #tpu.memory_space<hbm>>
        %dma_start3A_28 = tpu.memref_squeeze %dma_start3A_27 : memref<1x48x128xf32, #tpu.memory_space<hbm>> -> memref<48x128xf32, #tpu.memory_space<hbm>>
        %dma_start3A_29 = arith.constant 0 : i32
        %dma_start3A_30 = tpu.memref_slice %arg7[%arg0, %add3A_26, %dma_start3A_29] : memref<2x5376x128xf32, #tpu.memory_space<hbm>> -> memref<1x48x128xf32, #tpu.memory_space<hbm>>
        %dma_start3A_31 = tpu.memref_squeeze %dma_start3A_30 : memref<1x48x128xf32, #tpu.memory_space<hbm>> -> memref<48x128xf32, #tpu.memory_space<hbm>>
        tpu.enqueue_dma source(%arg14 : memref<48x128xf32, #tpu.memory_space<vmem>>) target(%dma_start3A_31 : memref<48x128xf32, #tpu.memory_space<hbm>>) target_semaphore(%run_scoped3A : memref<!tpu.dma_semaphore, #tpu.memory_space<semaphore_mem>>)
        %dma_wait3A = arith.constant 0 : i32
        %dma_wait3A_32 = tpu.memref_slice %arg7[%arg0, %add3A_26, %dma_wait3A] : memref<2x5376x128xf32, #tpu.memory_space<hbm>> -> memref<1x48x128xf32, #tpu.memory_space<hbm>>
        %dma_wait3A_33 = tpu.memref_squeeze %dma_wait3A_32 : memref<1x48x128xf32, #tpu.memory_space<hbm>> -> memref<48x128xf32, #tpu.memory_space<hbm>>
        %dma_wait3A_34 = arith.constant 0 : i32
        %dma_wait3A_35 = tpu.memref_slice %arg7[%arg0, %add3A_26, %dma_wait3A_34] : memref<2x5376x128xf32, #tpu.memory_space<hbm>> -> memref<1x48x128xf32, #tpu.memory_space<hbm>>
        %dma_wait3A_36 = tpu.memref_squeeze %dma_wait3A_35 : memref<1x48x128xf32, #tpu.memory_space<hbm>> -> memref<48x128xf32, #tpu.memory_space<hbm>>
        tpu.wait_dma2 semaphore(%run_scoped3A : memref<!tpu.dma_semaphore, #tpu.memory_space<semaphore_mem>>) src(%arg14 : memref<48x128xf32, #tpu.memory_space<vmem>>) dst(%dma_wait3A_36 : memref<48x128xf32, #tpu.memory_space<hbm>>)
        tpu.yield
      }) : () -> ()
    }
    %scan3A_17 = arith.constant 7 : i32
    return
  }
}

#map = affine_map<(d0, d1) -> (0, 0)>
#map1 = affine_map<(d0, d1) -> (0)>
#map2 = affine_map<(d0, d1) -> (0, 0, 0)>
module attributes {stable_mosaic.version = 14 : i64} {
  func.func @scatter_kernel(%arg0: i32, %arg1: i32, %arg2: memref<10240x128xf32, #tpu.memory_space<hbm>>, %arg3: memref<320000xi32, #tpu.memory_space<hbm>>, %arg4: memref<320000xi32, #tpu.memory_space<hbm>>, %arg5: memref<320000xi32, #tpu.memory_space<hbm>>, %arg6: memref<48x128xf32, #tpu.memory_space<hbm>>, %arg7: memref<2x5376x128xf32, #tpu.memory_space<hbm>>, %arg8: memref<200xi32, #tpu.memory_space<vmem>>, %arg9: memref<200xi32, #tpu.memory_space<vmem>>, %arg10: memref<200xi32, #tpu.memory_space<vmem>>, %arg11: memref<200xi32, #tpu.memory_space<vmem>>, %arg12: memref<200x128xf32, #tpu.memory_space<vmem>>, %arg13: memref<200x128xf32, #tpu.memory_space<vmem>>, %arg14: memref<48x128xf32, #tpu.memory_space<vmem>>, %arg15: memref<5376x128xf32, #tpu.memory_space<vmem_shared>>, %arg16: memref<!tpu.dma_semaphore, #tpu.memory_space<semaphore_mem>>, %arg17: memref<!tpu.dma_semaphore, #tpu.memory_space<semaphore_mem>>) attributes {dimension_semantics = [#tpu.dimension_semantics<core_parallel>, #tpu.dimension_semantics<subcore_parallel>], iteration_bounds = array<i64: 2, 16>, scalar_prefetch = 0 : i64, scratch_operands = 10 : i64, tpu.core_type = #tpu.core_type<sc_vector_subcore>, window_params = [{transform_indices = #map}, {transform_indices = #map1}, {transform_indices = #map1}, {transform_indices = #map1}, {transform_indices = #map}, {transform_indices = #map2}]} {
    "tpu.region"() ({
      %run_scoped3A = tpu.sem_alloc : memref<!tpu.dma_semaphore, #tpu.memory_space<semaphore_mem>>
      tpu.enqueue_dma source(%arg6 : memref<48x128xf32, #tpu.memory_space<hbm>>) target(%arg14 : memref<48x128xf32, #tpu.memory_space<vmem>>) target_semaphore(%run_scoped3A : memref<!tpu.dma_semaphore, #tpu.memory_space<semaphore_mem>>)
      tpu.wait_dma2 semaphore(%run_scoped3A : memref<!tpu.dma_semaphore, #tpu.memory_space<semaphore_mem>>) src(%arg6 : memref<48x128xf32, #tpu.memory_space<hbm>>) dst(%arg14 : memref<48x128xf32, #tpu.memory_space<vmem>>)
      tpu.yield
    }) : () -> ()
    %scan3A = arith.constant 0 : i32
    %scan3A_0 = arith.constant 7 : i32
    %scan3A_1 = arith.addi %scan3A, %scan3A_0 : i32
    %scan3A_2 = arith.constant 1 : i32
    scf.for %scan3A_18 = %scan3A to %scan3A_1 step %scan3A_2  : i32 {
      %mul3A_19 = arith.constant 1 : i32
      %mul3A_20 = arith.muli %scan3A_18, %mul3A_19 : i32
      %add3A = arith.constant 0 : i32
      %add3A_21 = arith.addi %add3A, %mul3A_20 : i32
      %mul3A_22 = arith.constant 336 : i32
      %mul3A_23 = arith.muli %arg1, %mul3A_22 : i32
      %mul3A_24 = arith.constant 48 : i32
      %mul3A_25 = arith.muli %add3A_21, %mul3A_24 : i32
      %add3A_26 = arith.addi %mul3A_23, %mul3A_25 : i32
      "tpu.region"() ({
        %run_scoped3A = tpu.sem_alloc : memref<!tpu.dma_semaphore, #tpu.memory_space<semaphore_mem>>
        %dma_start3A = arith.constant 0 : i32
        %dma_start3A_27 = tpu.memref_slice %arg15[%add3A_26, %dma_start3A] : memref<5376x128xf32, #tpu.memory_space<vmem_shared>> -> memref<48x128xf32, #tpu.memory_space<vmem_shared>>
        %dma_start3A_28 = arith.constant 0 : i32
        %dma_start3A_29 = tpu.memref_slice %arg15[%add3A_26, %dma_start3A_28] : memref<5376x128xf32, #tpu.memory_space<vmem_shared>> -> memref<48x128xf32, #tpu.memory_space<vmem_shared>>
        tpu.enqueue_dma source(%arg14 : memref<48x128xf32, #tpu.memory_space<vmem>>) target(%dma_start3A_29 : memref<48x128xf32, #tpu.memory_space<vmem_shared>>) target_semaphore(%run_scoped3A : memref<!tpu.dma_semaphore, #tpu.memory_space<semaphore_mem>>)
        %dma_wait3A = arith.constant 0 : i32
        %dma_wait3A_30 = tpu.memref_slice %arg15[%add3A_26, %dma_wait3A] : memref<5376x128xf32, #tpu.memory_space<vmem_shared>> -> memref<48x128xf32, #tpu.memory_space<vmem_shared>>
        %dma_wait3A_31 = arith.constant 0 : i32
        %dma_wait3A_32 = tpu.memref_slice %arg15[%add3A_26, %dma_wait3A_31] : memref<5376x128xf32, #tpu.memory_space<vmem_shared>> -> memref<48x128xf32, #tpu.memory_space<vmem_shared>>
        tpu.wait_dma2 semaphore(%run_scoped3A : memref<!tpu.dma_semaphore, #tpu.memory_space<semaphore_mem>>) src(%arg14 : memref<48x128xf32, #tpu.memory_space<vmem>>) dst(%dma_wait3A_32 : memref<48x128xf32, #tpu.memory_space<vmem_shared>>)
        tpu.yield
      }) : () -> ()
    }
    %scan3A_3 = arith.constant 7 : i32
    %barrier3A = arith.constant 0 : index
    tpu.barrier barrier_id(%barrier3A)
    %mul3A = arith.constant 20000 : i32
    %mul3A_4 = arith.muli %arg1, %mul3A : i32
    %eq3A = arith.constant 0 : i32
    %eq3A_5 = arith.cmpi eq, %arg0, %eq3A : i32
    %convert_element_type3A = arith.extui %eq3A_5 : i1 to i32
    %cond3A = arith.constant 0 : i32
    %cond3A_6 = arith.cmpi ne, %convert_element_type3A, %cond3A : i32
    scf.if %cond3A_6 {
      %scan3A_18 = arith.constant 0 : i32
      %scan3A_19 = arith.constant 50 : i32
      %scan3A_20 = arith.addi %scan3A_18, %scan3A_19 : i32
      %scan3A_21 = arith.constant 1 : i32
      scf.for %scan3A_23 = %scan3A_18 to %scan3A_20 step %scan3A_21  : i32 {
        %mul3A_24 = arith.constant 1 : i32
        %mul3A_25 = arith.muli %scan3A_23, %mul3A_24 : i32
        %add3A = arith.constant 0 : i32
        %add3A_26 = arith.addi %add3A, %mul3A_25 : i32
        %mul3A_27 = arith.constant 2 : i32
        %mul3A_28 = arith.muli %mul3A_27, %add3A_26 : i32
        %mul3A_29 = arith.constant 200 : i32
        %mul3A_30 = arith.muli %mul3A_28, %mul3A_29 : i32
        %add3A_31 = arith.addi %mul3A_4, %mul3A_30 : i32
        %add3A_32 = arith.constant 200 : i32
        %add3A_33 = arith.addi %add3A_31, %add3A_32 : i32
        "tpu.region"() ({
          %run_scoped3A = tpu.sem_alloc : memref<!tpu.dma_semaphore, #tpu.memory_space<semaphore_mem>>
          %dma_start3A_44 = tpu.memref_slice %arg3[%add3A_31] : memref<320000xi32, #tpu.memory_space<hbm>> -> memref<200xi32, #tpu.memory_space<hbm>>
          %dma_start3A_45 = tpu.memref_slice %arg3[%add3A_31] : memref<320000xi32, #tpu.memory_space<hbm>> -> memref<200xi32, #tpu.memory_space<hbm>>
          tpu.enqueue_dma source(%dma_start3A_45 : memref<200xi32, #tpu.memory_space<hbm>>) target(%arg8 : memref<200xi32, #tpu.memory_space<vmem>>) target_semaphore(%run_scoped3A : memref<!tpu.dma_semaphore, #tpu.memory_space<semaphore_mem>>)
          %dma_wait3A_46 = tpu.memref_slice %arg3[%add3A_31] : memref<320000xi32, #tpu.memory_space<hbm>> -> memref<200xi32, #tpu.memory_space<hbm>>
          %dma_wait3A_47 = tpu.memref_slice %arg3[%add3A_31] : memref<320000xi32, #tpu.memory_space<hbm>> -> memref<200xi32, #tpu.memory_space<hbm>>
          tpu.wait_dma2 semaphore(%run_scoped3A : memref<!tpu.dma_semaphore, #tpu.memory_space<semaphore_mem>>) src(%dma_wait3A_47 : memref<200xi32, #tpu.memory_space<hbm>>) dst(%arg8 : memref<200xi32, #tpu.memory_space<vmem>>)
          tpu.yield
        }) : () -> ()
        "tpu.region"() ({
          %run_scoped3A = tpu.sem_alloc : memref<!tpu.dma_semaphore, #tpu.memory_space<semaphore_mem>>
          %dma_start3A_44 = tpu.memref_slice %arg4[%add3A_31] : memref<320000xi32, #tpu.memory_space<hbm>> -> memref<200xi32, #tpu.memory_space<hbm>>
          %dma_start3A_45 = tpu.memref_slice %arg4[%add3A_31] : memref<320000xi32, #tpu.memory_space<hbm>> -> memref<200xi32, #tpu.memory_space<hbm>>
          tpu.enqueue_dma source(%dma_start3A_45 : memref<200xi32, #tpu.memory_space<hbm>>) target(%arg9 : memref<200xi32, #tpu.memory_space<vmem>>) target_semaphore(%run_scoped3A : memref<!tpu.dma_semaphore, #tpu.memory_space<semaphore_mem>>)
          %dma_wait3A_46 = tpu.memref_slice %arg4[%add3A_31] : memref<320000xi32, #tpu.memory_space<hbm>> -> memref<200xi32, #tpu.memory_space<hbm>>
          %dma_wait3A_47 = tpu.memref_slice %arg4[%add3A_31] : memref<320000xi32, #tpu.memory_space<hbm>> -> memref<200xi32, #tpu.memory_space<hbm>>
          tpu.wait_dma2 semaphore(%run_scoped3A : memref<!tpu.dma_semaphore, #tpu.memory_space<semaphore_mem>>) src(%dma_wait3A_47 : memref<200xi32, #tpu.memory_space<hbm>>) dst(%arg9 : memref<200xi32, #tpu.memory_space<vmem>>)
          tpu.yield
        }) : () -> ()
        %dma_start3A = arith.constant 0 : i32
        %dma_start3A_34 = arith.constant 0 : i32
        %dma_start3A_35 = tpu.memref_slice %arg2[%dma_start3A, %dma_start3A_34] : memref<10240x128xf32, #tpu.memory_space<hbm>> -> memref<10240x128xf32, #tpu.memory_space<hbm>>
        tpu.enqueue_indirect_dma source(%dma_start3A_35 : memref<10240x128xf32, #tpu.memory_space<hbm>>) target(%arg12 : memref<200x128xf32, #tpu.memory_space<vmem>>) offsets(%arg8 : memref<200xi32, #tpu.memory_space<vmem>>) semaphore(%arg16 : memref<!tpu.dma_semaphore, #tpu.memory_space<semaphore_mem>>)
        "tpu.region"() ({
          %run_scoped3A = tpu.sem_alloc : memref<!tpu.dma_semaphore, #tpu.memory_space<semaphore_mem>>
          %dma_start3A_44 = tpu.memref_slice %arg3[%add3A_33] : memref<320000xi32, #tpu.memory_space<hbm>> -> memref<200xi32, #tpu.memory_space<hbm>>
          %dma_start3A_45 = tpu.memref_slice %arg3[%add3A_33] : memref<320000xi32, #tpu.memory_space<hbm>> -> memref<200xi32, #tpu.memory_space<hbm>>
          tpu.enqueue_dma source(%dma_start3A_45 : memref<200xi32, #tpu.memory_space<hbm>>) target(%arg10 : memref<200xi32, #tpu.memory_space<vmem>>) target_semaphore(%run_scoped3A : memref<!tpu.dma_semaphore, #tpu.memory_space<semaphore_mem>>)
          %dma_wait3A_46 = tpu.memref_slice %arg3[%add3A_33] : memref<320000xi32, #tpu.memory_space<hbm>> -> memref<200xi32, #tpu.memory_space<hbm>>
          %dma_wait3A_47 = tpu.memref_slice %arg3[%add3A_33] : memref<320000xi32, #tpu.memory_space<hbm>> -> memref<200xi32, #tpu.memory_space<hbm>>
          tpu.wait_dma2 semaphore(%run_scoped3A : memref<!tpu.dma_semaphore, #tpu.memory_space<semaphore_mem>>) src(%dma_wait3A_47 : memref<200xi32, #tpu.memory_space<hbm>>) dst(%arg10 : memref<200xi32, #tpu.memory_space<vmem>>)
          tpu.yield
        }) : () -> ()
        "tpu.region"() ({
          %run_scoped3A = tpu.sem_alloc : memref<!tpu.dma_semaphore, #tpu.memory_space<semaphore_mem>>
          %dma_start3A_44 = tpu.memref_slice %arg4[%add3A_33] : memref<320000xi32, #tpu.memory_space<hbm>> -> memref<200xi32, #tpu.memory_space<hbm>>
          %dma_start3A_45 = tpu.memref_slice %arg4[%add3A_33] : memref<320000xi32, #tpu.memory_space<hbm>> -> memref<200xi32, #tpu.memory_space<hbm>>
          tpu.enqueue_dma source(%dma_start3A_45 : memref<200xi32, #tpu.memory_space<hbm>>) target(%arg11 : memref<200xi32, #tpu.memory_space<vmem>>) target_semaphore(%run_scoped3A : memref<!tpu.dma_semaphore, #tpu.memory_space<semaphore_mem>>)
          %dma_wait3A_46 = tpu.memref_slice %arg4[%add3A_33] : memref<320000xi32, #tpu.memory_space<hbm>> -> memref<200xi32, #tpu.memory_space<hbm>>
          %dma_wait3A_47 = tpu.memref_slice %arg4[%add3A_33] : memref<320000xi32, #tpu.memory_space<hbm>> -> memref<200xi32, #tpu.memory_space<hbm>>
          tpu.wait_dma2 semaphore(%run_scoped3A : memref<!tpu.dma_semaphore, #tpu.memory_space<semaphore_mem>>) src(%dma_wait3A_47 : memref<200xi32, #tpu.memory_space<hbm>>) dst(%arg11 : memref<200xi32, #tpu.memory_space<vmem>>)
          tpu.yield
        }) : () -> ()
        %dma_start3A_36 = arith.constant 0 : i32
        %dma_start3A_37 = arith.constant 0 : i32
        %dma_start3A_38 = tpu.memref_slice %arg2[%dma_start3A_36, %dma_start3A_37] : memref<10240x128xf32, #tpu.memory_space<hbm>> -> memref<10240x128xf32, #tpu.memory_space<hbm>>
        tpu.enqueue_indirect_dma source(%dma_start3A_38 : memref<10240x128xf32, #tpu.memory_space<hbm>>) target(%arg13 : memref<200x128xf32, #tpu.memory_space<vmem>>) offsets(%arg10 : memref<200xi32, #tpu.memory_space<vmem>>) semaphore(%arg17 : memref<!tpu.dma_semaphore, #tpu.memory_space<semaphore_mem>>)
        %dma_wait3A = arith.constant 0 : i32
        %dma_wait3A_39 = arith.constant 0 : i32
        %dma_wait3A_40 = tpu.memref_slice %arg2[%dma_wait3A, %dma_wait3A_39] : memref<10240x128xf32, #tpu.memory_space<hbm>> -> memref<10240x128xf32, #tpu.memory_space<hbm>>
        tpu.wait_indirect_dma semaphore(%arg16 : memref<!tpu.dma_semaphore, #tpu.memory_space<semaphore_mem>>) src(%dma_wait3A_40 : memref<10240x128xf32, #tpu.memory_space<hbm>>) dst(%arg12 : memref<200x128xf32, #tpu.memory_space<vmem>>)
        "tpu.region"() ({
          %run_scoped3A = tpu.sem_alloc : memref<!tpu.dma_semaphore, #tpu.memory_space<semaphore_mem>>
          %dma_start3A_44 = arith.constant 0 : i32
          %dma_start3A_45 = arith.constant 0 : i32
          %dma_start3A_46 = tpu.memref_slice %arg15[%dma_start3A_44, %dma_start3A_45] : memref<5376x128xf32, #tpu.memory_space<vmem_shared>> -> memref<5376x128xf32, #tpu.memory_space<vmem_shared>>
          tpu.enqueue_indirect_dma source(%arg12 : memref<200x128xf32, #tpu.memory_space<vmem>>) target(%dma_start3A_46 : memref<5376x128xf32, #tpu.memory_space<vmem_shared>>) offsets(%arg9 : memref<200xi32, #tpu.memory_space<vmem>>) semaphore(%run_scoped3A : memref<!tpu.dma_semaphore, #tpu.memory_space<semaphore_mem>>) {add = true}
          %dma_wait3A_47 = arith.constant 0 : i32
          %dma_wait3A_48 = arith.constant 0 : i32
          %dma_wait3A_49 = tpu.memref_slice %arg15[%dma_wait3A_47, %dma_wait3A_48] : memref<5376x128xf32, #tpu.memory_space<vmem_shared>> -> memref<5376x128xf32, #tpu.memory_space<vmem_shared>>
          tpu.wait_indirect_dma semaphore(%run_scoped3A : memref<!tpu.dma_semaphore, #tpu.memory_space<semaphore_mem>>) src(%arg12 : memref<200x128xf32, #tpu.memory_space<vmem>>) dst(%dma_wait3A_49 : memref<5376x128xf32, #tpu.memory_space<vmem_shared>>)
          tpu.yield
        }) : () -> ()
        %dma_wait3A_41 = arith.constant 0 : i32
        %dma_wait3A_42 = arith.constant 0 : i32
        %dma_wait3A_43 = tpu.memref_slice %arg2[%dma_wait3A_41, %dma_wait3A_42] : memref<10240x128xf32, #tpu.memory_space<hbm>> -> memref<10240x128xf32, #tpu.memory_space<hbm>>
        tpu.wait_indirect_dma semaphore(%arg17 : memref<!tpu.dma_semaphore, #tpu.memory_space<semaphore_mem>>) src(%dma_wait3A_43 : memref<10240x128xf32, #tpu.memory_space<hbm>>) dst(%arg13 : memref<200x128xf32, #tpu.memory_space<vmem>>)
        "tpu.region"() ({
          %run_scoped3A = tpu.sem_alloc : memref<!tpu.dma_semaphore, #tpu.memory_space<semaphore_mem>>
          %dma_start3A_44 = arith.constant 0 : i32
          %dma_start3A_45 = arith.constant 0 : i32
          %dma_start3A_46 = tpu.memref_slice %arg15[%dma_start3A_44, %dma_start3A_45] : memref<5376x128xf32, #tpu.memory_space<vmem_shared>> -> memref<5376x128xf32, #tpu.memory_space<vmem_shared>>
          tpu.enqueue_indirect_dma source(%arg13 : memref<200x128xf32, #tpu.memory_space<vmem>>) target(%dma_start3A_46 : memref<5376x128xf32, #tpu.memory_space<vmem_shared>>) offsets(%arg11 : memref<200xi32, #tpu.memory_space<vmem>>) semaphore(%run_scoped3A : memref<!tpu.dma_semaphore, #tpu.memory_space<semaphore_mem>>) {add = true}
          %dma_wait3A_47 = arith.constant 0 : i32
          %dma_wait3A_48 = arith.constant 0 : i32
          %dma_wait3A_49 = tpu.memref_slice %arg15[%dma_wait3A_47, %dma_wait3A_48] : memref<5376x128xf32, #tpu.memory_space<vmem_shared>> -> memref<5376x128xf32, #tpu.memory_space<vmem_shared>>
          tpu.wait_indirect_dma semaphore(%run_scoped3A : memref<!tpu.dma_semaphore, #tpu.memory_space<semaphore_mem>>) src(%arg13 : memref<200x128xf32, #tpu.memory_space<vmem>>) dst(%dma_wait3A_49 : memref<5376x128xf32, #tpu.memory_space<vmem_shared>>)
          tpu.yield
        }) : () -> ()
      }
      %scan3A_22 = arith.constant 50 : i32
    } else {
    }
    %eq3A_7 = arith.constant 1 : i32
    %eq3A_8 = arith.cmpi eq, %arg0, %eq3A_7 : i32
    %convert_element_type3A_9 = arith.extui %eq3A_8 : i1 to i32
    %cond3A_10 = arith.constant 0 : i32
    %cond3A_11 = arith.cmpi ne, %convert_element_type3A_9, %cond3A_10 : i32
    scf.if %cond3A_11 {
      %scan3A_18 = arith.constant 0 : i32
      %scan3A_19 = arith.constant 50 : i32
      %scan3A_20 = arith.addi %scan3A_18, %scan3A_19 : i32
      %scan3A_21 = arith.constant 1 : i32
      scf.for %scan3A_23 = %scan3A_18 to %scan3A_20 step %scan3A_21  : i32 {
        %mul3A_24 = arith.constant 1 : i32
        %mul3A_25 = arith.muli %scan3A_23, %mul3A_24 : i32
        %add3A = arith.constant 0 : i32
        %add3A_26 = arith.addi %add3A, %mul3A_25 : i32
        %mul3A_27 = arith.constant 2 : i32
        %mul3A_28 = arith.muli %mul3A_27, %add3A_26 : i32
        %mul3A_29 = arith.constant 200 : i32
        %mul3A_30 = arith.muli %mul3A_28, %mul3A_29 : i32
        %add3A_31 = arith.addi %mul3A_4, %mul3A_30 : i32
        %add3A_32 = arith.constant 200 : i32
        %add3A_33 = arith.addi %add3A_31, %add3A_32 : i32
        "tpu.region"() ({
          %run_scoped3A = tpu.sem_alloc : memref<!tpu.dma_semaphore, #tpu.memory_space<semaphore_mem>>
          %dma_start3A_44 = tpu.memref_slice %arg3[%add3A_31] : memref<320000xi32, #tpu.memory_space<hbm>> -> memref<200xi32, #tpu.memory_space<hbm>>
          %dma_start3A_45 = tpu.memref_slice %arg3[%add3A_31] : memref<320000xi32, #tpu.memory_space<hbm>> -> memref<200xi32, #tpu.memory_space<hbm>>
          tpu.enqueue_dma source(%dma_start3A_45 : memref<200xi32, #tpu.memory_space<hbm>>) target(%arg8 : memref<200xi32, #tpu.memory_space<vmem>>) target_semaphore(%run_scoped3A : memref<!tpu.dma_semaphore, #tpu.memory_space<semaphore_mem>>)
          %dma_wait3A_46 = tpu.memref_slice %arg3[%add3A_31] : memref<320000xi32, #tpu.memory_space<hbm>> -> memref<200xi32, #tpu.memory_space<hbm>>
          %dma_wait3A_47 = tpu.memref_slice %arg3[%add3A_31] : memref<320000xi32, #tpu.memory_space<hbm>> -> memref<200xi32, #tpu.memory_space<hbm>>
          tpu.wait_dma2 semaphore(%run_scoped3A : memref<!tpu.dma_semaphore, #tpu.memory_space<semaphore_mem>>) src(%dma_wait3A_47 : memref<200xi32, #tpu.memory_space<hbm>>) dst(%arg8 : memref<200xi32, #tpu.memory_space<vmem>>)
          tpu.yield
        }) : () -> ()
        "tpu.region"() ({
          %run_scoped3A = tpu.sem_alloc : memref<!tpu.dma_semaphore, #tpu.memory_space<semaphore_mem>>
          %dma_start3A_44 = tpu.memref_slice %arg5[%add3A_31] : memref<320000xi32, #tpu.memory_space<hbm>> -> memref<200xi32, #tpu.memory_space<hbm>>
          %dma_start3A_45 = tpu.memref_slice %arg5[%add3A_31] : memref<320000xi32, #tpu.memory_space<hbm>> -> memref<200xi32, #tpu.memory_space<hbm>>
          tpu.enqueue_dma source(%dma_start3A_45 : memref<200xi32, #tpu.memory_space<hbm>>) target(%arg9 : memref<200xi32, #tpu.memory_space<vmem>>) target_semaphore(%run_scoped3A : memref<!tpu.dma_semaphore, #tpu.memory_space<semaphore_mem>>)
          %dma_wait3A_46 = tpu.memref_slice %arg5[%add3A_31] : memref<320000xi32, #tpu.memory_space<hbm>> -> memref<200xi32, #tpu.memory_space<hbm>>
          %dma_wait3A_47 = tpu.memref_slice %arg5[%add3A_31] : memref<320000xi32, #tpu.memory_space<hbm>> -> memref<200xi32, #tpu.memory_space<hbm>>
          tpu.wait_dma2 semaphore(%run_scoped3A : memref<!tpu.dma_semaphore, #tpu.memory_space<semaphore_mem>>) src(%dma_wait3A_47 : memref<200xi32, #tpu.memory_space<hbm>>) dst(%arg9 : memref<200xi32, #tpu.memory_space<vmem>>)
          tpu.yield
        }) : () -> ()
        %dma_start3A = arith.constant 0 : i32
        %dma_start3A_34 = arith.constant 0 : i32
        %dma_start3A_35 = tpu.memref_slice %arg2[%dma_start3A, %dma_start3A_34] : memref<10240x128xf32, #tpu.memory_space<hbm>> -> memref<10240x128xf32, #tpu.memory_space<hbm>>
        tpu.enqueue_indirect_dma source(%dma_start3A_35 : memref<10240x128xf32, #tpu.memory_space<hbm>>) target(%arg12 : memref<200x128xf32, #tpu.memory_space<vmem>>) offsets(%arg8 : memref<200xi32, #tpu.memory_space<vmem>>) semaphore(%arg16 : memref<!tpu.dma_semaphore, #tpu.memory_space<semaphore_mem>>)
        "tpu.region"() ({
          %run_scoped3A = tpu.sem_alloc : memref<!tpu.dma_semaphore, #tpu.memory_space<semaphore_mem>>
          %dma_start3A_44 = tpu.memref_slice %arg3[%add3A_33] : memref<320000xi32, #tpu.memory_space<hbm>> -> memref<200xi32, #tpu.memory_space<hbm>>
          %dma_start3A_45 = tpu.memref_slice %arg3[%add3A_33] : memref<320000xi32, #tpu.memory_space<hbm>> -> memref<200xi32, #tpu.memory_space<hbm>>
          tpu.enqueue_dma source(%dma_start3A_45 : memref<200xi32, #tpu.memory_space<hbm>>) target(%arg10 : memref<200xi32, #tpu.memory_space<vmem>>) target_semaphore(%run_scoped3A : memref<!tpu.dma_semaphore, #tpu.memory_space<semaphore_mem>>)
          %dma_wait3A_46 = tpu.memref_slice %arg3[%add3A_33] : memref<320000xi32, #tpu.memory_space<hbm>> -> memref<200xi32, #tpu.memory_space<hbm>>
          %dma_wait3A_47 = tpu.memref_slice %arg3[%add3A_33] : memref<320000xi32, #tpu.memory_space<hbm>> -> memref<200xi32, #tpu.memory_space<hbm>>
          tpu.wait_dma2 semaphore(%run_scoped3A : memref<!tpu.dma_semaphore, #tpu.memory_space<semaphore_mem>>) src(%dma_wait3A_47 : memref<200xi32, #tpu.memory_space<hbm>>) dst(%arg10 : memref<200xi32, #tpu.memory_space<vmem>>)
          tpu.yield
        }) : () -> ()
        "tpu.region"() ({
          %run_scoped3A = tpu.sem_alloc : memref<!tpu.dma_semaphore, #tpu.memory_space<semaphore_mem>>
          %dma_start3A_44 = tpu.memref_slice %arg5[%add3A_33] : memref<320000xi32, #tpu.memory_space<hbm>> -> memref<200xi32, #tpu.memory_space<hbm>>
          %dma_start3A_45 = tpu.memref_slice %arg5[%add3A_33] : memref<320000xi32, #tpu.memory_space<hbm>> -> memref<200xi32, #tpu.memory_space<hbm>>
          tpu.enqueue_dma source(%dma_start3A_45 : memref<200xi32, #tpu.memory_space<hbm>>) target(%arg11 : memref<200xi32, #tpu.memory_space<vmem>>) target_semaphore(%run_scoped3A : memref<!tpu.dma_semaphore, #tpu.memory_space<semaphore_mem>>)
          %dma_wait3A_46 = tpu.memref_slice %arg5[%add3A_33] : memref<320000xi32, #tpu.memory_space<hbm>> -> memref<200xi32, #tpu.memory_space<hbm>>
          %dma_wait3A_47 = tpu.memref_slice %arg5[%add3A_33] : memref<320000xi32, #tpu.memory_space<hbm>> -> memref<200xi32, #tpu.memory_space<hbm>>
          tpu.wait_dma2 semaphore(%run_scoped3A : memref<!tpu.dma_semaphore, #tpu.memory_space<semaphore_mem>>) src(%dma_wait3A_47 : memref<200xi32, #tpu.memory_space<hbm>>) dst(%arg11 : memref<200xi32, #tpu.memory_space<vmem>>)
          tpu.yield
        }) : () -> ()
        %dma_start3A_36 = arith.constant 0 : i32
        %dma_start3A_37 = arith.constant 0 : i32
        %dma_start3A_38 = tpu.memref_slice %arg2[%dma_start3A_36, %dma_start3A_37] : memref<10240x128xf32, #tpu.memory_space<hbm>> -> memref<10240x128xf32, #tpu.memory_space<hbm>>
        tpu.enqueue_indirect_dma source(%dma_start3A_38 : memref<10240x128xf32, #tpu.memory_space<hbm>>) target(%arg13 : memref<200x128xf32, #tpu.memory_space<vmem>>) offsets(%arg10 : memref<200xi32, #tpu.memory_space<vmem>>) semaphore(%arg17 : memref<!tpu.dma_semaphore, #tpu.memory_space<semaphore_mem>>)
        %dma_wait3A = arith.constant 0 : i32
        %dma_wait3A_39 = arith.constant 0 : i32
        %dma_wait3A_40 = tpu.memref_slice %arg2[%dma_wait3A, %dma_wait3A_39] : memref<10240x128xf32, #tpu.memory_space<hbm>> -> memref<10240x128xf32, #tpu.memory_space<hbm>>
        tpu.wait_indirect_dma semaphore(%arg16 : memref<!tpu.dma_semaphore, #tpu.memory_space<semaphore_mem>>) src(%dma_wait3A_40 : memref<10240x128xf32, #tpu.memory_space<hbm>>) dst(%arg12 : memref<200x128xf32, #tpu.memory_space<vmem>>)
        "tpu.region"() ({
          %run_scoped3A = tpu.sem_alloc : memref<!tpu.dma_semaphore, #tpu.memory_space<semaphore_mem>>
          %dma_start3A_44 = arith.constant 0 : i32
          %dma_start3A_45 = arith.constant 0 : i32
          %dma_start3A_46 = tpu.memref_slice %arg15[%dma_start3A_44, %dma_start3A_45] : memref<5376x128xf32, #tpu.memory_space<vmem_shared>> -> memref<5376x128xf32, #tpu.memory_space<vmem_shared>>
          tpu.enqueue_indirect_dma source(%arg12 : memref<200x128xf32, #tpu.memory_space<vmem>>) target(%dma_start3A_46 : memref<5376x128xf32, #tpu.memory_space<vmem_shared>>) offsets(%arg9 : memref<200xi32, #tpu.memory_space<vmem>>) semaphore(%run_scoped3A : memref<!tpu.dma_semaphore, #tpu.memory_space<semaphore_mem>>) {add = true}
          %dma_wait3A_47 = arith.constant 0 : i32
          %dma_wait3A_48 = arith.constant 0 : i32
          %dma_wait3A_49 = tpu.memref_slice %arg15[%dma_wait3A_47, %dma_wait3A_48] : memref<5376x128xf32, #tpu.memory_space<vmem_shared>> -> memref<5376x128xf32, #tpu.memory_space<vmem_shared>>
          tpu.wait_indirect_dma semaphore(%run_scoped3A : memref<!tpu.dma_semaphore, #tpu.memory_space<semaphore_mem>>) src(%arg12 : memref<200x128xf32, #tpu.memory_space<vmem>>) dst(%dma_wait3A_49 : memref<5376x128xf32, #tpu.memory_space<vmem_shared>>)
          tpu.yield
        }) : () -> ()
        %dma_wait3A_41 = arith.constant 0 : i32
        %dma_wait3A_42 = arith.constant 0 : i32
        %dma_wait3A_43 = tpu.memref_slice %arg2[%dma_wait3A_41, %dma_wait3A_42] : memref<10240x128xf32, #tpu.memory_space<hbm>> -> memref<10240x128xf32, #tpu.memory_space<hbm>>
        tpu.wait_indirect_dma semaphore(%arg17 : memref<!tpu.dma_semaphore, #tpu.memory_space<semaphore_mem>>) src(%dma_wait3A_43 : memref<10240x128xf32, #tpu.memory_space<hbm>>) dst(%arg13 : memref<200x128xf32, #tpu.memory_space<vmem>>)
        "tpu.region"() ({
          %run_scoped3A = tpu.sem_alloc : memref<!tpu.dma_semaphore, #tpu.memory_space<semaphore_mem>>
          %dma_start3A_44 = arith.constant 0 : i32
          %dma_start3A_45 = arith.constant 0 : i32
          %dma_start3A_46 = tpu.memref_slice %arg15[%dma_start3A_44, %dma_start3A_45] : memref<5376x128xf32, #tpu.memory_space<vmem_shared>> -> memref<5376x128xf32, #tpu.memory_space<vmem_shared>>
          tpu.enqueue_indirect_dma source(%arg13 : memref<200x128xf32, #tpu.memory_space<vmem>>) target(%dma_start3A_46 : memref<5376x128xf32, #tpu.memory_space<vmem_shared>>) offsets(%arg11 : memref<200xi32, #tpu.memory_space<vmem>>) semaphore(%run_scoped3A : memref<!tpu.dma_semaphore, #tpu.memory_space<semaphore_mem>>) {add = true}
          %dma_wait3A_47 = arith.constant 0 : i32
          %dma_wait3A_48 = arith.constant 0 : i32
          %dma_wait3A_49 = tpu.memref_slice %arg15[%dma_wait3A_47, %dma_wait3A_48] : memref<5376x128xf32, #tpu.memory_space<vmem_shared>> -> memref<5376x128xf32, #tpu.memory_space<vmem_shared>>
          tpu.wait_indirect_dma semaphore(%run_scoped3A : memref<!tpu.dma_semaphore, #tpu.memory_space<semaphore_mem>>) src(%arg13 : memref<200x128xf32, #tpu.memory_space<vmem>>) dst(%dma_wait3A_49 : memref<5376x128xf32, #tpu.memory_space<vmem_shared>>)
          tpu.yield
        }) : () -> ()
      }
      %scan3A_22 = arith.constant 50 : i32
    } else {
    }
    %barrier3A_12 = arith.constant 0 : index
    tpu.barrier barrier_id(%barrier3A_12)
    %scan3A_13 = arith.constant 0 : i32
    %scan3A_14 = arith.constant 7 : i32
    %scan3A_15 = arith.addi %scan3A_13, %scan3A_14 : i32
    %scan3A_16 = arith.constant 1 : i32
    scf.for %scan3A_18 = %scan3A_13 to %scan3A_15 step %scan3A_16  : i32 {
      %mul3A_19 = arith.constant 1 : i32
      %mul3A_20 = arith.muli %scan3A_18, %mul3A_19 : i32
      %add3A = arith.constant 0 : i32
      %add3A_21 = arith.addi %add3A, %mul3A_20 : i32
      %mul3A_22 = arith.constant 336 : i32
      %mul3A_23 = arith.muli %arg1, %mul3A_22 : i32
      %mul3A_24 = arith.constant 48 : i32
      %mul3A_25 = arith.muli %add3A_21, %mul3A_24 : i32
      %add3A_26 = arith.addi %mul3A_23, %mul3A_25 : i32
      "tpu.region"() ({
        %run_scoped3A = tpu.sem_alloc : memref<!tpu.dma_semaphore, #tpu.memory_space<semaphore_mem>>
        %dma_start3A = arith.constant 0 : i32
        %dma_start3A_27 = tpu.memref_slice %arg15[%add3A_26, %dma_start3A] : memref<5376x128xf32, #tpu.memory_space<vmem_shared>> -> memref<48x128xf32, #tpu.memory_space<vmem_shared>>
        %dma_start3A_28 = arith.constant 0 : i32
        %dma_start3A_29 = tpu.memref_slice %arg15[%add3A_26, %dma_start3A_28] : memref<5376x128xf32, #tpu.memory_space<vmem_shared>> -> memref<48x128xf32, #tpu.memory_space<vmem_shared>>
        tpu.enqueue_dma source(%dma_start3A_29 : memref<48x128xf32, #tpu.memory_space<vmem_shared>>) target(%arg14 : memref<48x128xf32, #tpu.memory_space<vmem>>) target_semaphore(%run_scoped3A : memref<!tpu.dma_semaphore, #tpu.memory_space<semaphore_mem>>)
        %dma_wait3A = arith.constant 0 : i32
        %dma_wait3A_30 = tpu.memref_slice %arg15[%add3A_26, %dma_wait3A] : memref<5376x128xf32, #tpu.memory_space<vmem_shared>> -> memref<48x128xf32, #tpu.memory_space<vmem_shared>>
        %dma_wait3A_31 = arith.constant 0 : i32
        %dma_wait3A_32 = tpu.memref_slice %arg15[%add3A_26, %dma_wait3A_31] : memref<5376x128xf32, #tpu.memory_space<vmem_shared>> -> memref<48x128xf32, #tpu.memory_space<vmem_shared>>
        tpu.wait_dma2 semaphore(%run_scoped3A : memref<!tpu.dma_semaphore, #tpu.memory_space<semaphore_mem>>) src(%dma_wait3A_32 : memref<48x128xf32, #tpu.memory_space<vmem_shared>>) dst(%arg14 : memref<48x128xf32, #tpu.memory_space<vmem>>)
        tpu.yield
      }) : () -> ()
      "tpu.region"() ({
        %run_scoped3A = tpu.sem_alloc : memref<!tpu.dma_semaphore, #tpu.memory_space<semaphore_mem>>
        %dma_start3A = arith.constant 0 : i32
        %dma_start3A_27 = tpu.memref_slice %arg7[%arg0, %add3A_26, %dma_start3A] : memref<2x5376x128xf32, #tpu.memory_space<hbm>> -> memref<1x48x128xf32, #tpu.memory_space<hbm>>
        %dma_start3A_28 = tpu.memref_squeeze %dma_start3A_27 : memref<1x48x128xf32, #tpu.memory_space<hbm>> -> memref<48x128xf32, #tpu.memory_space<hbm>>
        %dma_start3A_29 = arith.constant 0 : i32
        %dma_start3A_30 = tpu.memref_slice %arg7[%arg0, %add3A_26, %dma_start3A_29] : memref<2x5376x128xf32, #tpu.memory_space<hbm>> -> memref<1x48x128xf32, #tpu.memory_space<hbm>>
        %dma_start3A_31 = tpu.memref_squeeze %dma_start3A_30 : memref<1x48x128xf32, #tpu.memory_space<hbm>> -> memref<48x128xf32, #tpu.memory_space<hbm>>
        tpu.enqueue_dma source(%arg14 : memref<48x128xf32, #tpu.memory_space<vmem>>) target(%dma_start3A_31 : memref<48x128xf32, #tpu.memory_space<hbm>>) target_semaphore(%run_scoped3A : memref<!tpu.dma_semaphore, #tpu.memory_space<semaphore_mem>>)
        %dma_wait3A = arith.constant 0 : i32
        %dma_wait3A_32 = tpu.memref_slice %arg7[%arg0, %add3A_26, %dma_wait3A] : memref<2x5376x128xf32, #tpu.memory_space<hbm>> -> memref<1x48x128xf32, #tpu.memory_space<hbm>>
        %dma_wait3A_33 = tpu.memref_squeeze %dma_wait3A_32 : memref<1x48x128xf32, #tpu.memory_space<hbm>> -> memref<48x128xf32, #tpu.memory_space<hbm>>
        %dma_wait3A_34 = arith.constant 0 : i32
        %dma_wait3A_35 = tpu.memref_slice %arg7[%arg0, %add3A_26, %dma_wait3A_34] : memref<2x5376x128xf32, #tpu.memory_space<hbm>> -> memref<1x48x128xf32, #tpu.memory_space<hbm>>
        %dma_wait3A_36 = tpu.memref_squeeze %dma_wait3A_35 : memref<1x48x128xf32, #tpu.memory_space<hbm>> -> memref<48x128xf32, #tpu.memory_space<hbm>>
        tpu.wait_dma2 semaphore(%run_scoped3A : memref<!tpu.dma_semaphore, #tpu.memory_space<semaphore_mem>>) src(%arg14 : memref<48x128xf32, #tpu.memory_space<vmem>>) dst(%dma_wait3A_36 : memref<48x128xf32, #tpu.memory_space<hbm>>)
        tpu.yield
      }) : () -> ()
    }
    %scan3A_17 = arith.constant 7 : i32
    return
  }
}

#map = affine_map<(d0, d1) -> (0, 0)>
#map1 = affine_map<(d0, d1) -> (0)>
#map2 = affine_map<(d0, d1) -> (0, 0, 0)>
module attributes {stable_mosaic.version = 14 : i64} {
  func.func @scatter_kernel(%arg0: i32, %arg1: i32, %arg2: memref<10240x128xf32, #tpu.memory_space<hbm>>, %arg3: memref<320000xi32, #tpu.memory_space<hbm>>, %arg4: memref<320000xi32, #tpu.memory_space<hbm>>, %arg5: memref<320000xi32, #tpu.memory_space<hbm>>, %arg6: memref<48x128xf32, #tpu.memory_space<hbm>>, %arg7: memref<2x5376x128xf32, #tpu.memory_space<hbm>>, %arg8: memref<200xi32, #tpu.memory_space<vmem>>, %arg9: memref<200xi32, #tpu.memory_space<vmem>>, %arg10: memref<200xi32, #tpu.memory_space<vmem>>, %arg11: memref<200xi32, #tpu.memory_space<vmem>>, %arg12: memref<200x128xf32, #tpu.memory_space<vmem>>, %arg13: memref<200x128xf32, #tpu.memory_space<vmem>>, %arg14: memref<48x128xf32, #tpu.memory_space<vmem>>, %arg15: memref<5376x128xf32, #tpu.memory_space<vmem_shared>>, %arg16: memref<!tpu.dma_semaphore, #tpu.memory_space<semaphore_mem>>, %arg17: memref<!tpu.dma_semaphore, #tpu.memory_space<semaphore_mem>>) attributes {dimension_semantics = [#tpu.dimension_semantics<core_parallel>, #tpu.dimension_semantics<subcore_parallel>], iteration_bounds = array<i64: 2, 16>, scalar_prefetch = 0 : i64, scratch_operands = 10 : i64, tpu.core_type = #tpu.core_type<sc_vector_subcore>, window_params = [{transform_indices = #map}, {transform_indices = #map1}, {transform_indices = #map1}, {transform_indices = #map1}, {transform_indices = #map}, {transform_indices = #map2}]} {
    "tpu.region"() ({
      %run_scoped3A = tpu.sem_alloc : memref<!tpu.dma_semaphore, #tpu.memory_space<semaphore_mem>>
      tpu.enqueue_dma source(%arg6 : memref<48x128xf32, #tpu.memory_space<hbm>>) target(%arg14 : memref<48x128xf32, #tpu.memory_space<vmem>>) target_semaphore(%run_scoped3A : memref<!tpu.dma_semaphore, #tpu.memory_space<semaphore_mem>>)
      tpu.wait_dma2 semaphore(%run_scoped3A : memref<!tpu.dma_semaphore, #tpu.memory_space<semaphore_mem>>) src(%arg6 : memref<48x128xf32, #tpu.memory_space<hbm>>) dst(%arg14 : memref<48x128xf32, #tpu.memory_space<vmem>>)
      tpu.yield
    }) : () -> ()
    %scan3A = arith.constant 0 : i32
    %scan3A_0 = arith.constant 7 : i32
    %scan3A_1 = arith.addi %scan3A, %scan3A_0 : i32
    %scan3A_2 = arith.constant 1 : i32
    scf.for %scan3A_18 = %scan3A to %scan3A_1 step %scan3A_2  : i32 {
      %mul3A_19 = arith.constant 1 : i32
      %mul3A_20 = arith.muli %scan3A_18, %mul3A_19 : i32
      %add3A = arith.constant 0 : i32
      %add3A_21 = arith.addi %add3A, %mul3A_20 : i32
      %mul3A_22 = arith.constant 336 : i32
      %mul3A_23 = arith.muli %arg1, %mul3A_22 : i32
      %mul3A_24 = arith.constant 48 : i32
      %mul3A_25 = arith.muli %add3A_21, %mul3A_24 : i32
      %add3A_26 = arith.addi %mul3A_23, %mul3A_25 : i32
      "tpu.region"() ({
        %run_scoped3A = tpu.sem_alloc : memref<!tpu.dma_semaphore, #tpu.memory_space<semaphore_mem>>
        %dma_start3A = arith.constant 0 : i32
        %dma_start3A_27 = tpu.memref_slice %arg15[%add3A_26, %dma_start3A] : memref<5376x128xf32, #tpu.memory_space<vmem_shared>> -> memref<48x128xf32, #tpu.memory_space<vmem_shared>>
        %dma_start3A_28 = arith.constant 0 : i32
        %dma_start3A_29 = tpu.memref_slice %arg15[%add3A_26, %dma_start3A_28] : memref<5376x128xf32, #tpu.memory_space<vmem_shared>> -> memref<48x128xf32, #tpu.memory_space<vmem_shared>>
        tpu.enqueue_dma source(%arg14 : memref<48x128xf32, #tpu.memory_space<vmem>>) target(%dma_start3A_29 : memref<48x128xf32, #tpu.memory_space<vmem_shared>>) target_semaphore(%run_scoped3A : memref<!tpu.dma_semaphore, #tpu.memory_space<semaphore_mem>>)
        %dma_wait3A = arith.constant 0 : i32
        %dma_wait3A_30 = tpu.memref_slice %arg15[%add3A_26, %dma_wait3A] : memref<5376x128xf32, #tpu.memory_space<vmem_shared>> -> memref<48x128xf32, #tpu.memory_space<vmem_shared>>
        %dma_wait3A_31 = arith.constant 0 : i32
        %dma_wait3A_32 = tpu.memref_slice %arg15[%add3A_26, %dma_wait3A_31] : memref<5376x128xf32, #tpu.memory_space<vmem_shared>> -> memref<48x128xf32, #tpu.memory_space<vmem_shared>>
        tpu.wait_dma2 semaphore(%run_scoped3A : memref<!tpu.dma_semaphore, #tpu.memory_space<semaphore_mem>>) src(%arg14 : memref<48x128xf32, #tpu.memory_space<vmem>>) dst(%dma_wait3A_32 : memref<48x128xf32, #tpu.memory_space<vmem_shared>>)
        tpu.yield
      }) : () -> ()
    }
    %scan3A_3 = arith.constant 7 : i32
    %barrier3A = arith.constant 0 : index
    tpu.barrier barrier_id(%barrier3A)
    %mul3A = arith.constant 20000 : i32
    %mul3A_4 = arith.muli %arg1, %mul3A : i32
    %eq3A = arith.constant 0 : i32
    %eq3A_5 = arith.cmpi eq, %arg0, %eq3A : i32
    %convert_element_type3A = arith.extui %eq3A_5 : i1 to i32
    %cond3A = arith.constant 0 : i32
    %cond3A_6 = arith.cmpi ne, %convert_element_type3A, %cond3A : i32
    scf.if %cond3A_6 {
      %scan3A_18 = arith.constant 0 : i32
      %scan3A_19 = arith.constant 50 : i32
      %scan3A_20 = arith.addi %scan3A_18, %scan3A_19 : i32
      %scan3A_21 = arith.constant 1 : i32
      scf.for %scan3A_23 = %scan3A_18 to %scan3A_20 step %scan3A_21  : i32 {
        %mul3A_24 = arith.constant 1 : i32
        %mul3A_25 = arith.muli %scan3A_23, %mul3A_24 : i32
        %add3A = arith.constant 0 : i32
        %add3A_26 = arith.addi %add3A, %mul3A_25 : i32
        %mul3A_27 = arith.constant 2 : i32
        %mul3A_28 = arith.muli %mul3A_27, %add3A_26 : i32
        %mul3A_29 = arith.constant 200 : i32
        %mul3A_30 = arith.muli %mul3A_28, %mul3A_29 : i32
        %add3A_31 = arith.addi %mul3A_4, %mul3A_30 : i32
        %add3A_32 = arith.constant 200 : i32
        %add3A_33 = arith.addi %add3A_31, %add3A_32 : i32
        "tpu.region"() ({
          %run_scoped3A = tpu.sem_alloc : memref<!tpu.dma_semaphore, #tpu.memory_space<semaphore_mem>>
          %dma_start3A_44 = tpu.memref_slice %arg3[%add3A_31] : memref<320000xi32, #tpu.memory_space<hbm>> -> memref<200xi32, #tpu.memory_space<hbm>>
          %dma_start3A_45 = tpu.memref_slice %arg3[%add3A_31] : memref<320000xi32, #tpu.memory_space<hbm>> -> memref<200xi32, #tpu.memory_space<hbm>>
          tpu.enqueue_dma source(%dma_start3A_45 : memref<200xi32, #tpu.memory_space<hbm>>) target(%arg8 : memref<200xi32, #tpu.memory_space<vmem>>) target_semaphore(%run_scoped3A : memref<!tpu.dma_semaphore, #tpu.memory_space<semaphore_mem>>)
          %dma_wait3A_46 = tpu.memref_slice %arg3[%add3A_31] : memref<320000xi32, #tpu.memory_space<hbm>> -> memref<200xi32, #tpu.memory_space<hbm>>
          %dma_wait3A_47 = tpu.memref_slice %arg3[%add3A_31] : memref<320000xi32, #tpu.memory_space<hbm>> -> memref<200xi32, #tpu.memory_space<hbm>>
          tpu.wait_dma2 semaphore(%run_scoped3A : memref<!tpu.dma_semaphore, #tpu.memory_space<semaphore_mem>>) src(%dma_wait3A_47 : memref<200xi32, #tpu.memory_space<hbm>>) dst(%arg8 : memref<200xi32, #tpu.memory_space<vmem>>)
          tpu.yield
        }) : () -> ()
        "tpu.region"() ({
          %run_scoped3A = tpu.sem_alloc : memref<!tpu.dma_semaphore, #tpu.memory_space<semaphore_mem>>
          %dma_start3A_44 = tpu.memref_slice %arg4[%add3A_31] : memref<320000xi32, #tpu.memory_space<hbm>> -> memref<200xi32, #tpu.memory_space<hbm>>
          %dma_start3A_45 = tpu.memref_slice %arg4[%add3A_31] : memref<320000xi32, #tpu.memory_space<hbm>> -> memref<200xi32, #tpu.memory_space<hbm>>
          tpu.enqueue_dma source(%dma_start3A_45 : memref<200xi32, #tpu.memory_space<hbm>>) target(%arg9 : memref<200xi32, #tpu.memory_space<vmem>>) target_semaphore(%run_scoped3A : memref<!tpu.dma_semaphore, #tpu.memory_space<semaphore_mem>>)
          %dma_wait3A_46 = tpu.memref_slice %arg4[%add3A_31] : memref<320000xi32, #tpu.memory_space<hbm>> -> memref<200xi32, #tpu.memory_space<hbm>>
          %dma_wait3A_47 = tpu.memref_slice %arg4[%add3A_31] : memref<320000xi32, #tpu.memory_space<hbm>> -> memref<200xi32, #tpu.memory_space<hbm>>
          tpu.wait_dma2 semaphore(%run_scoped3A : memref<!tpu.dma_semaphore, #tpu.memory_space<semaphore_mem>>) src(%dma_wait3A_47 : memref<200xi32, #tpu.memory_space<hbm>>) dst(%arg9 : memref<200xi32, #tpu.memory_space<vmem>>)
          tpu.yield
        }) : () -> ()
        %dma_start3A = arith.constant 0 : i32
        %dma_start3A_34 = arith.constant 0 : i32
        %dma_start3A_35 = tpu.memref_slice %arg2[%dma_start3A, %dma_start3A_34] : memref<10240x128xf32, #tpu.memory_space<hbm>> -> memref<10240x128xf32, #tpu.memory_space<hbm>>
        tpu.enqueue_indirect_dma source(%dma_start3A_35 : memref<10240x128xf32, #tpu.memory_space<hbm>>) target(%arg12 : memref<200x128xf32, #tpu.memory_space<vmem>>) offsets(%arg8 : memref<200xi32, #tpu.memory_space<vmem>>) semaphore(%arg16 : memref<!tpu.dma_semaphore, #tpu.memory_space<semaphore_mem>>)
        "tpu.region"() ({
          %run_scoped3A = tpu.sem_alloc : memref<!tpu.dma_semaphore, #tpu.memory_space<semaphore_mem>>
          %dma_start3A_44 = tpu.memref_slice %arg3[%add3A_33] : memref<320000xi32, #tpu.memory_space<hbm>> -> memref<200xi32, #tpu.memory_space<hbm>>
          %dma_start3A_45 = tpu.memref_slice %arg3[%add3A_33] : memref<320000xi32, #tpu.memory_space<hbm>> -> memref<200xi32, #tpu.memory_space<hbm>>
          tpu.enqueue_dma source(%dma_start3A_45 : memref<200xi32, #tpu.memory_space<hbm>>) target(%arg10 : memref<200xi32, #tpu.memory_space<vmem>>) target_semaphore(%run_scoped3A : memref<!tpu.dma_semaphore, #tpu.memory_space<semaphore_mem>>)
          %dma_wait3A_46 = tpu.memref_slice %arg3[%add3A_33] : memref<320000xi32, #tpu.memory_space<hbm>> -> memref<200xi32, #tpu.memory_space<hbm>>
          %dma_wait3A_47 = tpu.memref_slice %arg3[%add3A_33] : memref<320000xi32, #tpu.memory_space<hbm>> -> memref<200xi32, #tpu.memory_space<hbm>>
          tpu.wait_dma2 semaphore(%run_scoped3A : memref<!tpu.dma_semaphore, #tpu.memory_space<semaphore_mem>>) src(%dma_wait3A_47 : memref<200xi32, #tpu.memory_space<hbm>>) dst(%arg10 : memref<200xi32, #tpu.memory_space<vmem>>)
          tpu.yield
        }) : () -> ()
        "tpu.region"() ({
          %run_scoped3A = tpu.sem_alloc : memref<!tpu.dma_semaphore, #tpu.memory_space<semaphore_mem>>
          %dma_start3A_44 = tpu.memref_slice %arg4[%add3A_33] : memref<320000xi32, #tpu.memory_space<hbm>> -> memref<200xi32, #tpu.memory_space<hbm>>
          %dma_start3A_45 = tpu.memref_slice %arg4[%add3A_33] : memref<320000xi32, #tpu.memory_space<hbm>> -> memref<200xi32, #tpu.memory_space<hbm>>
          tpu.enqueue_dma source(%dma_start3A_45 : memref<200xi32, #tpu.memory_space<hbm>>) target(%arg11 : memref<200xi32, #tpu.memory_space<vmem>>) target_semaphore(%run_scoped3A : memref<!tpu.dma_semaphore, #tpu.memory_space<semaphore_mem>>)
          %dma_wait3A_46 = tpu.memref_slice %arg4[%add3A_33] : memref<320000xi32, #tpu.memory_space<hbm>> -> memref<200xi32, #tpu.memory_space<hbm>>
          %dma_wait3A_47 = tpu.memref_slice %arg4[%add3A_33] : memref<320000xi32, #tpu.memory_space<hbm>> -> memref<200xi32, #tpu.memory_space<hbm>>
          tpu.wait_dma2 semaphore(%run_scoped3A : memref<!tpu.dma_semaphore, #tpu.memory_space<semaphore_mem>>) src(%dma_wait3A_47 : memref<200xi32, #tpu.memory_space<hbm>>) dst(%arg11 : memref<200xi32, #tpu.memory_space<vmem>>)
          tpu.yield
        }) : () -> ()
        %dma_start3A_36 = arith.constant 0 : i32
        %dma_start3A_37 = arith.constant 0 : i32
        %dma_start3A_38 = tpu.memref_slice %arg2[%dma_start3A_36, %dma_start3A_37] : memref<10240x128xf32, #tpu.memory_space<hbm>> -> memref<10240x128xf32, #tpu.memory_space<hbm>>
        tpu.enqueue_indirect_dma source(%dma_start3A_38 : memref<10240x128xf32, #tpu.memory_space<hbm>>) target(%arg13 : memref<200x128xf32, #tpu.memory_space<vmem>>) offsets(%arg10 : memref<200xi32, #tpu.memory_space<vmem>>) semaphore(%arg17 : memref<!tpu.dma_semaphore, #tpu.memory_space<semaphore_mem>>)
        %dma_wait3A = arith.constant 0 : i32
        %dma_wait3A_39 = arith.constant 0 : i32
        %dma_wait3A_40 = tpu.memref_slice %arg2[%dma_wait3A, %dma_wait3A_39] : memref<10240x128xf32, #tpu.memory_space<hbm>> -> memref<10240x128xf32, #tpu.memory_space<hbm>>
        tpu.wait_indirect_dma semaphore(%arg16 : memref<!tpu.dma_semaphore, #tpu.memory_space<semaphore_mem>>) src(%dma_wait3A_40 : memref<10240x128xf32, #tpu.memory_space<hbm>>) dst(%arg12 : memref<200x128xf32, #tpu.memory_space<vmem>>)
        "tpu.region"() ({
          %run_scoped3A = tpu.sem_alloc : memref<!tpu.dma_semaphore, #tpu.memory_space<semaphore_mem>>
          %dma_start3A_44 = arith.constant 0 : i32
          %dma_start3A_45 = arith.constant 0 : i32
          %dma_start3A_46 = tpu.memref_slice %arg15[%dma_start3A_44, %dma_start3A_45] : memref<5376x128xf32, #tpu.memory_space<vmem_shared>> -> memref<5376x128xf32, #tpu.memory_space<vmem_shared>>
          tpu.enqueue_indirect_dma source(%arg12 : memref<200x128xf32, #tpu.memory_space<vmem>>) target(%dma_start3A_46 : memref<5376x128xf32, #tpu.memory_space<vmem_shared>>) offsets(%arg9 : memref<200xi32, #tpu.memory_space<vmem>>) semaphore(%run_scoped3A : memref<!tpu.dma_semaphore, #tpu.memory_space<semaphore_mem>>) {add = true}
          %dma_wait3A_47 = arith.constant 0 : i32
          %dma_wait3A_48 = arith.constant 0 : i32
          %dma_wait3A_49 = tpu.memref_slice %arg15[%dma_wait3A_47, %dma_wait3A_48] : memref<5376x128xf32, #tpu.memory_space<vmem_shared>> -> memref<5376x128xf32, #tpu.memory_space<vmem_shared>>
          tpu.wait_indirect_dma semaphore(%run_scoped3A : memref<!tpu.dma_semaphore, #tpu.memory_space<semaphore_mem>>) src(%arg12 : memref<200x128xf32, #tpu.memory_space<vmem>>) dst(%dma_wait3A_49 : memref<5376x128xf32, #tpu.memory_space<vmem_shared>>)
          tpu.yield
        }) : () -> ()
        %dma_wait3A_41 = arith.constant 0 : i32
        %dma_wait3A_42 = arith.constant 0 : i32
        %dma_wait3A_43 = tpu.memref_slice %arg2[%dma_wait3A_41, %dma_wait3A_42] : memref<10240x128xf32, #tpu.memory_space<hbm>> -> memref<10240x128xf32, #tpu.memory_space<hbm>>
        tpu.wait_indirect_dma semaphore(%arg17 : memref<!tpu.dma_semaphore, #tpu.memory_space<semaphore_mem>>) src(%dma_wait3A_43 : memref<10240x128xf32, #tpu.memory_space<hbm>>) dst(%arg13 : memref<200x128xf32, #tpu.memory_space<vmem>>)
        "tpu.region"() ({
          %run_scoped3A = tpu.sem_alloc : memref<!tpu.dma_semaphore, #tpu.memory_space<semaphore_mem>>
          %dma_start3A_44 = arith.constant 0 : i32
          %dma_start3A_45 = arith.constant 0 : i32
          %dma_start3A_46 = tpu.memref_slice %arg15[%dma_start3A_44, %dma_start3A_45] : memref<5376x128xf32, #tpu.memory_space<vmem_shared>> -> memref<5376x128xf32, #tpu.memory_space<vmem_shared>>
          tpu.enqueue_indirect_dma source(%arg13 : memref<200x128xf32, #tpu.memory_space<vmem>>) target(%dma_start3A_46 : memref<5376x128xf32, #tpu.memory_space<vmem_shared>>) offsets(%arg11 : memref<200xi32, #tpu.memory_space<vmem>>) semaphore(%run_scoped3A : memref<!tpu.dma_semaphore, #tpu.memory_space<semaphore_mem>>) {add = true}
          %dma_wait3A_47 = arith.constant 0 : i32
          %dma_wait3A_48 = arith.constant 0 : i32
          %dma_wait3A_49 = tpu.memref_slice %arg15[%dma_wait3A_47, %dma_wait3A_48] : memref<5376x128xf32, #tpu.memory_space<vmem_shared>> -> memref<5376x128xf32, #tpu.memory_space<vmem_shared>>
          tpu.wait_indirect_dma semaphore(%run_scoped3A : memref<!tpu.dma_semaphore, #tpu.memory_space<semaphore_mem>>) src(%arg13 : memref<200x128xf32, #tpu.memory_space<vmem>>) dst(%dma_wait3A_49 : memref<5376x128xf32, #tpu.memory_space<vmem_shared>>)
          tpu.yield
        }) : () -> ()
      }
      %scan3A_22 = arith.constant 50 : i32
    } else {
    }
    %eq3A_7 = arith.constant 1 : i32
    %eq3A_8 = arith.cmpi eq, %arg0, %eq3A_7 : i32
    %convert_element_type3A_9 = arith.extui %eq3A_8 : i1 to i32
    %cond3A_10 = arith.constant 0 : i32
    %cond3A_11 = arith.cmpi ne, %convert_element_type3A_9, %cond3A_10 : i32
    scf.if %cond3A_11 {
      %scan3A_18 = arith.constant 0 : i32
      %scan3A_19 = arith.constant 50 : i32
      %scan3A_20 = arith.addi %scan3A_18, %scan3A_19 : i32
      %scan3A_21 = arith.constant 1 : i32
      scf.for %scan3A_23 = %scan3A_18 to %scan3A_20 step %scan3A_21  : i32 {
        %mul3A_24 = arith.constant 1 : i32
        %mul3A_25 = arith.muli %scan3A_23, %mul3A_24 : i32
        %add3A = arith.constant 0 : i32
        %add3A_26 = arith.addi %add3A, %mul3A_25 : i32
        %mul3A_27 = arith.constant 2 : i32
        %mul3A_28 = arith.muli %mul3A_27, %add3A_26 : i32
        %mul3A_29 = arith.constant 200 : i32
        %mul3A_30 = arith.muli %mul3A_28, %mul3A_29 : i32
        %add3A_31 = arith.addi %mul3A_4, %mul3A_30 : i32
        %add3A_32 = arith.constant 200 : i32
        %add3A_33 = arith.addi %add3A_31, %add3A_32 : i32
        "tpu.region"() ({
          %run_scoped3A = tpu.sem_alloc : memref<!tpu.dma_semaphore, #tpu.memory_space<semaphore_mem>>
          %dma_start3A_44 = tpu.memref_slice %arg3[%add3A_31] : memref<320000xi32, #tpu.memory_space<hbm>> -> memref<200xi32, #tpu.memory_space<hbm>>
          %dma_start3A_45 = tpu.memref_slice %arg3[%add3A_31] : memref<320000xi32, #tpu.memory_space<hbm>> -> memref<200xi32, #tpu.memory_space<hbm>>
          tpu.enqueue_dma source(%dma_start3A_45 : memref<200xi32, #tpu.memory_space<hbm>>) target(%arg8 : memref<200xi32, #tpu.memory_space<vmem>>) target_semaphore(%run_scoped3A : memref<!tpu.dma_semaphore, #tpu.memory_space<semaphore_mem>>)
          %dma_wait3A_46 = tpu.memref_slice %arg3[%add3A_31] : memref<320000xi32, #tpu.memory_space<hbm>> -> memref<200xi32, #tpu.memory_space<hbm>>
          %dma_wait3A_47 = tpu.memref_slice %arg3[%add3A_31] : memref<320000xi32, #tpu.memory_space<hbm>> -> memref<200xi32, #tpu.memory_space<hbm>>
          tpu.wait_dma2 semaphore(%run_scoped3A : memref<!tpu.dma_semaphore, #tpu.memory_space<semaphore_mem>>) src(%dma_wait3A_47 : memref<200xi32, #tpu.memory_space<hbm>>) dst(%arg8 : memref<200xi32, #tpu.memory_space<vmem>>)
          tpu.yield
        }) : () -> ()
        "tpu.region"() ({
          %run_scoped3A = tpu.sem_alloc : memref<!tpu.dma_semaphore, #tpu.memory_space<semaphore_mem>>
          %dma_start3A_44 = tpu.memref_slice %arg5[%add3A_31] : memref<320000xi32, #tpu.memory_space<hbm>> -> memref<200xi32, #tpu.memory_space<hbm>>
          %dma_start3A_45 = tpu.memref_slice %arg5[%add3A_31] : memref<320000xi32, #tpu.memory_space<hbm>> -> memref<200xi32, #tpu.memory_space<hbm>>
          tpu.enqueue_dma source(%dma_start3A_45 : memref<200xi32, #tpu.memory_space<hbm>>) target(%arg9 : memref<200xi32, #tpu.memory_space<vmem>>) target_semaphore(%run_scoped3A : memref<!tpu.dma_semaphore, #tpu.memory_space<semaphore_mem>>)
          %dma_wait3A_46 = tpu.memref_slice %arg5[%add3A_31] : memref<320000xi32, #tpu.memory_space<hbm>> -> memref<200xi32, #tpu.memory_space<hbm>>
          %dma_wait3A_47 = tpu.memref_slice %arg5[%add3A_31] : memref<320000xi32, #tpu.memory_space<hbm>> -> memref<200xi32, #tpu.memory_space<hbm>>
          tpu.wait_dma2 semaphore(%run_scoped3A : memref<!tpu.dma_semaphore, #tpu.memory_space<semaphore_mem>>) src(%dma_wait3A_47 : memref<200xi32, #tpu.memory_space<hbm>>) dst(%arg9 : memref<200xi32, #tpu.memory_space<vmem>>)
          tpu.yield
        }) : () -> ()
        %dma_start3A = arith.constant 0 : i32
        %dma_start3A_34 = arith.constant 0 : i32
        %dma_start3A_35 = tpu.memref_slice %arg2[%dma_start3A, %dma_start3A_34] : memref<10240x128xf32, #tpu.memory_space<hbm>> -> memref<10240x128xf32, #tpu.memory_space<hbm>>
        tpu.enqueue_indirect_dma source(%dma_start3A_35 : memref<10240x128xf32, #tpu.memory_space<hbm>>) target(%arg12 : memref<200x128xf32, #tpu.memory_space<vmem>>) offsets(%arg8 : memref<200xi32, #tpu.memory_space<vmem>>) semaphore(%arg16 : memref<!tpu.dma_semaphore, #tpu.memory_space<semaphore_mem>>)
        "tpu.region"() ({
          %run_scoped3A = tpu.sem_alloc : memref<!tpu.dma_semaphore, #tpu.memory_space<semaphore_mem>>
          %dma_start3A_44 = tpu.memref_slice %arg3[%add3A_33] : memref<320000xi32, #tpu.memory_space<hbm>> -> memref<200xi32, #tpu.memory_space<hbm>>
          %dma_start3A_45 = tpu.memref_slice %arg3[%add3A_33] : memref<320000xi32, #tpu.memory_space<hbm>> -> memref<200xi32, #tpu.memory_space<hbm>>
          tpu.enqueue_dma source(%dma_start3A_45 : memref<200xi32, #tpu.memory_space<hbm>>) target(%arg10 : memref<200xi32, #tpu.memory_space<vmem>>) target_semaphore(%run_scoped3A : memref<!tpu.dma_semaphore, #tpu.memory_space<semaphore_mem>>)
          %dma_wait3A_46 = tpu.memref_slice %arg3[%add3A_33] : memref<320000xi32, #tpu.memory_space<hbm>> -> memref<200xi32, #tpu.memory_space<hbm>>
          %dma_wait3A_47 = tpu.memref_slice %arg3[%add3A_33] : memref<320000xi32, #tpu.memory_space<hbm>> -> memref<200xi32, #tpu.memory_space<hbm>>
          tpu.wait_dma2 semaphore(%run_scoped3A : memref<!tpu.dma_semaphore, #tpu.memory_space<semaphore_mem>>) src(%dma_wait3A_47 : memref<200xi32, #tpu.memory_space<hbm>>) dst(%arg10 : memref<200xi32, #tpu.memory_space<vmem>>)
          tpu.yield
        }) : () -> ()
        "tpu.region"() ({
          %run_scoped3A = tpu.sem_alloc : memref<!tpu.dma_semaphore, #tpu.memory_space<semaphore_mem>>
          %dma_start3A_44 = tpu.memref_slice %arg5[%add3A_33] : memref<320000xi32, #tpu.memory_space<hbm>> -> memref<200xi32, #tpu.memory_space<hbm>>
          %dma_start3A_45 = tpu.memref_slice %arg5[%add3A_33] : memref<320000xi32, #tpu.memory_space<hbm>> -> memref<200xi32, #tpu.memory_space<hbm>>
          tpu.enqueue_dma source(%dma_start3A_45 : memref<200xi32, #tpu.memory_space<hbm>>) target(%arg11 : memref<200xi32, #tpu.memory_space<vmem>>) target_semaphore(%run_scoped3A : memref<!tpu.dma_semaphore, #tpu.memory_space<semaphore_mem>>)
          %dma_wait3A_46 = tpu.memref_slice %arg5[%add3A_33] : memref<320000xi32, #tpu.memory_space<hbm>> -> memref<200xi32, #tpu.memory_space<hbm>>
          %dma_wait3A_47 = tpu.memref_slice %arg5[%add3A_33] : memref<320000xi32, #tpu.memory_space<hbm>> -> memref<200xi32, #tpu.memory_space<hbm>>
          tpu.wait_dma2 semaphore(%run_scoped3A : memref<!tpu.dma_semaphore, #tpu.memory_space<semaphore_mem>>) src(%dma_wait3A_47 : memref<200xi32, #tpu.memory_space<hbm>>) dst(%arg11 : memref<200xi32, #tpu.memory_space<vmem>>)
          tpu.yield
        }) : () -> ()
        %dma_start3A_36 = arith.constant 0 : i32
        %dma_start3A_37 = arith.constant 0 : i32
        %dma_start3A_38 = tpu.memref_slice %arg2[%dma_start3A_36, %dma_start3A_37] : memref<10240x128xf32, #tpu.memory_space<hbm>> -> memref<10240x128xf32, #tpu.memory_space<hbm>>
        tpu.enqueue_indirect_dma source(%dma_start3A_38 : memref<10240x128xf32, #tpu.memory_space<hbm>>) target(%arg13 : memref<200x128xf32, #tpu.memory_space<vmem>>) offsets(%arg10 : memref<200xi32, #tpu.memory_space<vmem>>) semaphore(%arg17 : memref<!tpu.dma_semaphore, #tpu.memory_space<semaphore_mem>>)
        %dma_wait3A = arith.constant 0 : i32
        %dma_wait3A_39 = arith.constant 0 : i32
        %dma_wait3A_40 = tpu.memref_slice %arg2[%dma_wait3A, %dma_wait3A_39] : memref<10240x128xf32, #tpu.memory_space<hbm>> -> memref<10240x128xf32, #tpu.memory_space<hbm>>
        tpu.wait_indirect_dma semaphore(%arg16 : memref<!tpu.dma_semaphore, #tpu.memory_space<semaphore_mem>>) src(%dma_wait3A_40 : memref<10240x128xf32, #tpu.memory_space<hbm>>) dst(%arg12 : memref<200x128xf32, #tpu.memory_space<vmem>>)
        "tpu.region"() ({
          %run_scoped3A = tpu.sem_alloc : memref<!tpu.dma_semaphore, #tpu.memory_space<semaphore_mem>>
          %dma_start3A_44 = arith.constant 0 : i32
          %dma_start3A_45 = arith.constant 0 : i32
          %dma_start3A_46 = tpu.memref_slice %arg15[%dma_start3A_44, %dma_start3A_45] : memref<5376x128xf32, #tpu.memory_space<vmem_shared>> -> memref<5376x128xf32, #tpu.memory_space<vmem_shared>>
          tpu.enqueue_indirect_dma source(%arg12 : memref<200x128xf32, #tpu.memory_space<vmem>>) target(%dma_start3A_46 : memref<5376x128xf32, #tpu.memory_space<vmem_shared>>) offsets(%arg9 : memref<200xi32, #tpu.memory_space<vmem>>) semaphore(%run_scoped3A : memref<!tpu.dma_semaphore, #tpu.memory_space<semaphore_mem>>) {add = true}
          %dma_wait3A_47 = arith.constant 0 : i32
          %dma_wait3A_48 = arith.constant 0 : i32
          %dma_wait3A_49 = tpu.memref_slice %arg15[%dma_wait3A_47, %dma_wait3A_48] : memref<5376x128xf32, #tpu.memory_space<vmem_shared>> -> memref<5376x128xf32, #tpu.memory_space<vmem_shared>>
          tpu.wait_indirect_dma semaphore(%run_scoped3A : memref<!tpu.dma_semaphore, #tpu.memory_space<semaphore_mem>>) src(%arg12 : memref<200x128xf32, #tpu.memory_space<vmem>>) dst(%dma_wait3A_49 : memref<5376x128xf32, #tpu.memory_space<vmem_shared>>)
          tpu.yield
        }) : () -> ()
        %dma_wait3A_41 = arith.constant 0 : i32
        %dma_wait3A_42 = arith.constant 0 : i32
        %dma_wait3A_43 = tpu.memref_slice %arg2[%dma_wait3A_41, %dma_wait3A_42] : memref<10240x128xf32, #tpu.memory_space<hbm>> -> memref<10240x128xf32, #tpu.memory_space<hbm>>
        tpu.wait_indirect_dma semaphore(%arg17 : memref<!tpu.dma_semaphore, #tpu.memory_space<semaphore_mem>>) src(%dma_wait3A_43 : memref<10240x128xf32, #tpu.memory_space<hbm>>) dst(%arg13 : memref<200x128xf32, #tpu.memory_space<vmem>>)
        "tpu.region"() ({
          %run_scoped3A = tpu.sem_alloc : memref<!tpu.dma_semaphore, #tpu.memory_space<semaphore_mem>>
          %dma_start3A_44 = arith.constant 0 : i32
          %dma_start3A_45 = arith.constant 0 : i32
          %dma_start3A_46 = tpu.memref_slice %arg15[%dma_start3A_44, %dma_start3A_45] : memref<5376x128xf32, #tpu.memory_space<vmem_shared>> -> memref<5376x128xf32, #tpu.memory_space<vmem_shared>>
          tpu.enqueue_indirect_dma source(%arg13 : memref<200x128xf32, #tpu.memory_space<vmem>>) target(%dma_start3A_46 : memref<5376x128xf32, #tpu.memory_space<vmem_shared>>) offsets(%arg11 : memref<200xi32, #tpu.memory_space<vmem>>) semaphore(%run_scoped3A : memref<!tpu.dma_semaphore, #tpu.memory_space<semaphore_mem>>) {add = true}
          %dma_wait3A_47 = arith.constant 0 : i32
          %dma_wait3A_48 = arith.constant 0 : i32
          %dma_wait3A_49 = tpu.memref_slice %arg15[%dma_wait3A_47, %dma_wait3A_48] : memref<5376x128xf32, #tpu.memory_space<vmem_shared>> -> memref<5376x128xf32, #tpu.memory_space<vmem_shared>>
          tpu.wait_indirect_dma semaphore(%run_scoped3A : memref<!tpu.dma_semaphore, #tpu.memory_space<semaphore_mem>>) src(%arg13 : memref<200x128xf32, #tpu.memory_space<vmem>>) dst(%dma_wait3A_49 : memref<5376x128xf32, #tpu.memory_space<vmem_shared>>)
          tpu.yield
        }) : () -> ()
      }
      %scan3A_22 = arith.constant 50 : i32
    } else {
    }
    %barrier3A_12 = arith.constant 0 : index
    tpu.barrier barrier_id(%barrier3A_12)
    %scan3A_13 = arith.constant 0 : i32
    %scan3A_14 = arith.constant 7 : i32
    %scan3A_15 = arith.addi %scan3A_13, %scan3A_14 : i32
    %scan3A_16 = arith.constant 1 : i32
    scf.for %scan3A_18 = %scan3A_13 to %scan3A_15 step %scan3A_16  : i32 {
      %mul3A_19 = arith.constant 1 : i32
      %mul3A_20 = arith.muli %scan3A_18, %mul3A_19 : i32
      %add3A = arith.constant 0 : i32
      %add3A_21 = arith.addi %add3A, %mul3A_20 : i32
      %mul3A_22 = arith.constant 336 : i32
      %mul3A_23 = arith.muli %arg1, %mul3A_22 : i32
      %mul3A_24 = arith.constant 48 : i32
      %mul3A_25 = arith.muli %add3A_21, %mul3A_24 : i32
      %add3A_26 = arith.addi %mul3A_23, %mul3A_25 : i32
      "tpu.region"() ({
        %run_scoped3A = tpu.sem_alloc : memref<!tpu.dma_semaphore, #tpu.memory_space<semaphore_mem>>
        %dma_start3A = arith.constant 0 : i32
        %dma_start3A_27 = tpu.memref_slice %arg15[%add3A_26, %dma_start3A] : memref<5376x128xf32, #tpu.memory_space<vmem_shared>> -> memref<48x128xf32, #tpu.memory_space<vmem_shared>>
        %dma_start3A_28 = arith.constant 0 : i32
        %dma_start3A_29 = tpu.memref_slice %arg15[%add3A_26, %dma_start3A_28] : memref<5376x128xf32, #tpu.memory_space<vmem_shared>> -> memref<48x128xf32, #tpu.memory_space<vmem_shared>>
        tpu.enqueue_dma source(%dma_start3A_29 : memref<48x128xf32, #tpu.memory_space<vmem_shared>>) target(%arg14 : memref<48x128xf32, #tpu.memory_space<vmem>>) target_semaphore(%run_scoped3A : memref<!tpu.dma_semaphore, #tpu.memory_space<semaphore_mem>>)
        %dma_wait3A = arith.constant 0 : i32
        %dma_wait3A_30 = tpu.memref_slice %arg15[%add3A_26, %dma_wait3A] : memref<5376x128xf32, #tpu.memory_space<vmem_shared>> -> memref<48x128xf32, #tpu.memory_space<vmem_shared>>
        %dma_wait3A_31 = arith.constant 0 : i32
        %dma_wait3A_32 = tpu.memref_slice %arg15[%add3A_26, %dma_wait3A_31] : memref<5376x128xf32, #tpu.memory_space<vmem_shared>> -> memref<48x128xf32, #tpu.memory_space<vmem_shared>>
        tpu.wait_dma2 semaphore(%run_scoped3A : memref<!tpu.dma_semaphore, #tpu.memory_space<semaphore_mem>>) src(%dma_wait3A_32 : memref<48x128xf32, #tpu.memory_space<vmem_shared>>) dst(%arg14 : memref<48x128xf32, #tpu.memory_space<vmem>>)
        tpu.yield
      }) : () -> ()
      "tpu.region"() ({
        %run_scoped3A = tpu.sem_alloc : memref<!tpu.dma_semaphore, #tpu.memory_space<semaphore_mem>>
        %dma_start3A = arith.constant 0 : i32
        %dma_start3A_27 = tpu.memref_slice %arg7[%arg0, %add3A_26, %dma_start3A] : memref<2x5376x128xf32, #tpu.memory_space<hbm>> -> memref<1x48x128xf32, #tpu.memory_space<hbm>>
        %dma_start3A_28 = tpu.memref_squeeze %dma_start3A_27 : memref<1x48x128xf32, #tpu.memory_space<hbm>> -> memref<48x128xf32, #tpu.memory_space<hbm>>
        %dma_start3A_29 = arith.constant 0 : i32
        %dma_start3A_30 = tpu.memref_slice %arg7[%arg0, %add3A_26, %dma_start3A_29] : memref<2x5376x128xf32, #tpu.memory_space<hbm>> -> memref<1x48x128xf32, #tpu.memory_space<hbm>>
        %dma_start3A_31 = tpu.memref_squeeze %dma_start3A_30 : memref<1x48x128xf32, #tpu.memory_space<hbm>> -> memref<48x128xf32, #tpu.memory_space<hbm>>
        tpu.enqueue_dma source(%arg14 : memref<48x128xf32, #tpu.memory_space<vmem>>) target(%dma_start3A_31 : memref<48x128xf32, #tpu.memory_space<hbm>>) target_semaphore(%run_scoped3A : memref<!tpu.dma_semaphore, #tpu.memory_space<semaphore_mem>>)
        %dma_wait3A = arith.constant 0 : i32
        %dma_wait3A_32 = tpu.memref_slice %arg7[%arg0, %add3A_26, %dma_wait3A] : memref<2x5376x128xf32, #tpu.memory_space<hbm>> -> memref<1x48x128xf32, #tpu.memory_space<hbm>>
        %dma_wait3A_33 = tpu.memref_squeeze %dma_wait3A_32 : memref<1x48x128xf32, #tpu.memory_space<hbm>> -> memref<48x128xf32, #tpu.memory_space<hbm>>
        %dma_wait3A_34 = arith.constant 0 : i32
        %dma_wait3A_35 = tpu.memref_slice %arg7[%arg0, %add3A_26, %dma_wait3A_34] : memref<2x5376x128xf32, #tpu.memory_space<hbm>> -> memref<1x48x128xf32, #tpu.memory_space<hbm>>
        %dma_wait3A_36 = tpu.memref_squeeze %dma_wait3A_35 : memref<1x48x128xf32, #tpu.memory_space<hbm>> -> memref<48x128xf32, #tpu.memory_space<hbm>>
        tpu.wait_dma2 semaphore(%run_scoped3A : memref<!tpu.dma_semaphore, #tpu.memory_space<semaphore_mem>>) src(%arg14 : memref<48x128xf32, #tpu.memory_space<vmem>>) dst(%dma_wait3A_36 : memref<48x128xf32, #tpu.memory_space<hbm>>)
        tpu.yield
      }) : () -> ()
    }
    %scan3A_17 = arith.constant 7 : i32
    return
  }
}

module attributes {stable_mosaic.version = 14 : i64} {
  func.func @_t1_body(%arg0: i32, %arg1: memref<1024x128xf32, #tpu.memory_space<vmem>>, %arg2: memref<1024x128xf32, #tpu.memory_space<vmem>>, %arg3: memref<128x64xf32, #tpu.memory_space<vmem>>, %arg4: memref<1x64xf32, #tpu.memory_space<vmem>>, %arg5: memref<64x64xf32, #tpu.memory_space<vmem>>, %arg6: memref<1x64xf32, #tpu.memory_space<vmem>>, %arg7: memref<64x1xf32, #tpu.memory_space<vmem>>, %arg8: memref<1024x64xf32, #tpu.memory_space<vmem>>, %arg9: memref<1024x1xf32, #tpu.memory_space<vmem>>) attributes {dimension_semantics = [#tpu.dimension_semantics<arbitrary>], iteration_bounds = array<i64: 10>, scalar_prefetch = 0 : i64, scratch_operands = 0 : i64, tpu.core_type = #tpu.core_type<tc>, window_params = [{transform_indices = @transform_0, window_bounds = array<i64: 1024, 128>}, {transform_indices = @transform_1, window_bounds = array<i64: 1024, 128>}, {pipeline_mode = #tpu.pipeline_mode<synchronous>, transform_indices = @transform_2, window_bounds = array<i64: 128, 64>}, {pipeline_mode = #tpu.pipeline_mode<synchronous>, transform_indices = @transform_3, window_bounds = array<i64: 1, 64>}, {pipeline_mode = #tpu.pipeline_mode<synchronous>, transform_indices = @transform_4, window_bounds = array<i64: 64, 64>}, {pipeline_mode = #tpu.pipeline_mode<synchronous>, transform_indices = @transform_5, window_bounds = array<i64: 1, 64>}, {pipeline_mode = #tpu.pipeline_mode<synchronous>, transform_indices = @transform_6, window_bounds = array<i64: 64, 1>}, {transform_indices = @transform_7, window_bounds = array<i64: 1024, 64>}, {transform_indices = @transform_8, window_bounds = array<i64: 1024, 1>}]} {
    %get3A = arith.constant 0 : index
    %get3A_0 = arith.constant 0 : index
    %get3A_1 = vector.load %arg1[%get3A, %get3A_0] : memref<1024x128xf32, #tpu.memory_space<vmem>>, vector<1024x128xf32>
    %get3A_2 = arith.constant 0 : index
    %get3A_3 = arith.constant 0 : index
    %get3A_4 = vector.load %arg2[%get3A_2, %get3A_3] : memref<1024x128xf32, #tpu.memory_space<vmem>>, vector<1024x128xf32>
    %add3A = arith.addf %get3A_1, %get3A_4 : vector<1024x128xf32>
    %get3A_5 = arith.constant 0 : index
    %get3A_6 = arith.constant 0 : index
    %get3A_7 = vector.load %arg3[%get3A_5, %get3A_6] : memref<128x64xf32, #tpu.memory_space<vmem>>, vector<128x64xf32>
    %dot_general3A = arith.constant dense<0.000000e+00> : vector<1024x64xf32>
    %dot_general3A_8 = tpu.matmul %add3A, %get3A_7, %dot_general3A {dimension_numbers = #tpu.dot_dimension_numbers<[1], [0], [0], [1], [0, 0, 1, 1], [], []>, transpose_lhs_hint = false} : vector<1024x128xf32>, vector<128x64xf32>, vector<1024x64xf32> -> vector<1024x64xf32>
    %get3A_9 = arith.constant 0 : index
    %get3A_10 = arith.constant 0 : index
    %get3A_11 = vector.load %arg4[%get3A_9, %get3A_10] : memref<1x64xf32, #tpu.memory_space<vmem>>, vector<1x64xf32>
    %add3A_12 = vector.broadcast %get3A_11 : vector<1x64xf32> to vector<1024x64xf32>
    %add3A_13 = arith.addf %dot_general3A_8, %add3A_12 : vector<1024x64xf32>
    %max3A = arith.constant 0.000000e+00 : f32
    %max3A_14 = vector.broadcast %max3A : f32 to vector<1024x64xf32>
    %max3A_15 = arith.maximumf %add3A_13, %max3A_14 : vector<1024x64xf32>
    %get3A_16 = arith.constant 0 : index
    %get3A_17 = arith.constant 0 : index
    %get3A_18 = vector.load %arg5[%get3A_16, %get3A_17] : memref<64x64xf32, #tpu.memory_space<vmem>>, vector<64x64xf32>
    %dot_general3A_19 = arith.constant dense<0.000000e+00> : vector<1024x64xf32>
    %dot_general3A_20 = tpu.matmul %max3A_15, %get3A_18, %dot_general3A_19 {dimension_numbers = #tpu.dot_dimension_numbers<[1], [0], [0], [1], [0, 0, 1, 1], [], []>, transpose_lhs_hint = false} : vector<1024x64xf32>, vector<64x64xf32>, vector<1024x64xf32> -> vector<1024x64xf32>
    %get3A_21 = arith.constant 0 : index
    %get3A_22 = arith.constant 0 : index
    %get3A_23 = vector.load %arg6[%get3A_21, %get3A_22] : memref<1x64xf32, #tpu.memory_space<vmem>>, vector<1x64xf32>
    %add3A_24 = vector.broadcast %get3A_23 : vector<1x64xf32> to vector<1024x64xf32>
    %add3A_25 = arith.addf %dot_general3A_20, %add3A_24 : vector<1024x64xf32>
    %max3A_26 = arith.constant 0.000000e+00 : f32
    %max3A_27 = vector.broadcast %max3A_26 : f32 to vector<1024x64xf32>
    %max3A_28 = arith.maximumf %add3A_25, %max3A_27 : vector<1024x64xf32>
    %swap3A = arith.constant 0 : index
    %swap3A_29 = arith.constant 0 : index
    %swap3A_30 = vector.load %arg8[%swap3A, %swap3A_29] : memref<1024x64xf32, #tpu.memory_space<vmem>>, vector<1024x64xf32>
    tpu.vector_store %arg8[%swap3A, %swap3A_29], %max3A_28 {strides = array<i32>} : memref<1024x64xf32, #tpu.memory_space<vmem>>, vector<1024x64xf32>,
    %get3A_31 = arith.constant 0 : index
    %get3A_32 = arith.constant 0 : index
    %get3A_33 = vector.load %arg7[%get3A_31, %get3A_32] : memref<64x1xf32, #tpu.memory_space<vmem>>, vector<64x1xf32>
    %dot_general3A_34 = arith.constant dense<0.000000e+00> : vector<1024x1xf32>
    %dot_general3A_35 = tpu.matmul %max3A_28, %get3A_33, %dot_general3A_34 {dimension_numbers = #tpu.dot_dimension_numbers<[1], [0], [0], [1], [0, 0, 1, 1], [], []>, transpose_lhs_hint = false} : vector<1024x64xf32>, vector<64x1xf32>, vector<1024x1xf32> -> vector<1024x1xf32>
    %swap3A_36 = arith.constant 0 : index
    %swap3A_37 = arith.constant 0 : index
    %swap3A_38 = vector.load %arg9[%swap3A_36, %swap3A_37] : memref<1024x1xf32, #tpu.memory_space<vmem>>, vector<1024x1xf32>
    tpu.vector_store %arg9[%swap3A_36, %swap3A_37], %dot_general3A_35 {strides = array<i32>} : memref<1024x1xf32, #tpu.memory_space<vmem>>, vector<1024x1xf32>,
    return
  }
  func.func @transform_0(%arg0: i32) -> (i32, i32) {
    %c0_i32 = arith.constant 0 : i32
    %c0_i32_0 = arith.constant 0 : i32
    return %arg0, %c0_i32 : i32, i32
  }
  func.func @transform_1(%arg0: i32) -> (i32, i32) {
    %c0_i32 = arith.constant 0 : i32
    %c0_i32_0 = arith.constant 0 : i32
    return %arg0, %c0_i32 : i32, i32
  }
  func.func @transform_2(%arg0: i32) -> (i32, i32) {
    %c0_i32 = arith.constant 0 : i32
    %c0_i32_0 = arith.constant 0 : i32
    %c0_i32_1 = arith.constant 0 : i32
    return %c0_i32, %c0_i32_0 : i32, i32
  }
  func.func @transform_3(%arg0: i32) -> (i32, i32) {
    %c0_i32 = arith.constant 0 : i32
    %c0_i32_0 = arith.constant 0 : i32
    %c0_i32_1 = arith.constant 0 : i32
    return %c0_i32, %c0_i32_0 : i32, i32
  }
  func.func @transform_4(%arg0: i32) -> (i32, i32) {
    %c0_i32 = arith.constant 0 : i32
    %c0_i32_0 = arith.constant 0 : i32
    %c0_i32_1 = arith.constant 0 : i32
    return %c0_i32, %c0_i32_0 : i32, i32
  }
  func.func @transform_5(%arg0: i32) -> (i32, i32) {
    %c0_i32 = arith.constant 0 : i32
    %c0_i32_0 = arith.constant 0 : i32
    %c0_i32_1 = arith.constant 0 : i32
    return %c0_i32, %c0_i32_0 : i32, i32
  }
  func.func @transform_6(%arg0: i32) -> (i32, i32) {
    %c0_i32 = arith.constant 0 : i32
    %c0_i32_0 = arith.constant 0 : i32
    %c0_i32_1 = arith.constant 0 : i32
    return %c0_i32, %c0_i32_0 : i32, i32
  }
  func.func @transform_7(%arg0: i32) -> (i32, i32) {
    %c0_i32 = arith.constant 0 : i32
    %c0_i32_0 = arith.constant 0 : i32
    return %arg0, %c0_i32 : i32, i32
  }
  func.func @transform_8(%arg0: i32) -> (i32, i32) {
    %c0_i32 = arith.constant 0 : i32
    %c0_i32_0 = arith.constant 0 : i32
    return %arg0, %c0_i32 : i32, i32
  }
}

module attributes {stable_mosaic.version = 14 : i64} {
  func.func @_t2a_body(%arg0: memref<10240x1xf32, #tpu.memory_space<vmem>>, %arg1: memref<10240x1xf32, #tpu.memory_space<vmem>>, %arg2: memref<10240x1xf32, #tpu.memory_space<vmem>>, %arg3: memref<10240x1xf32, #tpu.memory_space<vmem>>, %arg4: memref<10240x1xf32, #tpu.memory_space<vmem>>) attributes {dimension_semantics = [], scalar_prefetch = 0 : i64, scratch_operands = 0 : i64, tpu.core_type = #tpu.core_type<tc>} {
    %get3A = arith.constant 0 : index
    %get3A_0 = arith.constant 0 : index
    %get3A_1 = vector.load %arg2[%get3A, %get3A_0] : memref<10240x1xf32, #tpu.memory_space<vmem>>, vector<10240x1xf32>
    %get3A_2 = arith.constant 0 : index
    %get3A_3 = arith.constant 0 : index
    %get3A_4 = vector.load %arg1[%get3A_2, %get3A_3] : memref<10240x1xf32, #tpu.memory_space<vmem>>, vector<10240x1xf32>
    %mul3A = arith.mulf %get3A_1, %get3A_4 : vector<10240x1xf32>
    %add3A = arith.addf %mul3A, %get3A_1 : vector<10240x1xf32>
    %gt3A = arith.constant 0.000000e+00 : f32
    %gt3A_5 = vector.broadcast %gt3A : f32 to vector<10240x1xf32>
    %gt3A_6 = arith.cmpf ogt, %add3A, %gt3A_5 : vector<10240x1xf32>
    %sqrt3A = math.sqrt %add3A : vector<10240x1xf32>
    %div3A = arith.constant 1.000000e+00 : f32
    %div3A_7 = vector.broadcast %div3A : f32 to vector<10240x1xf32>
    %div3A_8 = arith.divf %div3A_7, %sqrt3A : vector<10240x1xf32>
    %jit3A = arith.constant 0.000000e+00 : f32
    %broadcast_in_dim3A = vector.broadcast %jit3A : f32 to vector<10240x1xf32>
    %select_n3A = arith.select %gt3A_6, %div3A_8, %broadcast_in_dim3A : vector<10240x1xi1>, vector<10240x1xf32>
    %swap3A = arith.constant 0 : index
    %swap3A_9 = arith.constant 0 : index
    %swap3A_10 = vector.load %arg4[%swap3A, %swap3A_9] : memref<10240x1xf32, #tpu.memory_space<vmem>>, vector<10240x1xf32>
    tpu.vector_store %arg4[%swap3A, %swap3A_9], %select_n3A {strides = array<i32>} : memref<10240x1xf32, #tpu.memory_space<vmem>>, vector<10240x1xf32>,
    %mul3A_11 = arith.mulf %select_n3A, %get3A_1 : vector<10240x1xf32>
    %get3A_12 = arith.constant 0 : index
    %get3A_13 = arith.constant 0 : index
    %get3A_14 = vector.load %arg0[%get3A_12, %get3A_13] : memref<10240x1xf32, #tpu.memory_space<vmem>>, vector<10240x1xf32>
    %mul3A_15 = arith.mulf %mul3A_11, %get3A_14 : vector<10240x1xf32>
    %swap3A_16 = arith.constant 0 : index
    %swap3A_17 = arith.constant 0 : index
    %swap3A_18 = vector.load %arg3[%swap3A_16, %swap3A_17] : memref<10240x1xf32, #tpu.memory_space<vmem>>, vector<10240x1xf32>
    tpu.vector_store %arg3[%swap3A_16, %swap3A_17], %mul3A_15 {strides = array<i32>} : memref<10240x1xf32, #tpu.memory_space<vmem>>, vector<10240x1xf32>,
    return
  }
}

module attributes {stable_mosaic.version = 14 : i64} {
  func.func @_t2b_body(%arg0: memref<10240x1xf32, #tpu.memory_space<vmem>>, %arg1: memref<10240x1xf32, #tpu.memory_space<vmem>>, %arg2: memref<10240x1xf32, #tpu.memory_space<vmem>>, %arg3: memref<10240x1xf32, #tpu.memory_space<vmem>>, %arg4: memref<1x1xf32, #tpu.memory_space<vmem>>, %arg5: memref<10240x1xi32, #tpu.memory_space<vmem>>, %arg6: memref<10240x64xf32, #tpu.memory_space<vmem>>, %arg7: memref<10240x64xf32, #tpu.memory_space<vmem>>, %arg8: memref<10240x1xf32, #tpu.memory_space<vmem>>, %arg9: memref<10240x1xf32, #tpu.memory_space<vmem>>) attributes {dimension_semantics = [], scalar_prefetch = 0 : i64, scratch_operands = 0 : i64, tpu.core_type = #tpu.core_type<tc>} {
    %iota3A = tpu.iota {dimensions = array<i32: 1>} : vector<1024x65xi32>
    %broadcast_in_dim3A = arith.constant 0xFF800000 : f32
    %broadcast_in_dim3A_0 = vector.broadcast %broadcast_in_dim3A : f32 to vector<1x65xf32>
    %scan3A = arith.constant 0 : i32
    %scan3A_1 = arith.constant 10 : i32
    %scan3A_2 = arith.addi %scan3A, %scan3A_1 : i32
    %scan3A_3 = arith.constant 1 : i32
    %scan3A_4 = scf.for %scan3A_27 = %scan3A to %scan3A_2 step %scan3A_3 iter_args(%scan3A_28 = %broadcast_in_dim3A_0) -> (vector<1x65xf32>)  : i32 {
      %mul3A = arith.constant 1024 : i32
      %mul3A_29 = arith.muli %scan3A_27, %mul3A : i32
      %get3A = arith.index_cast %mul3A_29 : i32 to index
      %get3A_30 = arith.constant 0 : index
      %get3A_31 = vector.load %arg2[%get3A, %get3A_30] : memref<10240x1xf32, #tpu.memory_space<vmem>>, vector<1024x1xf32>
      %get3A_32 = arith.index_cast %mul3A_29 : i32 to index
      %get3A_33 = arith.constant 0 : index
      %get3A_34 = vector.load %arg5[%get3A_32, %get3A_33] : memref<10240x1xi32, #tpu.memory_space<vmem>>, vector<1024x1xi32>
      %get3A_35 = arith.index_cast %mul3A_29 : i32 to index
      %get3A_36 = arith.constant 0 : index
      %get3A_37 = vector.load %arg1[%get3A_35, %get3A_36] : memref<10240x1xf32, #tpu.memory_space<vmem>>, vector<1024x1xf32>
      %gt3A = arith.constant 0.000000e+00 : f32
      %gt3A_38 = vector.broadcast %gt3A : f32 to vector<1024x1xf32>
      %gt3A_39 = arith.cmpf ogt, %get3A_31, %gt3A_38 : vector<1024x1xf32>
      %jit3A = arith.constant 64 : i32
      %broadcast_in_dim3A_40 = vector.broadcast %jit3A : i32 to vector<1024x1xi32>
      %select_n3A = arith.select %gt3A_39, %get3A_34, %broadcast_in_dim3A_40 : vector<1024x1xi1>, vector<1024x1xi32>
      %eq3A = vector.broadcast %select_n3A : vector<1024x1xi32> to vector<1024x65xi32>
      %eq3A_41 = arith.cmpi eq, %eq3A, %iota3A : vector<1024x65xi32>
      %mul3A_42 = arith.mulf %get3A_37, %get3A_31 : vector<1024x1xf32>
      %get3A_43 = arith.index_cast %mul3A_29 : i32 to index
      %get3A_44 = arith.constant 0 : index
      %get3A_45 = vector.load %arg0[%get3A_43, %get3A_44] : memref<10240x1xf32, #tpu.memory_space<vmem>>, vector<1024x1xf32>
      %mul3A_46 = arith.mulf %mul3A_42, %get3A_45 : vector<1024x1xf32>
      %mul3A_47 = arith.mulf %get3A_37, %get3A_37 : vector<1024x1xf32>
      %mul3A_48 = arith.mulf %mul3A_47, %get3A_31 : vector<1024x1xf32>
      %get3A_49 = arith.index_cast %mul3A_29 : i32 to index
      %get3A_50 = arith.constant 0 : index
      %get3A_51 = vector.load %arg3[%get3A_49, %get3A_50] : memref<10240x1xf32, #tpu.memory_space<vmem>>, vector<1024x1xf32>
      %mul3A_52 = arith.mulf %mul3A_48, %get3A_51 : vector<1024x1xf32>
      %add3A = arith.addf %mul3A_46, %mul3A_52 : vector<1024x1xf32>
      %get3A_53 = arith.constant 0 : index
      %get3A_54 = arith.constant 0 : index
      %get3A_55 = vector.load %arg4[%get3A_53, %get3A_54] : memref<1x1xf32, #tpu.memory_space<vmem>>, vector<1x1xf32>
      %get3A_56 = vector.extract %get3A_55[0, 0] : f32 from vector<1x1xf32>
      %add3A_57 = vector.broadcast %get3A_56 : f32 to vector<1024x1xf32>
      %add3A_58 = arith.addf %add3A, %add3A_57 : vector<1024x1xf32>
      %jit3A_59 = arith.constant 0xFF800000 : f32
      %broadcast_in_dim3A_60 = vector.shape_cast %add3A_58 : vector<1024x1xf32> to vector<1024x1xf32>
      %broadcast_in_dim3A_61 = vector.broadcast %broadcast_in_dim3A_60 : vector<1024x1xf32> to vector<1024x65xf32>
      %broadcast_in_dim3A_62 = vector.broadcast %jit3A_59 : f32 to vector<1024x65xf32>
      %select_n3A_63 = arith.select %eq3A_41, %broadcast_in_dim3A_61, %broadcast_in_dim3A_62 : vector<1024x65xi1>, vector<1024x65xf32>
      %reduce_max3A = arith.constant dense<0xFF800000> : vector<65xf32>
      %reduce_max3A_64 = vector.multi_reduction <maximumf>, %select_n3A_63, %reduce_max3A [0] : vector<1024x65xf32> to vector<65xf32>
      %broadcast_in_dim3A_65 = vector.shape_cast %reduce_max3A_64 : vector<65xf32> to vector<1x65xf32>
      %max3A = arith.maximumf %scan3A_28, %broadcast_in_dim3A_65 : vector<1x65xf32>
      scf.yield %max3A : vector<1x65xf32>
    }
    %scan3A_5 = arith.constant 10 : i32
    %broadcast_in_dim3A_6 = arith.constant 0.000000e+00 : f32
    %broadcast_in_dim3A_7 = vector.broadcast %broadcast_in_dim3A_6 : f32 to vector<1x65xf32>
    %scan3A_8 = arith.constant 0 : i32
    %scan3A_9 = arith.constant 10 : i32
    %scan3A_10 = arith.addi %scan3A_8, %scan3A_9 : i32
    %scan3A_11 = arith.constant 1 : i32
    %scan3A_12 = scf.for %scan3A_27 = %scan3A_8 to %scan3A_10 step %scan3A_11 iter_args(%scan3A_28 = %broadcast_in_dim3A_7) -> (vector<1x65xf32>)  : i32 {
      %mul3A = arith.constant 1024 : i32
      %mul3A_29 = arith.muli %scan3A_27, %mul3A : i32
      %get3A = arith.index_cast %mul3A_29 : i32 to index
      %get3A_30 = arith.constant 0 : index
      %get3A_31 = vector.load %arg2[%get3A, %get3A_30] : memref<10240x1xf32, #tpu.memory_space<vmem>>, vector<1024x1xf32>
      %get3A_32 = arith.index_cast %mul3A_29 : i32 to index
      %get3A_33 = arith.constant 0 : index
      %get3A_34 = vector.load %arg5[%get3A_32, %get3A_33] : memref<10240x1xi32, #tpu.memory_space<vmem>>, vector<1024x1xi32>
      %get3A_35 = arith.index_cast %mul3A_29 : i32 to index
      %get3A_36 = arith.constant 0 : index
      %get3A_37 = vector.load %arg1[%get3A_35, %get3A_36] : memref<10240x1xf32, #tpu.memory_space<vmem>>, vector<1024x1xf32>
      %gt3A = arith.constant 0.000000e+00 : f32
      %gt3A_38 = vector.broadcast %gt3A : f32 to vector<1024x1xf32>
      %gt3A_39 = arith.cmpf ogt, %get3A_31, %gt3A_38 : vector<1024x1xf32>
      %jit3A = arith.constant 64 : i32
      %broadcast_in_dim3A_40 = vector.broadcast %jit3A : i32 to vector<1024x1xi32>
      %select_n3A = arith.select %gt3A_39, %get3A_34, %broadcast_in_dim3A_40 : vector<1024x1xi1>, vector<1024x1xi32>
      %eq3A = vector.broadcast %select_n3A : vector<1024x1xi32> to vector<1024x65xi32>
      %eq3A_41 = arith.cmpi eq, %eq3A, %iota3A : vector<1024x65xi32>
      %mul3A_42 = arith.mulf %get3A_37, %get3A_31 : vector<1024x1xf32>
      %get3A_43 = arith.index_cast %mul3A_29 : i32 to index
      %get3A_44 = arith.constant 0 : index
      %get3A_45 = vector.load %arg0[%get3A_43, %get3A_44] : memref<10240x1xf32, #tpu.memory_space<vmem>>, vector<1024x1xf32>
      %mul3A_46 = arith.mulf %mul3A_42, %get3A_45 : vector<1024x1xf32>
      %mul3A_47 = arith.mulf %get3A_37, %get3A_37 : vector<1024x1xf32>
      %mul3A_48 = arith.mulf %mul3A_47, %get3A_31 : vector<1024x1xf32>
      %get3A_49 = arith.index_cast %mul3A_29 : i32 to index
      %get3A_50 = arith.constant 0 : index
      %get3A_51 = vector.load %arg3[%get3A_49, %get3A_50] : memref<10240x1xf32, #tpu.memory_space<vmem>>, vector<1024x1xf32>
      %mul3A_52 = arith.mulf %mul3A_48, %get3A_51 : vector<1024x1xf32>
      %add3A = arith.addf %mul3A_46, %mul3A_52 : vector<1024x1xf32>
      %get3A_53 = arith.constant 0 : index
      %get3A_54 = arith.constant 0 : index
      %get3A_55 = vector.load %arg4[%get3A_53, %get3A_54] : memref<1x1xf32, #tpu.memory_space<vmem>>, vector<1x1xf32>
      %get3A_56 = vector.extract %get3A_55[0, 0] : f32 from vector<1x1xf32>
      %add3A_57 = vector.broadcast %get3A_56 : f32 to vector<1024x1xf32>
      %add3A_58 = arith.addf %add3A, %add3A_57 : vector<1024x1xf32>
      %jit3A_59 = arith.constant 0.000000e+00 : f32
      %broadcast_in_dim3A_60 = vector.shape_cast %scan3A_4 : vector<1x65xf32> to vector<1x65xf32>
      %broadcast_in_dim3A_61 = vector.broadcast %broadcast_in_dim3A_60 : vector<1x65xf32> to vector<1024x65xf32>
      %broadcast_in_dim3A_62 = vector.broadcast %jit3A_59 : f32 to vector<1024x65xf32>
      %select_n3A_63 = arith.select %eq3A_41, %broadcast_in_dim3A_61, %broadcast_in_dim3A_62 : vector<1024x65xi1>, vector<1024x65xf32>
      %reduce_sum3A = arith.constant dense<0.000000e+00> : vector<1024xf32>
      %reduce_sum3A_64 = vector.multi_reduction <add>, %select_n3A_63, %reduce_sum3A [1] : vector<1024x65xf32> to vector<1024xf32>
      %broadcast_in_dim3A_65 = vector.shape_cast %reduce_sum3A_64 : vector<1024xf32> to vector<1024x1xf32>
      %sub3A = arith.subf %add3A_58, %broadcast_in_dim3A_65 : vector<1024x1xf32>
      %exp3A = math.exp %sub3A : vector<1024x1xf32>
      %jit3A_66 = arith.constant 0.000000e+00 : f32
      %broadcast_in_dim3A_67 = vector.shape_cast %exp3A : vector<1024x1xf32> to vector<1024x1xf32>
      %broadcast_in_dim3A_68 = vector.broadcast %broadcast_in_dim3A_67 : vector<1024x1xf32> to vector<1024x65xf32>
      %broadcast_in_dim3A_69 = vector.broadcast %jit3A_66 : f32 to vector<1024x65xf32>
      %select_n3A_70 = arith.select %eq3A_41, %broadcast_in_dim3A_68, %broadcast_in_dim3A_69 : vector<1024x65xi1>, vector<1024x65xf32>
      %reduce_sum3A_71 = arith.constant dense<0.000000e+00> : vector<65xf32>
      %reduce_sum3A_72 = vector.multi_reduction <add>, %select_n3A_70, %reduce_sum3A_71 [0] : vector<1024x65xf32> to vector<65xf32>
      %broadcast_in_dim3A_73 = vector.shape_cast %reduce_sum3A_72 : vector<65xf32> to vector<1x65xf32>
      %add3A_74 = arith.addf %scan3A_28, %broadcast_in_dim3A_73 : vector<1x65xf32>
      scf.yield %add3A_74 : vector<1x65xf32>
    }
    %scan3A_13 = arith.constant 10 : i32
    %broadcast_in_dim3A_14 = arith.constant 0xFF800000 : f32
    %broadcast_in_dim3A_15 = vector.broadcast %broadcast_in_dim3A_14 : f32 to vector<1x65xf32>
    %scan3A_16 = arith.constant 0 : i32
    %scan3A_17 = arith.constant 10 : i32
    %scan3A_18 = arith.addi %scan3A_16, %scan3A_17 : i32
    %scan3A_19 = arith.constant 1 : i32
    %scan3A_20 = scf.for %scan3A_27 = %scan3A_16 to %scan3A_18 step %scan3A_19 iter_args(%scan3A_28 = %broadcast_in_dim3A_15) -> (vector<1x65xf32>)  : i32 {
      %mul3A = arith.constant 1024 : i32
      %mul3A_29 = arith.muli %scan3A_27, %mul3A : i32
      %get3A = arith.index_cast %mul3A_29 : i32 to index
      %get3A_30 = arith.constant 0 : index
      %get3A_31 = vector.load %arg2[%get3A, %get3A_30] : memref<10240x1xf32, #tpu.memory_space<vmem>>, vector<1024x1xf32>
      %get3A_32 = arith.index_cast %mul3A_29 : i32 to index
      %get3A_33 = arith.constant 0 : index
      %get3A_34 = vector.load %arg5[%get3A_32, %get3A_33] : memref<10240x1xi32, #tpu.memory_space<vmem>>, vector<1024x1xi32>
      %get3A_35 = arith.index_cast %mul3A_29 : i32 to index
      %get3A_36 = arith.constant 0 : index
      %get3A_37 = vector.load %arg1[%get3A_35, %get3A_36] : memref<10240x1xf32, #tpu.memory_space<vmem>>, vector<1024x1xf32>
      %gt3A = arith.constant 0.000000e+00 : f32
      %gt3A_38 = vector.broadcast %gt3A : f32 to vector<1024x1xf32>
      %gt3A_39 = arith.cmpf ogt, %get3A_31, %gt3A_38 : vector<1024x1xf32>
      %jit3A = arith.constant 64 : i32
      %broadcast_in_dim3A_40 = vector.broadcast %jit3A : i32 to vector<1024x1xi32>
      %select_n3A = arith.select %gt3A_39, %get3A_34, %broadcast_in_dim3A_40 : vector<1024x1xi1>, vector<1024x1xi32>
      %eq3A = vector.broadcast %select_n3A : vector<1024x1xi32> to vector<1024x65xi32>
      %eq3A_41 = arith.cmpi eq, %eq3A, %iota3A : vector<1024x65xi32>
      %mul3A_42 = arith.mulf %get3A_37, %get3A_31 : vector<1024x1xf32>
      %get3A_43 = arith.index_cast %mul3A_29 : i32 to index
      %get3A_44 = arith.constant 0 : index
      %get3A_45 = vector.load %arg0[%get3A_43, %get3A_44] : memref<10240x1xf32, #tpu.memory_space<vmem>>, vector<1024x1xf32>
      %mul3A_46 = arith.mulf %mul3A_42, %get3A_45 : vector<1024x1xf32>
      %mul3A_47 = arith.mulf %get3A_37, %get3A_37 : vector<1024x1xf32>
      %mul3A_48 = arith.mulf %mul3A_47, %get3A_31 : vector<1024x1xf32>
      %get3A_49 = arith.index_cast %mul3A_29 : i32 to index
      %get3A_50 = arith.constant 0 : index
      %get3A_51 = vector.load %arg3[%get3A_49, %get3A_50] : memref<10240x1xf32, #tpu.memory_space<vmem>>, vector<1024x1xf32>
      %mul3A_52 = arith.mulf %mul3A_48, %get3A_51 : vector<1024x1xf32>
      %add3A = arith.addf %mul3A_46, %mul3A_52 : vector<1024x1xf32>
      %get3A_53 = arith.constant 0 : index
      %get3A_54 = arith.constant 0 : index
      %get3A_55 = vector.load %arg4[%get3A_53, %get3A_54] : memref<1x1xf32, #tpu.memory_space<vmem>>, vector<1x1xf32>
      %get3A_56 = vector.extract %get3A_55[0, 0] : f32 from vector<1x1xf32>
      %add3A_57 = vector.broadcast %get3A_56 : f32 to vector<1024x1xf32>
      %add3A_58 = arith.addf %add3A, %add3A_57 : vector<1024x1xf32>
      %jit3A_59 = arith.constant 0.000000e+00 : f32
      %broadcast_in_dim3A_60 = vector.shape_cast %scan3A_4 : vector<1x65xf32> to vector<1x65xf32>
      %broadcast_in_dim3A_61 = vector.broadcast %broadcast_in_dim3A_60 : vector<1x65xf32> to vector<1024x65xf32>
      %broadcast_in_dim3A_62 = vector.broadcast %jit3A_59 : f32 to vector<1024x65xf32>
      %select_n3A_63 = arith.select %eq3A_41, %broadcast_in_dim3A_61, %broadcast_in_dim3A_62 : vector<1024x65xi1>, vector<1024x65xf32>
      %reduce_sum3A = arith.constant dense<0.000000e+00> : vector<1024xf32>
      %reduce_sum3A_64 = vector.multi_reduction <add>, %select_n3A_63, %reduce_sum3A [1] : vector<1024x65xf32> to vector<1024xf32>
      %broadcast_in_dim3A_65 = vector.shape_cast %reduce_sum3A_64 : vector<1024xf32> to vector<1024x1xf32>
      %sub3A = arith.subf %add3A_58, %broadcast_in_dim3A_65 : vector<1024x1xf32>
      %exp3A = math.exp %sub3A : vector<1024x1xf32>
      %jit3A_66 = arith.constant 0.000000e+00 : f32
      %broadcast_in_dim3A_67 = vector.shape_cast %scan3A_12 : vector<1x65xf32> to vector<1x65xf32>
      %broadcast_in_dim3A_68 = vector.broadcast %broadcast_in_dim3A_67 : vector<1x65xf32> to vector<1024x65xf32>
      %broadcast_in_dim3A_69 = vector.broadcast %jit3A_66 : f32 to vector<1024x65xf32>
      %select_n3A_70 = arith.select %eq3A_41, %broadcast_in_dim3A_68, %broadcast_in_dim3A_69 : vector<1024x65xi1>, vector<1024x65xf32>
      %reduce_sum3A_71 = arith.constant dense<0.000000e+00> : vector<1024xf32>
      %reduce_sum3A_72 = vector.multi_reduction <add>, %select_n3A_70, %reduce_sum3A_71 [1] : vector<1024x65xf32> to vector<1024xf32>
      %broadcast_in_dim3A_73 = vector.shape_cast %reduce_sum3A_72 : vector<1024xf32> to vector<1024x1xf32>
      %div3A = arith.divf %exp3A, %broadcast_in_dim3A_73 : vector<1024x1xf32>
      %jit3A_74 = arith.constant 0xFF800000 : f32
      %broadcast_in_dim3A_75 = vector.shape_cast %div3A : vector<1024x1xf32> to vector<1024x1xf32>
      %broadcast_in_dim3A_76 = vector.broadcast %broadcast_in_dim3A_75 : vector<1024x1xf32> to vector<1024x65xf32>
      %broadcast_in_dim3A_77 = vector.broadcast %jit3A_74 : f32 to vector<1024x65xf32>
      %select_n3A_78 = arith.select %eq3A_41, %broadcast_in_dim3A_76, %broadcast_in_dim3A_77 : vector<1024x65xi1>, vector<1024x65xf32>
      %reduce_max3A = arith.constant dense<0xFF800000> : vector<65xf32>
      %reduce_max3A_79 = vector.multi_reduction <maximumf>, %select_n3A_78, %reduce_max3A [0] : vector<1024x65xf32> to vector<65xf32>
      %broadcast_in_dim3A_80 = vector.shape_cast %reduce_max3A_79 : vector<65xf32> to vector<1x65xf32>
      %max3A = arith.maximumf %scan3A_28, %broadcast_in_dim3A_80 : vector<1x65xf32>
      scf.yield %max3A : vector<1x65xf32>
    }
    %scan3A_21 = arith.constant 10 : i32
    %scan3A_22 = arith.constant 0 : i32
    %scan3A_23 = arith.constant 10 : i32
    %scan3A_24 = arith.addi %scan3A_22, %scan3A_23 : i32
    %scan3A_25 = arith.constant 1 : i32
    scf.for %scan3A_27 = %scan3A_22 to %scan3A_24 step %scan3A_25  : i32 {
      %mul3A = arith.constant 1024 : i32
      %mul3A_28 = arith.muli %scan3A_27, %mul3A : i32
      %get3A = arith.index_cast %mul3A_28 : i32 to index
      %get3A_29 = arith.constant 0 : index
      %get3A_30 = vector.load %arg2[%get3A, %get3A_29] : memref<10240x1xf32, #tpu.memory_space<vmem>>, vector<1024x1xf32>
      %get3A_31 = arith.index_cast %mul3A_28 : i32 to index
      %get3A_32 = arith.constant 0 : index
      %get3A_33 = vector.load %arg5[%get3A_31, %get3A_32] : memref<10240x1xi32, #tpu.memory_space<vmem>>, vector<1024x1xi32>
      %get3A_34 = arith.index_cast %mul3A_28 : i32 to index
      %get3A_35 = arith.constant 0 : index
      %get3A_36 = vector.load %arg1[%get3A_34, %get3A_35] : memref<10240x1xf32, #tpu.memory_space<vmem>>, vector<1024x1xf32>
      %gt3A = arith.constant 0.000000e+00 : f32
      %gt3A_37 = vector.broadcast %gt3A : f32 to vector<1024x1xf32>
      %gt3A_38 = arith.cmpf ogt, %get3A_30, %gt3A_37 : vector<1024x1xf32>
      %jit3A = arith.constant 64 : i32
      %broadcast_in_dim3A_39 = vector.broadcast %jit3A : i32 to vector<1024x1xi32>
      %select_n3A = arith.select %gt3A_38, %get3A_33, %broadcast_in_dim3A_39 : vector<1024x1xi1>, vector<1024x1xi32>
      %eq3A = vector.broadcast %select_n3A : vector<1024x1xi32> to vector<1024x65xi32>
      %eq3A_40 = arith.cmpi eq, %eq3A, %iota3A : vector<1024x65xi32>
      %mul3A_41 = arith.mulf %get3A_36, %get3A_30 : vector<1024x1xf32>
      %get3A_42 = arith.index_cast %mul3A_28 : i32 to index
      %get3A_43 = arith.constant 0 : index
      %get3A_44 = vector.load %arg0[%get3A_42, %get3A_43] : memref<10240x1xf32, #tpu.memory_space<vmem>>, vector<1024x1xf32>
      %mul3A_45 = arith.mulf %mul3A_41, %get3A_44 : vector<1024x1xf32>
      %mul3A_46 = arith.mulf %get3A_36, %get3A_36 : vector<1024x1xf32>
      %mul3A_47 = arith.mulf %mul3A_46, %get3A_30 : vector<1024x1xf32>
      %get3A_48 = arith.index_cast %mul3A_28 : i32 to index
      %get3A_49 = arith.constant 0 : index
      %get3A_50 = vector.load %arg3[%get3A_48, %get3A_49] : memref<10240x1xf32, #tpu.memory_space<vmem>>, vector<1024x1xf32>
      %mul3A_51 = arith.mulf %mul3A_47, %get3A_50 : vector<1024x1xf32>
      %add3A = arith.addf %mul3A_45, %mul3A_51 : vector<1024x1xf32>
      %get3A_52 = arith.constant 0 : index
      %get3A_53 = arith.constant 0 : index
      %get3A_54 = vector.load %arg4[%get3A_52, %get3A_53] : memref<1x1xf32, #tpu.memory_space<vmem>>, vector<1x1xf32>
      %get3A_55 = vector.extract %get3A_54[0, 0] : f32 from vector<1x1xf32>
      %add3A_56 = vector.broadcast %get3A_55 : f32 to vector<1024x1xf32>
      %add3A_57 = arith.addf %add3A, %add3A_56 : vector<1024x1xf32>
      %jit3A_58 = arith.constant 0.000000e+00 : f32
      %broadcast_in_dim3A_59 = vector.shape_cast %scan3A_4 : vector<1x65xf32> to vector<1x65xf32>
      %broadcast_in_dim3A_60 = vector.broadcast %broadcast_in_dim3A_59 : vector<1x65xf32> to vector<1024x65xf32>
      %broadcast_in_dim3A_61 = vector.broadcast %jit3A_58 : f32 to vector<1024x65xf32>
      %select_n3A_62 = arith.select %eq3A_40, %broadcast_in_dim3A_60, %broadcast_in_dim3A_61 : vector<1024x65xi1>, vector<1024x65xf32>
      %reduce_sum3A = arith.constant dense<0.000000e+00> : vector<1024xf32>
      %reduce_sum3A_63 = vector.multi_reduction <add>, %select_n3A_62, %reduce_sum3A [1] : vector<1024x65xf32> to vector<1024xf32>
      %broadcast_in_dim3A_64 = vector.shape_cast %reduce_sum3A_63 : vector<1024xf32> to vector<1024x1xf32>
      %sub3A = arith.subf %add3A_57, %broadcast_in_dim3A_64 : vector<1024x1xf32>
      %exp3A = math.exp %sub3A : vector<1024x1xf32>
      %jit3A_65 = arith.constant 0.000000e+00 : f32
      %broadcast_in_dim3A_66 = vector.shape_cast %scan3A_12 : vector<1x65xf32> to vector<1x65xf32>
      %broadcast_in_dim3A_67 = vector.broadcast %broadcast_in_dim3A_66 : vector<1x65xf32> to vector<1024x65xf32>
      %broadcast_in_dim3A_68 = vector.broadcast %jit3A_65 : f32 to vector<1024x65xf32>
      %select_n3A_69 = arith.select %eq3A_40, %broadcast_in_dim3A_67, %broadcast_in_dim3A_68 : vector<1024x65xi1>, vector<1024x65xf32>
      %reduce_sum3A_70 = arith.constant dense<0.000000e+00> : vector<1024xf32>
      %reduce_sum3A_71 = vector.multi_reduction <add>, %select_n3A_69, %reduce_sum3A_70 [1] : vector<1024x65xf32> to vector<1024xf32>
      %broadcast_in_dim3A_72 = vector.shape_cast %reduce_sum3A_71 : vector<1024xf32> to vector<1024x1xf32>
      %div3A = arith.divf %exp3A, %broadcast_in_dim3A_72 : vector<1024x1xf32>
      %eq3A_73 = vector.broadcast %get3A_33 : vector<1024x1xi32> to vector<1024x65xi32>
      %eq3A_74 = arith.cmpi eq, %eq3A_73, %iota3A : vector<1024x65xi32>
      %jit3A_75 = arith.constant 0.000000e+00 : f32
      %broadcast_in_dim3A_76 = vector.shape_cast %scan3A_20 : vector<1x65xf32> to vector<1x65xf32>
      %broadcast_in_dim3A_77 = vector.broadcast %broadcast_in_dim3A_76 : vector<1x65xf32> to vector<1024x65xf32>
      %broadcast_in_dim3A_78 = vector.broadcast %jit3A_75 : f32 to vector<1024x65xf32>
      %select_n3A_79 = arith.select %eq3A_74, %broadcast_in_dim3A_77, %broadcast_in_dim3A_78 : vector<1024x65xi1>, vector<1024x65xf32>
      %reduce_sum3A_80 = arith.constant dense<0.000000e+00> : vector<1024xf32>
      %reduce_sum3A_81 = vector.multi_reduction <add>, %select_n3A_79, %reduce_sum3A_80 [1] : vector<1024x65xf32> to vector<1024xf32>
      %broadcast_in_dim3A_82 = vector.shape_cast %reduce_sum3A_81 : vector<1024xf32> to vector<1024x1xf32>
      %sub3A_83 = arith.constant 1.000000e-07 : f32
      %sub3A_84 = vector.broadcast %sub3A_83 : f32 to vector<1024x1xf32>
      %sub3A_85 = arith.subf %broadcast_in_dim3A_82, %sub3A_84 : vector<1024x1xf32>
      %min3A = arith.constant 1.000000e-03 : f32
      %min3A_86 = vector.broadcast %min3A : f32 to vector<1024x1xf32>
      %min3A_87 = arith.minimumf %sub3A_85, %min3A_86 : vector<1024x1xf32>
      %gt3A_88 = arith.constant 0.000000e+00 : f32
      %gt3A_89 = vector.broadcast %gt3A_88 : f32 to vector<1024x1xf32>
      %gt3A_90 = arith.cmpf ogt, %get3A_30, %gt3A_89 : vector<1024x1xf32>
      %gt3A_91 = arith.cmpf ogt, %div3A, %min3A_87 : vector<1024x1xf32>
      %and3A = arith.andi %gt3A_90, %gt3A_91 : vector<1024x1xi1>
      %get3A_92 = arith.index_cast %mul3A_28 : i32 to index
      %get3A_93 = arith.constant 0 : index
      %get3A_94 = vector.load %arg6[%get3A_92, %get3A_93] : memref<10240x64xf32, #tpu.memory_space<vmem>>, vector<1024x64xf32>
      %mul3A_95 = vector.broadcast %div3A : vector<1024x1xf32> to vector<1024x64xf32>
      %mul3A_96 = arith.mulf %get3A_94, %mul3A_95 : vector<1024x64xf32>
      %jit3A_97 = arith.constant 0.000000e+00 : f32
      %broadcast_in_dim3A_98 = vector.shape_cast %and3A : vector<1024x1xi1> to vector<1024x1xi1>
      %broadcast_in_dim3A_99 = vector.broadcast %broadcast_in_dim3A_98 : vector<1024x1xi1> to vector<1024x64xi1>
      %broadcast_in_dim3A_100 = vector.broadcast %jit3A_97 : f32 to vector<1024x64xf32>
      %select_n3A_101 = arith.select %broadcast_in_dim3A_99, %mul3A_96, %broadcast_in_dim3A_100 : vector<1024x64xi1>, vector<1024x64xf32>
      %swap3A = arith.index_cast %mul3A_28 : i32 to index
      %swap3A_102 = arith.constant 0 : index
      %swap3A_103 = vector.load %arg7[%swap3A, %swap3A_102] : memref<10240x64xf32, #tpu.memory_space<vmem>>, vector<1024x64xf32>
      tpu.vector_store %arg7[%swap3A, %swap3A_102], %select_n3A_101 {strides = array<i32>} : memref<10240x64xf32, #tpu.memory_space<vmem>>, vector<1024x64xf32>,
      %convert_element_type3A = arith.extui %and3A : vector<1024x1xi1> to vector<1024x1xi32>
      %convert_element_type3A_104 = arith.sitofp %convert_element_type3A : vector<1024x1xi32> to vector<1024x1xf32>
      %swap3A_105 = arith.index_cast %mul3A_28 : i32 to index
      %swap3A_106 = arith.constant 0 : index
      %swap3A_107 = vector.load %arg8[%swap3A_105, %swap3A_106] : memref<10240x1xf32, #tpu.memory_space<vmem>>, vector<1024x1xf32>
      tpu.vector_store %arg8[%swap3A_105, %swap3A_106], %convert_element_type3A_104 {strides = array<i32>} : memref<10240x1xf32, #tpu.memory_space<vmem>>, vector<1024x1xf32>,
      %jit3A_108 = arith.constant 0.000000e+00 : f32
      %broadcast_in_dim3A_109 = vector.broadcast %jit3A_108 : f32 to vector<1024x1xf32>
      %select_n3A_110 = arith.select %and3A, %div3A, %broadcast_in_dim3A_109 : vector<1024x1xi1>, vector<1024x1xf32>
      %swap3A_111 = arith.index_cast %mul3A_28 : i32 to index
      %swap3A_112 = arith.constant 0 : index
      %swap3A_113 = vector.load %arg9[%swap3A_111, %swap3A_112] : memref<10240x1xf32, #tpu.memory_space<vmem>>, vector<1024x1xf32>
      tpu.vector_store %arg9[%swap3A_111, %swap3A_112], %select_n3A_110 {strides = array<i32>} : memref<10240x1xf32, #tpu.memory_space<vmem>>, vector<1024x1xf32>,
    }
    %scan3A_26 = arith.constant 10 : i32
    return
  }
}

module attributes {stable_mosaic.version = 14 : i64} {
  func.func @_t1_body(%arg0: i32, %arg1: memref<1024x64xf32, #tpu.memory_space<vmem>>, %arg2: memref<1024x64xf32, #tpu.memory_space<vmem>>, %arg3: memref<64x64xf32, #tpu.memory_space<vmem>>, %arg4: memref<1x64xf32, #tpu.memory_space<vmem>>, %arg5: memref<64x64xf32, #tpu.memory_space<vmem>>, %arg6: memref<1x64xf32, #tpu.memory_space<vmem>>, %arg7: memref<64x1xf32, #tpu.memory_space<vmem>>, %arg8: memref<1024x64xf32, #tpu.memory_space<vmem>>, %arg9: memref<1024x1xf32, #tpu.memory_space<vmem>>) attributes {dimension_semantics = [#tpu.dimension_semantics<arbitrary>], iteration_bounds = array<i64: 10>, scalar_prefetch = 0 : i64, scratch_operands = 0 : i64, tpu.core_type = #tpu.core_type<tc>, window_params = [{transform_indices = @transform_0, window_bounds = array<i64: 1024, 64>}, {transform_indices = @transform_1, window_bounds = array<i64: 1024, 64>}, {pipeline_mode = #tpu.pipeline_mode<synchronous>, transform_indices = @transform_2, window_bounds = array<i64: 64, 64>}, {pipeline_mode = #tpu.pipeline_mode<synchronous>, transform_indices = @transform_3, window_bounds = array<i64: 1, 64>}, {pipeline_mode = #tpu.pipeline_mode<synchronous>, transform_indices = @transform_4, window_bounds = array<i64: 64, 64>}, {pipeline_mode = #tpu.pipeline_mode<synchronous>, transform_indices = @transform_5, window_bounds = array<i64: 1, 64>}, {pipeline_mode = #tpu.pipeline_mode<synchronous>, transform_indices = @transform_6, window_bounds = array<i64: 64, 1>}, {transform_indices = @transform_7, window_bounds = array<i64: 1024, 64>}, {transform_indices = @transform_8, window_bounds = array<i64: 1024, 1>}]} {
    %get3A = arith.constant 0 : index
    %get3A_0 = arith.constant 0 : index
    %get3A_1 = vector.load %arg1[%get3A, %get3A_0] : memref<1024x64xf32, #tpu.memory_space<vmem>>, vector<1024x64xf32>
    %get3A_2 = arith.constant 0 : index
    %get3A_3 = arith.constant 0 : index
    %get3A_4 = vector.load %arg2[%get3A_2, %get3A_3] : memref<1024x64xf32, #tpu.memory_space<vmem>>, vector<1024x64xf32>
    %add3A = arith.addf %get3A_1, %get3A_4 : vector<1024x64xf32>
    %get3A_5 = arith.constant 0 : index
    %get3A_6 = arith.constant 0 : index
    %get3A_7 = vector.load %arg3[%get3A_5, %get3A_6] : memref<64x64xf32, #tpu.memory_space<vmem>>, vector<64x64xf32>
    %dot_general3A = arith.constant dense<0.000000e+00> : vector<1024x64xf32>
    %dot_general3A_8 = tpu.matmul %add3A, %get3A_7, %dot_general3A {dimension_numbers = #tpu.dot_dimension_numbers<[1], [0], [0], [1], [0, 0, 1, 1], [], []>, transpose_lhs_hint = false} : vector<1024x64xf32>, vector<64x64xf32>, vector<1024x64xf32> -> vector<1024x64xf32>
    %get3A_9 = arith.constant 0 : index
    %get3A_10 = arith.constant 0 : index
    %get3A_11 = vector.load %arg4[%get3A_9, %get3A_10] : memref<1x64xf32, #tpu.memory_space<vmem>>, vector<1x64xf32>
    %add3A_12 = vector.broadcast %get3A_11 : vector<1x64xf32> to vector<1024x64xf32>
    %add3A_13 = arith.addf %dot_general3A_8, %add3A_12 : vector<1024x64xf32>
    %max3A = arith.constant 0.000000e+00 : f32
    %max3A_14 = vector.broadcast %max3A : f32 to vector<1024x64xf32>
    %max3A_15 = arith.maximumf %add3A_13, %max3A_14 : vector<1024x64xf32>
    %get3A_16 = arith.constant 0 : index
    %get3A_17 = arith.constant 0 : index
    %get3A_18 = vector.load %arg5[%get3A_16, %get3A_17] : memref<64x64xf32, #tpu.memory_space<vmem>>, vector<64x64xf32>
    %dot_general3A_19 = arith.constant dense<0.000000e+00> : vector<1024x64xf32>
    %dot_general3A_20 = tpu.matmul %max3A_15, %get3A_18, %dot_general3A_19 {dimension_numbers = #tpu.dot_dimension_numbers<[1], [0], [0], [1], [0, 0, 1, 1], [], []>, transpose_lhs_hint = false} : vector<1024x64xf32>, vector<64x64xf32>, vector<1024x64xf32> -> vector<1024x64xf32>
    %get3A_21 = arith.constant 0 : index
    %get3A_22 = arith.constant 0 : index
    %get3A_23 = vector.load %arg6[%get3A_21, %get3A_22] : memref<1x64xf32, #tpu.memory_space<vmem>>, vector<1x64xf32>
    %add3A_24 = vector.broadcast %get3A_23 : vector<1x64xf32> to vector<1024x64xf32>
    %add3A_25 = arith.addf %dot_general3A_20, %add3A_24 : vector<1024x64xf32>
    %max3A_26 = arith.constant 0.000000e+00 : f32
    %max3A_27 = vector.broadcast %max3A_26 : f32 to vector<1024x64xf32>
    %max3A_28 = arith.maximumf %add3A_25, %max3A_27 : vector<1024x64xf32>
    %swap3A = arith.constant 0 : index
    %swap3A_29 = arith.constant 0 : index
    %swap3A_30 = vector.load %arg8[%swap3A, %swap3A_29] : memref<1024x64xf32, #tpu.memory_space<vmem>>, vector<1024x64xf32>
    tpu.vector_store %arg8[%swap3A, %swap3A_29], %max3A_28 {strides = array<i32>} : memref<1024x64xf32, #tpu.memory_space<vmem>>, vector<1024x64xf32>,
    %get3A_31 = arith.constant 0 : index
    %get3A_32 = arith.constant 0 : index
    %get3A_33 = vector.load %arg7[%get3A_31, %get3A_32] : memref<64x1xf32, #tpu.memory_space<vmem>>, vector<64x1xf32>
    %dot_general3A_34 = arith.constant dense<0.000000e+00> : vector<1024x1xf32>
    %dot_general3A_35 = tpu.matmul %max3A_28, %get3A_33, %dot_general3A_34 {dimension_numbers = #tpu.dot_dimension_numbers<[1], [0], [0], [1], [0, 0, 1, 1], [], []>, transpose_lhs_hint = false} : vector<1024x64xf32>, vector<64x1xf32>, vector<1024x1xf32> -> vector<1024x1xf32>
    %swap3A_36 = arith.constant 0 : index
    %swap3A_37 = arith.constant 0 : index
    %swap3A_38 = vector.load %arg9[%swap3A_36, %swap3A_37] : memref<1024x1xf32, #tpu.memory_space<vmem>>, vector<1024x1xf32>
    tpu.vector_store %arg9[%swap3A_36, %swap3A_37], %dot_general3A_35 {strides = array<i32>} : memref<1024x1xf32, #tpu.memory_space<vmem>>, vector<1024x1xf32>,
    return
  }
  func.func @transform_0(%arg0: i32) -> (i32, i32) {
    %c0_i32 = arith.constant 0 : i32
    %c0_i32_0 = arith.constant 0 : i32
    return %arg0, %c0_i32 : i32, i32
  }
  func.func @transform_1(%arg0: i32) -> (i32, i32) {
    %c0_i32 = arith.constant 0 : i32
    %c0_i32_0 = arith.constant 0 : i32
    return %arg0, %c0_i32 : i32, i32
  }
  func.func @transform_2(%arg0: i32) -> (i32, i32) {
    %c0_i32 = arith.constant 0 : i32
    %c0_i32_0 = arith.constant 0 : i32
    %c0_i32_1 = arith.constant 0 : i32
    return %c0_i32, %c0_i32_0 : i32, i32
  }
  func.func @transform_3(%arg0: i32) -> (i32, i32) {
    %c0_i32 = arith.constant 0 : i32
    %c0_i32_0 = arith.constant 0 : i32
    %c0_i32_1 = arith.constant 0 : i32
    return %c0_i32, %c0_i32_0 : i32, i32
  }
  func.func @transform_4(%arg0: i32) -> (i32, i32) {
    %c0_i32 = arith.constant 0 : i32
    %c0_i32_0 = arith.constant 0 : i32
    %c0_i32_1 = arith.constant 0 : i32
    return %c0_i32, %c0_i32_0 : i32, i32
  }
  func.func @transform_5(%arg0: i32) -> (i32, i32) {
    %c0_i32 = arith.constant 0 : i32
    %c0_i32_0 = arith.constant 0 : i32
    %c0_i32_1 = arith.constant 0 : i32
    return %c0_i32, %c0_i32_0 : i32, i32
  }
  func.func @transform_6(%arg0: i32) -> (i32, i32) {
    %c0_i32 = arith.constant 0 : i32
    %c0_i32_0 = arith.constant 0 : i32
    %c0_i32_1 = arith.constant 0 : i32
    return %c0_i32, %c0_i32_0 : i32, i32
  }
  func.func @transform_7(%arg0: i32) -> (i32, i32) {
    %c0_i32 = arith.constant 0 : i32
    %c0_i32_0 = arith.constant 0 : i32
    return %arg0, %c0_i32 : i32, i32
  }
  func.func @transform_8(%arg0: i32) -> (i32, i32) {
    %c0_i32 = arith.constant 0 : i32
    %c0_i32_0 = arith.constant 0 : i32
    return %arg0, %c0_i32 : i32, i32
  }
}

module attributes {stable_mosaic.version = 14 : i64} {
  func.func @_t2b_body(%arg0: memref<10240x1xf32, #tpu.memory_space<vmem>>, %arg1: memref<10240x1xf32, #tpu.memory_space<vmem>>, %arg2: memref<10240x1xf32, #tpu.memory_space<vmem>>, %arg3: memref<10240x1xf32, #tpu.memory_space<vmem>>, %arg4: memref<1x1xf32, #tpu.memory_space<vmem>>, %arg5: memref<10240x1xi32, #tpu.memory_space<vmem>>, %arg6: memref<10240x64xf32, #tpu.memory_space<vmem>>, %arg7: memref<10240x64xf32, #tpu.memory_space<vmem>>, %arg8: memref<10240x1xf32, #tpu.memory_space<vmem>>, %arg9: memref<10240x1xf32, #tpu.memory_space<vmem>>) attributes {dimension_semantics = [], scalar_prefetch = 0 : i64, scratch_operands = 0 : i64, tpu.core_type = #tpu.core_type<tc>} {
    %iota3A = tpu.iota {dimensions = array<i32: 1>} : vector<1024x65xi32>
    %broadcast_in_dim3A = arith.constant 0xFF800000 : f32
    %broadcast_in_dim3A_0 = vector.broadcast %broadcast_in_dim3A : f32 to vector<1x65xf32>
    %scan3A = arith.constant 0 : i32
    %scan3A_1 = arith.constant 10 : i32
    %scan3A_2 = arith.addi %scan3A, %scan3A_1 : i32
    %scan3A_3 = arith.constant 1 : i32
    %scan3A_4 = scf.for %scan3A_27 = %scan3A to %scan3A_2 step %scan3A_3 iter_args(%scan3A_28 = %broadcast_in_dim3A_0) -> (vector<1x65xf32>)  : i32 {
      %mul3A = arith.constant 1024 : i32
      %mul3A_29 = arith.muli %scan3A_27, %mul3A : i32
      %get3A = arith.index_cast %mul3A_29 : i32 to index
      %get3A_30 = arith.constant 0 : index
      %get3A_31 = vector.load %arg2[%get3A, %get3A_30] : memref<10240x1xf32, #tpu.memory_space<vmem>>, vector<1024x1xf32>
      %get3A_32 = arith.index_cast %mul3A_29 : i32 to index
      %get3A_33 = arith.constant 0 : index
      %get3A_34 = vector.load %arg5[%get3A_32, %get3A_33] : memref<10240x1xi32, #tpu.memory_space<vmem>>, vector<1024x1xi32>
      %get3A_35 = arith.index_cast %mul3A_29 : i32 to index
      %get3A_36 = arith.constant 0 : index
      %get3A_37 = vector.load %arg1[%get3A_35, %get3A_36] : memref<10240x1xf32, #tpu.memory_space<vmem>>, vector<1024x1xf32>
      %gt3A = arith.constant 0.000000e+00 : f32
      %gt3A_38 = vector.broadcast %gt3A : f32 to vector<1024x1xf32>
      %gt3A_39 = arith.cmpf ogt, %get3A_31, %gt3A_38 : vector<1024x1xf32>
      %jit3A = arith.constant 64 : i32
      %broadcast_in_dim3A_40 = vector.broadcast %jit3A : i32 to vector<1024x1xi32>
      %select_n3A = arith.select %gt3A_39, %get3A_34, %broadcast_in_dim3A_40 : vector<1024x1xi1>, vector<1024x1xi32>
      %eq3A = vector.broadcast %select_n3A : vector<1024x1xi32> to vector<1024x65xi32>
      %eq3A_41 = arith.cmpi eq, %eq3A, %iota3A : vector<1024x65xi32>
      %mul3A_42 = arith.mulf %get3A_37, %get3A_31 : vector<1024x1xf32>
      %get3A_43 = arith.index_cast %mul3A_29 : i32 to index
      %get3A_44 = arith.constant 0 : index
      %get3A_45 = vector.load %arg0[%get3A_43, %get3A_44] : memref<10240x1xf32, #tpu.memory_space<vmem>>, vector<1024x1xf32>
      %mul3A_46 = arith.mulf %mul3A_42, %get3A_45 : vector<1024x1xf32>
      %mul3A_47 = arith.mulf %get3A_37, %get3A_37 : vector<1024x1xf32>
      %mul3A_48 = arith.mulf %mul3A_47, %get3A_31 : vector<1024x1xf32>
      %get3A_49 = arith.index_cast %mul3A_29 : i32 to index
      %get3A_50 = arith.constant 0 : index
      %get3A_51 = vector.load %arg3[%get3A_49, %get3A_50] : memref<10240x1xf32, #tpu.memory_space<vmem>>, vector<1024x1xf32>
      %mul3A_52 = arith.mulf %mul3A_48, %get3A_51 : vector<1024x1xf32>
      %add3A = arith.addf %mul3A_46, %mul3A_52 : vector<1024x1xf32>
      %get3A_53 = arith.constant 0 : index
      %get3A_54 = arith.constant 0 : index
      %get3A_55 = vector.load %arg4[%get3A_53, %get3A_54] : memref<1x1xf32, #tpu.memory_space<vmem>>, vector<1x1xf32>
      %get3A_56 = vector.extract %get3A_55[0, 0] : f32 from vector<1x1xf32>
      %add3A_57 = vector.broadcast %get3A_56 : f32 to vector<1024x1xf32>
      %add3A_58 = arith.addf %add3A, %add3A_57 : vector<1024x1xf32>
      %jit3A_59 = arith.constant 0xFF800000 : f32
      %broadcast_in_dim3A_60 = vector.shape_cast %add3A_58 : vector<1024x1xf32> to vector<1024x1xf32>
      %broadcast_in_dim3A_61 = vector.broadcast %broadcast_in_dim3A_60 : vector<1024x1xf32> to vector<1024x65xf32>
      %broadcast_in_dim3A_62 = vector.broadcast %jit3A_59 : f32 to vector<1024x65xf32>
      %select_n3A_63 = arith.select %eq3A_41, %broadcast_in_dim3A_61, %broadcast_in_dim3A_62 : vector<1024x65xi1>, vector<1024x65xf32>
      %reduce_max3A = arith.constant dense<0xFF800000> : vector<65xf32>
      %reduce_max3A_64 = vector.multi_reduction <maximumf>, %select_n3A_63, %reduce_max3A [0] : vector<1024x65xf32> to vector<65xf32>
      %broadcast_in_dim3A_65 = vector.shape_cast %reduce_max3A_64 : vector<65xf32> to vector<1x65xf32>
      %max3A = arith.maximumf %scan3A_28, %broadcast_in_dim3A_65 : vector<1x65xf32>
      scf.yield %max3A : vector<1x65xf32>
    }
    %scan3A_5 = arith.constant 10 : i32
    %broadcast_in_dim3A_6 = arith.constant 0.000000e+00 : f32
    %broadcast_in_dim3A_7 = vector.broadcast %broadcast_in_dim3A_6 : f32 to vector<1x65xf32>
    %scan3A_8 = arith.constant 0 : i32
    %scan3A_9 = arith.constant 10 : i32
    %scan3A_10 = arith.addi %scan3A_8, %scan3A_9 : i32
    %scan3A_11 = arith.constant 1 : i32
    %scan3A_12 = scf.for %scan3A_27 = %scan3A_8 to %scan3A_10 step %scan3A_11 iter_args(%scan3A_28 = %broadcast_in_dim3A_7) -> (vector<1x65xf32>)  : i32 {
      %mul3A = arith.constant 1024 : i32
      %mul3A_29 = arith.muli %scan3A_27, %mul3A : i32
      %get3A = arith.index_cast %mul3A_29 : i32 to index
      %get3A_30 = arith.constant 0 : index
      %get3A_31 = vector.load %arg2[%get3A, %get3A_30] : memref<10240x1xf32, #tpu.memory_space<vmem>>, vector<1024x1xf32>
      %get3A_32 = arith.index_cast %mul3A_29 : i32 to index
      %get3A_33 = arith.constant 0 : index
      %get3A_34 = vector.load %arg5[%get3A_32, %get3A_33] : memref<10240x1xi32, #tpu.memory_space<vmem>>, vector<1024x1xi32>
      %get3A_35 = arith.index_cast %mul3A_29 : i32 to index
      %get3A_36 = arith.constant 0 : index
      %get3A_37 = vector.load %arg1[%get3A_35, %get3A_36] : memref<10240x1xf32, #tpu.memory_space<vmem>>, vector<1024x1xf32>
      %gt3A = arith.constant 0.000000e+00 : f32
      %gt3A_38 = vector.broadcast %gt3A : f32 to vector<1024x1xf32>
      %gt3A_39 = arith.cmpf ogt, %get3A_31, %gt3A_38 : vector<1024x1xf32>
      %jit3A = arith.constant 64 : i32
      %broadcast_in_dim3A_40 = vector.broadcast %jit3A : i32 to vector<1024x1xi32>
      %select_n3A = arith.select %gt3A_39, %get3A_34, %broadcast_in_dim3A_40 : vector<1024x1xi1>, vector<1024x1xi32>
      %eq3A = vector.broadcast %select_n3A : vector<1024x1xi32> to vector<1024x65xi32>
      %eq3A_41 = arith.cmpi eq, %eq3A, %iota3A : vector<1024x65xi32>
      %mul3A_42 = arith.mulf %get3A_37, %get3A_31 : vector<1024x1xf32>
      %get3A_43 = arith.index_cast %mul3A_29 : i32 to index
      %get3A_44 = arith.constant 0 : index
      %get3A_45 = vector.load %arg0[%get3A_43, %get3A_44] : memref<10240x1xf32, #tpu.memory_space<vmem>>, vector<1024x1xf32>
      %mul3A_46 = arith.mulf %mul3A_42, %get3A_45 : vector<1024x1xf32>
      %mul3A_47 = arith.mulf %get3A_37, %get3A_37 : vector<1024x1xf32>
      %mul3A_48 = arith.mulf %mul3A_47, %get3A_31 : vector<1024x1xf32>
      %get3A_49 = arith.index_cast %mul3A_29 : i32 to index
      %get3A_50 = arith.constant 0 : index
      %get3A_51 = vector.load %arg3[%get3A_49, %get3A_50] : memref<10240x1xf32, #tpu.memory_space<vmem>>, vector<1024x1xf32>
      %mul3A_52 = arith.mulf %mul3A_48, %get3A_51 : vector<1024x1xf32>
      %add3A = arith.addf %mul3A_46, %mul3A_52 : vector<1024x1xf32>
      %get3A_53 = arith.constant 0 : index
      %get3A_54 = arith.constant 0 : index
      %get3A_55 = vector.load %arg4[%get3A_53, %get3A_54] : memref<1x1xf32, #tpu.memory_space<vmem>>, vector<1x1xf32>
      %get3A_56 = vector.extract %get3A_55[0, 0] : f32 from vector<1x1xf32>
      %add3A_57 = vector.broadcast %get3A_56 : f32 to vector<1024x1xf32>
      %add3A_58 = arith.addf %add3A, %add3A_57 : vector<1024x1xf32>
      %jit3A_59 = arith.constant 0.000000e+00 : f32
      %broadcast_in_dim3A_60 = vector.shape_cast %scan3A_4 : vector<1x65xf32> to vector<1x65xf32>
      %broadcast_in_dim3A_61 = vector.broadcast %broadcast_in_dim3A_60 : vector<1x65xf32> to vector<1024x65xf32>
      %broadcast_in_dim3A_62 = vector.broadcast %jit3A_59 : f32 to vector<1024x65xf32>
      %select_n3A_63 = arith.select %eq3A_41, %broadcast_in_dim3A_61, %broadcast_in_dim3A_62 : vector<1024x65xi1>, vector<1024x65xf32>
      %reduce_sum3A = arith.constant dense<0.000000e+00> : vector<1024xf32>
      %reduce_sum3A_64 = vector.multi_reduction <add>, %select_n3A_63, %reduce_sum3A [1] : vector<1024x65xf32> to vector<1024xf32>
      %broadcast_in_dim3A_65 = vector.shape_cast %reduce_sum3A_64 : vector<1024xf32> to vector<1024x1xf32>
      %sub3A = arith.subf %add3A_58, %broadcast_in_dim3A_65 : vector<1024x1xf32>
      %exp3A = math.exp %sub3A : vector<1024x1xf32>
      %jit3A_66 = arith.constant 0.000000e+00 : f32
      %broadcast_in_dim3A_67 = vector.shape_cast %exp3A : vector<1024x1xf32> to vector<1024x1xf32>
      %broadcast_in_dim3A_68 = vector.broadcast %broadcast_in_dim3A_67 : vector<1024x1xf32> to vector<1024x65xf32>
      %broadcast_in_dim3A_69 = vector.broadcast %jit3A_66 : f32 to vector<1024x65xf32>
      %select_n3A_70 = arith.select %eq3A_41, %broadcast_in_dim3A_68, %broadcast_in_dim3A_69 : vector<1024x65xi1>, vector<1024x65xf32>
      %reduce_sum3A_71 = arith.constant dense<0.000000e+00> : vector<65xf32>
      %reduce_sum3A_72 = vector.multi_reduction <add>, %select_n3A_70, %reduce_sum3A_71 [0] : vector<1024x65xf32> to vector<65xf32>
      %broadcast_in_dim3A_73 = vector.shape_cast %reduce_sum3A_72 : vector<65xf32> to vector<1x65xf32>
      %add3A_74 = arith.addf %scan3A_28, %broadcast_in_dim3A_73 : vector<1x65xf32>
      scf.yield %add3A_74 : vector<1x65xf32>
    }
    %scan3A_13 = arith.constant 10 : i32
    %broadcast_in_dim3A_14 = arith.constant 0xFF800000 : f32
    %broadcast_in_dim3A_15 = vector.broadcast %broadcast_in_dim3A_14 : f32 to vector<1x65xf32>
    %scan3A_16 = arith.constant 0 : i32
    %scan3A_17 = arith.constant 10 : i32
    %scan3A_18 = arith.addi %scan3A_16, %scan3A_17 : i32
    %scan3A_19 = arith.constant 1 : i32
    %scan3A_20 = scf.for %scan3A_27 = %scan3A_16 to %scan3A_18 step %scan3A_19 iter_args(%scan3A_28 = %broadcast_in_dim3A_15) -> (vector<1x65xf32>)  : i32 {
      %mul3A = arith.constant 1024 : i32
      %mul3A_29 = arith.muli %scan3A_27, %mul3A : i32
      %get3A = arith.index_cast %mul3A_29 : i32 to index
      %get3A_30 = arith.constant 0 : index
      %get3A_31 = vector.load %arg2[%get3A, %get3A_30] : memref<10240x1xf32, #tpu.memory_space<vmem>>, vector<1024x1xf32>
      %get3A_32 = arith.index_cast %mul3A_29 : i32 to index
      %get3A_33 = arith.constant 0 : index
      %get3A_34 = vector.load %arg5[%get3A_32, %get3A_33] : memref<10240x1xi32, #tpu.memory_space<vmem>>, vector<1024x1xi32>
      %get3A_35 = arith.index_cast %mul3A_29 : i32 to index
      %get3A_36 = arith.constant 0 : index
      %get3A_37 = vector.load %arg1[%get3A_35, %get3A_36] : memref<10240x1xf32, #tpu.memory_space<vmem>>, vector<1024x1xf32>
      %gt3A = arith.constant 0.000000e+00 : f32
      %gt3A_38 = vector.broadcast %gt3A : f32 to vector<1024x1xf32>
      %gt3A_39 = arith.cmpf ogt, %get3A_31, %gt3A_38 : vector<1024x1xf32>
      %jit3A = arith.constant 64 : i32
      %broadcast_in_dim3A_40 = vector.broadcast %jit3A : i32 to vector<1024x1xi32>
      %select_n3A = arith.select %gt3A_39, %get3A_34, %broadcast_in_dim3A_40 : vector<1024x1xi1>, vector<1024x1xi32>
      %eq3A = vector.broadcast %select_n3A : vector<1024x1xi32> to vector<1024x65xi32>
      %eq3A_41 = arith.cmpi eq, %eq3A, %iota3A : vector<1024x65xi32>
      %mul3A_42 = arith.mulf %get3A_37, %get3A_31 : vector<1024x1xf32>
      %get3A_43 = arith.index_cast %mul3A_29 : i32 to index
      %get3A_44 = arith.constant 0 : index
      %get3A_45 = vector.load %arg0[%get3A_43, %get3A_44] : memref<10240x1xf32, #tpu.memory_space<vmem>>, vector<1024x1xf32>
      %mul3A_46 = arith.mulf %mul3A_42, %get3A_45 : vector<1024x1xf32>
      %mul3A_47 = arith.mulf %get3A_37, %get3A_37 : vector<1024x1xf32>
      %mul3A_48 = arith.mulf %mul3A_47, %get3A_31 : vector<1024x1xf32>
      %get3A_49 = arith.index_cast %mul3A_29 : i32 to index
      %get3A_50 = arith.constant 0 : index
      %get3A_51 = vector.load %arg3[%get3A_49, %get3A_50] : memref<10240x1xf32, #tpu.memory_space<vmem>>, vector<1024x1xf32>
      %mul3A_52 = arith.mulf %mul3A_48, %get3A_51 : vector<1024x1xf32>
      %add3A = arith.addf %mul3A_46, %mul3A_52 : vector<1024x1xf32>
      %get3A_53 = arith.constant 0 : index
      %get3A_54 = arith.constant 0 : index
      %get3A_55 = vector.load %arg4[%get3A_53, %get3A_54] : memref<1x1xf32, #tpu.memory_space<vmem>>, vector<1x1xf32>
      %get3A_56 = vector.extract %get3A_55[0, 0] : f32 from vector<1x1xf32>
      %add3A_57 = vector.broadcast %get3A_56 : f32 to vector<1024x1xf32>
      %add3A_58 = arith.addf %add3A, %add3A_57 : vector<1024x1xf32>
      %jit3A_59 = arith.constant 0.000000e+00 : f32
      %broadcast_in_dim3A_60 = vector.shape_cast %scan3A_4 : vector<1x65xf32> to vector<1x65xf32>
      %broadcast_in_dim3A_61 = vector.broadcast %broadcast_in_dim3A_60 : vector<1x65xf32> to vector<1024x65xf32>
      %broadcast_in_dim3A_62 = vector.broadcast %jit3A_59 : f32 to vector<1024x65xf32>
      %select_n3A_63 = arith.select %eq3A_41, %broadcast_in_dim3A_61, %broadcast_in_dim3A_62 : vector<1024x65xi1>, vector<1024x65xf32>
      %reduce_sum3A = arith.constant dense<0.000000e+00> : vector<1024xf32>
      %reduce_sum3A_64 = vector.multi_reduction <add>, %select_n3A_63, %reduce_sum3A [1] : vector<1024x65xf32> to vector<1024xf32>
      %broadcast_in_dim3A_65 = vector.shape_cast %reduce_sum3A_64 : vector<1024xf32> to vector<1024x1xf32>
      %sub3A = arith.subf %add3A_58, %broadcast_in_dim3A_65 : vector<1024x1xf32>
      %exp3A = math.exp %sub3A : vector<1024x1xf32>
      %jit3A_66 = arith.constant 0.000000e+00 : f32
      %broadcast_in_dim3A_67 = vector.shape_cast %scan3A_12 : vector<1x65xf32> to vector<1x65xf32>
      %broadcast_in_dim3A_68 = vector.broadcast %broadcast_in_dim3A_67 : vector<1x65xf32> to vector<1024x65xf32>
      %broadcast_in_dim3A_69 = vector.broadcast %jit3A_66 : f32 to vector<1024x65xf32>
      %select_n3A_70 = arith.select %eq3A_41, %broadcast_in_dim3A_68, %broadcast_in_dim3A_69 : vector<1024x65xi1>, vector<1024x65xf32>
      %reduce_sum3A_71 = arith.constant dense<0.000000e+00> : vector<1024xf32>
      %reduce_sum3A_72 = vector.multi_reduction <add>, %select_n3A_70, %reduce_sum3A_71 [1] : vector<1024x65xf32> to vector<1024xf32>
      %broadcast_in_dim3A_73 = vector.shape_cast %reduce_sum3A_72 : vector<1024xf32> to vector<1024x1xf32>
      %div3A = arith.divf %exp3A, %broadcast_in_dim3A_73 : vector<1024x1xf32>
      %jit3A_74 = arith.constant 0xFF800000 : f32
      %broadcast_in_dim3A_75 = vector.shape_cast %div3A : vector<1024x1xf32> to vector<1024x1xf32>
      %broadcast_in_dim3A_76 = vector.broadcast %broadcast_in_dim3A_75 : vector<1024x1xf32> to vector<1024x65xf32>
      %broadcast_in_dim3A_77 = vector.broadcast %jit3A_74 : f32 to vector<1024x65xf32>
      %select_n3A_78 = arith.select %eq3A_41, %broadcast_in_dim3A_76, %broadcast_in_dim3A_77 : vector<1024x65xi1>, vector<1024x65xf32>
      %reduce_max3A = arith.constant dense<0xFF800000> : vector<65xf32>
      %reduce_max3A_79 = vector.multi_reduction <maximumf>, %select_n3A_78, %reduce_max3A [0] : vector<1024x65xf32> to vector<65xf32>
      %broadcast_in_dim3A_80 = vector.shape_cast %reduce_max3A_79 : vector<65xf32> to vector<1x65xf32>
      %max3A = arith.maximumf %scan3A_28, %broadcast_in_dim3A_80 : vector<1x65xf32>
      scf.yield %max3A : vector<1x65xf32>
    }
    %scan3A_21 = arith.constant 10 : i32
    %scan3A_22 = arith.constant 0 : i32
    %scan3A_23 = arith.constant 10 : i32
    %scan3A_24 = arith.addi %scan3A_22, %scan3A_23 : i32
    %scan3A_25 = arith.constant 1 : i32
    scf.for %scan3A_27 = %scan3A_22 to %scan3A_24 step %scan3A_25  : i32 {
      %mul3A = arith.constant 1024 : i32
      %mul3A_28 = arith.muli %scan3A_27, %mul3A : i32
      %get3A = arith.index_cast %mul3A_28 : i32 to index
      %get3A_29 = arith.constant 0 : index
      %get3A_30 = vector.load %arg2[%get3A, %get3A_29] : memref<10240x1xf32, #tpu.memory_space<vmem>>, vector<1024x1xf32>
      %get3A_31 = arith.index_cast %mul3A_28 : i32 to index
      %get3A_32 = arith.constant 0 : index
      %get3A_33 = vector.load %arg5[%get3A_31, %get3A_32] : memref<10240x1xi32, #tpu.memory_space<vmem>>, vector<1024x1xi32>
      %get3A_34 = arith.index_cast %mul3A_28 : i32 to index
      %get3A_35 = arith.constant 0 : index
      %get3A_36 = vector.load %arg1[%get3A_34, %get3A_35] : memref<10240x1xf32, #tpu.memory_space<vmem>>, vector<1024x1xf32>
      %gt3A = arith.constant 0.000000e+00 : f32
      %gt3A_37 = vector.broadcast %gt3A : f32 to vector<1024x1xf32>
      %gt3A_38 = arith.cmpf ogt, %get3A_30, %gt3A_37 : vector<1024x1xf32>
      %jit3A = arith.constant 64 : i32
      %broadcast_in_dim3A_39 = vector.broadcast %jit3A : i32 to vector<1024x1xi32>
      %select_n3A = arith.select %gt3A_38, %get3A_33, %broadcast_in_dim3A_39 : vector<1024x1xi1>, vector<1024x1xi32>
      %eq3A = vector.broadcast %select_n3A : vector<1024x1xi32> to vector<1024x65xi32>
      %eq3A_40 = arith.cmpi eq, %eq3A, %iota3A : vector<1024x65xi32>
      %mul3A_41 = arith.mulf %get3A_36, %get3A_30 : vector<1024x1xf32>
      %get3A_42 = arith.index_cast %mul3A_28 : i32 to index
      %get3A_43 = arith.constant 0 : index
      %get3A_44 = vector.load %arg0[%get3A_42, %get3A_43] : memref<10240x1xf32, #tpu.memory_space<vmem>>, vector<1024x1xf32>
      %mul3A_45 = arith.mulf %mul3A_41, %get3A_44 : vector<1024x1xf32>
      %mul3A_46 = arith.mulf %get3A_36, %get3A_36 : vector<1024x1xf32>
      %mul3A_47 = arith.mulf %mul3A_46, %get3A_30 : vector<1024x1xf32>
      %get3A_48 = arith.index_cast %mul3A_28 : i32 to index
      %get3A_49 = arith.constant 0 : index
      %get3A_50 = vector.load %arg3[%get3A_48, %get3A_49] : memref<10240x1xf32, #tpu.memory_space<vmem>>, vector<1024x1xf32>
      %mul3A_51 = arith.mulf %mul3A_47, %get3A_50 : vector<1024x1xf32>
      %add3A = arith.addf %mul3A_45, %mul3A_51 : vector<1024x1xf32>
      %get3A_52 = arith.constant 0 : index
      %get3A_53 = arith.constant 0 : index
      %get3A_54 = vector.load %arg4[%get3A_52, %get3A_53] : memref<1x1xf32, #tpu.memory_space<vmem>>, vector<1x1xf32>
      %get3A_55 = vector.extract %get3A_54[0, 0] : f32 from vector<1x1xf32>
      %add3A_56 = vector.broadcast %get3A_55 : f32 to vector<1024x1xf32>
      %add3A_57 = arith.addf %add3A, %add3A_56 : vector<1024x1xf32>
      %jit3A_58 = arith.constant 0.000000e+00 : f32
      %broadcast_in_dim3A_59 = vector.shape_cast %scan3A_4 : vector<1x65xf32> to vector<1x65xf32>
      %broadcast_in_dim3A_60 = vector.broadcast %broadcast_in_dim3A_59 : vector<1x65xf32> to vector<1024x65xf32>
      %broadcast_in_dim3A_61 = vector.broadcast %jit3A_58 : f32 to vector<1024x65xf32>
      %select_n3A_62 = arith.select %eq3A_40, %broadcast_in_dim3A_60, %broadcast_in_dim3A_61 : vector<1024x65xi1>, vector<1024x65xf32>
      %reduce_sum3A = arith.constant dense<0.000000e+00> : vector<1024xf32>
      %reduce_sum3A_63 = vector.multi_reduction <add>, %select_n3A_62, %reduce_sum3A [1] : vector<1024x65xf32> to vector<1024xf32>
      %broadcast_in_dim3A_64 = vector.shape_cast %reduce_sum3A_63 : vector<1024xf32> to vector<1024x1xf32>
      %sub3A = arith.subf %add3A_57, %broadcast_in_dim3A_64 : vector<1024x1xf32>
      %exp3A = math.exp %sub3A : vector<1024x1xf32>
      %jit3A_65 = arith.constant 0.000000e+00 : f32
      %broadcast_in_dim3A_66 = vector.shape_cast %scan3A_12 : vector<1x65xf32> to vector<1x65xf32>
      %broadcast_in_dim3A_67 = vector.broadcast %broadcast_in_dim3A_66 : vector<1x65xf32> to vector<1024x65xf32>
      %broadcast_in_dim3A_68 = vector.broadcast %jit3A_65 : f32 to vector<1024x65xf32>
      %select_n3A_69 = arith.select %eq3A_40, %broadcast_in_dim3A_67, %broadcast_in_dim3A_68 : vector<1024x65xi1>, vector<1024x65xf32>
      %reduce_sum3A_70 = arith.constant dense<0.000000e+00> : vector<1024xf32>
      %reduce_sum3A_71 = vector.multi_reduction <add>, %select_n3A_69, %reduce_sum3A_70 [1] : vector<1024x65xf32> to vector<1024xf32>
      %broadcast_in_dim3A_72 = vector.shape_cast %reduce_sum3A_71 : vector<1024xf32> to vector<1024x1xf32>
      %div3A = arith.divf %exp3A, %broadcast_in_dim3A_72 : vector<1024x1xf32>
      %eq3A_73 = vector.broadcast %get3A_33 : vector<1024x1xi32> to vector<1024x65xi32>
      %eq3A_74 = arith.cmpi eq, %eq3A_73, %iota3A : vector<1024x65xi32>
      %jit3A_75 = arith.constant 0.000000e+00 : f32
      %broadcast_in_dim3A_76 = vector.shape_cast %scan3A_20 : vector<1x65xf32> to vector<1x65xf32>
      %broadcast_in_dim3A_77 = vector.broadcast %broadcast_in_dim3A_76 : vector<1x65xf32> to vector<1024x65xf32>
      %broadcast_in_dim3A_78 = vector.broadcast %jit3A_75 : f32 to vector<1024x65xf32>
      %select_n3A_79 = arith.select %eq3A_74, %broadcast_in_dim3A_77, %broadcast_in_dim3A_78 : vector<1024x65xi1>, vector<1024x65xf32>
      %reduce_sum3A_80 = arith.constant dense<0.000000e+00> : vector<1024xf32>
      %reduce_sum3A_81 = vector.multi_reduction <add>, %select_n3A_79, %reduce_sum3A_80 [1] : vector<1024x65xf32> to vector<1024xf32>
      %broadcast_in_dim3A_82 = vector.shape_cast %reduce_sum3A_81 : vector<1024xf32> to vector<1024x1xf32>
      %sub3A_83 = arith.constant 1.000000e-07 : f32
      %sub3A_84 = vector.broadcast %sub3A_83 : f32 to vector<1024x1xf32>
      %sub3A_85 = arith.subf %broadcast_in_dim3A_82, %sub3A_84 : vector<1024x1xf32>
      %min3A = arith.constant 1.000000e-03 : f32
      %min3A_86 = vector.broadcast %min3A : f32 to vector<1024x1xf32>
      %min3A_87 = arith.minimumf %sub3A_85, %min3A_86 : vector<1024x1xf32>
      %gt3A_88 = arith.constant 0.000000e+00 : f32
      %gt3A_89 = vector.broadcast %gt3A_88 : f32 to vector<1024x1xf32>
      %gt3A_90 = arith.cmpf ogt, %get3A_30, %gt3A_89 : vector<1024x1xf32>
      %gt3A_91 = arith.cmpf ogt, %div3A, %min3A_87 : vector<1024x1xf32>
      %and3A = arith.andi %gt3A_90, %gt3A_91 : vector<1024x1xi1>
      %get3A_92 = arith.index_cast %mul3A_28 : i32 to index
      %get3A_93 = arith.constant 0 : index
      %get3A_94 = vector.load %arg6[%get3A_92, %get3A_93] : memref<10240x64xf32, #tpu.memory_space<vmem>>, vector<1024x64xf32>
      %mul3A_95 = vector.broadcast %div3A : vector<1024x1xf32> to vector<1024x64xf32>
      %mul3A_96 = arith.mulf %get3A_94, %mul3A_95 : vector<1024x64xf32>
      %jit3A_97 = arith.constant 0.000000e+00 : f32
      %broadcast_in_dim3A_98 = vector.shape_cast %and3A : vector<1024x1xi1> to vector<1024x1xi1>
      %broadcast_in_dim3A_99 = vector.broadcast %broadcast_in_dim3A_98 : vector<1024x1xi1> to vector<1024x64xi1>
      %broadcast_in_dim3A_100 = vector.broadcast %jit3A_97 : f32 to vector<1024x64xf32>
      %select_n3A_101 = arith.select %broadcast_in_dim3A_99, %mul3A_96, %broadcast_in_dim3A_100 : vector<1024x64xi1>, vector<1024x64xf32>
      %swap3A = arith.index_cast %mul3A_28 : i32 to index
      %swap3A_102 = arith.constant 0 : index
      %swap3A_103 = vector.load %arg7[%swap3A, %swap3A_102] : memref<10240x64xf32, #tpu.memory_space<vmem>>, vector<1024x64xf32>
      tpu.vector_store %arg7[%swap3A, %swap3A_102], %select_n3A_101 {strides = array<i32>} : memref<10240x64xf32, #tpu.memory_space<vmem>>, vector<1024x64xf32>,
      %convert_element_type3A = arith.extui %and3A : vector<1024x1xi1> to vector<1024x1xi32>
      %convert_element_type3A_104 = arith.sitofp %convert_element_type3A : vector<1024x1xi32> to vector<1024x1xf32>
      %swap3A_105 = arith.index_cast %mul3A_28 : i32 to index
      %swap3A_106 = arith.constant 0 : index
      %swap3A_107 = vector.load %arg8[%swap3A_105, %swap3A_106] : memref<10240x1xf32, #tpu.memory_space<vmem>>, vector<1024x1xf32>
      tpu.vector_store %arg8[%swap3A_105, %swap3A_106], %convert_element_type3A_104 {strides = array<i32>} : memref<10240x1xf32, #tpu.memory_space<vmem>>, vector<1024x1xf32>,
      %jit3A_108 = arith.constant 0.000000e+00 : f32
      %broadcast_in_dim3A_109 = vector.broadcast %jit3A_108 : f32 to vector<1024x1xf32>
      %select_n3A_110 = arith.select %and3A, %div3A, %broadcast_in_dim3A_109 : vector<1024x1xi1>, vector<1024x1xf32>
      %swap3A_111 = arith.index_cast %mul3A_28 : i32 to index
      %swap3A_112 = arith.constant 0 : index
      %swap3A_113 = vector.load %arg9[%swap3A_111, %swap3A_112] : memref<10240x1xf32, #tpu.memory_space<vmem>>, vector<1024x1xf32>
      tpu.vector_store %arg9[%swap3A_111, %swap3A_112], %select_n3A_110 {strides = array<i32>} : memref<10240x1xf32, #tpu.memory_space<vmem>>, vector<1024x1xf32>,
    }
    %scan3A_26 = arith.constant 10 : i32
    return
  }
}

module attributes {stable_mosaic.version = 14 : i64} {
  func.func @_t3_body(%arg0: i32, %arg1: memref<256x64xf32, #tpu.memory_space<vmem>>, %arg2: memref<256x64xf32, #tpu.memory_space<vmem>>, %arg3: memref<64x64xf32, #tpu.memory_space<vmem>>, %arg4: memref<1x64xf32, #tpu.memory_space<vmem>>, %arg5: memref<64x64xf32, #tpu.memory_space<vmem>>, %arg6: memref<1x64xf32, #tpu.memory_space<vmem>>, %arg7: memref<64x1xf32, #tpu.memory_space<vmem>>, %arg8: memref<1x1xf32, #tpu.memory_space<vmem>>, %arg9: memref<256x1xi32, #tpu.memory_space<vmem>>, %arg10: memref<256x1xf32, #tpu.memory_space<vmem>>, %arg11: memref<256x1xf32, #tpu.memory_space<vmem>>, %arg12: memref<256x1xf32, #tpu.memory_space<vmem>>, %arg13: memref<64x1xf32, #tpu.memory_space<vmem>>, %arg14: memref<1x64xf32, #tpu.memory_space<vmem>>, %arg15: memref<1x1xf32, #tpu.memory_space<vmem>>, %arg16: memref<65x64xf32, #tpu.memory_space<vmem>>, %arg17: memref<1x65xf32, #tpu.memory_space<vmem>>, %arg18: memref<1x65xf32, #tpu.memory_space<vmem>>, %arg19: memref<1x1xf32, #tpu.memory_space<vmem>>) attributes {dimension_semantics = [#tpu.dimension_semantics<arbitrary>], iteration_bounds = array<i64: 40>, scalar_prefetch = 0 : i64, scratch_operands = 4 : i64, tpu.core_type = #tpu.core_type<tc>, window_params = [{transform_indices = @transform_0, window_bounds = array<i64: 256, 64>}, {transform_indices = @transform_1, window_bounds = array<i64: 256, 64>}, {pipeline_mode = #tpu.pipeline_mode<synchronous>, transform_indices = @transform_2, window_bounds = array<i64: 64, 64>}, {pipeline_mode = #tpu.pipeline_mode<synchronous>, transform_indices = @transform_3, window_bounds = array<i64: 1, 64>}, {pipeline_mode = #tpu.pipeline_mode<synchronous>, transform_indices = @transform_4, window_bounds = array<i64: 64, 64>}, {pipeline_mode = #tpu.pipeline_mode<synchronous>, transform_indices = @transform_5, window_bounds = array<i64: 1, 64>}, {pipeline_mode = #tpu.pipeline_mode<synchronous>, transform_indices = @transform_6, window_bounds = array<i64: 64, 1>}, {pipeline_mode = #tpu.pipeline_mode<synchronous>, transform_indices = @transform_7, window_bounds = array<i64: 1, 1>}, {transform_indices = @transform_8, window_bounds = array<i64: 256, 1>}, {transform_indices = @transform_9, window_bounds = array<i64: 256, 1>}, {transform_indices = @transform_10, window_bounds = array<i64: 256, 1>}, {transform_indices = @transform_11, window_bounds = array<i64: 256, 1>}, {pipeline_mode = #tpu.pipeline_mode<synchronous>, transform_indices = @transform_12, window_bounds = array<i64: 64, 1>}, {pipeline_mode = #tpu.pipeline_mode<synchronous>, transform_indices = @transform_13, window_bounds = array<i64: 1, 64>}, {pipeline_mode = #tpu.pipeline_mode<synchronous>, transform_indices = @transform_14, window_bounds = array<i64: 1, 1>}]} {
    %eq3A = arith.constant 0 : i32
    %eq3A_0 = arith.cmpi eq, %arg0, %eq3A : i32
    %convert_element_type3A = arith.extui %eq3A_0 : i1 to i32
    %cond3A = arith.constant 0 : i32
    %cond3A_1 = arith.cmpi ne, %convert_element_type3A, %cond3A : i32
    scf.if %cond3A_1 {
      %broadcast_in_dim3A_104 = arith.constant 0xFF800000 : f32
      %broadcast_in_dim3A_105 = vector.broadcast %broadcast_in_dim3A_104 : f32 to vector<65x64xf32>
      %swap3A_106 = arith.constant 0 : index
      %swap3A_107 = arith.constant 0 : index
      %swap3A_108 = vector.load %arg16[%swap3A_106, %swap3A_107] : memref<65x64xf32, #tpu.memory_space<vmem>>, vector<65x64xf32>
      tpu.vector_store %arg16[%swap3A_106, %swap3A_107], %broadcast_in_dim3A_105 {strides = array<i32>} : memref<65x64xf32, #tpu.memory_space<vmem>>, vector<65x64xf32>,
      %broadcast_in_dim3A_109 = arith.constant 0.000000e+00 : f32
      %broadcast_in_dim3A_110 = vector.broadcast %broadcast_in_dim3A_109 : f32 to vector<1x65xf32>
      %swap3A_111 = arith.constant 0 : index
      %swap3A_112 = arith.constant 0 : index
      %swap3A_113 = vector.load %arg17[%swap3A_111, %swap3A_112] : memref<1x65xf32, #tpu.memory_space<vmem>>, vector<1x65xf32>
      tpu.vector_store %arg17[%swap3A_111, %swap3A_112], %broadcast_in_dim3A_110 {strides = array<i32>} : memref<1x65xf32, #tpu.memory_space<vmem>>, vector<1x65xf32>,
      %broadcast_in_dim3A_114 = arith.constant 0.000000e+00 : f32
      %broadcast_in_dim3A_115 = vector.broadcast %broadcast_in_dim3A_114 : f32 to vector<1x65xf32>
      %swap3A_116 = arith.constant 0 : index
      %swap3A_117 = arith.constant 0 : index
      %swap3A_118 = vector.load %arg18[%swap3A_116, %swap3A_117] : memref<1x65xf32, #tpu.memory_space<vmem>>, vector<1x65xf32>
      tpu.vector_store %arg18[%swap3A_116, %swap3A_117], %broadcast_in_dim3A_115 {strides = array<i32>} : memref<1x65xf32, #tpu.memory_space<vmem>>, vector<1x65xf32>,
      %broadcast_in_dim3A_119 = arith.constant 0.000000e+00 : f32
      %broadcast_in_dim3A_120 = vector.broadcast %broadcast_in_dim3A_119 : f32 to vector<1x1xf32>
      %swap3A_121 = arith.constant 0 : index
      %swap3A_122 = arith.constant 0 : index
      %swap3A_123 = vector.load %arg19[%swap3A_121, %swap3A_122] : memref<1x1xf32, #tpu.memory_space<vmem>>, vector<1x1xf32>
      tpu.vector_store %arg19[%swap3A_121, %swap3A_122], %broadcast_in_dim3A_120 {strides = array<i32>} : memref<1x1xf32, #tpu.memory_space<vmem>>, vector<1x1xf32>,
    } else {
    }
    %get3A = arith.constant 0 : index
    %get3A_2 = arith.constant 0 : index
    %get3A_3 = vector.load %arg1[%get3A, %get3A_2] : memref<256x64xf32, #tpu.memory_space<vmem>>, vector<256x64xf32>
    %get3A_4 = arith.constant 0 : index
    %get3A_5 = arith.constant 0 : index
    %get3A_6 = vector.load %arg2[%get3A_4, %get3A_5] : memref<256x64xf32, #tpu.memory_space<vmem>>, vector<256x64xf32>
    %add3A = arith.addf %get3A_3, %get3A_6 : vector<256x64xf32>
    %get3A_7 = arith.constant 0 : index
    %get3A_8 = arith.constant 0 : index
    %get3A_9 = vector.load %arg3[%get3A_7, %get3A_8] : memref<64x64xf32, #tpu.memory_space<vmem>>, vector<64x64xf32>
    %dot_general3A = arith.constant dense<0.000000e+00> : vector<256x64xf32>
    %dot_general3A_10 = tpu.matmul %add3A, %get3A_9, %dot_general3A {dimension_numbers = #tpu.dot_dimension_numbers<[1], [0], [0], [1], [0, 0, 1, 1], [], []>, transpose_lhs_hint = false} : vector<256x64xf32>, vector<64x64xf32>, vector<256x64xf32> -> vector<256x64xf32>
    %get3A_11 = arith.constant 0 : index
    %get3A_12 = arith.constant 0 : index
    %get3A_13 = vector.load %arg4[%get3A_11, %get3A_12] : memref<1x64xf32, #tpu.memory_space<vmem>>, vector<1x64xf32>
    %add3A_14 = vector.broadcast %get3A_13 : vector<1x64xf32> to vector<256x64xf32>
    %add3A_15 = arith.addf %dot_general3A_10, %add3A_14 : vector<256x64xf32>
    %max3A = arith.constant 0.000000e+00 : f32
    %max3A_16 = vector.broadcast %max3A : f32 to vector<256x64xf32>
    %max3A_17 = arith.maximumf %add3A_15, %max3A_16 : vector<256x64xf32>
    %get3A_18 = arith.constant 0 : index
    %get3A_19 = arith.constant 0 : index
    %get3A_20 = vector.load %arg5[%get3A_18, %get3A_19] : memref<64x64xf32, #tpu.memory_space<vmem>>, vector<64x64xf32>
    %dot_general3A_21 = arith.constant dense<0.000000e+00> : vector<256x64xf32>
    %dot_general3A_22 = tpu.matmul %max3A_17, %get3A_20, %dot_general3A_21 {dimension_numbers = #tpu.dot_dimension_numbers<[1], [0], [0], [1], [0, 0, 1, 1], [], []>, transpose_lhs_hint = false} : vector<256x64xf32>, vector<64x64xf32>, vector<256x64xf32> -> vector<256x64xf32>
    %get3A_23 = arith.constant 0 : index
    %get3A_24 = arith.constant 0 : index
    %get3A_25 = vector.load %arg6[%get3A_23, %get3A_24] : memref<1x64xf32, #tpu.memory_space<vmem>>, vector<1x64xf32>
    %add3A_26 = vector.broadcast %get3A_25 : vector<1x64xf32> to vector<256x64xf32>
    %add3A_27 = arith.addf %dot_general3A_22, %add3A_26 : vector<256x64xf32>
    %max3A_28 = arith.constant 0.000000e+00 : f32
    %max3A_29 = vector.broadcast %max3A_28 : f32 to vector<256x64xf32>
    %max3A_30 = arith.maximumf %add3A_27, %max3A_29 : vector<256x64xf32>
    %get3A_31 = arith.constant 0 : index
    %get3A_32 = arith.constant 0 : index
    %get3A_33 = vector.load %arg10[%get3A_31, %get3A_32] : memref<256x1xf32, #tpu.memory_space<vmem>>, vector<256x1xf32>
    %gt3A = arith.constant 0.000000e+00 : f32
    %gt3A_34 = vector.broadcast %gt3A : f32 to vector<256x1xf32>
    %gt3A_35 = arith.cmpf ogt, %get3A_33, %gt3A_34 : vector<256x1xf32>
    %get3A_36 = arith.constant 0 : index
    %get3A_37 = arith.constant 0 : index
    %get3A_38 = vector.load %arg9[%get3A_36, %get3A_37] : memref<256x1xi32, #tpu.memory_space<vmem>>, vector<256x1xi32>
    %jit3A = arith.constant 64 : i32
    %broadcast_in_dim3A = vector.broadcast %jit3A : i32 to vector<256x1xi32>
    %select_n3A = arith.select %gt3A_35, %get3A_38, %broadcast_in_dim3A : vector<256x1xi1>, vector<256x1xi32>
    %iota3A = tpu.iota {dimensions = array<i32: 1>} : vector<256x65xi32>
    %eq3A_39 = vector.broadcast %select_n3A : vector<256x1xi32> to vector<256x65xi32>
    %eq3A_40 = arith.cmpi eq, %eq3A_39, %iota3A : vector<256x65xi32>
    %scan3A = arith.constant 0 : i32
    %scan3A_41 = arith.constant 64 : i32
    %scan3A_42 = arith.addi %scan3A, %scan3A_41 : i32
    %scan3A_43 = arith.constant 1 : i32
    scf.for %scan3A_104 = %scan3A to %scan3A_42 step %scan3A_43  : i32 {
      %eq3A_105 = vector.broadcast %scan3A_104 : i32 to vector<256x1xi32>
      %eq3A_106 = arith.cmpi eq, %select_n3A, %eq3A_105 : vector<256x1xi32>
      %jit3A_107 = arith.constant 0xFF800000 : f32
      %broadcast_in_dim3A_108 = vector.shape_cast %eq3A_106 : vector<256x1xi1> to vector<256x1xi1>
      %broadcast_in_dim3A_109 = vector.broadcast %broadcast_in_dim3A_108 : vector<256x1xi1> to vector<256x64xi1>
      %broadcast_in_dim3A_110 = vector.broadcast %jit3A_107 : f32 to vector<256x64xf32>
      %select_n3A_111 = arith.select %broadcast_in_dim3A_109, %max3A_30, %broadcast_in_dim3A_110 : vector<256x64xi1>, vector<256x64xf32>
      %reduce_max3A = arith.constant dense<0xFF800000> : vector<64xf32>
      %reduce_max3A_112 = vector.multi_reduction <maximumf>, %select_n3A_111, %reduce_max3A [0] : vector<256x64xf32> to vector<64xf32>
      %broadcast_in_dim3A_113 = vector.shape_cast %reduce_max3A_112 : vector<64xf32> to vector<1x64xf32>
      %get3A_114 = arith.index_cast %scan3A_104 : i32 to index
      %get3A_115 = arith.constant 0 : index
      %get3A_116 = vector.load %arg16[%get3A_114, %get3A_115] : memref<65x64xf32, #tpu.memory_space<vmem>>, vector<1x64xf32>
      %max3A_117 = arith.maximumf %get3A_116, %broadcast_in_dim3A_113 : vector<1x64xf32>
      %swap3A_118 = arith.index_cast %scan3A_104 : i32 to index
      %swap3A_119 = arith.constant 0 : index
      %swap3A_120 = vector.load %arg16[%swap3A_118, %swap3A_119] : memref<65x64xf32, #tpu.memory_space<vmem>>, vector<1x64xf32>
      tpu.vector_store %arg16[%swap3A_118, %swap3A_119], %max3A_117 {strides = array<i32>} : memref<65x64xf32, #tpu.memory_space<vmem>>, vector<1x64xf32>,
    }
    %scan3A_44 = arith.constant 64 : i32
    %get3A_45 = arith.constant 0 : index
    %get3A_46 = arith.constant 0 : index
    %get3A_47 = vector.load %arg12[%get3A_45, %get3A_46] : memref<256x1xf32, #tpu.memory_space<vmem>>, vector<256x1xf32>
    %gt3A_48 = arith.constant 0.000000e+00 : f32
    %gt3A_49 = vector.broadcast %gt3A_48 : f32 to vector<256x1xf32>
    %gt3A_50 = arith.cmpf ogt, %get3A_47, %gt3A_49 : vector<256x1xf32>
    %log3A = math.log %get3A_47 : vector<256x1xf32>
    %mul3A = arith.mulf %get3A_47, %log3A : vector<256x1xf32>
    %jit3A_51 = arith.constant 0.000000e+00 : f32
    %broadcast_in_dim3A_52 = vector.broadcast %jit3A_51 : f32 to vector<256x1xf32>
    %select_n3A_53 = arith.select %gt3A_50, %mul3A, %broadcast_in_dim3A_52 : vector<256x1xi1>, vector<256x1xf32>
    %get3A_54 = arith.constant 0 : index
    %get3A_55 = arith.constant 0 : index
    %get3A_56 = vector.load %arg11[%get3A_54, %get3A_55] : memref<256x1xf32, #tpu.memory_space<vmem>>, vector<256x1xf32>
    %add3A_57 = arith.constant 9.99999982E-15 : f32
    %add3A_58 = vector.broadcast %add3A_57 : f32 to vector<256x1xf32>
    %add3A_59 = arith.addf %get3A_56, %add3A_58 : vector<256x1xf32>
    %log3A_60 = math.log %add3A_59 : vector<256x1xf32>
    %mul3A_61 = arith.mulf %get3A_47, %log3A_60 : vector<256x1xf32>
    %sub3A = arith.subf %select_n3A_53, %mul3A_61 : vector<256x1xf32>
    %jit3A_62 = arith.constant 0.000000e+00 : f32
    %broadcast_in_dim3A_63 = vector.broadcast %jit3A_62 : f32 to vector<256x1xf32>
    %select_n3A_64 = arith.select %gt3A_35, %sub3A, %broadcast_in_dim3A_63 : vector<256x1xi1>, vector<256x1xf32>
    %convert_element_type3A_65 = arith.extui %eq3A_40 : vector<256x65xi1> to vector<256x65xi32>
    %convert_element_type3A_66 = arith.sitofp %convert_element_type3A_65 : vector<256x65xi32> to vector<256x65xf32>
    %get3A_67 = arith.constant 0 : index
    %get3A_68 = arith.constant 0 : index
    %get3A_69 = vector.load %arg17[%get3A_67, %get3A_68] : memref<1x65xf32, #tpu.memory_space<vmem>>, vector<1x65xf32>
    %mul3A_70 = vector.broadcast %select_n3A_64 : vector<256x1xf32> to vector<256x65xf32>
    %mul3A_71 = arith.mulf %convert_element_type3A_66, %mul3A_70 : vector<256x65xf32>
    %reduce_sum3A = arith.constant dense<0.000000e+00> : vector<65xf32>
    %reduce_sum3A_72 = vector.multi_reduction <add>, %mul3A_71, %reduce_sum3A [0] : vector<256x65xf32> to vector<65xf32>
    %broadcast_in_dim3A_73 = vector.shape_cast %reduce_sum3A_72 : vector<65xf32> to vector<1x65xf32>
    %add3A_74 = arith.addf %get3A_69, %broadcast_in_dim3A_73 : vector<1x65xf32>
    %swap3A = arith.constant 0 : index
    %swap3A_75 = arith.constant 0 : index
    %swap3A_76 = vector.load %arg17[%swap3A, %swap3A_75] : memref<1x65xf32, #tpu.memory_space<vmem>>, vector<1x65xf32>
    tpu.vector_store %arg17[%swap3A, %swap3A_75], %add3A_74 {strides = array<i32>} : memref<1x65xf32, #tpu.memory_space<vmem>>, vector<1x65xf32>,
    %get3A_77 = arith.constant 0 : index
    %get3A_78 = arith.constant 0 : index
    %get3A_79 = vector.load %arg18[%get3A_77, %get3A_78] : memref<1x65xf32, #tpu.memory_space<vmem>>, vector<1x65xf32>
    %reduce_sum3A_80 = arith.constant dense<0.000000e+00> : vector<65xf32>
    %reduce_sum3A_81 = vector.multi_reduction <add>, %convert_element_type3A_66, %reduce_sum3A_80 [0] : vector<256x65xf32> to vector<65xf32>
    %broadcast_in_dim3A_82 = vector.shape_cast %reduce_sum3A_81 : vector<65xf32> to vector<1x65xf32>
    %add3A_83 = arith.addf %get3A_79, %broadcast_in_dim3A_82 : vector<1x65xf32>
    %swap3A_84 = arith.constant 0 : index
    %swap3A_85 = arith.constant 0 : index
    %swap3A_86 = vector.load %arg18[%swap3A_84, %swap3A_85] : memref<1x65xf32, #tpu.memory_space<vmem>>, vector<1x65xf32>
    tpu.vector_store %arg18[%swap3A_84, %swap3A_85], %add3A_83 {strides = array<i32>} : memref<1x65xf32, #tpu.memory_space<vmem>>, vector<1x65xf32>,
    %get3A_87 = arith.constant 0 : index
    %get3A_88 = arith.constant 0 : index
    %get3A_89 = vector.load %arg19[%get3A_87, %get3A_88] : memref<1x1xf32, #tpu.memory_space<vmem>>, vector<1x1xf32>
    %reduce_sum3A_90 = vector.shape_cast %get3A_33 : vector<256x1xf32> to vector<1x256x1xf32>
    %reduce_sum3A_91 = arith.constant dense<0.000000e+00> : vector<1xf32>
    %reduce_sum3A_92 = vector.multi_reduction <add>, %reduce_sum3A_90, %reduce_sum3A_91 [1, 2] : vector<1x256x1xf32> to vector<1xf32>
    %reduce_sum3A_93 = vector.shape_cast %reduce_sum3A_92 : vector<1xf32> to vector<1x1x1xf32>
    %reduce_sum3A_94 = vector.extract %reduce_sum3A_93[0, 0, 0] : f32 from vector<1x1x1xf32>
    %reshape3A = vector.broadcast %reduce_sum3A_94 : f32 to vector<1x1xf32>
    %add3A_95 = arith.addf %get3A_89, %reshape3A : vector<1x1xf32>
    %swap3A_96 = arith.constant 0 : index
    %swap3A_97 = arith.constant 0 : index
    %swap3A_98 = vector.load %arg19[%swap3A_96, %swap3A_97] : memref<1x1xf32, #tpu.memory_space<vmem>>, vector<1x1xf32>
    tpu.vector_store %arg19[%swap3A_96, %swap3A_97], %add3A_95 {strides = array<i32>} : memref<1x1xf32, #tpu.memory_space<vmem>>, vector<1x1xf32>,
    %eq3A_99 = arith.constant 39 : i32
    %eq3A_100 = arith.cmpi eq, %arg0, %eq3A_99 : i32
    %convert_element_type3A_101 = arith.extui %eq3A_100 : i1 to i32
    %cond3A_102 = arith.constant 0 : i32
    %cond3A_103 = arith.cmpi ne, %convert_element_type3A_101, %cond3A_102 : i32
    scf.if %cond3A_103 {
      %get3A_104 = arith.constant 0 : index
      %get3A_105 = arith.constant 0 : index
      %get3A_106 = vector.load %arg16[%get3A_104, %get3A_105] : memref<65x64xf32, #tpu.memory_space<vmem>>, vector<65x64xf32>
      %slice3A = vector.extract_strided_slice %get3A_106 {offsets = [0, 0], sizes = [64, 64], strides = [1, 1]} : vector<65x64xf32> to vector<64x64xf32>
      %get3A_107 = arith.constant 0 : index
      %get3A_108 = arith.constant 0 : index
      %get3A_109 = vector.load %arg7[%get3A_107, %get3A_108] : memref<64x1xf32, #tpu.memory_space<vmem>>, vector<64x1xf32>
      %dot_general3A_110 = arith.constant dense<0.000000e+00> : vector<64x1xf32>
      %dot_general3A_111 = tpu.matmul %slice3A, %get3A_109, %dot_general3A_110 {dimension_numbers = #tpu.dot_dimension_numbers<[1], [0], [0], [1], [0, 0, 1, 1], [], []>, transpose_lhs_hint = false} : vector<64x64xf32>, vector<64x1xf32>, vector<64x1xf32> -> vector<64x1xf32>
      %get3A_112 = arith.constant 0 : index
      %get3A_113 = arith.constant 0 : index
      %get3A_114 = vector.load %arg8[%get3A_112, %get3A_113] : memref<1x1xf32, #tpu.memory_space<vmem>>, vector<1x1xf32>
      %add3A_115 = vector.broadcast %get3A_114 : vector<1x1xf32> to vector<64x1xf32>
      %add3A_116 = arith.addf %dot_general3A_111, %add3A_115 : vector<64x1xf32>
      %swap3A_117 = arith.constant 0 : index
      %swap3A_118 = arith.constant 0 : index
      %swap3A_119 = vector.load %arg13[%swap3A_117, %swap3A_118] : memref<64x1xf32, #tpu.memory_space<vmem>>, vector<64x1xf32>
      tpu.vector_store %arg13[%swap3A_117, %swap3A_118], %add3A_116 {strides = array<i32>} : memref<64x1xf32, #tpu.memory_space<vmem>>, vector<64x1xf32>,
      %get3A_120 = arith.constant 0 : index
      %get3A_121 = arith.constant 0 : index
      %get3A_122 = vector.load %arg18[%get3A_120, %get3A_121] : memref<1x65xf32, #tpu.memory_space<vmem>>, vector<1x65xf32>
      %slice3A_123 = vector.extract_strided_slice %get3A_122 {offsets = [0, 0], sizes = [1, 64], strides = [1, 1]} : vector<1x65xf32> to vector<1x64xf32>
      %max3A_124 = arith.constant 1.000000e+00 : f32
      %max3A_125 = vector.broadcast %max3A_124 : f32 to vector<1x64xf32>
      %max3A_126 = arith.maximumf %slice3A_123, %max3A_125 : vector<1x64xf32>
      %get3A_127 = arith.constant 0 : index
      %get3A_128 = arith.constant 0 : index
      %get3A_129 = vector.load %arg17[%get3A_127, %get3A_128] : memref<1x65xf32, #tpu.memory_space<vmem>>, vector<1x65xf32>
      %slice3A_130 = vector.extract_strided_slice %get3A_129 {offsets = [0, 0], sizes = [1, 64], strides = [1, 1]} : vector<1x65xf32> to vector<1x64xf32>
      %div3A = arith.divf %slice3A_130, %max3A_126 : vector<1x64xf32>
      %swap3A_131 = arith.constant 0 : index
      %swap3A_132 = arith.constant 0 : index
      %swap3A_133 = vector.load %arg14[%swap3A_131, %swap3A_132] : memref<1x64xf32, #tpu.memory_space<vmem>>, vector<1x64xf32>
      tpu.vector_store %arg14[%swap3A_131, %swap3A_132], %div3A {strides = array<i32>} : memref<1x64xf32, #tpu.memory_space<vmem>>, vector<1x64xf32>,
      %get3A_134 = arith.constant 0 : index
      %get3A_135 = arith.constant 0 : index
      %get3A_136 = vector.load %arg19[%get3A_134, %get3A_135] : memref<1x1xf32, #tpu.memory_space<vmem>>, vector<1x1xf32>
      %div3A_137 = arith.constant 1.000000e+04 : f32
      %div3A_138 = vector.broadcast %div3A_137 : f32 to vector<1x1xf32>
      %div3A_139 = arith.divf %get3A_136, %div3A_138 : vector<1x1xf32>
      %swap3A_140 = arith.constant 0 : index
      %swap3A_141 = arith.constant 0 : index
      %swap3A_142 = vector.load %arg15[%swap3A_140, %swap3A_141] : memref<1x1xf32, #tpu.memory_space<vmem>>, vector<1x1xf32>
      tpu.vector_store %arg15[%swap3A_140, %swap3A_141], %div3A_139 {strides = array<i32>} : memref<1x1xf32, #tpu.memory_space<vmem>>, vector<1x1xf32>,
    } else {
    }
    return
  }
  func.func @transform_0(%arg0: i32) -> (i32, i32) {
    %c0_i32 = arith.constant 0 : i32
    %c0_i32_0 = arith.constant 0 : i32
    return %arg0, %c0_i32 : i32, i32
  }
  func.func @transform_1(%arg0: i32) -> (i32, i32) {
    %c0_i32 = arith.constant 0 : i32
    %c0_i32_0 = arith.constant 0 : i32
    return %arg0, %c0_i32 : i32, i32
  }
  func.func @transform_2(%arg0: i32) -> (i32, i32) {
    %c0_i32 = arith.constant 0 : i32
    %c0_i32_0 = arith.constant 0 : i32
    %c0_i32_1 = arith.constant 0 : i32
    return %c0_i32, %c0_i32_0 : i32, i32
  }
  func.func @transform_3(%arg0: i32) -> (i32, i32) {
    %c0_i32 = arith.constant 0 : i32
    %c0_i32_0 = arith.constant 0 : i32
    %c0_i32_1 = arith.constant 0 : i32
    return %c0_i32, %c0_i32_0 : i32, i32
  }
  func.func @transform_4(%arg0: i32) -> (i32, i32) {
    %c0_i32 = arith.constant 0 : i32
    %c0_i32_0 = arith.constant 0 : i32
    %c0_i32_1 = arith.constant 0 : i32
    return %c0_i32, %c0_i32_0 : i32, i32
  }
  func.func @transform_5(%arg0: i32) -> (i32, i32) {
    %c0_i32 = arith.constant 0 : i32
    %c0_i32_0 = arith.constant 0 : i32
    %c0_i32_1 = arith.constant 0 : i32
    return %c0_i32, %c0_i32_0 : i32, i32
  }
  func.func @transform_6(%arg0: i32) -> (i32, i32) {
    %c0_i32 = arith.constant 0 : i32
    %c0_i32_0 = arith.constant 0 : i32
    %c0_i32_1 = arith.constant 0 : i32
    return %c0_i32, %c0_i32_0 : i32, i32
  }
  func.func @transform_7(%arg0: i32) -> (i32, i32) {
    %c0_i32 = arith.constant 0 : i32
    %c0_i32_0 = arith.constant 0 : i32
    %c0_i32_1 = arith.constant 0 : i32
    return %c0_i32, %c0_i32_0 : i32, i32
  }
  func.func @transform_8(%arg0: i32) -> (i32, i32) {
    %c0_i32 = arith.constant 0 : i32
    %c0_i32_0 = arith.constant 0 : i32
    return %arg0, %c0_i32 : i32, i32
  }
  func.func @transform_9(%arg0: i32) -> (i32, i32) {
    %c0_i32 = arith.constant 0 : i32
    %c0_i32_0 = arith.constant 0 : i32
    return %arg0, %c0_i32 : i32, i32
  }
  func.func @transform_10(%arg0: i32) -> (i32, i32) {
    %c0_i32 = arith.constant 0 : i32
    %c0_i32_0 = arith.constant 0 : i32
    return %arg0, %c0_i32 : i32, i32
  }
  func.func @transform_11(%arg0: i32) -> (i32, i32) {
    %c0_i32 = arith.constant 0 : i32
    %c0_i32_0 = arith.constant 0 : i32
    return %arg0, %c0_i32 : i32, i32
  }
  func.func @transform_12(%arg0: i32) -> (i32, i32) {
    %c0_i32 = arith.constant 0 : i32
    %c0_i32_0 = arith.constant 0 : i32
    %c0_i32_1 = arith.constant 0 : i32
    return %c0_i32, %c0_i32_0 : i32, i32
  }
  func.func @transform_13(%arg0: i32) -> (i32, i32) {
    %c0_i32 = arith.constant 0 : i32
    %c0_i32_0 = arith.constant 0 : i32
    %c0_i32_1 = arith.constant 0 : i32
    return %c0_i32, %c0_i32_0 : i32, i32
  }
  func.func @transform_14(%arg0: i32) -> (i32, i32) {
    %c0_i32 = arith.constant 0 : i32
    %c0_i32_0 = arith.constant 0 : i32
    %c0_i32_1 = arith.constant 0 : i32
    return %c0_i32, %c0_i32_0 : i32, i32
  }
}

</mosaic_0001>

<sc_bundles>
// kernel: kernel.15.cloned.1.call-start
scs
__scs_entry_jumppad:
0x0: {  	(pc) =	sbr.rel $0x88, $3  }
0x1: {  	(tag) =	ssettag $0x0;
	lr =	simm.s32 $0x1  }
0x2: {  	[smem:$0x3F8B] =	sst lr;
	_ =	strace $0xD0000000  }
0x3: {  	_ = 	snop  }
0x4: {  	_ = 	snop  }
0x5: {  	_ = 	snop  }
0x6: {  	_ = 	snop  }
0x7: {  	_ = 	snop  }
__scs_overlays_trampoline_lowered:
0x8: {  	[smem:$0x3F9A] =	sst s0  }
0x9: {  	[smem:$0x3F9B] =	sst s1  }
0xa: {  	[smem:$0x3F9C] =	sst s2  }
0xb: {  	[smem:$0x3F9D] =	sst s3  }
0xc: {  	[smem:$0x3F9E] =	sst s4  }
0xd: {  	[smem:$0x3F9F] =	sst s5  }
0xe: {  	[smem:$0x3FA0] =	sst s6  }
0xf: {  	[smem:$0x3FA1] =	sst s7  }
0x10: {  	[smem:$0x3FA2] =	sst s8  }
0x11: {  	[smem:$0x3FA3] =	sst s9;
	s0 =	simm.s32 @!p0 $0x0  }
0x12: {  	s1 =	sld [smem:$0x3F89];
	s0 =	simm.s32 @p0 $0x1  }
0x13: {  	[smem:$0x3FA4] =	sst s0;
	s0 =	simm.s32 @!p1 $0x0  }
0x14: {  	s2 =	sld [smem:$0x3F88];
	s0 =	simm.s32 @p1 $0x1  }
0x15: {  	[smem:$0x3FA5] =	sst s0;
	s0 =	simm.s32 @!p2 $0x0  }
0x16: {  	s3 =	sld [smem:$0x3FDB];
	s0 =	simm.s32 @p2 $0x1  }
0x17: {  	s4 =	simm.s32 $0x1BF5;
	[smem:$0x3FA7] =	sst s0  }
0x18: {  	s0 =	sld [smem:$0x3F8A];
	_ =	swait.ge [sflag:s4], $0x0  }
0x19: {  	s7 =	sld [smem:$0x3F8B]  }
0x1a: {  	s8 =	sadd.s32 $0xFFFFE003, lr  }
0x1b: {  	s9 =	sadd.s32 $0xFFFFFEF7, lr;
	s5 =	simm.s32 $0xFFFFFFFF;
	p2 =	slt.u32 s8, $0xFFFFF086  }
0x1c: {  	p1 =	slt.u32 s9, $0xF7A;
	s5 =	simm.s32 @!p2 $0x0  }
0x1d: {  	s5 =	simm.s32 @p1 $0x1;
	p0 =	seq.s32 s7, s2  }
0x1e: {  	s7 =	smul.u32 @!p0 $0xF7A, s2;
	p2 =	seq.s32 @!p0 s5, $0x0  }
0x1f: {  	s9 =	smul.u32 $0xF7A, s1;
	s8 =	simm.s32 @!p0 $0x1BF5;
	p2 =	por !p2, p0  }
0x20: {  	[sflag:s8] =	ssyncset.s32 @!p0 $0xFFFFF086;
	s6 =	sadd.s32 @!p0 s3, s7;
	s7 =	simm.s32 @!p0 $0x108  }
0x21: {  	s3 =	sadd.s32 s3, s9;
	s6 =	sadd.s32 @!p0 $0x88, s6;
	s7 =	simm.s32 @p2 $0x1082  }
0x22: {  	[simem:s7], [sflag:s8] =	dma.local @!p0 [hbm:s6], $0xF7A  }
0x23: {  	s9 =	sor.u32 $0xD0000000, s2;
	s6 =	simm.s32 $0x108;
	_ =	swait.ge @!p0 [sflag:s8], $0x0  }
0x24: {  	s3 =	sadd.s32 $0x88, s3;
	s6 =	simm.s32 @!p1 $0x1082;
	[sflag:s4] =	ssyncset.s32 $0xFFFFF086  }
0x25: {  	[simem:s6], [sflag:s4] =	dma.local [hbm:s3], $0xF7A  }
0x26: {  	[smem:$0x3F8B] =	sst s1;
	(tag) =	ssettag s2;
	_ =	strace s9  }
0x27: {  	s1 =	sld [smem:$0x3F9B]  }
0x28: {  	s2 =	sld [smem:$0x3F9C]  }
0x29: {  	s4 =	sld [smem:$0x3F9E]  }
0x2a: {  	p0 =	seq.s32 s5, $0x0;
	s5 =	sld [smem:$0x3F9F]  }
0x2b: {  	s6 =	sld [smem:$0x3FA0]  }
0x2c: {  	s7 =	sld [smem:$0x3FA1]  }
0x2d: {  	s3 =	simm.s32 $0x108;
	s8 =	sld [smem:$0x3FA2]  }
0x2e: {  	s3 =	simm.s32 @!p0 $0x1082;
	s9 =	sld [smem:$0x3FA3]  }
0x2f: {  	lr =	sadd.s32 s0, s3;
	s0 =	sld [smem:$0x3F9A]  }
0x30: {  	s3 =	sld [smem:$0x3F9D]  }
0x31: {  	[smem:$0x3FA6] =	sst s10  }
0x32: {  	s10 =	sld [smem:$0x3FA4];
	_ =	sdelay $0x3  }
0x33: {  	p0 =	seq.s32 s10, $0x1;
	s10 =	sld [smem:$0x3FA6];
	_ =	sdelay $0x3  }
0x34: {  	[smem:$0x3FA6] =	sst s10  }
0x35: {  	s10 =	sld [smem:$0x3FA5];
	_ =	sdelay $0x3  }
0x36: {  	p1 =	seq.s32 s10, $0x1;
	s10 =	sld [smem:$0x3FA6];
	_ =	sdelay $0x3  }
0x37: {  	[smem:$0x3FA6] =	sst s10  }
0x38: {  	s10 =	sld [smem:$0x3FA7]  }
0x39: {  	_ = 	snop;
	(pc) =	sbr.ind lr, $3  }
0x3a: {  	_ = 	snop  }
0x3b: {  	_ = 	snop  }
0x3c: {  	p2 =	seq.s32 s10, $0x1;
	s10 =	sld [smem:$0x3FA6]  }
0x3d: {  	_ =	shalt  }
0x3e: {  	_ =	shalt  }
0x3f: {  	_ =	shalt  }
0x40: {  	_ =	shalt  }
0x41: {  	_ =	shalt  }
0x42: {  	_ =	shalt  }
0x43: {  	_ =	shalt  }
0x44: {  	_ =	shalt  }
0x45: {  	_ =	shalt  }
0x46: {  	_ =	shalt  }
0x47: {  	_ =	shalt  }
0x48: {  	_ =	shalt  }
0x49: {  	_ =	shalt  }
0x4a: {  	_ =	shalt  }
0x4b: {  	_ =	shalt  }
0x4c: {  	_ =	shalt  }
0x4d: {  	_ =	shalt  }
0x4e: {  	_ =	shalt  }
0x4f: {  	_ =	shalt  }
0x50: {  	_ =	shalt  }
0x51: {  	_ =	shalt  }
0x52: {  	_ =	shalt  }
0x53: {  	_ =	shalt  }
0x54: {  	_ =	shalt  }
0x55: {  	_ =	shalt  }
0x56: {  	_ =	shalt  }
0x57: {  	_ =	shalt  }
0x58: {  	_ =	shalt  }
0x59: {  	_ =	shalt  }
0x5a: {  	_ =	shalt  }
0x5b: {  	_ =	shalt  }
0x5c: {  	_ =	shalt  }
0x5d: {  	_ =	shalt  }
0x5e: {  	_ =	shalt  }
0x5f: {  	_ =	shalt  }
0x60: {  	_ =	shalt  }
0x61: {  	_ =	shalt  }
0x62: {  	_ =	shalt  }
0x63: {  	_ =	shalt  }
0x64: {  	_ =	shalt  }
0x65: {  	_ =	shalt  }
0x66: {  	_ =	shalt  }
0x67: {  	_ =	shalt  }
0x68: {  	_ =	shalt  }
0x69: {  	_ =	shalt  }
0x6a: {  	_ =	shalt  }
0x6b: {  	_ =	shalt  }
0x6c: {  	_ =	shalt  }
0x6d: {  	_ =	shalt  }
0x6e: {  	_ =	shalt  }
0x6f: {  	_ =	shalt  }
0x70: {  	_ =	shalt  }
0x71: {  	_ =	shalt  }
0x72: {  	_ =	shalt  }
0x73: {  	_ =	shalt  }
0x74: {  	_ =	shalt  }
0x75: {  	_ =	shalt  }
0x76: {  	_ =	shalt  }
0x77: {  	_ =	shalt  }
0x78: {  	_ =	shalt  }
0x79: {  	_ =	shalt  }
0x7a: {  	_ =	shalt  }
0x7b: {  	_ =	shalt  }
0x7c: {  	_ =	shalt  }
0x7d: {  	_ =	shalt  }
0x7e: {  	_ =	shalt  }
0x7f: {  	_ =	shalt  }
0x80: {  	_ =	shalt  }
0x81: {  	_ =	shalt  }
0x82: {  	_ =	shalt  }
0x83: {  	_ =	shalt  }
0x84: {  	_ =	shalt  }
0x85: {  	_ =	shalt  }
0x86: {  	_ =	shalt  }
0x87: {  	_ =	shalt  }
.Lfunc_end0:
.L_simem_size_0:
called_computation_lowered:
.L_overlay_start_0:
0x88: {  	s2 =	sld [smem:$0x3FD9]  }
0x89: {  	s3 =	sld [smem:$0x3FFE];
	_ =	sdelay $0x1  }
0x8a: {  	s1 =	srdreg.scid  }
0x8b: {  	s0 =	sand.u32 $0x1, s1  }
0x8c: {  	s16 =	sshll.u32 s0, $0xA;
	s2 =	sadd.s32 s3, s2  }
0x8d: {  	s2 =	sadd.s32 s2, s16  }
0x8e: {  	[smem:$0x3FB2] =	sst s2  }
0x8f: {  	_ = 	snop  }
0x90: {  	(tm) =	ssettm $0x1  }
0x91: {  	s17 =	sld [smem:$0x3FFB];
	_ =	sdelay $0x3  }
0x92: {  	_ =	strace s17  }
0x93: {  	s2 =	sld [smem:$0x3FFC];
	_ =	sdelay $0x3  }
0x94: {  	_ =	strace s2  }
0x95: {  	s2 =	sld [smem:$0x3FFD];
	_ =	sdelay $0x3  }
0x96: {  	_ =	strace s2  }
0x97: {  	_ =	strace $0x8FFFFFFF  }
0x98: {  	s18 =	sld [smem:$0x3FDB];
	_ =	sdelay $0x1  }
0x99: {  	s19 =	simm.s32 $_scs_section_size  }
0x9a: {  	s4 =	simm.s32 $_size__tile_overlayer_lowered;
	s5 =	simm.s32 $_tile_overlayer_lowered  }
0x9b: {  	s22 =	simm.s32 $0x1BFF;
	s21 =	sshll.u32 s5, $0x1;
	s2 =	sadd.s32 s19, s18  }
0x9c: {  	s6 =	simm.s32 $0x0;
	s20 =	sshll.u32 s4, $0x1;
	s4 =	sadd.s32 s21, s2  }
0x9d: {  	[timem:s6], [sflag:s22] =	dma.local [hbm:s4], s20  }
0x9e: {  	_ =	swait.ge [sflag:s22], s20  }
0x9f: {  	s3 =	ssub.s32 $0x0, s20;
	[sflag:s22] =	ssyncset.done $0x0  }
0xa0: {  	[sflag:s22] =	ssyncadd.s32 s3;
	_ =	sdelay $0x1  }
0xa1: {  	s23 =	simm.s32 $0x1B8B  }
0xa2: {  	_ =	swait.ge [sflag:s23], $0x1  }
0xa3: {  	[sflag:s23] =	ssyncset.done $0x0  }
0xa4: {  	s25 =	simm.s32 $0x1B8E;
	s24 =	sld [smem:$0x3FFE];
	[sflag:s23] =	ssyncadd.s32 $0xFFFFFFFF  }
0xa5: {  	s26 =	simm.s32 $execute0_lowered;
	[smem:$0x3FD2] =	sst s25  }
0xa6: {  	s4 =	sshll.u32 s26, $0x1;
	_ =	strace $0x80000046;
	[dreg:$0x1] =	wrdreg $0xFFFFFFFF  }
0xa7: {  	s28 =	simm.s32 $_size_execute0_lowered;
	s2 =	sadd.s32 s2, s4;
	[dreg:$0x0] =	wrdreg $0x0  }
0xa8: {  	s4 =	sshll.u32 s28, $0x1;
	[dreg:$0x2] =	wrdreg s2  }
0xa9: {  	[dreg:$0x3] =	wrdreg s4  }
0xaa: {  	[dreg:$0x4] =	wrdreg $0xC0  }
0xab: {  	_ =	task [dreg:s6], $0x5FFFF  }
0xac: {  	[dreg:$0x1] =	wrdreg $0xFFFFFFFF  }
0xad: {  	[dreg:$0x0] =	wrdreg $0x60  }
0xae: {  	[dreg:$0x2] =	wrdreg s24  }
0xaf: {  	[dreg:$0x3] =	wrdreg $0xE4000  }
0xb0: {  	[dreg:$0x4] =	wrdreg $0x9  }
0xb1: {  	_ =	task.clear_ibuf [dreg:s6], $0x5FFFF;
	_ =	strace $0x90000046  }
0xb2: {  	s29 =	simm.s32 $0x9;
	_ =	strace $0x80000048  }
0xb3: {  	_ =	swait.ge [sflag:s29], $0x1  }
0xb4: {  	[sflag:s29] =	ssyncadd.s32 $0xFFFFFFFF  }
0xb5: {  	_ =	strace $0x90000048  }
0xb6: {  	_ =	sfence  }
0xb7: {  	s30 =	sld [smem:$0x0];
	_ =	sdelay $0x2  }
0xb8: {  	s31 =	sshll.u32 s1, $0xD;
	s1 =	sshrl.u32 s1, $0x2  }
0xb9: {  	s3 =	sand.u32 $0x4000, s31;
	s1 =	sadd.s32 s1, s30  }
0xba: {  	s0 =	sor.u32 s3, s0;
	s1 =	sshll.u32 s1, $0x11  }
0xbb: {  	s0 =	sor.u32 s1, s0  }
0xbc: {  	s0 =	sadd.s32 $0x8F2B, s0  }
0xbd: {  	[sflag:s0] =	ssyncadd.remote.s32 $0x1  }
0xbe: {  	_ =	sfence.sel $0xFFFF  }
0xbf: {  	[dreg:$0x0] =	wrdreg $0xFFFFFFFF;
	(pc) =	sbr.abs _section_cstart, $3  }
0xc0: {  	[dreg:$0x1] =	wrdreg $0xFFFFFFFF  }
0xc1: {  	_ =	task.clear_ibuf [dreg:s6], $0x2FFFF;
	_ =	strace $0x9FFFFFFF  }
0xc2: {  	(tm) =	ssettm $0x7FFFFFFF  }
0xc3: {  	_ =	shalt  }
tec
execute0_lowered:
.L_overlay_start_1:
0x0: {  	(tag) =	ssettag $0x1  }
0x1: {  	s0 =	rddreg [dreg:$0x0]  }
0x2: {  	s2 =	rddreg [dreg:$0x1];
	s3 =	simm.s32 $0x0  }
0x3: {  	s9 =	stileid.u32;
	s5 =	srdreg.scid;
	s28 =	simm.s32 $0xC8  }
0x4: {  	s29 =	simm.s32 $0x400;
	s30 =	simm.s32 $0x200;
	s31 =	simm.s32 $0x300  }
0x5: {  	[smem:$0x7FF] =	sst s3;
	s1 =	smul.u32 $0x9C4, s9;
	s4 =	sadd.s32 $0x24C00, s0  }
0x6: {  	s5 =	sand.u32 $0x1, s5;
	s7 =	smul.u32 $0x2A000, s9;
	s8 =	sadd.s32 $0x4CC00, s0  }
0x7: {  	s12 =	smul.u32 $0xA800, s9;
	_ =	strace $0x80000047;
	s6 =	ssub.s32 $0x2, s5  }
0x8: {  	[dreg:$0x3] =	wrdreg s8;
	p0 =	seq.s32 s5, $0x1;
	s5 =	smul.u32 $0xA8000, s5  }
0x9: {  	s1 =	sadd.s32 s1, s0;
	s20 =	sshrl.u32 s6, $0x1;
	s0 =	sadd.s32 $0x4D000, s0  }
0xa: {  	s21 =	sshrl.u32 s7, $0x2;
	s22 =	sadd.s32 $0x1800, s12;
	s14 =	sadd.s32 $0x3000, s12  }
0xb: {  	s15 =	sadd.s32 $0x4800, s12;
	s16 =	sadd.s32 $0x6000, s12;
	s18 =	sadd.s32 $0x7800, s12  }
0xc: {  	s19 =	sadd.s32 $0x9000, s12;
	s8 =	ssub.s32 s6, s20;
	s6 =	sadd.s32 s21, s2  }
0xd: {  	s9 =	sadd.s32 s14, s2;
	s10 =	sadd.s32 s15, s2;
	s11 =	sadd.s32 s16, s2  }
0xe: {  	s17 =	sadd.s32 s5, s12;
	s12 =	sadd.s32 s18, s2;
	s13 =	sadd.s32 s19, s2  }
0xf: {  	s7 =	sadd.s32 s5, s22;
	s14 =	sadd.s32 s5, s14;
	s15 =	sadd.s32 s5, s15  }
0x10: {  	s25 =	sadd.s32 s5, s16;
	s26 =	sadd.s32 s5, s18;
	s5 =	sadd.s32 s5, s19  }
0x11: {  	s21 =	sadd.s32 $0x1AE00, s1;
	s8 =	smax.u32 s8, $0x1;
	s17 =	sshrl.u32 s17, $0x3  }
0x12: {  	s7 =	sshrl.u32 s7, $0x3;
	s14 =	sshrl.u32 s14, $0x3;
	s24 =	sshrl.u32 s15, $0x3  }
0x13: {  	s5 =	sshrl.u32 s5, $0x3;
	[dreg:$0x4] =	wrdreg s8;
	s8 =	sadd.s32 s22, s2  }
0x14: {  	s17 =	sadd.s32 s0, s17;
	s7 =	sadd.s32 s0, s7;
	s23 =	sadd.s32 s0, s14  }
0x15: {  	s14 =	sshrl.u32 s26, $0x3;
	s20 =	sadd.s32 s0, s5;
	[dreg:$0x5] =	wrdreg s17  }
0x16: {  	s22 =	sadd.s32 $0x7200, s1;
	s26 =	simm.s32 $0x100;
	[dreg:$0x6] =	wrdreg s7  }
.Ltmp0:
0x17: {  	s5 =	simm.s32 $0x2;
	[dreg:$0x7] =	wrdreg s23;
	(pc) =	sbr.rel .LBB2_1-.Ltmp0, $4  }
0x18: {  	s7 =	sadd.s32 s0, s24;
	s19 =	sadd.s32 s0, s14;
	s23 =	sadd.s32 $0x11000, s1  }
0x19: {  	s24 =	simm.s32 $0xCC00;
	[dreg:$0x8] =	wrdreg s7;
	s7 =	sshrl.u32 s25, $0x3  }
0x1a: {  	s1 =	simm.s32 $0x1;
	s25 =	simm.s32 $0x3;
	s7 =	sadd.s32 s0, s7  }
0x1b: {  	s0 =	simm.s32 $0x6800;
	[dreg:$0x9] =	wrdreg s7;
	s7 =	simm.s32 $0x0  }
.LBB2_7:
0x1c: {  	s15 =	sadd.s32 s14, s22;
	[sflag:s25] =	ssyncadd.s32 $0xFFFF9C00  }
0x1d: {  	[tilespmem:s3], [sflag:$0x3] =	stream.linear.gather [hbm4b:s15+s3], $0xC8, $0x38;
	[tilespmem:$0x18C00] =	vst v63  }
0x1e: {  	_ =	swait.ge [sflag:s25], $0xC8  }
0x1f: {  	[sflag:s25] =	ssyncset.done $0x0  }
0x20: {  	s18 =	sadd.s32 s14, s23;
	[sflag:s25] =	ssyncadd.s32 $0xFFFFFF38  }
0x21: {  	[tilespmem:s26], [sflag:$0x3] =	stream.linear.gather [hbm4b:s18+s3], $0xC8, $0x38;
	[tilespmem:$0x18C00] =	vst v63  }
0x22: {  	_ =	swait.ge [sflag:s25], $0xC8  }
0x23: {  	[sflag:s25] =	ssyncset.done $0x0  }
0x24: {  	[sflag:s25] =	ssyncadd.s32 $0xFFFFFF38  }
0x25: {  	[tilespmem:s29], [sflag:$0x1] =	stream.indirect.gather [hbm4b:s4+s28], $0x80, s3, s28, $0xb8;
	[tilespmem:$0x18C00] =	vst v63  }
0x26: {  	s15 =	sadd.s32 $0x19, s15  }
0x27: {  	[tilespmem:s30], [sflag:$0x3] =	stream.linear.gather [hbm4b:s15+s3], $0xC8, $0x38;
	[tilespmem:$0x18C00] =	vst v63  }
0x28: {  	_ =	swait.ge [sflag:s25], $0xC8  }
0x29: {  	[sflag:s25] =	ssyncset.done $0x0  }
0x2a: {  	s14 =	sadd.s32 $0x19, s18;
	[sflag:s25] =	ssyncadd.s32 $0xFFFFFF38  }
0x2b: {  	[tilespmem:s31], [sflag:$0x3] =	stream.linear.gather [hbm4b:s14+s3], $0xC8, $0x38;
	[tilespmem:$0x18C00] =	vst v63  }
0x2c: {  	_ =	swait.ge [sflag:s25], $0xC8  }
0x2d: {  	[sflag:s25] =	ssyncset.done $0x0  }
0x2e: {  	[sflag:s25] =	ssyncadd.s32 $0xFFFFFF38  }
0x2f: {  	[tilespmem:s0], [sflag:$0x2] =	stream.indirect.gather [hbm4b:s4+s28], $0x80, s30, s28, $0xb8;
	[tilespmem:$0x18C00] =	vst v63  }
0x30: {  	_ =	swait.ge [sflag:s1], $0x6400  }
0x31: {  	[sflag:s1] =	ssyncset.done $0x0  }
0x32: {  	[sflag:s1] =	ssyncadd.s32 $0xFFFF9C00  }
0x33: {  	[spmem:s2] =	stream.indirect.scatter.add.f32 [tilespmem:s29], [sflag:$0x3], $0x80, s26, s28, $0xb8;
	[tilespmem:$0x18C00] =	vst v63  }
0x34: {  	_ =	swait.ge [sflag:s25], $0x6400  }
0x35: {  	[sflag:s25] =	ssyncset.done $0x0  }
0x36: {  	[sflag:s25] =	ssyncadd.s32 $0xFFFF9C00  }
0x37: {  	_ =	swait.ge [sflag:s5], $0x6400  }
0x38: {  	[sflag:s5] =	ssyncset.done $0x0  }
0x39: {  	[sflag:s5] =	ssyncadd.s32 $0xFFFF9C00  }
0x3a: {  	[spmem:s2] =	stream.indirect.scatter.add.f32 [tilespmem:s0], [sflag:$0x3], $0x80, s31, s28, $0xb8;
	[tilespmem:$0x18C00] =	vst v63  }
0x3b: {  	_ =	swait.ge [sflag:s25], $0x6400  }
0x3c: {  	[sflag:s25] =	ssyncset.done $0x0  }
0x3d: {  	[sflag:s25] =	ssyncadd.s32 $0xFFFF9C00  }
.LBB2_8:
0x3e: {  	[bflag:$0x0] =	sbarrier.arrive $0xFFFF  }
0x3f: {  	[tilespmem:s24], [sflag:$0x3] =	stream.linear.gather [spmem:s6], $0x1800, $0x38;
	[tilespmem:$0x18C00] =	vst v63  }
0x40: {  	_ =	swait.ge [sflag:s25], $0x1800  }
0x41: {  	[sflag:s25] =	ssyncset.done $0x0  }
0x42: {  	s14 =	rddreg [dreg:$0x5];
	[sflag:s25] =	ssyncadd.s32 $0xFFFFE800  }
0x43: {  	[hbm4b:s14+s3] =	stream.linear.scatter [tilespmem:s24], [sflag:$0x3], $0x1800, $0x38;
	[tilespmem:$0x18C00] =	vst v63  }
0x44: {  	_ =	swait.ge [sflag:s25], $0x1800  }
0x45: {  	[sflag:s25] =	ssyncset.done $0x0  }
0x46: {  	[sflag:s25] =	ssyncadd.s32 $0xFFFFE800  }
0x47: {  	[tilespmem:s24], [sflag:$0x3] =	stream.linear.gather [spmem:s8], $0x1800, $0x38;
	[tilespmem:$0x18C00] =	vst v63  }
0x48: {  	_ =	swait.ge [sflag:s25], $0x1800  }
0x49: {  	[sflag:s25] =	ssyncset.done $0x0  }
0x4a: {  	s18 =	rddreg [dreg:$0x6];
	[sflag:s25] =	ssyncadd.s32 $0xFFFFE800  }
0x4b: {  	[hbm4b:s18+s3] =	stream.linear.scatter [tilespmem:s24], [sflag:$0x3], $0x1800, $0x38;
	[tilespmem:$0x18C00] =	vst v63  }
0x4c: {  	_ =	swait.ge [sflag:s25], $0x1800  }
0x4d: {  	[sflag:s25] =	ssyncset.done $0x0  }
0x4e: {  	[sflag:s25] =	ssyncadd.s32 $0xFFFFE800  }
0x4f: {  	[tilespmem:s24], [sflag:$0x3] =	stream.linear.gather [spmem:s9], $0x1800, $0x38;
	[tilespmem:$0x18C00] =	vst v63  }
0x50: {  	_ =	swait.ge [sflag:s25], $0x1800  }
0x51: {  	[sflag:s25] =	ssyncset.done $0x0  }
0x52: {  	s15 =	rddreg [dreg:$0x7];
	[sflag:s25] =	ssyncadd.s32 $0xFFFFE800  }
0x53: {  	[hbm4b:s15+s3] =	stream.linear.scatter [tilespmem:s24], [sflag:$0x3], $0x1800, $0x38;
	[tilespmem:$0x18C00] =	vst v63  }
0x54: {  	_ =	swait.ge [sflag:s25], $0x1800  }
0x55: {  	[sflag:s25] =	ssyncset.done $0x0  }
0x56: {  	[sflag:s25] =	ssyncadd.s32 $0xFFFFE800  }
0x57: {  	[tilespmem:s24], [sflag:$0x3] =	stream.linear.gather [spmem:s10], $0x1800, $0x38;
	[tilespmem:$0x18C00] =	vst v63  }
0x58: {  	_ =	swait.ge [sflag:s25], $0x1800  }
0x59: {  	[sflag:s25] =	ssyncset.done $0x0  }
0x5a: {  	s16 =	rddreg [dreg:$0x8];
	[sflag:s25] =	ssyncadd.s32 $0xFFFFE800  }
0x5b: {  	[hbm4b:s16+s3] =	stream.linear.scatter [tilespmem:s24], [sflag:$0x3], $0x1800, $0x38;
	[tilespmem:$0x18C00] =	vst v63  }
0x5c: {  	_ =	swait.ge [sflag:s25], $0x1800  }
0x5d: {  	[sflag:s25] =	ssyncset.done $0x0  }
0x5e: {  	[sflag:s25] =	ssyncadd.s32 $0xFFFFE800  }
0x5f: {  	[tilespmem:s24], [sflag:$0x3] =	stream.linear.gather [spmem:s11], $0x1800, $0x38;
	[tilespmem:$0x18C00] =	vst v63  }
0x60: {  	_ =	swait.ge [sflag:s25], $0x1800  }
0x61: {  	[sflag:s25] =	ssyncset.done $0x0  }
0x62: {  	s17 =	rddreg [dreg:$0x9];
	[sflag:s25] =	ssyncadd.s32 $0xFFFFE800  }
0x63: {  	[hbm4b:s17+s3] =	stream.linear.scatter [tilespmem:s24], [sflag:$0x3], $0x1800, $0x38;
	[tilespmem:$0x18C00] =	vst v63  }
0x64: {  	_ =	swait.ge [sflag:s25], $0x1800  }
0x65: {  	[sflag:s25] =	ssyncset.done $0x0  }
0x66: {  	[sflag:s25] =	ssyncadd.s32 $0xFFFFE800  }
0x67: {  	[tilespmem:s24], [sflag:$0x3] =	stream.linear.gather [spmem:s12], $0x1800, $0x38;
	[tilespmem:$0x18C00] =	vst v63  }
0x68: {  	_ =	swait.ge [sflag:s25], $0x1800  }
0x69: {  	[sflag:s25] =	ssyncset.done $0x0  }
0x6a: {  	[sflag:s25] =	ssyncadd.s32 $0xFFFFE800  }
0x6b: {  	[hbm4b:s19+s3] =	stream.linear.scatter [tilespmem:s24], [sflag:$0x3], $0x1800, $0x38;
	[tilespmem:$0x18C00] =	vst v63  }
0x6c: {  	_ =	swait.ge [sflag:s25], $0x1800  }
0x6d: {  	[sflag:s25] =	ssyncset.done $0x0  }
0x6e: {  	[sflag:s25] =	ssyncadd.s32 $0xFFFFE800  }
0x6f: {  	[tilespmem:s24], [sflag:$0x3] =	stream.linear.gather [spmem:s13], $0x1800, $0x38;
	[tilespmem:$0x18C00] =	vst v63  }
0x70: {  	_ =	swait.ge [sflag:s25], $0x1800  }
0x71: {  	[sflag:s25] =	ssyncset.done $0x0  }
0x72: {  	[sflag:s25] =	ssyncadd.s32 $0xFFFFE800  }
0x73: {  	[hbm4b:s20+s3] =	stream.linear.scatter [tilespmem:s24], [sflag:$0x3], $0x1800, $0x38;
	[tilespmem:$0x18C00] =	vst v63  }
0x74: {  	_ =	swait.ge [sflag:s25], $0x1800  }
0x75: {  	s7 =	sadd.s32 $0x1, s7;
	s18 =	rddreg [dreg:$0x4]  }
0x76: {  	p1 =	sne.s32 s7, s18  }
.Ltmp1:
0x77: {  	_ = 	snop;
	(pc) =	sbr.rel @!p1 .LBB2_9-.Ltmp1, $3  }
0x78: {  	_ =	sdelay $0x1  }
0x79: {  	[sflag:s25] =	ssyncset.done $0x0  }
0x7a: {  	[sflag:s25] =	ssyncadd.s32 $0xFFFFE800  }
.LBB2_1:
0x7b: {  	s14 =	rddreg [dreg:$0x3]  }
0x7c: {  	[tilespmem:s24], [sflag:$0x3] =	stream.linear.gather [hbm4b:s14+s3], $0x1800, $0x38;
	[tilespmem:$0x18C00] =	vst v63  }
0x7d: {  	_ =	swait.ge [sflag:s25], $0x1800  }
0x7e: {  	[sflag:s25] =	ssyncset.done $0x0  }
0x7f: {  	[sflag:s25] =	ssyncadd.s32 $0xFFFFE800  }
0x80: {  	[spmem:s6] =	stream.linear.scatter [tilespmem:s24], [sflag:$0x3], $0x1800, $0x38;
	[tilespmem:$0x18C00] =	vst v63  }
0x81: {  	_ =	swait.ge [sflag:s25], $0x1800  }
0x82: {  	[sflag:s25] =	ssyncset.done $0x0  }
0x83: {  	[sflag:s25] =	ssyncadd.s32 $0xFFFFE800  }
0x84: {  	[spmem:s8] =	stream.linear.scatter [tilespmem:s24], [sflag:$0x3], $0x1800, $0x38;
	[tilespmem:$0x18C00] =	vst v63  }
0x85: {  	_ =	swait.ge [sflag:s25], $0x1800  }
0x86: {  	[sflag:s25] =	ssyncset.done $0x0  }
0x87: {  	[sflag:s25] =	ssyncadd.s32 $0xFFFFE800  }
0x88: {  	[spmem:s9] =	stream.linear.scatter [tilespmem:s24], [sflag:$0x3], $0x1800, $0x38;
	[tilespmem:$0x18C00] =	vst v63  }
0x89: {  	_ =	swait.ge [sflag:s25], $0x1800  }
0x8a: {  	[sflag:s25] =	ssyncset.done $0x0  }
0x8b: {  	[sflag:s25] =	ssyncadd.s32 $0xFFFFE800  }
0x8c: {  	[spmem:s10] =	stream.linear.scatter [tilespmem:s24], [sflag:$0x3], $0x1800, $0x38;
	[tilespmem:$0x18C00] =	vst v63  }
0x8d: {  	_ =	swait.ge [sflag:s25], $0x1800  }
0x8e: {  	[sflag:s25] =	ssyncset.done $0x0  }
0x8f: {  	[sflag:s25] =	ssyncadd.s32 $0xFFFFE800  }
0x90: {  	[spmem:s11] =	stream.linear.scatter [tilespmem:s24], [sflag:$0x3], $0x1800, $0x38;
	[tilespmem:$0x18C00] =	vst v63  }
0x91: {  	_ =	swait.ge [sflag:s25], $0x1800  }
0x92: {  	[sflag:s25] =	ssyncset.done $0x0  }
0x93: {  	[sflag:s25] =	ssyncadd.s32 $0xFFFFE800  }
0x94: {  	[spmem:s12] =	stream.linear.scatter [tilespmem:s24], [sflag:$0x3], $0x1800, $0x38;
	[tilespmem:$0x18C00] =	vst v63  }
0x95: {  	_ =	swait.ge [sflag:s25], $0x1800  }
0x96: {  	[sflag:s25] =	ssyncset.done $0x0  }
0x97: {  	[sflag:s25] =	ssyncadd.s32 $0xFFFFE800  }
0x98: {  	[spmem:s13] =	stream.linear.scatter [tilespmem:s24], [sflag:$0x3], $0x1800, $0x38;
	[tilespmem:$0x18C00] =	vst v63  }
.Ltmp2:
0x99: {  	_ =	swait.ge [sflag:s25], $0x1800;
	(pc) =	sbr.rel @!p0 .LBB2_2-.Ltmp2, $4  }
0x9a: {  	[sflag:s25] =	ssyncset.done $0x0  }
0x9b: {  	[sflag:s25] =	ssyncadd.s32 $0xFFFFE800  }
0x9c: {  	[bflag:$0x0] =	sbarrier.arrive $0xFFFF  }
0x9d: {  	s14 =	sadd.s32 $0x0, s22  }
0x9e: {  	[tilespmem:s3], [sflag:$0x3] =	stream.linear.gather [hbm4b:s14+s3], $0xC8, $0x38;
	[tilespmem:$0x18C00] =	vst v63  }
0x9f: {  	_ =	swait.ge [sflag:s25], $0xC8  }
0xa0: {  	[sflag:s25] =	ssyncset.done $0x0  }
0xa1: {  	s15 =	sadd.s32 $0x0, s23;
	[sflag:s25] =	ssyncadd.s32 $0xFFFFFF38  }
0xa2: {  	[tilespmem:s26], [sflag:$0x3] =	stream.linear.gather [hbm4b:s15+s3], $0xC8, $0x38;
	[tilespmem:$0x18C00] =	vst v63  }
0xa3: {  	_ =	swait.ge [sflag:s25], $0xC8  }
0xa4: {  	[sflag:s25] =	ssyncset.done $0x0  }
0xa5: {  	[sflag:s25] =	ssyncadd.s32 $0xFFFFFF38  }
0xa6: {  	[tilespmem:s29], [sflag:$0x1] =	stream.indirect.gather [hbm4b:s4+s28], $0x80, s3, s28, $0xb8;
	[tilespmem:$0x18C00] =	vst v63  }
0xa7: {  	s17 =	sadd.s32 $0x19, s14  }
0xa8: {  	[tilespmem:s30], [sflag:$0x3] =	stream.linear.gather [hbm4b:s17+s3], $0xC8, $0x38;
	[tilespmem:$0x18C00] =	vst v63  }
0xa9: {  	_ =	swait.ge [sflag:s25], $0xC8  }
0xaa: {  	[sflag:s25] =	ssyncset.done $0x0  }
0xab: {  	s18 =	sadd.s32 $0x19, s15;
	[sflag:s25] =	ssyncadd.s32 $0xFFFFFF38  }
0xac: {  	[tilespmem:s31], [sflag:$0x3] =	stream.linear.gather [hbm4b:s18+s3], $0xC8, $0x38;
	[tilespmem:$0x18C00] =	vst v63  }
0xad: {  	_ =	swait.ge [sflag:s25], $0xC8  }
0xae: {  	[sflag:s25] =	ssyncset.done $0x0  }
0xaf: {  	[sflag:s25] =	ssyncadd.s32 $0xFFFFFF38  }
0xb0: {  	[tilespmem:s0], [sflag:$0x2] =	stream.indirect.gather [hbm4b:s4+s28], $0x80, s30, s28, $0xb8;
	[tilespmem:$0x18C00] =	vst v63  }
0xb1: {  	_ =	swait.ge [sflag:s1], $0x6400  }
0xb2: {  	[sflag:s1] =	ssyncset.done $0x0  }
0xb3: {  	[sflag:s1] =	ssyncadd.s32 $0xFFFF9C00  }
0xb4: {  	[spmem:s2] =	stream.indirect.scatter.add.f32 [tilespmem:s29], [sflag:$0x3], $0x80, s26, s28, $0xb8;
	[tilespmem:$0x18C00] =	vst v63  }
0xb5: {  	_ =	swait.ge [sflag:s25], $0x6400  }
0xb6: {  	[sflag:s25] =	ssyncset.done $0x0  }
0xb7: {  	[sflag:s25] =	ssyncadd.s32 $0xFFFF9C00  }
0xb8: {  	_ =	swait.ge [sflag:s5], $0x6400  }
0xb9: {  	[sflag:s5] =	ssyncset.done $0x0  }
0xba: {  	[sflag:s5] =	ssyncadd.s32 $0xFFFF9C00  }
0xbb: {  	[spmem:s2] =	stream.indirect.scatter.add.f32 [tilespmem:s0], [sflag:$0x3], $0x80, s31, s28, $0xb8;
	[tilespmem:$0x18C00] =	vst v63  }
0xbc: {  	_ =	swait.ge [sflag:s25], $0x6400  }
0xbd: {  	s14 =	simm.s32 $0x32;
	s16 =	simm.s32 $0x64;
	[sflag:s25] =	ssyncset.done $0x0  }
.LBB2_6:
0xbe: {  	s17 =	sadd.s32 s14, s22  }
0xbf: {  	[sflag:s25] =	ssyncadd.s32 $0xFFFF9C00;
	s18 =	smov.u32 s16;
	s15 =	sadd.s32 $0x32, s16  }
0xc0: {  	[tilespmem:s3], [sflag:$0x3] =	stream.linear.gather [hbm4b:s17+s3], $0xC8, $0x38;
	[tilespmem:$0x18C00] =	vst v63  }
0xc1: {  	p1 =	sne.s32 s16, $0x992;
	_ =	swait.ge [sflag:s25], $0xC8  }
0xc2: {  	[sflag:s25] =	ssyncset.done $0x0  }
0xc3: {  	s16 =	sadd.s32 s14, s23;
	s14 =	smov.u32 s18;
	[sflag:s25] =	ssyncadd.s32 $0xFFFFFF38  }
0xc4: {  	[tilespmem:s26], [sflag:$0x3] =	stream.linear.gather [hbm4b:s16+s3], $0xC8, $0x38;
	[tilespmem:$0x18C00] =	vst v63  }
0xc5: {  	_ =	swait.ge [sflag:s25], $0xC8  }
0xc6: {  	[sflag:s25] =	ssyncset.done $0x0  }
0xc7: {  	[sflag:s25] =	ssyncadd.s32 $0xFFFFFF38  }
0xc8: {  	[tilespmem:s29], [sflag:$0x1] =	stream.indirect.gather [hbm4b:s4+s28], $0x80, s3, s28, $0xb8;
	[tilespmem:$0x18C00] =	vst v63  }
0xc9: {  	s17 =	sadd.s32 $0x19, s17  }
0xca: {  	[tilespmem:s30], [sflag:$0x3] =	stream.linear.gather [hbm4b:s17+s3], $0xC8, $0x38;
	[tilespmem:$0x18C00] =	vst v63  }
0xcb: {  	_ =	swait.ge [sflag:s25], $0xC8  }
0xcc: {  	[sflag:s25] =	ssyncset.done $0x0  }
0xcd: {  	s16 =	sadd.s32 $0x19, s16;
	[sflag:s25] =	ssyncadd.s32 $0xFFFFFF38  }
0xce: {  	[tilespmem:s31], [sflag:$0x3] =	stream.linear.gather [hbm4b:s16+s3], $0xC8, $0x38;
	[tilespmem:$0x18C00] =	vst v63  }
0xcf: {  	_ =	swait.ge [sflag:s25], $0xC8  }
0xd0: {  	[sflag:s25] =	ssyncset.done $0x0  }
0xd1: {  	[sflag:s25] =	ssyncadd.s32 $0xFFFFFF38  }
0xd2: {  	[tilespmem:s0], [sflag:$0x2] =	stream.indirect.gather [hbm4b:s4+s28], $0x80, s30, s28, $0xb8;
	[tilespmem:$0x18C00] =	vst v63  }
0xd3: {  	_ =	swait.ge [sflag:s1], $0x6400  }
0xd4: {  	[sflag:s1] =	ssyncset.done $0x0  }
0xd5: {  	[sflag:s1] =	ssyncadd.s32 $0xFFFF9C00  }
0xd6: {  	[spmem:s2] =	stream.indirect.scatter.add.f32 [tilespmem:s29], [sflag:$0x3], $0x80, s26, s28, $0xb8;
	[tilespmem:$0x18C00] =	vst v63  }
0xd7: {  	_ =	swait.ge [sflag:s25], $0x6400  }
0xd8: {  	[sflag:s25] =	ssyncset.done $0x0  }
0xd9: {  	[sflag:s25] =	ssyncadd.s32 $0xFFFF9C00  }
0xda: {  	_ =	swait.ge [sflag:s5], $0x6400  }
.Ltmp3:
0xdb: {  	[sflag:s5] =	ssyncset.done $0x0;
	(pc) =	sbr.rel @p1 .LBB2_6-.Ltmp3, $4  }
0xdc: {  	[sflag:s5] =	ssyncadd.s32 $0xFFFF9C00  }
0xdd: {  	[spmem:s2] =	stream.indirect.scatter.add.f32 [tilespmem:s0], [sflag:$0x3], $0x80, s31, s28, $0xb8;
	[tilespmem:$0x18C00] =	vst v63  }
0xde: {  	_ =	swait.ge [sflag:s25], $0x6400  }
0xdf: {  	s16 =	smov.u32 s15;
	[sflag:s25] =	ssyncset.done $0x0  }
.Ltmp4:
0xe0: {  	_ = 	snop;
	(pc) =	sbr.rel .LBB2_7-.Ltmp4, $1  }
0xe1: {  	_ =	sdelay $0x3  }
.LBB2_2:
0xe2: {  	[tilespmem:s3], [sflag:$0x3] =	stream.linear.gather [hbm4b:s14+s3], $0xC8, $0x38;
	[tilespmem:$0x18C00] =	vst v63  }
0xe3: {  	_ =	swait.ge [sflag:s25], $0xC8  }
0xe4: {  	[sflag:s25] =	ssyncset.done $0x0  }
0xe5: {  	s15 =	sadd.s32 $0x0, s21;
	[sflag:s25] =	ssyncadd.s32 $0xFFFFFF38  }
0xe6: {  	[tilespmem:s26], [sflag:$0x3] =	stream.linear.gather [hbm4b:s15+s3], $0xC8, $0x38;
	[tilespmem:$0x18C00] =	vst v63  }
0xe7: {  	_ =	swait.ge [sflag:s25], $0xC8  }
0xe8: {  	[sflag:s25] =	ssyncset.done $0x0  }
0xe9: {  	[sflag:s25] =	ssyncadd.s32 $0xFFFFFF38  }
0xea: {  	[tilespmem:s29], [sflag:$0x1] =	stream.indirect.gather [hbm4b:s4+s28], $0x80, s3, s28, $0xb8;
	[tilespmem:$0x18C00] =	vst v63  }
0xeb: {  	s17 =	sadd.s32 $0x19, s14  }
0xec: {  	[tilespmem:s30], [sflag:$0x3] =	stream.linear.gather [hbm4b:s17+s3], $0xC8, $0x38;
	[tilespmem:$0x18C00] =	vst v63  }
0xed: {  	_ =	swait.ge [sflag:s25], $0xC8  }
0xee: {  	[sflag:s25] =	ssyncset.done $0x0  }
0xef: {  	s18 =	sadd.s32 $0x19, s15;
	[sflag:s25] =	ssyncadd.s32 $0xFFFFFF38  }
0xf0: {  	[tilespmem:s31], [sflag:$0x3] =	stream.linear.gather [hbm4b:s18+s3], $0xC8, $0x38;
	[tilespmem:$0x18C00] =	vst v63  }
0xf1: {  	_ =	swait.ge [sflag:s25], $0xC8  }
0xf2: {  	[sflag:s25] =	ssyncset.done $0x0  }
0xf3: {  	[sflag:s25] =	ssyncadd.s32 $0xFFFFFF38  }
0xf4: {  	[tilespmem:s0], [sflag:$0x2] =	stream.indirect.gather [hbm4b:s4+s28], $0x80, s30, s28, $0xb8;
	[tilespmem:$0x18C00] =	vst v63  }
0xf5: {  	_ =	swait.ge [sflag:s1], $0x6400  }
0xf6: {  	[sflag:s1] =	ssyncset.done $0x0  }
0xf7: {  	[sflag:s1] =	ssyncadd.s32 $0xFFFF9C00  }
0xf8: {  	[spmem:s2] =	stream.indirect.scatter.add.f32 [tilespmem:s29], [sflag:$0x3], $0x80, s26, s28, $0xb8;
	[tilespmem:$0x18C00] =	vst v63  }
0xf9: {  	_ =	swait.ge [sflag:s25], $0x6400  }
0xfa: {  	[sflag:s25] =	ssyncset.done $0x0  }
0xfb: {  	[sflag:s25] =	ssyncadd.s32 $0xFFFF9C00  }
0xfc: {  	_ =	swait.ge [sflag:s5], $0x6400  }
0xfd: {  	[sflag:s5] =	ssyncset.done $0x0  }
0xfe: {  	[sflag:s5] =	ssyncadd.s32 $0xFFFF9C00  }
0xff: {  	[spmem:s2] =	stream.indirect.scatter.add.f32 [tilespmem:s0], [sflag:$0x3], $0x80, s31, s28, $0xb8;
	[tilespmem:$0x18C00] =	vst v63  }
0x100: {  	_ =	swait.ge [sflag:s25], $0x6400  }
0x101: {  	s14 =	simm.s32 $0x32;
	s15 =	simm.s32 $0x64;
	[sflag:s25] =	ssyncset.done $0x0  }
.LBB2_3:
0x102: {  	s17 =	sadd.s32 s14, s22  }
0x103: {  	[sflag:s25] =	ssyncadd.s32 $0xFFFF9C00;
	s18 =	smov.u32 s15;
	s16 =	sadd.s32 $0x32, s15  }
0x104: {  	[tilespmem:s3], [sflag:$0x3] =	stream.linear.gather [hbm4b:s17+s3], $0xC8, $0x38;
	[tilespmem:$0x18C00] =	vst v63  }
0x105: {  	p1 =	seq.s32 s15, $0x992;
	_ =	swait.ge [sflag:s25], $0xC8  }
0x106: {  	[sflag:s25] =	ssyncset.done $0x0  }
0x107: {  	s15 =	sadd.s32 s14, s21;
	s14 =	smov.u32 s18;
	[sflag:s25] =	ssyncadd.s32 $0xFFFFFF38  }
0x108: {  	[tilespmem:s26], [sflag:$0x3] =	stream.linear.gather [hbm4b:s15+s3], $0xC8, $0x38;
	[tilespmem:$0x18C00] =	vst v63  }
0x109: {  	_ =	swait.ge [sflag:s25], $0xC8  }
0x10a: {  	[sflag:s25] =	ssyncset.done $0x0  }
0x10b: {  	[sflag:s25] =	ssyncadd.s32 $0xFFFFFF38  }
0x10c: {  	[tilespmem:s29], [sflag:$0x1] =	stream.indirect.gather [hbm4b:s4+s28], $0x80, s3, s28, $0xb8;
	[tilespmem:$0x18C00] =	vst v63  }
0x10d: {  	s17 =	sadd.s32 $0x19, s17  }
0x10e: {  	[tilespmem:s30], [sflag:$0x3] =	stream.linear.gather [hbm4b:s17+s3], $0xC8, $0x38;
	[tilespmem:$0x18C00] =	vst v63  }
0x10f: {  	_ =	swait.ge [sflag:s25], $0xC8  }
0x110: {  	[sflag:s25] =	ssyncset.done $0x0  }
0x111: {  	s15 =	sadd.s32 $0x19, s15;
	[sflag:s25] =	ssyncadd.s32 $0xFFFFFF38  }
0x112: {  	[tilespmem:s31], [sflag:$0x3] =	stream.linear.gather [hbm4b:s15+s3], $0xC8, $0x38;
	[tilespmem:$0x18C00] =	vst v63  }
0x113: {  	_ =	swait.ge [sflag:s25], $0xC8  }
0x114: {  	[sflag:s25] =	ssyncset.done $0x0  }
0x115: {  	[sflag:s25] =	ssyncadd.s32 $0xFFFFFF38  }
0x116: {  	[tilespmem:s0], [sflag:$0x2] =	stream.indirect.gather [hbm4b:s4+s28], $0x80, s30, s28, $0xb8;
	[tilespmem:$0x18C00] =	vst v63  }
0x117: {  	_ =	swait.ge [sflag:s1], $0x6400  }
0x118: {  	[sflag:s1] =	ssyncset.done $0x0  }
0x119: {  	[sflag:s1] =	ssyncadd.s32 $0xFFFF9C00  }
0x11a: {  	[spmem:s2] =	stream.indirect.scatter.add.f32 [tilespmem:s29], [sflag:$0x3], $0x80, s26, s28, $0xb8;
	[tilespmem:$0x18C00] =	vst v63  }
0x11b: {  	_ =	swait.ge [sflag:s25], $0x6400  }
0x11c: {  	[sflag:s25] =	ssyncset.done $0x0  }
0x11d: {  	[sflag:s25] =	ssyncadd.s32 $0xFFFF9C00  }
0x11e: {  	_ =	swait.ge [sflag:s5], $0x6400  }
.Ltmp5:
0x11f: {  	[sflag:s5] =	ssyncset.done $0x0;
	(pc) =	sbr.rel @!p1 .LBB2_3-.Ltmp5, $4  }
0x120: {  	[sflag:s5] =	ssyncadd.s32 $0xFFFF9C00  }
0x121: {  	[spmem:s2] =	stream.indirect.scatter.add.f32 [tilespmem:s0], [sflag:$0x3], $0x80, s31, s28, $0xb8;
	[tilespmem:$0x18C00] =	vst v63  }
0x122: {  	_ =	swait.ge [sflag:s25], $0x6400  }
0x123: {  	s15 =	smov.u32 s16;
	[sflag:s25] =	ssyncset.done $0x0  }
0x124: {  	s15 =	sadd.s32 s14, s22;
	[sflag:s25] =	ssyncadd.s32 $0xFFFF9C00  }
0x125: {  	[tilespmem:s3], [sflag:$0x3] =	stream.linear.gather [hbm4b:s15+s3], $0xC8, $0x38;
	[tilespmem:$0x18C00] =	vst v63  }
0x126: {  	_ =	swait.ge [sflag:s25], $0xC8  }
0x127: {  	[sflag:s25] =	ssyncset.done $0x0  }
0x128: {  	s18 =	sadd.s32 s14, s21;
	[sflag:s25] =	ssyncadd.s32 $0xFFFFFF38  }
0x129: {  	[tilespmem:s26], [sflag:$0x3] =	stream.linear.gather [hbm4b:s18+s3], $0xC8, $0x38;
	[tilespmem:$0x18C00] =	vst v63  }
0x12a: {  	_ =	swait.ge [sflag:s25], $0xC8  }
0x12b: {  	[sflag:s25] =	ssyncset.done $0x0  }
0x12c: {  	[sflag:s25] =	ssyncadd.s32 $0xFFFFFF38  }
0x12d: {  	[tilespmem:s29], [sflag:$0x1] =	stream.indirect.gather [hbm4b:s4+s28], $0x80, s3, s28, $0xb8;
	[tilespmem:$0x18C00] =	vst v63  }
0x12e: {  	s15 =	sadd.s32 $0x19, s15  }
0x12f: {  	[tilespmem:s30], [sflag:$0x3] =	stream.linear.gather [hbm4b:s15+s3], $0xC8, $0x38;
	[tilespmem:$0x18C00] =	vst v63  }
0x130: {  	_ =	swait.ge [sflag:s25], $0xC8  }
0x131: {  	[sflag:s25] =	ssyncset.done $0x0  }
0x132: {  	s14 =	sadd.s32 $0x19, s18;
	[sflag:s25] =	ssyncadd.s32 $0xFFFFFF38  }
0x133: {  	[tilespmem:s31], [sflag:$0x3] =	stream.linear.gather [hbm4b:s14+s3], $0xC8, $0x38;
	[tilespmem:$0x18C00] =	vst v63  }
0x134: {  	_ =	swait.ge [sflag:s25], $0xC8  }
0x135: {  	[sflag:s25] =	ssyncset.done $0x0  }
0x136: {  	[sflag:s25] =	ssyncadd.s32 $0xFFFFFF38  }
0x137: {  	[tilespmem:s0], [sflag:$0x2] =	stream.indirect.gather [hbm4b:s4+s28], $0x80, s30, s28, $0xb8;
	[tilespmem:$0x18C00] =	vst v63  }
0x138: {  	_ =	swait.ge [sflag:s1], $0x6400  }
0x139: {  	[sflag:s1] =	ssyncset.done $0x0  }
0x13a: {  	[sflag:s1] =	ssyncadd.s32 $0xFFFF9C00  }
0x13b: {  	[spmem:s2] =	stream.indirect.scatter.add.f32 [tilespmem:s29], [sflag:$0x3], $0x80, s26, s28, $0xb8;
	[tilespmem:$0x18C00] =	vst v63  }
0x13c: {  	_ =	swait.ge [sflag:s25], $0x6400  }
0x13d: {  	[sflag:s25] =	ssyncset.done $0x0  }
0x13e: {  	[sflag:s25] =	ssyncadd.s32 $0xFFFF9C00  }
0x13f: {  	_ =	swait.ge [sflag:s5], $0x6400  }
0x140: {  	[sflag:s5] =	ssyncset.done $0x0  }
.Ltmp6:
0x141: {  	[sflag:s5] =	ssyncadd.s32 $0xFFFF9C00;
	(pc) =	sbr.rel .LBB2_8-.Ltmp6, $4  }
0x142: {  	[spmem:s2] =	stream.indirect.scatter.add.f32 [tilespmem:s0], [sflag:$0x3], $0x80, s31, s28, $0xb8;
	[tilespmem:$0x18C00] =	vst v63  }
0x143: {  	_ =	swait.ge [sflag:s25], $0x6400  }
0x144: {  	[sflag:s25] =	ssyncset.done $0x0  }
0x145: {  	[sflag:s25] =	ssyncadd.s32 $0xFFFF9C00  }
.LBB2_9:
0x146: {  	_ =	sfence.sel $0x180000  }
0x147: {  	[bflag:$0x0] =	sbarrier.arrive $0xFFFF  }
0x148: {  	_ =	strace $0x90000047  }
0x149: {  	s0 =	stileid.u32;
	[bflag:$0x2] =	sbarrier.arrive $0xFFFF  }
0x14a: {  	p0 =	sne.s32 s0, $0x0;
	s0 =	rddreg [dreg:$0x2]  }
0x14b: {  	s0 =	sadd.s32 @!p0 $0x100000, s0  }
0x14c: {  	[sflag:s0] =	ssyncadd.tile.s32 @!p0 $0x1;
	_ =	shalt  }
.Lfunc_end2:
_tile_overlayer_lowered:
.L_overlay_start_2:
0x14d: {  	(tag) =	ssettag $0x2  }
0x14e: {  	s0 =	rddreg [dreg:$0x0];
	s2 =	stileid.u32  }
0x14f: {  	s1 =	rddreg [dreg:$0x1];
	p0 =	sne.s32 s2, $0x0  }
0x150: {  	s3 =	rddreg [dreg:$0x2];
	[bflag:$0x3] =	sbarrier.arrive $0xFFFF;
	s2 =	simm.s32 @!p0 $0x1C03  }
0x151: {  	[timem:s3], [sflag:s2] =	dma.local @!p0 [hbm:s0], s1  }
0x152: {  	s0 =	simm.s32 @!p0 $0x3  }
0x153: {  	_ =	swait.ge @!p0 [sflag:s0], s1  }
0x154: {  	s1 =	ssub.s32 @!p0 $0x0, s1;
	[sflag:s0] =	ssyncset.done @!p0 $0x0  }
0x155: {  	[sflag:s0] =	ssyncadd.s32 @!p0 s1  }
0x156: {  	[bflag:$0x3] =	sbarrier.arrive $0xFFFF  }
0x157: {  	_ =	shalt  }

// kernel: kernel.18.cloned.1.call-start
scs
__scs_entry_jumppad:
0x0: {  	(pc) =	sbr.rel $0x88, $3  }
0x1: {  	(tag) =	ssettag $0x0;
	lr =	simm.s32 $0x1  }
0x2: {  	[smem:$0x3F8B] =	sst lr;
	_ =	strace $0xD0000000  }
0x3: {  	_ = 	snop  }
0x4: {  	_ = 	snop  }
0x5: {  	_ = 	snop  }
0x6: {  	_ = 	snop  }
0x7: {  	_ = 	snop  }
__scs_overlays_trampoline_lowered:
0x8: {  	[smem:$0x3F9A] =	sst s0  }
0x9: {  	[smem:$0x3F9B] =	sst s1  }
0xa: {  	[smem:$0x3F9C] =	sst s2  }
0xb: {  	[smem:$0x3F9D] =	sst s3  }
0xc: {  	[smem:$0x3F9E] =	sst s4  }
0xd: {  	[smem:$0x3F9F] =	sst s5  }
0xe: {  	[smem:$0x3FA0] =	sst s6  }
0xf: {  	[smem:$0x3FA1] =	sst s7  }
0x10: {  	[smem:$0x3FA2] =	sst s8  }
0x11: {  	[smem:$0x3FA3] =	sst s9;
	s0 =	simm.s32 @!p0 $0x0  }
0x12: {  	s1 =	sld [smem:$0x3F89];
	s0 =	simm.s32 @p0 $0x1  }
0x13: {  	[smem:$0x3FA4] =	sst s0;
	s0 =	simm.s32 @!p1 $0x0  }
0x14: {  	s2 =	sld [smem:$0x3F88];
	s0 =	simm.s32 @p1 $0x1  }
0x15: {  	[smem:$0x3FA5] =	sst s0;
	s0 =	simm.s32 @!p2 $0x0  }
0x16: {  	s3 =	sld [smem:$0x3FDB];
	s0 =	simm.s32 @p2 $0x1  }
0x17: {  	s4 =	simm.s32 $0x1BF5;
	[smem:$0x3FA7] =	sst s0  }
0x18: {  	s0 =	sld [smem:$0x3F8A];
	_ =	swait.ge [sflag:s4], $0x0  }
0x19: {  	s7 =	sld [smem:$0x3F8B]  }
0x1a: {  	s8 =	sadd.s32 $0xFFFFE003, lr  }
0x1b: {  	s9 =	sadd.s32 $0xFFFFFEF7, lr;
	s5 =	simm.s32 $0xFFFFFFFF;
	p2 =	slt.u32 s8, $0xFFFFF086  }
0x1c: {  	p1 =	slt.u32 s9, $0xF7A;
	s5 =	simm.s32 @!p2 $0x0  }
0x1d: {  	s5 =	simm.s32 @p1 $0x1;
	p0 =	seq.s32 s7, s2  }
0x1e: {  	s7 =	smul.u32 @!p0 $0xF7A, s2;
	p2 =	seq.s32 @!p0 s5, $0x0  }
0x1f: {  	s9 =	smul.u32 $0xF7A, s1;
	s8 =	simm.s32 @!p0 $0x1BF5;
	p2 =	por !p2, p0  }
0x20: {  	[sflag:s8] =	ssyncset.s32 @!p0 $0xFFFFF086;
	s6 =	sadd.s32 @!p0 s3, s7;
	s7 =	simm.s32 @!p0 $0x108  }
0x21: {  	s3 =	sadd.s32 s3, s9;
	s6 =	sadd.s32 @!p0 $0x88, s6;
	s7 =	simm.s32 @p2 $0x1082  }
0x22: {  	[simem:s7], [sflag:s8] =	dma.local @!p0 [hbm:s6], $0xF7A  }
0x23: {  	s9 =	sor.u32 $0xD0000000, s2;
	s6 =	simm.s32 $0x108;
	_ =	swait.ge @!p0 [sflag:s8], $0x0  }
0x24: {  	s3 =	sadd.s32 $0x88, s3;
	s6 =	simm.s32 @!p1 $0x1082;
	[sflag:s4] =	ssyncset.s32 $0xFFFFF086  }
0x25: {  	[simem:s6], [sflag:s4] =	dma.local [hbm:s3], $0xF7A  }
0x26: {  	[smem:$0x3F8B] =	sst s1;
	(tag) =	ssettag s2;
	_ =	strace s9  }
0x27: {  	s1 =	sld [smem:$0x3F9B]  }
0x28: {  	s2 =	sld [smem:$0x3F9C]  }
0x29: {  	s4 =	sld [smem:$0x3F9E]  }
0x2a: {  	p0 =	seq.s32 s5, $0x0;
	s5 =	sld [smem:$0x3F9F]  }
0x2b: {  	s6 =	sld [smem:$0x3FA0]  }
0x2c: {  	s7 =	sld [smem:$0x3FA1]  }
0x2d: {  	s3 =	simm.s32 $0x108;
	s8 =	sld [smem:$0x3FA2]  }
0x2e: {  	s3 =	simm.s32 @!p0 $0x1082;
	s9 =	sld [smem:$0x3FA3]  }
0x2f: {  	lr =	sadd.s32 s0, s3;
	s0 =	sld [smem:$0x3F9A]  }
0x30: {  	s3 =	sld [smem:$0x3F9D]  }
0x31: {  	[smem:$0x3FA6] =	sst s10  }
0x32: {  	s10 =	sld [smem:$0x3FA4];
	_ =	sdelay $0x3  }
0x33: {  	p0 =	seq.s32 s10, $0x1;
	s10 =	sld [smem:$0x3FA6];
	_ =	sdelay $0x3  }
0x34: {  	[smem:$0x3FA6] =	sst s10  }
0x35: {  	s10 =	sld [smem:$0x3FA5];
	_ =	sdelay $0x3  }
0x36: {  	p1 =	seq.s32 s10, $0x1;
	s10 =	sld [smem:$0x3FA6];
	_ =	sdelay $0x3  }
0x37: {  	[smem:$0x3FA6] =	sst s10  }
0x38: {  	s10 =	sld [smem:$0x3FA7]  }
0x39: {  	_ = 	snop;
	(pc) =	sbr.ind lr, $3  }
0x3a: {  	_ = 	snop  }
0x3b: {  	_ = 	snop  }
0x3c: {  	p2 =	seq.s32 s10, $0x1;
	s10 =	sld [smem:$0x3FA6]  }
0x3d: {  	_ =	shalt  }
0x3e: {  	_ =	shalt  }
0x3f: {  	_ =	shalt  }
0x40: {  	_ =	shalt  }
0x41: {  	_ =	shalt  }
0x42: {  	_ =	shalt  }
0x43: {  	_ =	shalt  }
0x44: {  	_ =	shalt  }
0x45: {  	_ =	shalt  }
0x46: {  	_ =	shalt  }
0x47: {  	_ =	shalt  }
0x48: {  	_ =	shalt  }
0x49: {  	_ =	shalt  }
0x4a: {  	_ =	shalt  }
0x4b: {  	_ =	shalt  }
0x4c: {  	_ =	shalt  }
0x4d: {  	_ =	shalt  }
0x4e: {  	_ =	shalt  }
0x4f: {  	_ =	shalt  }
0x50: {  	_ =	shalt  }
0x51: {  	_ =	shalt  }
0x52: {  	_ =	shalt  }
0x53: {  	_ =	shalt  }
0x54: {  	_ =	shalt  }
0x55: {  	_ =	shalt  }
0x56: {  	_ =	shalt  }
0x57: {  	_ =	shalt  }
0x58: {  	_ =	shalt  }
0x59: {  	_ =	shalt  }
0x5a: {  	_ =	shalt  }
0x5b: {  	_ =	shalt  }
0x5c: {  	_ =	shalt  }
0x5d: {  	_ =	shalt  }
0x5e: {  	_ =	shalt  }
0x5f: {  	_ =	shalt  }
0x60: {  	_ =	shalt  }
0x61: {  	_ =	shalt  }
0x62: {  	_ =	shalt  }
0x63: {  	_ =	shalt  }
0x64: {  	_ =	shalt  }
0x65: {  	_ =	shalt  }
0x66: {  	_ =	shalt  }
0x67: {  	_ =	shalt  }
0x68: {  	_ =	shalt  }
0x69: {  	_ =	shalt  }
0x6a: {  	_ =	shalt  }
0x6b: {  	_ =	shalt  }
0x6c: {  	_ =	shalt  }
0x6d: {  	_ =	shalt  }
0x6e: {  	_ =	shalt  }
0x6f: {  	_ =	shalt  }
0x70: {  	_ =	shalt  }
0x71: {  	_ =	shalt  }
0x72: {  	_ =	shalt  }
0x73: {  	_ =	shalt  }
0x74: {  	_ =	shalt  }
0x75: {  	_ =	shalt  }
0x76: {  	_ =	shalt  }
0x77: {  	_ =	shalt  }
0x78: {  	_ =	shalt  }
0x79: {  	_ =	shalt  }
0x7a: {  	_ =	shalt  }
0x7b: {  	_ =	shalt  }
0x7c: {  	_ =	shalt  }
0x7d: {  	_ =	shalt  }
0x7e: {  	_ =	shalt  }
0x7f: {  	_ =	shalt  }
0x80: {  	_ =	shalt  }
0x81: {  	_ =	shalt  }
0x82: {  	_ =	shalt  }
0x83: {  	_ =	shalt  }
0x84: {  	_ =	shalt  }
0x85: {  	_ =	shalt  }
0x86: {  	_ =	shalt  }
0x87: {  	_ =	shalt  }
.Lfunc_end0:
.L_simem_size_0:
called_computation.1_lowered:
.L_overlay_start_0:
0x88: {  	s2 =	sld [smem:$0x3FD9]  }
0x89: {  	s3 =	sld [smem:$0x3FFE];
	_ =	sdelay $0x1  }
0x8a: {  	s1 =	srdreg.scid  }
0x8b: {  	s0 =	sand.u32 $0x1, s1  }
0x8c: {  	s17 =	sshll.u32 s0, $0xA;
	s2 =	sadd.s32 s3, s2  }
0x8d: {  	s2 =	sadd.s32 s2, s17  }
0x8e: {  	[smem:$0x3FB2] =	sst s2  }
0x8f: {  	_ = 	snop  }
0x90: {  	(tm) =	ssettm $0x1  }
0x91: {  	s18 =	sld [smem:$0x3FFB];
	_ =	sdelay $0x3  }
0x92: {  	_ =	strace s18  }
0x93: {  	s2 =	sld [smem:$0x3FFC];
	_ =	sdelay $0x3  }
0x94: {  	_ =	strace s2  }
0x95: {  	s2 =	sld [smem:$0x3FFD];
	_ =	sdelay $0x3  }
0x96: {  	_ =	strace s2  }
0x97: {  	_ =	strace $0x8FFFFFFF  }
0x98: {  	s19 =	sld [smem:$0x3FDB];
	_ =	sdelay $0x1  }
0x99: {  	s20 =	simm.s32 $_scs_section_size  }
0x9a: {  	s4 =	simm.s32 $_size__tile_overlayer_lowered;
	s5 =	simm.s32 $_tile_overlayer_lowered  }
0x9b: {  	s6 =	simm.s32 $0x1BFF;
	s21 =	sshll.u32 s5, $0x1;
	s3 =	sadd.s32 s20, s19  }
0x9c: {  	s22 =	simm.s32 $0x0;
	s4 =	sshll.u32 s4, $0x1;
	s5 =	sadd.s32 s21, s3  }
0x9d: {  	[timem:s22], [sflag:s6] =	dma.local [hbm:s5], s4  }
0x9e: {  	_ =	swait.ge [sflag:s6], s4  }
0x9f: {  	s4 =	ssub.s32 $0x0, s4;
	[sflag:s6] =	ssyncset.done $0x0  }
0xa0: {  	[sflag:s6] =	ssyncadd.s32 s4;
	_ =	sdelay $0x1  }
0xa1: {  	s23 =	simm.s32 $0x1B8B  }
0xa2: {  	_ =	swait.ge [sflag:s23], $0x1  }
0xa3: {  	[sflag:s23] =	ssyncset.done $0x0  }
0xa4: {  	[sflag:s23] =	ssyncadd.s32 $0xFFFFFFFF  }
0xa5: {  	s4 =	sld [smem:$0x0]  }
0xa6: {  	s5 =	sand.u32 $0xFFFFFFFE, s1  }
0xa7: {  	p0 =	sne.s32 s1, s5  }
0xa8: {  	s5 =	sshll.u32 @p0 s5, $0xE  }
0xa9: {  	s5 =	sadd.s32 @p0 $0x11B8D, s5;
	s6 =	sshll.u32 @p0 s4, $0x11  }
0xaa: {  	s5 =	sor.u32 @p0 s6, s5  }
0xab: {  	[sflag:s5] =	ssyncadd.remote.s32 @p0 $0x1;
	_ =	sdelay $0x1  }
0xac: {  	s5 =	simm.s32 @p0 $0x1B8D  }
0xad: {  	_ =	swait.eq @p0 [sflag:s5], $0x1  }
0xae: {  	[sflag:s5] =	ssyncadd.s32 @p0 $0xFFFFFFFF  }
0xaf: {  	s6 =	sshll.u32 @!p0 s1, $0xE  }
0xb0: {  	s6 =	sor.u32 @!p0 $0x4000, s6;
	s5 =	simm.s32 @!p0 $0x1B8D  }
0xb1: {  	s4 =	sshll.u32 @!p0 s4, $0x11;
	s6 =	sadd.s32 @!p0 $0x11B8D, s6;
	_ =	swait.eq @!p0 [sflag:s5], $0x1  }
0xb2: {  	s4 =	sor.u32 @!p0 s4, s6;
	[sflag:s5] =	ssyncadd.s32 @!p0 $0xFFFFFFFF  }
0xb3: {  	s25 =	simm.s32 $0x1B8E;
	s24 =	sld [smem:$0x3FFE];
	[sflag:s4] =	ssyncadd.remote.s32 @!p0 $0x1  }
0xb4: {  	s26 =	simm.s32 $execute0_lowered;
	[smem:$0x3FD2] =	sst s25  }
0xb5: {  	s5 =	sshll.u32 s26, $0x1;
	_ =	strace $0x80000049;
	[dreg:$0x1] =	wrdreg $0xFFFFFFFF  }
0xb6: {  	s28 =	simm.s32 $_size_execute0_lowered;
	s3 =	sadd.s32 s3, s5;
	[dreg:$0x0] =	wrdreg $0x0  }
0xb7: {  	s5 =	sshll.u32 s28, $0x1;
	[dreg:$0x2] =	wrdreg s3  }
0xb8: {  	[dreg:$0x3] =	wrdreg s5  }
0xb9: {  	[dreg:$0x4] =	wrdreg $0xC0  }
0xba: {  	_ =	task [dreg:s22], $0x5FFFF  }
0xbb: {  	[dreg:$0x1] =	wrdreg $0xFFFFFFFF  }
0xbc: {  	[dreg:$0x0] =	wrdreg $0x60  }
0xbd: {  	[dreg:$0x2] =	wrdreg s24  }
0xbe: {  	[dreg:$0x3] =	wrdreg $0xE4000  }
0xbf: {  	[dreg:$0x4] =	wrdreg $0xA  }
0xc0: {  	_ =	task.clear_ibuf [dreg:s22], $0x5FFFF;
	_ =	strace $0x90000049  }
0xc1: {  	s29 =	simm.s32 $0xA;
	_ =	strace $0x8000004B  }
0xc2: {  	_ =	swait.ge [sflag:s29], $0x1  }
0xc3: {  	[sflag:s29] =	ssyncadd.s32 $0xFFFFFFFF  }
0xc4: {  	_ =	strace $0x9000004B  }
0xc5: {  	_ =	sfence  }
0xc6: {  	s30 =	sld [smem:$0x0];
	_ =	sdelay $0x2  }
0xc7: {  	s31 =	sshll.u32 s1, $0xD;
	s1 =	sshrl.u32 s1, $0x2  }
0xc8: {  	s4 =	sand.u32 $0x4000, s31;
	s1 =	sadd.s32 s1, s30  }
0xc9: {  	s0 =	sor.u32 s4, s0;
	s1 =	sshll.u32 s1, $0x11  }
0xca: {  	s0 =	sor.u32 s1, s0  }
0xcb: {  	s0 =	sadd.s32 $0x8F2B, s0  }
0xcc: {  	[sflag:s0] =	ssyncadd.remote.s32 $0x1  }
0xcd: {  	_ =	sfence.sel $0xFFFF  }
0xce: {  	[dreg:$0x0] =	wrdreg $0xFFFFFFFF;
	(pc) =	sbr.abs _section_cstart, $3  }
0xcf: {  	[dreg:$0x1] =	wrdreg $0xFFFFFFFF  }
0xd0: {  	_ =	task.clear_ibuf [dreg:s22], $0x2FFFF;
	_ =	strace $0x9FFFFFFF  }
0xd1: {  	(tm) =	ssettm $0x7FFFFFFF  }
tec
execute0_lowered:
.L_overlay_start_1:
0x0: {  	(tag) =	ssettag $0x1  }
0x1: {  	s0 =	rddreg [dreg:$0x0]  }
0x2: {  	s2 =	rddreg [dreg:$0x1];
	s3 =	simm.s32 $0x0  }
0x3: {  	s9 =	stileid.u32;
	s5 =	srdreg.scid;
	s28 =	simm.s32 $0xC8  }
0x4: {  	s29 =	simm.s32 $0x400;
	s30 =	simm.s32 $0x200;
	s31 =	simm.s32 $0x300  }
0x5: {  	[smem:$0x7FF] =	sst s3;
	s1 =	smul.u32 $0x9C4, s9;
	s4 =	sadd.s32 $0x9F000, s0  }
0x6: {  	s5 =	sand.u32 $0x1, s5;
	s7 =	smul.u32 $0x2A000, s9;
	s8 =	sadd.s32 $0x4CC00, s0  }
0x7: {  	s12 =	smul.u32 $0xA800, s9;
	_ =	strace $0x8000004A;
	s6 =	ssub.s32 $0x2, s5  }
0x8: {  	[dreg:$0x3] =	wrdreg s8;
	p0 =	seq.s32 s5, $0x1;
	s5 =	smul.u32 $0xA8000, s5  }
0x9: {  	s1 =	sadd.s32 s1, s0;
	s20 =	sshrl.u32 s6, $0x1;
	s0 =	sadd.s32 $0xC7000, s0  }
0xa: {  	s21 =	sshrl.u32 s7, $0x2;
	s22 =	sadd.s32 $0x1800, s12;
	s14 =	sadd.s32 $0x3000, s12  }
0xb: {  	s15 =	sadd.s32 $0x4800, s12;
	s16 =	sadd.s32 $0x6000, s12;
	s18 =	sadd.s32 $0x7800, s12  }
0xc: {  	s19 =	sadd.s32 $0x9000, s12;
	s8 =	ssub.s32 s6, s20;
	s6 =	sadd.s32 s21, s2  }
0xd: {  	s9 =	sadd.s32 s14, s2;
	s10 =	sadd.s32 s15, s2;
	s11 =	sadd.s32 s16, s2  }
0xe: {  	s17 =	sadd.s32 s5, s12;
	s12 =	sadd.s32 s18, s2;
	s13 =	sadd.s32 s19, s2  }
0xf: {  	s7 =	sadd.s32 s5, s22;
	s14 =	sadd.s32 s5, s14;
	s15 =	sadd.s32 s5, s15  }
0x10: {  	s25 =	sadd.s32 s5, s16;
	s26 =	sadd.s32 s5, s18;
	s5 =	sadd.s32 s5, s19  }
0x11: {  	s21 =	sadd.s32 $0x1AE00, s1;
	s8 =	smax.u32 s8, $0x1;
	s17 =	sshrl.u32 s17, $0x3  }
0x12: {  	s7 =	sshrl.u32 s7, $0x3;
	s14 =	sshrl.u32 s14, $0x3;
	s24 =	sshrl.u32 s15, $0x3  }
0x13: {  	s5 =	sshrl.u32 s5, $0x3;
	[dreg:$0x4] =	wrdreg s8;
	s8 =	sadd.s32 s22, s2  }
0x14: {  	s17 =	sadd.s32 s0, s17;
	s7 =	sadd.s32 s0, s7;
	s23 =	sadd.s32 s0, s14  }
0x15: {  	s14 =	sshrl.u32 s26, $0x3;
	s20 =	sadd.s32 s0, s5;
	[dreg:$0x5] =	wrdreg s17  }
0x16: {  	s22 =	sadd.s32 $0x7200, s1;
	s26 =	simm.s32 $0x100;
	[dreg:$0x6] =	wrdreg s7  }
.Ltmp0:
0x17: {  	s5 =	simm.s32 $0x2;
	[dreg:$0x7] =	wrdreg s23;
	(pc) =	sbr.rel .LBB2_1-.Ltmp0, $4  }
0x18: {  	s7 =	sadd.s32 s0, s24;
	s19 =	sadd.s32 s0, s14;
	s23 =	sadd.s32 $0x11000, s1  }
0x19: {  	s24 =	simm.s32 $0xCC00;
	[dreg:$0x8] =	wrdreg s7;
	s7 =	sshrl.u32 s25, $0x3  }
0x1a: {  	s1 =	simm.s32 $0x1;
	s25 =	simm.s32 $0x3;
	s7 =	sadd.s32 s0, s7  }
0x1b: {  	s0 =	simm.s32 $0x6800;
	[dreg:$0x9] =	wrdreg s7;
	s7 =	simm.s32 $0x0  }
.LBB2_7:
0x1c: {  	s15 =	sadd.s32 s14, s22;
	[sflag:s25] =	ssyncadd.s32 $0xFFFF9C00  }
0x1d: {  	[tilespmem:s3], [sflag:$0x3] =	stream.linear.gather [hbm4b:s15+s3], $0xC8, $0x38;
	[tilespmem:$0x18C00] =	vst v63  }
0x1e: {  	_ =	swait.ge [sflag:s25], $0xC8  }
0x1f: {  	[sflag:s25] =	ssyncset.done $0x0  }
0x20: {  	s18 =	sadd.s32 s14, s23;
	[sflag:s25] =	ssyncadd.s32 $0xFFFFFF38  }
0x21: {  	[tilespmem:s26], [sflag:$0x3] =	stream.linear.gather [hbm4b:s18+s3], $0xC8, $0x38;
	[tilespmem:$0x18C00] =	vst v63  }
0x22: {  	_ =	swait.ge [sflag:s25], $0xC8  }
0x23: {  	[sflag:s25] =	ssyncset.done $0x0  }
0x24: {  	[sflag:s25] =	ssyncadd.s32 $0xFFFFFF38  }
0x25: {  	[tilespmem:s29], [sflag:$0x1] =	stream.indirect.gather [hbm4b:s4+s28], $0x80, s3, s28, $0xb8;
	[tilespmem:$0x18C00] =	vst v63  }
0x26: {  	s15 =	sadd.s32 $0x19, s15  }
0x27: {  	[tilespmem:s30], [sflag:$0x3] =	stream.linear.gather [hbm4b:s15+s3], $0xC8, $0x38;
	[tilespmem:$0x18C00] =	vst v63  }
0x28: {  	_ =	swait.ge [sflag:s25], $0xC8  }
0x29: {  	[sflag:s25] =	ssyncset.done $0x0  }
0x2a: {  	s14 =	sadd.s32 $0x19, s18;
	[sflag:s25] =	ssyncadd.s32 $0xFFFFFF38  }
0x2b: {  	[tilespmem:s31], [sflag:$0x3] =	stream.linear.gather [hbm4b:s14+s3], $0xC8, $0x38;
	[tilespmem:$0x18C00] =	vst v63  }
0x2c: {  	_ =	swait.ge [sflag:s25], $0xC8  }
0x2d: {  	[sflag:s25] =	ssyncset.done $0x0  }
0x2e: {  	[sflag:s25] =	ssyncadd.s32 $0xFFFFFF38  }
0x2f: {  	[tilespmem:s0], [sflag:$0x2] =	stream.indirect.gather [hbm4b:s4+s28], $0x80, s30, s28, $0xb8;
	[tilespmem:$0x18C00] =	vst v63  }
0x30: {  	_ =	swait.ge [sflag:s1], $0x6400  }
0x31: {  	[sflag:s1] =	ssyncset.done $0x0  }
0x32: {  	[sflag:s1] =	ssyncadd.s32 $0xFFFF9C00  }
0x33: {  	[spmem:s2] =	stream.indirect.scatter.add.f32 [tilespmem:s29], [sflag:$0x3], $0x80, s26, s28, $0xb8;
	[tilespmem:$0x18C00] =	vst v63  }
0x34: {  	_ =	swait.ge [sflag:s25], $0x6400  }
0x35: {  	[sflag:s25] =	ssyncset.done $0x0  }
0x36: {  	[sflag:s25] =	ssyncadd.s32 $0xFFFF9C00  }
0x37: {  	_ =	swait.ge [sflag:s5], $0x6400  }
0x38: {  	[sflag:s5] =	ssyncset.done $0x0  }
0x39: {  	[sflag:s5] =	ssyncadd.s32 $0xFFFF9C00  }
0x3a: {  	[spmem:s2] =	stream.indirect.scatter.add.f32 [tilespmem:s0], [sflag:$0x3], $0x80, s31, s28, $0xb8;
	[tilespmem:$0x18C00] =	vst v63  }
0x3b: {  	_ =	swait.ge [sflag:s25], $0x6400  }
0x3c: {  	[sflag:s25] =	ssyncset.done $0x0  }
0x3d: {  	[sflag:s25] =	ssyncadd.s32 $0xFFFF9C00  }
.LBB2_8:
0x3e: {  	[bflag:$0x0] =	sbarrier.arrive $0xFFFF  }
0x3f: {  	[tilespmem:s24], [sflag:$0x3] =	stream.linear.gather [spmem:s6], $0x1800, $0x38;
	[tilespmem:$0x18C00] =	vst v63  }
0x40: {  	_ =	swait.ge [sflag:s25], $0x1800  }
0x41: {  	[sflag:s25] =	ssyncset.done $0x0  }
0x42: {  	s14 =	rddreg [dreg:$0x5];
	[sflag:s25] =	ssyncadd.s32 $0xFFFFE800  }
0x43: {  	[hbm4b:s14+s3] =	stream.linear.scatter [tilespmem:s24], [sflag:$0x3], $0x1800, $0x38;
	[tilespmem:$0x18C00] =	vst v63  }
0x44: {  	_ =	swait.ge [sflag:s25], $0x1800  }
0x45: {  	[sflag:s25] =	ssyncset.done $0x0  }
0x46: {  	[sflag:s25] =	ssyncadd.s32 $0xFFFFE800  }
0x47: {  	[tilespmem:s24], [sflag:$0x3] =	stream.linear.gather [spmem:s8], $0x1800, $0x38;
	[tilespmem:$0x18C00] =	vst v63  }
0x48: {  	_ =	swait.ge [sflag:s25], $0x1800  }
0x49: {  	[sflag:s25] =	ssyncset.done $0x0  }
0x4a: {  	s18 =	rddreg [dreg:$0x6];
	[sflag:s25] =	ssyncadd.s32 $0xFFFFE800  }
0x4b: {  	[hbm4b:s18+s3] =	stream.linear.scatter [tilespmem:s24], [sflag:$0x3], $0x1800, $0x38;
	[tilespmem:$0x18C00] =	vst v63  }
0x4c: {  	_ =	swait.ge [sflag:s25], $0x1800  }
0x4d: {  	[sflag:s25] =	ssyncset.done $0x0  }
0x4e: {  	[sflag:s25] =	ssyncadd.s32 $0xFFFFE800  }
0x4f: {  	[tilespmem:s24], [sflag:$0x3] =	stream.linear.gather [spmem:s9], $0x1800, $0x38;
	[tilespmem:$0x18C00] =	vst v63  }
0x50: {  	_ =	swait.ge [sflag:s25], $0x1800  }
0x51: {  	[sflag:s25] =	ssyncset.done $0x0  }
0x52: {  	s15 =	rddreg [dreg:$0x7];
	[sflag:s25] =	ssyncadd.s32 $0xFFFFE800  }
0x53: {  	[hbm4b:s15+s3] =	stream.linear.scatter [tilespmem:s24], [sflag:$0x3], $0x1800, $0x38;
	[tilespmem:$0x18C00] =	vst v63  }
0x54: {  	_ =	swait.ge [sflag:s25], $0x1800  }
0x55: {  	[sflag:s25] =	ssyncset.done $0x0  }
0x56: {  	[sflag:s25] =	ssyncadd.s32 $0xFFFFE800  }
0x57: {  	[tilespmem:s24], [sflag:$0x3] =	stream.linear.gather [spmem:s10], $0x1800, $0x38;
	[tilespmem:$0x18C00] =	vst v63  }
0x58: {  	_ =	swait.ge [sflag:s25], $0x1800  }
0x59: {  	[sflag:s25] =	ssyncset.done $0x0  }
0x5a: {  	s16 =	rddreg [dreg:$0x8];
	[sflag:s25] =	ssyncadd.s32 $0xFFFFE800  }
0x5b: {  	[hbm4b:s16+s3] =	stream.linear.scatter [tilespmem:s24], [sflag:$0x3], $0x1800, $0x38;
	[tilespmem:$0x18C00] =	vst v63  }
0x5c: {  	_ =	swait.ge [sflag:s25], $0x1800  }
0x5d: {  	[sflag:s25] =	ssyncset.done $0x0  }
0x5e: {  	[sflag:s25] =	ssyncadd.s32 $0xFFFFE800  }
0x5f: {  	[tilespmem:s24], [sflag:$0x3] =	stream.linear.gather [spmem:s11], $0x1800, $0x38;
	[tilespmem:$0x18C00] =	vst v63  }
0x60: {  	_ =	swait.ge [sflag:s25], $0x1800  }
0x61: {  	[sflag:s25] =	ssyncset.done $0x0  }
0x62: {  	s17 =	rddreg [dreg:$0x9];
	[sflag:s25] =	ssyncadd.s32 $0xFFFFE800  }
0x63: {  	[hbm4b:s17+s3] =	stream.linear.scatter [tilespmem:s24], [sflag:$0x3], $0x1800, $0x38;
	[tilespmem:$0x18C00] =	vst v63  }
0x64: {  	_ =	swait.ge [sflag:s25], $0x1800  }
0x65: {  	[sflag:s25] =	ssyncset.done $0x0  }
0x66: {  	[sflag:s25] =	ssyncadd.s32 $0xFFFFE800  }
0x67: {  	[tilespmem:s24], [sflag:$0x3] =	stream.linear.gather [spmem:s12], $0x1800, $0x38;
	[tilespmem:$0x18C00] =	vst v63  }
0x68: {  	_ =	swait.ge [sflag:s25], $0x1800  }
0x69: {  	[sflag:s25] =	ssyncset.done $0x0  }
0x6a: {  	[sflag:s25] =	ssyncadd.s32 $0xFFFFE800  }
0x6b: {  	[hbm4b:s19+s3] =	stream.linear.scatter [tilespmem:s24], [sflag:$0x3], $0x1800, $0x38;
	[tilespmem:$0x18C00] =	vst v63  }
0x6c: {  	_ =	swait.ge [sflag:s25], $0x1800  }
0x6d: {  	[sflag:s25] =	ssyncset.done $0x0  }
0x6e: {  	[sflag:s25] =	ssyncadd.s32 $0xFFFFE800  }
0x6f: {  	[tilespmem:s24], [sflag:$0x3] =	stream.linear.gather [spmem:s13], $0x1800, $0x38;
	[tilespmem:$0x18C00] =	vst v63  }
0x70: {  	_ =	swait.ge [sflag:s25], $0x1800  }
0x71: {  	[sflag:s25] =	ssyncset.done $0x0  }
0x72: {  	[sflag:s25] =	ssyncadd.s32 $0xFFFFE800  }
0x73: {  	[hbm4b:s20+s3] =	stream.linear.scatter [tilespmem:s24], [sflag:$0x3], $0x1800, $0x38;
	[tilespmem:$0x18C00] =	vst v63  }
0x74: {  	_ =	swait.ge [sflag:s25], $0x1800  }
0x75: {  	s7 =	sadd.s32 $0x1, s7;
	s18 =	rddreg [dreg:$0x4]  }
0x76: {  	p1 =	sne.s32 s7, s18  }
.Ltmp1:
0x77: {  	_ = 	snop;
	(pc) =	sbr.rel @!p1 .LBB2_9-.Ltmp1, $3  }
0x78: {  	_ =	sdelay $0x1  }
0x79: {  	[sflag:s25] =	ssyncset.done $0x0  }
0x7a: {  	[sflag:s25] =	ssyncadd.s32 $0xFFFFE800  }
.LBB2_1:
0x7b: {  	s14 =	rddreg [dreg:$0x3]  }
0x7c: {  	[tilespmem:s24], [sflag:$0x3] =	stream.linear.gather [hbm4b:s14+s3], $0x1800, $0x38;
	[tilespmem:$0x18C00] =	vst v63  }
0x7d: {  	_ =	swait.ge [sflag:s25], $0x1800  }
0x7e: {  	[sflag:s25] =	ssyncset.done $0x0  }
0x7f: {  	[sflag:s25] =	ssyncadd.s32 $0xFFFFE800  }
0x80: {  	[spmem:s6] =	stream.linear.scatter [tilespmem:s24], [sflag:$0x3], $0x1800, $0x38;
	[tilespmem:$0x18C00] =	vst v63  }
0x81: {  	_ =	swait.ge [sflag:s25], $0x1800  }
0x82: {  	[sflag:s25] =	ssyncset.done $0x0  }
0x83: {  	[sflag:s25] =	ssyncadd.s32 $0xFFFFE800  }
0x84: {  	[spmem:s8] =	stream.linear.scatter [tilespmem:s24], [sflag:$0x3], $0x1800, $0x38;
	[tilespmem:$0x18C00] =	vst v63  }
0x85: {  	_ =	swait.ge [sflag:s25], $0x1800  }
0x86: {  	[sflag:s25] =	ssyncset.done $0x0  }
0x87: {  	[sflag:s25] =	ssyncadd.s32 $0xFFFFE800  }
0x88: {  	[spmem:s9] =	stream.linear.scatter [tilespmem:s24], [sflag:$0x3], $0x1800, $0x38;
	[tilespmem:$0x18C00] =	vst v63  }
0x89: {  	_ =	swait.ge [sflag:s25], $0x1800  }
0x8a: {  	[sflag:s25] =	ssyncset.done $0x0  }
0x8b: {  	[sflag:s25] =	ssyncadd.s32 $0xFFFFE800  }
0x8c: {  	[spmem:s10] =	stream.linear.scatter [tilespmem:s24], [sflag:$0x3], $0x1800, $0x38;
	[tilespmem:$0x18C00] =	vst v63  }
0x8d: {  	_ =	swait.ge [sflag:s25], $0x1800  }
0x8e: {  	[sflag:s25] =	ssyncset.done $0x0  }
0x8f: {  	[sflag:s25] =	ssyncadd.s32 $0xFFFFE800  }
0x90: {  	[spmem:s11] =	stream.linear.scatter [tilespmem:s24], [sflag:$0x3], $0x1800, $0x38;
	[tilespmem:$0x18C00] =	vst v63  }
0x91: {  	_ =	swait.ge [sflag:s25], $0x1800  }
0x92: {  	[sflag:s25] =	ssyncset.done $0x0  }
0x93: {  	[sflag:s25] =	ssyncadd.s32 $0xFFFFE800  }
0x94: {  	[spmem:s12] =	stream.linear.scatter [tilespmem:s24], [sflag:$0x3], $0x1800, $0x38;
	[tilespmem:$0x18C00] =	vst v63  }
0x95: {  	_ =	swait.ge [sflag:s25], $0x1800  }
0x96: {  	[sflag:s25] =	ssyncset.done $0x0  }
0x97: {  	[sflag:s25] =	ssyncadd.s32 $0xFFFFE800  }
0x98: {  	[spmem:s13] =	stream.linear.scatter [tilespmem:s24], [sflag:$0x3], $0x1800, $0x38;
	[tilespmem:$0x18C00] =	vst v63  }
.Ltmp2:
0x99: {  	_ =	swait.ge [sflag:s25], $0x1800;
	(pc) =	sbr.rel @!p0 .LBB2_2-.Ltmp2, $4  }
0x9a: {  	[sflag:s25] =	ssyncset.done $0x0  }
0x9b: {  	[sflag:s25] =	ssyncadd.s32 $0xFFFFE800  }
0x9c: {  	[bflag:$0x0] =	sbarrier.arrive $0xFFFF  }
0x9d: {  	s14 =	sadd.s32 $0x0, s22  }
0x9e: {  	[tilespmem:s3], [sflag:$0x3] =	stream.linear.gather [hbm4b:s14+s3], $0xC8, $0x38;
	[tilespmem:$0x18C00] =	vst v63  }
0x9f: {  	_ =	swait.ge [sflag:s25], $0xC8  }
0xa0: {  	[sflag:s25] =	ssyncset.done $0x0  }
0xa1: {  	s15 =	sadd.s32 $0x0, s23;
	[sflag:s25] =	ssyncadd.s32 $0xFFFFFF38  }
0xa2: {  	[tilespmem:s26], [sflag:$0x3] =	stream.linear.gather [hbm4b:s15+s3], $0xC8, $0x38;
	[tilespmem:$0x18C00] =	vst v63  }
0xa3: {  	_ =	swait.ge [sflag:s25], $0xC8  }
0xa4: {  	[sflag:s25] =	ssyncset.done $0x0  }
0xa5: {  	[sflag:s25] =	ssyncadd.s32 $0xFFFFFF38  }
0xa6: {  	[tilespmem:s29], [sflag:$0x1] =	stream.indirect.gather [hbm4b:s4+s28], $0x80, s3, s28, $0xb8;
	[tilespmem:$0x18C00] =	vst v63  }
0xa7: {  	s17 =	sadd.s32 $0x19, s14  }
0xa8: {  	[tilespmem:s30], [sflag:$0x3] =	stream.linear.gather [hbm4b:s17+s3], $0xC8, $0x38;
	[tilespmem:$0x18C00] =	vst v63  }
0xa9: {  	_ =	swait.ge [sflag:s25], $0xC8  }
0xaa: {  	[sflag:s25] =	ssyncset.done $0x0  }
0xab: {  	s18 =	sadd.s32 $0x19, s15;
	[sflag:s25] =	ssyncadd.s32 $0xFFFFFF38  }
0xac: {  	[tilespmem:s31], [sflag:$0x3] =	stream.linear.gather [hbm4b:s18+s3], $0xC8, $0x38;
	[tilespmem:$0x18C00] =	vst v63  }
0xad: {  	_ =	swait.ge [sflag:s25], $0xC8  }
0xae: {  	[sflag:s25] =	ssyncset.done $0x0  }
0xaf: {  	[sflag:s25] =	ssyncadd.s32 $0xFFFFFF38  }
0xb0: {  	[tilespmem:s0], [sflag:$0x2] =	stream.indirect.gather [hbm4b:s4+s28], $0x80, s30, s28, $0xb8;
	[tilespmem:$0x18C00] =	vst v63  }
0xb1: {  	_ =	swait.ge [sflag:s1], $0x6400  }
0xb2: {  	[sflag:s1] =	ssyncset.done $0x0  }
0xb3: {  	[sflag:s1] =	ssyncadd.s32 $0xFFFF9C00  }
0xb4: {  	[spmem:s2] =	stream.indirect.scatter.add.f32 [tilespmem:s29], [sflag:$0x3], $0x80, s26, s28, $0xb8;
	[tilespmem:$0x18C00] =	vst v63  }
0xb5: {  	_ =	swait.ge [sflag:s25], $0x6400  }
0xb6: {  	[sflag:s25] =	ssyncset.done $0x0  }
0xb7: {  	[sflag:s25] =	ssyncadd.s32 $0xFFFF9C00  }
0xb8: {  	_ =	swait.ge [sflag:s5], $0x6400  }
0xb9: {  	[sflag:s5] =	ssyncset.done $0x0  }
0xba: {  	[sflag:s5] =	ssyncadd.s32 $0xFFFF9C00  }
0xbb: {  	[spmem:s2] =	stream.indirect.scatter.add.f32 [tilespmem:s0], [sflag:$0x3], $0x80, s31, s28, $0xb8;
	[tilespmem:$0x18C00] =	vst v63  }
0xbc: {  	_ =	swait.ge [sflag:s25], $0x6400  }
0xbd: {  	s14 =	simm.s32 $0x32;
	s16 =	simm.s32 $0x64;
	[sflag:s25] =	ssyncset.done $0x0  }
.LBB2_6:
0xbe: {  	s17 =	sadd.s32 s14, s22  }
0xbf: {  	[sflag:s25] =	ssyncadd.s32 $0xFFFF9C00;
	s18 =	smov.u32 s16;
	s15 =	sadd.s32 $0x32, s16  }
0xc0: {  	[tilespmem:s3], [sflag:$0x3] =	stream.linear.gather [hbm4b:s17+s3], $0xC8, $0x38;
	[tilespmem:$0x18C00] =	vst v63  }
0xc1: {  	p1 =	sne.s32 s16, $0x992;
	_ =	swait.ge [sflag:s25], $0xC8  }
0xc2: {  	[sflag:s25] =	ssyncset.done $0x0  }
0xc3: {  	s16 =	sadd.s32 s14, s23;
	s14 =	smov.u32 s18;
	[sflag:s25] =	ssyncadd.s32 $0xFFFFFF38  }
0xc4: {  	[tilespmem:s26], [sflag:$0x3] =	stream.linear.gather [hbm4b:s16+s3], $0xC8, $0x38;
	[tilespmem:$0x18C00] =	vst v63  }
0xc5: {  	_ =	swait.ge [sflag:s25], $0xC8  }
0xc6: {  	[sflag:s25] =	ssyncset.done $0x0  }
0xc7: {  	[sflag:s25] =	ssyncadd.s32 $0xFFFFFF38  }
0xc8: {  	[tilespmem:s29], [sflag:$0x1] =	stream.indirect.gather [hbm4b:s4+s28], $0x80, s3, s28, $0xb8;
	[tilespmem:$0x18C00] =	vst v63  }
0xc9: {  	s17 =	sadd.s32 $0x19, s17  }
0xca: {  	[tilespmem:s30], [sflag:$0x3] =	stream.linear.gather [hbm4b:s17+s3], $0xC8, $0x38;
	[tilespmem:$0x18C00] =	vst v63  }
0xcb: {  	_ =	swait.ge [sflag:s25], $0xC8  }
0xcc: {  	[sflag:s25] =	ssyncset.done $0x0  }
0xcd: {  	s16 =	sadd.s32 $0x19, s16;
	[sflag:s25] =	ssyncadd.s32 $0xFFFFFF38  }
0xce: {  	[tilespmem:s31], [sflag:$0x3] =	stream.linear.gather [hbm4b:s16+s3], $0xC8, $0x38;
	[tilespmem:$0x18C00] =	vst v63  }
0xcf: {  	_ =	swait.ge [sflag:s25], $0xC8  }
0xd0: {  	[sflag:s25] =	ssyncset.done $0x0  }
0xd1: {  	[sflag:s25] =	ssyncadd.s32 $0xFFFFFF38  }
0xd2: {  	[tilespmem:s0], [sflag:$0x2] =	stream.indirect.gather [hbm4b:s4+s28], $0x80, s30, s28, $0xb8;
	[tilespmem:$0x18C00] =	vst v63  }
0xd3: {  	_ =	swait.ge [sflag:s1], $0x6400  }
0xd4: {  	[sflag:s1] =	ssyncset.done $0x0  }
0xd5: {  	[sflag:s1] =	ssyncadd.s32 $0xFFFF9C00  }
0xd6: {  	[spmem:s2] =	stream.indirect.scatter.add.f32 [tilespmem:s29], [sflag:$0x3], $0x80, s26, s28, $0xb8;
	[tilespmem:$0x18C00] =	vst v63  }
0xd7: {  	_ =	swait.ge [sflag:s25], $0x6400  }
0xd8: {  	[sflag:s25] =	ssyncset.done $0x0  }
0xd9: {  	[sflag:s25] =	ssyncadd.s32 $0xFFFF9C00  }
0xda: {  	_ =	swait.ge [sflag:s5], $0x6400  }
.Ltmp3:
0xdb: {  	[sflag:s5] =	ssyncset.done $0x0;
	(pc) =	sbr.rel @p1 .LBB2_6-.Ltmp3, $4  }
0xdc: {  	[sflag:s5] =	ssyncadd.s32 $0xFFFF9C00  }
0xdd: {  	[spmem:s2] =	stream.indirect.scatter.add.f32 [tilespmem:s0], [sflag:$0x3], $0x80, s31, s28, $0xb8;
	[tilespmem:$0x18C00] =	vst v63  }
0xde: {  	_ =	swait.ge [sflag:s25], $0x6400  }
0xdf: {  	s16 =	smov.u32 s15;
	[sflag:s25] =	ssyncset.done $0x0  }
.Ltmp4:
0xe0: {  	_ = 	snop;
	(pc) =	sbr.rel .LBB2_7-.Ltmp4, $1  }
0xe1: {  	_ =	sdelay $0x3  }
.LBB2_2:
0xe2: {  	[tilespmem:s3], [sflag:$0x3] =	stream.linear.gather [hbm4b:s14+s3], $0xC8, $0x38;
	[tilespmem:$0x18C00] =	vst v63  }
0xe3: {  	_ =	swait.ge [sflag:s25], $0xC8  }
0xe4: {  	[sflag:s25] =	ssyncset.done $0x0  }
0xe5: {  	s15 =	sadd.s32 $0x0, s21;
	[sflag:s25] =	ssyncadd.s32 $0xFFFFFF38  }
0xe6: {  	[tilespmem:s26], [sflag:$0x3] =	stream.linear.gather [hbm4b:s15+s3], $0xC8, $0x38;
	[tilespmem:$0x18C00] =	vst v63  }
0xe7: {  	_ =	swait.ge [sflag:s25], $0xC8  }
0xe8: {  	[sflag:s25] =	ssyncset.done $0x0  }
0xe9: {  	[sflag:s25] =	ssyncadd.s32 $0xFFFFFF38  }
0xea: {  	[tilespmem:s29], [sflag:$0x1] =	stream.indirect.gather [hbm4b:s4+s28], $0x80, s3, s28, $0xb8;
	[tilespmem:$0x18C00] =	vst v63  }
0xeb: {  	s17 =	sadd.s32 $0x19, s14  }
0xec: {  	[tilespmem:s30], [sflag:$0x3] =	stream.linear.gather [hbm4b:s17+s3], $0xC8, $0x38;
	[tilespmem:$0x18C00] =	vst v63  }
0xed: {  	_ =	swait.ge [sflag:s25], $0xC8  }
0xee: {  	[sflag:s25] =	ssyncset.done $0x0  }
0xef: {  	s18 =	sadd.s32 $0x19, s15;
	[sflag:s25] =	ssyncadd.s32 $0xFFFFFF38  }
0xf0: {  	[tilespmem:s31], [sflag:$0x3] =	stream.linear.gather [hbm4b:s18+s3], $0xC8, $0x38;
	[tilespmem:$0x18C00] =	vst v63  }
0xf1: {  	_ =	swait.ge [sflag:s25], $0xC8  }
0xf2: {  	[sflag:s25] =	ssyncset.done $0x0  }
0xf3: {  	[sflag:s25] =	ssyncadd.s32 $0xFFFFFF38  }
0xf4: {  	[tilespmem:s0], [sflag:$0x2] =	stream.indirect.gather [hbm4b:s4+s28], $0x80, s30, s28, $0xb8;
	[tilespmem:$0x18C00] =	vst v63  }
0xf5: {  	_ =	swait.ge [sflag:s1], $0x6400  }
0xf6: {  	[sflag:s1] =	ssyncset.done $0x0  }
0xf7: {  	[sflag:s1] =	ssyncadd.s32 $0xFFFF9C00  }
0xf8: {  	[spmem:s2] =	stream.indirect.scatter.add.f32 [tilespmem:s29], [sflag:$0x3], $0x80, s26, s28, $0xb8;
	[tilespmem:$0x18C00] =	vst v63  }
0xf9: {  	_ =	swait.ge [sflag:s25], $0x6400  }
0xfa: {  	[sflag:s25] =	ssyncset.done $0x0  }
0xfb: {  	[sflag:s25] =	ssyncadd.s32 $0xFFFF9C00  }
0xfc: {  	_ =	swait.ge [sflag:s5], $0x6400  }
0xfd: {  	[sflag:s5] =	ssyncset.done $0x0  }
0xfe: {  	[sflag:s5] =	ssyncadd.s32 $0xFFFF9C00  }
0xff: {  	[spmem:s2] =	stream.indirect.scatter.add.f32 [tilespmem:s0], [sflag:$0x3], $0x80, s31, s28, $0xb8;
	[tilespmem:$0x18C00] =	vst v63  }
0x100: {  	_ =	swait.ge [sflag:s25], $0x6400  }
0x101: {  	s14 =	simm.s32 $0x32;
	s15 =	simm.s32 $0x64;
	[sflag:s25] =	ssyncset.done $0x0  }
.LBB2_3:
0x102: {  	s17 =	sadd.s32 s14, s22  }
0x103: {  	[sflag:s25] =	ssyncadd.s32 $0xFFFF9C00;
	s18 =	smov.u32 s15;
	s16 =	sadd.s32 $0x32, s15  }
0x104: {  	[tilespmem:s3], [sflag:$0x3] =	stream.linear.gather [hbm4b:s17+s3], $0xC8, $0x38;
	[tilespmem:$0x18C00] =	vst v63  }
0x105: {  	p1 =	seq.s32 s15, $0x992;
	_ =	swait.ge [sflag:s25], $0xC8  }
0x106: {  	[sflag:s25] =	ssyncset.done $0x0  }
0x107: {  	s15 =	sadd.s32 s14, s21;
	s14 =	smov.u32 s18;
	[sflag:s25] =	ssyncadd.s32 $0xFFFFFF38  }
0x108: {  	[tilespmem:s26], [sflag:$0x3] =	stream.linear.gather [hbm4b:s15+s3], $0xC8, $0x38;
	[tilespmem:$0x18C00] =	vst v63  }
0x109: {  	_ =	swait.ge [sflag:s25], $0xC8  }
0x10a: {  	[sflag:s25] =	ssyncset.done $0x0  }
0x10b: {  	[sflag:s25] =	ssyncadd.s32 $0xFFFFFF38  }
0x10c: {  	[tilespmem:s29], [sflag:$0x1] =	stream.indirect.gather [hbm4b:s4+s28], $0x80, s3, s28, $0xb8;
	[tilespmem:$0x18C00] =	vst v63  }
0x10d: {  	s17 =	sadd.s32 $0x19, s17  }
0x10e: {  	[tilespmem:s30], [sflag:$0x3] =	stream.linear.gather [hbm4b:s17+s3], $0xC8, $0x38;
	[tilespmem:$0x18C00] =	vst v63  }
0x10f: {  	_ =	swait.ge [sflag:s25], $0xC8  }
0x110: {  	[sflag:s25] =	ssyncset.done $0x0  }
0x111: {  	s15 =	sadd.s32 $0x19, s15;
	[sflag:s25] =	ssyncadd.s32 $0xFFFFFF38  }
0x112: {  	[tilespmem:s31], [sflag:$0x3] =	stream.linear.gather [hbm4b:s15+s3], $0xC8, $0x38;
	[tilespmem:$0x18C00] =	vst v63  }
0x113: {  	_ =	swait.ge [sflag:s25], $0xC8  }
0x114: {  	[sflag:s25] =	ssyncset.done $0x0  }
0x115: {  	[sflag:s25] =	ssyncadd.s32 $0xFFFFFF38  }
0x116: {  	[tilespmem:s0], [sflag:$0x2] =	stream.indirect.gather [hbm4b:s4+s28], $0x80, s30, s28, $0xb8;
	[tilespmem:$0x18C00] =	vst v63  }
0x117: {  	_ =	swait.ge [sflag:s1], $0x6400  }
0x118: {  	[sflag:s1] =	ssyncset.done $0x0  }
0x119: {  	[sflag:s1] =	ssyncadd.s32 $0xFFFF9C00  }
0x11a: {  	[spmem:s2] =	stream.indirect.scatter.add.f32 [tilespmem:s29], [sflag:$0x3], $0x80, s26, s28, $0xb8;
	[tilespmem:$0x18C00] =	vst v63  }
0x11b: {  	_ =	swait.ge [sflag:s25], $0x6400  }
0x11c: {  	[sflag:s25] =	ssyncset.done $0x0  }
0x11d: {  	[sflag:s25] =	ssyncadd.s32 $0xFFFF9C00  }
0x11e: {  	_ =	swait.ge [sflag:s5], $0x6400  }
.Ltmp5:
0x11f: {  	[sflag:s5] =	ssyncset.done $0x0;
	(pc) =	sbr.rel @!p1 .LBB2_3-.Ltmp5, $4  }
0x120: {  	[sflag:s5] =	ssyncadd.s32 $0xFFFF9C00  }
0x121: {  	[spmem:s2] =	stream.indirect.scatter.add.f32 [tilespmem:s0], [sflag:$0x3], $0x80, s31, s28, $0xb8;
	[tilespmem:$0x18C00] =	vst v63  }
0x122: {  	_ =	swait.ge [sflag:s25], $0x6400  }
0x123: {  	s15 =	smov.u32 s16;
	[sflag:s25] =	ssyncset.done $0x0  }
0x124: {  	s15 =	sadd.s32 s14, s22;
	[sflag:s25] =	ssyncadd.s32 $0xFFFF9C00  }
0x125: {  	[tilespmem:s3], [sflag:$0x3] =	stream.linear.gather [hbm4b:s15+s3], $0xC8, $0x38;
	[tilespmem:$0x18C00] =	vst v63  }
0x126: {  	_ =	swait.ge [sflag:s25], $0xC8  }
0x127: {  	[sflag:s25] =	ssyncset.done $0x0  }
0x128: {  	s18 =	sadd.s32 s14, s21;
	[sflag:s25] =	ssyncadd.s32 $0xFFFFFF38  }
0x129: {  	[tilespmem:s26], [sflag:$0x3] =	stream.linear.gather [hbm4b:s18+s3], $0xC8, $0x38;
	[tilespmem:$0x18C00] =	vst v63  }
0x12a: {  	_ =	swait.ge [sflag:s25], $0xC8  }
0x12b: {  	[sflag:s25] =	ssyncset.done $0x0  }
0x12c: {  	[sflag:s25] =	ssyncadd.s32 $0xFFFFFF38  }
0x12d: {  	[tilespmem:s29], [sflag:$0x1] =	stream.indirect.gather [hbm4b:s4+s28], $0x80, s3, s28, $0xb8;
	[tilespmem:$0x18C00] =	vst v63  }
0x12e: {  	s15 =	sadd.s32 $0x19, s15  }
0x12f: {  	[tilespmem:s30], [sflag:$0x3] =	stream.linear.gather [hbm4b:s15+s3], $0xC8, $0x38;
	[tilespmem:$0x18C00] =	vst v63  }
0x130: {  	_ =	swait.ge [sflag:s25], $0xC8  }
0x131: {  	[sflag:s25] =	ssyncset.done $0x0  }
0x132: {  	s14 =	sadd.s32 $0x19, s18;
	[sflag:s25] =	ssyncadd.s32 $0xFFFFFF38  }
0x133: {  	[tilespmem:s31], [sflag:$0x3] =	stream.linear.gather [hbm4b:s14+s3], $0xC8, $0x38;
	[tilespmem:$0x18C00] =	vst v63  }
0x134: {  	_ =	swait.ge [sflag:s25], $0xC8  }
0x135: {  	[sflag:s25] =	ssyncset.done $0x0  }
0x136: {  	[sflag:s25] =	ssyncadd.s32 $0xFFFFFF38  }
0x137: {  	[tilespmem:s0], [sflag:$0x2] =	stream.indirect.gather [hbm4b:s4+s28], $0x80, s30, s28, $0xb8;
	[tilespmem:$0x18C00] =	vst v63  }
0x138: {  	_ =	swait.ge [sflag:s1], $0x6400  }
0x139: {  	[sflag:s1] =	ssyncset.done $0x0  }
0x13a: {  	[sflag:s1] =	ssyncadd.s32 $0xFFFF9C00  }
0x13b: {  	[spmem:s2] =	stream.indirect.scatter.add.f32 [tilespmem:s29], [sflag:$0x3], $0x80, s26, s28, $0xb8;
	[tilespmem:$0x18C00] =	vst v63  }
0x13c: {  	_ =	swait.ge [sflag:s25], $0x6400  }
0x13d: {  	[sflag:s25] =	ssyncset.done $0x0  }
0x13e: {  	[sflag:s25] =	ssyncadd.s32 $0xFFFF9C00  }
0x13f: {  	_ =	swait.ge [sflag:s5], $0x6400  }
0x140: {  	[sflag:s5] =	ssyncset.done $0x0  }
.Ltmp6:
0x141: {  	[sflag:s5] =	ssyncadd.s32 $0xFFFF9C00;
	(pc) =	sbr.rel .LBB2_8-.Ltmp6, $4  }
0x142: {  	[spmem:s2] =	stream.indirect.scatter.add.f32 [tilespmem:s0], [sflag:$0x3], $0x80, s31, s28, $0xb8;
	[tilespmem:$0x18C00] =	vst v63  }
0x143: {  	_ =	swait.ge [sflag:s25], $0x6400  }
0x144: {  	[sflag:s25] =	ssyncset.done $0x0  }
0x145: {  	[sflag:s25] =	ssyncadd.s32 $0xFFFF9C00  }
.LBB2_9:
0x146: {  	_ =	sfence.sel $0x180000  }
0x147: {  	[bflag:$0x0] =	sbarrier.arrive $0xFFFF  }
0x148: {  	_ =	strace $0x9000004A  }
0x149: {  	s0 =	stileid.u32;
	[bflag:$0x2] =	sbarrier.arrive $0xFFFF  }
0x14a: {  	p0 =	sne.s32 s0, $0x0;
	s0 =	rddreg [dreg:$0x2]  }
0x14b: {  	s0 =	sadd.s32 @!p0 $0x100000, s0  }
0x14c: {  	[sflag:s0] =	ssyncadd.tile.s32 @!p0 $0x1;
	_ =	shalt  }
.Lfunc_end2:
_tile_overlayer_lowered:
.L_overlay_start_2:
0x14d: {  	(tag) =	ssettag $0x2  }
0x14e: {  	s0 =	rddreg [dreg:$0x0];
	s2 =	stileid.u32  }
0x14f: {  	s1 =	rddreg [dreg:$0x1];
	p0 =	sne.s32 s2, $0x0  }
0x150: {  	s3 =	rddreg [dreg:$0x2];
	[bflag:$0x3] =	sbarrier.arrive $0xFFFF;
	s2 =	simm.s32 @!p0 $0x1C03  }
0x151: {  	[timem:s3], [sflag:s2] =	dma.local @!p0 [hbm:s0], s1  }
0x152: {  	s0 =	simm.s32 @!p0 $0x3  }
0x153: {  	_ =	swait.ge @!p0 [sflag:s0], s1  }
0x154: {  	s1 =	ssub.s32 @!p0 $0x0, s1;
	[sflag:s0] =	ssyncset.done @!p0 $0x0  }
0x155: {  	[sflag:s0] =	ssyncadd.s32 @!p0 s1  }
0x156: {  	[bflag:$0x3] =	sbarrier.arrive $0xFFFF  }
0x157: {  	_ =	shalt  }

// kernel: kernel.21.cloned.1.call-start
scs
__scs_entry_jumppad:
0x0: {  	(pc) =	sbr.rel $0x88, $3  }
0x1: {  	(tag) =	ssettag $0x0;
	lr =	simm.s32 $0x1  }
0x2: {  	[smem:$0x3F8B] =	sst lr;
	_ =	strace $0xD0000000  }
0x3: {  	_ = 	snop  }
0x4: {  	_ = 	snop  }
0x5: {  	_ = 	snop  }
0x6: {  	_ = 	snop  }
0x7: {  	_ = 	snop  }
__scs_overlays_trampoline_lowered:
0x8: {  	[smem:$0x3F9A] =	sst s0  }
0x9: {  	[smem:$0x3F9B] =	sst s1  }
0xa: {  	[smem:$0x3F9C] =	sst s2  }
0xb: {  	[smem:$0x3F9D] =	sst s3  }
0xc: {  	[smem:$0x3F9E] =	sst s4  }
0xd: {  	[smem:$0x3F9F] =	sst s5  }
0xe: {  	[smem:$0x3FA0] =	sst s6  }
0xf: {  	[smem:$0x3FA1] =	sst s7  }
0x10: {  	[smem:$0x3FA2] =	sst s8  }
0x11: {  	[smem:$0x3FA3] =	sst s9;
	s0 =	simm.s32 @!p0 $0x0  }
0x12: {  	s1 =	sld [smem:$0x3F89];
	s0 =	simm.s32 @p0 $0x1  }
0x13: {  	[smem:$0x3FA4] =	sst s0;
	s0 =	simm.s32 @!p1 $0x0  }
0x14: {  	s2 =	sld [smem:$0x3F88];
	s0 =	simm.s32 @p1 $0x1  }
0x15: {  	[smem:$0x3FA5] =	sst s0;
	s0 =	simm.s32 @!p2 $0x0  }
0x16: {  	s3 =	sld [smem:$0x3FDB];
	s0 =	simm.s32 @p2 $0x1  }
0x17: {  	s4 =	simm.s32 $0x1BF5;
	[smem:$0x3FA7] =	sst s0  }
0x18: {  	s0 =	sld [smem:$0x3F8A];
	_ =	swait.ge [sflag:s4], $0x0  }
0x19: {  	s7 =	sld [smem:$0x3F8B]  }
0x1a: {  	s8 =	sadd.s32 $0xFFFFE003, lr  }
0x1b: {  	s9 =	sadd.s32 $0xFFFFFEF7, lr;
	s5 =	simm.s32 $0xFFFFFFFF;
	p2 =	slt.u32 s8, $0xFFFFF086  }
0x1c: {  	p1 =	slt.u32 s9, $0xF7A;
	s5 =	simm.s32 @!p2 $0x0  }
0x1d: {  	s5 =	simm.s32 @p1 $0x1;
	p0 =	seq.s32 s7, s2  }
0x1e: {  	s7 =	smul.u32 @!p0 $0xF7A, s2;
	p2 =	seq.s32 @!p0 s5, $0x0  }
0x1f: {  	s9 =	smul.u32 $0xF7A, s1;
	s8 =	simm.s32 @!p0 $0x1BF5;
	p2 =	por !p2, p0  }
0x20: {  	[sflag:s8] =	ssyncset.s32 @!p0 $0xFFFFF086;
	s6 =	sadd.s32 @!p0 s3, s7;
	s7 =	simm.s32 @!p0 $0x108  }
0x21: {  	s3 =	sadd.s32 s3, s9;
	s6 =	sadd.s32 @!p0 $0x88, s6;
	s7 =	simm.s32 @p2 $0x1082  }
0x22: {  	[simem:s7], [sflag:s8] =	dma.local @!p0 [hbm:s6], $0xF7A  }
0x23: {  	s9 =	sor.u32 $0xD0000000, s2;
	s6 =	simm.s32 $0x108;
	_ =	swait.ge @!p0 [sflag:s8], $0x0  }
0x24: {  	s3 =	sadd.s32 $0x88, s3;
	s6 =	simm.s32 @!p1 $0x1082;
	[sflag:s4] =	ssyncset.s32 $0xFFFFF086  }
0x25: {  	[simem:s6], [sflag:s4] =	dma.local [hbm:s3], $0xF7A  }
0x26: {  	[smem:$0x3F8B] =	sst s1;
	(tag) =	ssettag s2;
	_ =	strace s9  }
0x27: {  	s1 =	sld [smem:$0x3F9B]  }
0x28: {  	s2 =	sld [smem:$0x3F9C]  }
0x29: {  	s4 =	sld [smem:$0x3F9E]  }
0x2a: {  	p0 =	seq.s32 s5, $0x0;
	s5 =	sld [smem:$0x3F9F]  }
0x2b: {  	s6 =	sld [smem:$0x3FA0]  }
0x2c: {  	s7 =	sld [smem:$0x3FA1]  }
0x2d: {  	s3 =	simm.s32 $0x108;
	s8 =	sld [smem:$0x3FA2]  }
0x2e: {  	s3 =	simm.s32 @!p0 $0x1082;
	s9 =	sld [smem:$0x3FA3]  }
0x2f: {  	lr =	sadd.s32 s0, s3;
	s0 =	sld [smem:$0x3F9A]  }
0x30: {  	s3 =	sld [smem:$0x3F9D]  }
0x31: {  	[smem:$0x3FA6] =	sst s10  }
0x32: {  	s10 =	sld [smem:$0x3FA4];
	_ =	sdelay $0x3  }
0x33: {  	p0 =	seq.s32 s10, $0x1;
	s10 =	sld [smem:$0x3FA6];
	_ =	sdelay $0x3  }
0x34: {  	[smem:$0x3FA6] =	sst s10  }
0x35: {  	s10 =	sld [smem:$0x3FA5];
	_ =	sdelay $0x3  }
0x36: {  	p1 =	seq.s32 s10, $0x1;
	s10 =	sld [smem:$0x3FA6];
	_ =	sdelay $0x3  }
0x37: {  	[smem:$0x3FA6] =	sst s10  }
0x38: {  	s10 =	sld [smem:$0x3FA7]  }
0x39: {  	_ = 	snop;
	(pc) =	sbr.ind lr, $3  }
0x3a: {  	_ = 	snop  }
0x3b: {  	_ = 	snop  }
0x3c: {  	p2 =	seq.s32 s10, $0x1;
	s10 =	sld [smem:$0x3FA6]  }
0x3d: {  	_ =	shalt  }
0x3e: {  	_ =	shalt  }
0x3f: {  	_ =	shalt  }
0x40: {  	_ =	shalt  }
0x41: {  	_ =	shalt  }
0x42: {  	_ =	shalt  }
0x43: {  	_ =	shalt  }
0x44: {  	_ =	shalt  }
0x45: {  	_ =	shalt  }
0x46: {  	_ =	shalt  }
0x47: {  	_ =	shalt  }
0x48: {  	_ =	shalt  }
0x49: {  	_ =	shalt  }
0x4a: {  	_ =	shalt  }
0x4b: {  	_ =	shalt  }
0x4c: {  	_ =	shalt  }
0x4d: {  	_ =	shalt  }
0x4e: {  	_ =	shalt  }
0x4f: {  	_ =	shalt  }
0x50: {  	_ =	shalt  }
0x51: {  	_ =	shalt  }
0x52: {  	_ =	shalt  }
0x53: {  	_ =	shalt  }
0x54: {  	_ =	shalt  }
0x55: {  	_ =	shalt  }
0x56: {  	_ =	shalt  }
0x57: {  	_ =	shalt  }
0x58: {  	_ =	shalt  }
0x59: {  	_ =	shalt  }
0x5a: {  	_ =	shalt  }
0x5b: {  	_ =	shalt  }
0x5c: {  	_ =	shalt  }
0x5d: {  	_ =	shalt  }
0x5e: {  	_ =	shalt  }
0x5f: {  	_ =	shalt  }
0x60: {  	_ =	shalt  }
0x61: {  	_ =	shalt  }
0x62: {  	_ =	shalt  }
0x63: {  	_ =	shalt  }
0x64: {  	_ =	shalt  }
0x65: {  	_ =	shalt  }
0x66: {  	_ =	shalt  }
0x67: {  	_ =	shalt  }
0x68: {  	_ =	shalt  }
0x69: {  	_ =	shalt  }
0x6a: {  	_ =	shalt  }
0x6b: {  	_ =	shalt  }
0x6c: {  	_ =	shalt  }
0x6d: {  	_ =	shalt  }
0x6e: {  	_ =	shalt  }
0x6f: {  	_ =	shalt  }
0x70: {  	_ =	shalt  }
0x71: {  	_ =	shalt  }
0x72: {  	_ =	shalt  }
0x73: {  	_ =	shalt  }
0x74: {  	_ =	shalt  }
0x75: {  	_ =	shalt  }
0x76: {  	_ =	shalt  }
0x77: {  	_ =	shalt  }
0x78: {  	_ =	shalt  }
0x79: {  	_ =	shalt  }
0x7a: {  	_ =	shalt  }
0x7b: {  	_ =	shalt  }
0x7c: {  	_ =	shalt  }
0x7d: {  	_ =	shalt  }
0x7e: {  	_ =	shalt  }
0x7f: {  	_ =	shalt  }
0x80: {  	_ =	shalt  }
0x81: {  	_ =	shalt  }
0x82: {  	_ =	shalt  }
0x83: {  	_ =	shalt  }
0x84: {  	_ =	shalt  }
0x85: {  	_ =	shalt  }
0x86: {  	_ =	shalt  }
0x87: {  	_ =	shalt  }
.Lfunc_end0:
.L_simem_size_0:
called_computation.2_lowered:
.L_overlay_start_0:
0x88: {  	s2 =	sld [smem:$0x3FD9]  }
0x89: {  	s3 =	sld [smem:$0x3FFE];
	_ =	sdelay $0x1  }
0x8a: {  	s1 =	srdreg.scid  }
0x8b: {  	s0 =	sand.u32 $0x1, s1  }
0x8c: {  	s16 =	sshll.u32 s0, $0xA;
	s2 =	sadd.s32 s3, s2  }
0x8d: {  	s2 =	sadd.s32 s2, s16  }
0x8e: {  	[smem:$0x3FB2] =	sst s2  }
0x8f: {  	_ = 	snop  }
0x90: {  	(tm) =	ssettm $0x1  }
0x91: {  	s17 =	sld [smem:$0x3FFB];
	_ =	sdelay $0x3  }
0x92: {  	_ =	strace s17  }
0x93: {  	s2 =	sld [smem:$0x3FFC];
	_ =	sdelay $0x3  }
0x94: {  	_ =	strace s2  }
0x95: {  	s2 =	sld [smem:$0x3FFD];
	_ =	sdelay $0x3  }
0x96: {  	_ =	strace s2  }
0x97: {  	_ =	strace $0x8FFFFFFF  }
0x98: {  	s18 =	sld [smem:$0x3FDB];
	_ =	sdelay $0x1  }
0x99: {  	s19 =	simm.s32 $_scs_section_size  }
0x9a: {  	s4 =	simm.s32 $_size__tile_overlayer_lowered;
	s5 =	simm.s32 $_tile_overlayer_lowered  }
0x9b: {  	s22 =	simm.s32 $0x1BFF;
	s21 =	sshll.u32 s5, $0x1;
	s2 =	sadd.s32 s19, s18  }
0x9c: {  	s6 =	simm.s32 $0x0;
	s20 =	sshll.u32 s4, $0x1;
	s4 =	sadd.s32 s21, s2  }
0x9d: {  	[timem:s6], [sflag:s22] =	dma.local [hbm:s4], s20  }
0x9e: {  	_ =	swait.ge [sflag:s22], s20  }
0x9f: {  	s3 =	ssub.s32 $0x0, s20;
	[sflag:s22] =	ssyncset.done $0x0  }
0xa0: {  	[sflag:s22] =	ssyncadd.s32 s3;
	_ =	sdelay $0x1  }
0xa1: {  	s23 =	simm.s32 $0x1B8B  }
0xa2: {  	_ =	swait.ge [sflag:s23], $0x1  }
0xa3: {  	[sflag:s23] =	ssyncset.done $0x0  }
0xa4: {  	s25 =	simm.s32 $0x1B8E;
	s24 =	sld [smem:$0x3FFE];
	[sflag:s23] =	ssyncadd.s32 $0xFFFFFFFF  }
0xa5: {  	s26 =	simm.s32 $execute0_lowered;
	[smem:$0x3FD2] =	sst s25  }
0xa6: {  	s4 =	sshll.u32 s26, $0x1;
	_ =	strace $0x8000004C;
	[dreg:$0x1] =	wrdreg $0xFFFFFFFF  }
0xa7: {  	s28 =	simm.s32 $_size_execute0_lowered;
	s2 =	sadd.s32 s2, s4;
	[dreg:$0x0] =	wrdreg $0x0  }
0xa8: {  	s4 =	sshll.u32 s28, $0x1;
	[dreg:$0x2] =	wrdreg s2  }
0xa9: {  	[dreg:$0x3] =	wrdreg s4  }
0xaa: {  	[dreg:$0x4] =	wrdreg $0xC0  }
0xab: {  	_ =	task [dreg:s6], $0x5FFFF  }
0xac: {  	[dreg:$0x1] =	wrdreg $0xFFFFFFFF  }
0xad: {  	[dreg:$0x0] =	wrdreg $0x60  }
0xae: {  	[dreg:$0x2] =	wrdreg s24  }
0xaf: {  	[dreg:$0x3] =	wrdreg $0xE4000  }
0xb0: {  	[dreg:$0x4] =	wrdreg $0x9  }
0xb1: {  	_ =	task.clear_ibuf [dreg:s6], $0x5FFFF;
	_ =	strace $0x9000004C  }
0xb2: {  	s29 =	simm.s32 $0x9;
	_ =	strace $0x8000004E  }
0xb3: {  	_ =	swait.ge [sflag:s29], $0x1  }
0xb4: {  	[sflag:s29] =	ssyncadd.s32 $0xFFFFFFFF  }
0xb5: {  	_ =	strace $0x9000004E  }
0xb6: {  	_ =	sfence  }
0xb7: {  	s30 =	sld [smem:$0x0];
	_ =	sdelay $0x2  }
0xb8: {  	s31 =	sshll.u32 s1, $0xD;
	s1 =	sshrl.u32 s1, $0x2  }
0xb9: {  	s3 =	sand.u32 $0x4000, s31;
	s1 =	sadd.s32 s1, s30  }
0xba: {  	s0 =	sor.u32 s3, s0;
	s1 =	sshll.u32 s1, $0x11  }
0xbb: {  	s0 =	sor.u32 s1, s0  }
0xbc: {  	s0 =	sadd.s32 $0x8F2B, s0  }
0xbd: {  	[sflag:s0] =	ssyncadd.remote.s32 $0x1  }
0xbe: {  	_ =	sfence.sel $0xFFFF  }
0xbf: {  	[dreg:$0x0] =	wrdreg $0xFFFFFFFF;
	(pc) =	sbr.abs _section_cstart, $3  }
0xc0: {  	[dreg:$0x1] =	wrdreg $0xFFFFFFFF  }
0xc1: {  	_ =	task.clear_ibuf [dreg:s6], $0x2FFFF;
	_ =	strace $0x9FFFFFFF  }
0xc2: {  	(tm) =	ssettm $0x7FFFFFFF  }
0xc3: {  	_ =	shalt  }
tec
execute0_lowered:
.L_overlay_start_1:
0x0: {  	(tag) =	ssettag $0x1  }
0x1: {  	s0 =	rddreg [dreg:$0x0]  }
0x2: {  	s2 =	rddreg [dreg:$0x1];
	s3 =	simm.s32 $0x0  }
0x3: {  	s9 =	stileid.u32;
	s5 =	srdreg.scid;
	s28 =	simm.s32 $0xC8  }
0x4: {  	s29 =	simm.s32 $0x400;
	s30 =	simm.s32 $0x200;
	s31 =	simm.s32 $0x300  }
0x5: {  	[smem:$0x7FF] =	sst s3;
	s1 =	smul.u32 $0x9C4, s9;
	s4 =	sadd.s32 $0xC7000, s0  }
0x6: {  	s5 =	sand.u32 $0x1, s5;
	s7 =	smul.u32 $0x2A000, s9;
	s8 =	sadd.s32 $0x4CC00, s0  }
0x7: {  	s12 =	smul.u32 $0xA800, s9;
	_ =	strace $0x8000004D;
	s6 =	ssub.s32 $0x2, s5  }
0x8: {  	[dreg:$0x3] =	wrdreg s8;
	p0 =	seq.s32 s5, $0x1;
	s5 =	smul.u32 $0xA8000, s5  }
0x9: {  	s1 =	sadd.s32 s1, s0;
	s20 =	sshrl.u32 s6, $0x1;
	s0 =	sadd.s32 $0xEF000, s0  }
0xa: {  	s21 =	sshrl.u32 s7, $0x2;
	s22 =	sadd.s32 $0x1800, s12;
	s14 =	sadd.s32 $0x3000, s12  }
0xb: {  	s15 =	sadd.s32 $0x4800, s12;
	s16 =	sadd.s32 $0x6000, s12;
	s18 =	sadd.s32 $0x7800, s12  }
0xc: {  	s19 =	sadd.s32 $0x9000, s12;
	s8 =	ssub.s32 s6, s20;
	s6 =	sadd.s32 s21, s2  }
0xd: {  	s9 =	sadd.s32 s14, s2;
	s10 =	sadd.s32 s15, s2;
	s11 =	sadd.s32 s16, s2  }
0xe: {  	s17 =	sadd.s32 s5, s12;
	s12 =	sadd.s32 s18, s2;
	s13 =	sadd.s32 s19, s2  }
0xf: {  	s7 =	sadd.s32 s5, s22;
	s14 =	sadd.s32 s5, s14;
	s15 =	sadd.s32 s5, s15  }
0x10: {  	s25 =	sadd.s32 s5, s16;
	s26 =	sadd.s32 s5, s18;
	s5 =	sadd.s32 s5, s19  }
0x11: {  	s21 =	sadd.s32 $0x1AE00, s1;
	s8 =	smax.u32 s8, $0x1;
	s17 =	sshrl.u32 s17, $0x3  }
0x12: {  	s7 =	sshrl.u32 s7, $0x3;
	s14 =	sshrl.u32 s14, $0x3;
	s24 =	sshrl.u32 s15, $0x3  }
0x13: {  	s5 =	sshrl.u32 s5, $0x3;
	[dreg:$0x4] =	wrdreg s8;
	s8 =	sadd.s32 s22, s2  }
0x14: {  	s17 =	sadd.s32 s0, s17;
	s7 =	sadd.s32 s0, s7;
	s23 =	sadd.s32 s0, s14  }
0x15: {  	s14 =	sshrl.u32 s26, $0x3;
	s20 =	sadd.s32 s0, s5;
	[dreg:$0x5] =	wrdreg s17  }
0x16: {  	s22 =	sadd.s32 $0x7200, s1;
	s26 =	simm.s32 $0x100;
	[dreg:$0x6] =	wrdreg s7  }
.Ltmp0:
0x17: {  	s5 =	simm.s32 $0x2;
	[dreg:$0x7] =	wrdreg s23;
	(pc) =	sbr.rel .LBB2_1-.Ltmp0, $4  }
0x18: {  	s7 =	sadd.s32 s0, s24;
	s19 =	sadd.s32 s0, s14;
	s23 =	sadd.s32 $0x11000, s1  }
0x19: {  	s24 =	simm.s32 $0xCC00;
	[dreg:$0x8] =	wrdreg s7;
	s7 =	sshrl.u32 s25, $0x3  }
0x1a: {  	s1 =	simm.s32 $0x1;
	s25 =	simm.s32 $0x3;
	s7 =	sadd.s32 s0, s7  }
0x1b: {  	s0 =	simm.s32 $0x6800;
	[dreg:$0x9] =	wrdreg s7;
	s7 =	simm.s32 $0x0  }
.LBB2_7:
0x1c: {  	s15 =	sadd.s32 s14, s22;
	[sflag:s25] =	ssyncadd.s32 $0xFFFF9C00  }
0x1d: {  	[tilespmem:s3], [sflag:$0x3] =	stream.linear.gather [hbm4b:s15+s3], $0xC8, $0x38;
	[tilespmem:$0x18C00] =	vst v63  }
0x1e: {  	_ =	swait.ge [sflag:s25], $0xC8  }
0x1f: {  	[sflag:s25] =	ssyncset.done $0x0  }
0x20: {  	s18 =	sadd.s32 s14, s23;
	[sflag:s25] =	ssyncadd.s32 $0xFFFFFF38  }
0x21: {  	[tilespmem:s26], [sflag:$0x3] =	stream.linear.gather [hbm4b:s18+s3], $0xC8, $0x38;
	[tilespmem:$0x18C00] =	vst v63  }
0x22: {  	_ =	swait.ge [sflag:s25], $0xC8  }
0x23: {  	[sflag:s25] =	ssyncset.done $0x0  }
0x24: {  	[sflag:s25] =	ssyncadd.s32 $0xFFFFFF38  }
0x25: {  	[tilespmem:s29], [sflag:$0x1] =	stream.indirect.gather [hbm4b:s4+s28], $0x80, s3, s28, $0xb8;
	[tilespmem:$0x18C00] =	vst v63  }
0x26: {  	s15 =	sadd.s32 $0x19, s15  }
0x27: {  	[tilespmem:s30], [sflag:$0x3] =	stream.linear.gather [hbm4b:s15+s3], $0xC8, $0x38;
	[tilespmem:$0x18C00] =	vst v63  }
0x28: {  	_ =	swait.ge [sflag:s25], $0xC8  }
0x29: {  	[sflag:s25] =	ssyncset.done $0x0  }
0x2a: {  	s14 =	sadd.s32 $0x19, s18;
	[sflag:s25] =	ssyncadd.s32 $0xFFFFFF38  }
0x2b: {  	[tilespmem:s31], [sflag:$0x3] =	stream.linear.gather [hbm4b:s14+s3], $0xC8, $0x38;
	[tilespmem:$0x18C00] =	vst v63  }
0x2c: {  	_ =	swait.ge [sflag:s25], $0xC8  }
0x2d: {  	[sflag:s25] =	ssyncset.done $0x0  }
0x2e: {  	[sflag:s25] =	ssyncadd.s32 $0xFFFFFF38  }
0x2f: {  	[tilespmem:s0], [sflag:$0x2] =	stream.indirect.gather [hbm4b:s4+s28], $0x80, s30, s28, $0xb8;
	[tilespmem:$0x18C00] =	vst v63  }
0x30: {  	_ =	swait.ge [sflag:s1], $0x6400  }
0x31: {  	[sflag:s1] =	ssyncset.done $0x0  }
0x32: {  	[sflag:s1] =	ssyncadd.s32 $0xFFFF9C00  }
0x33: {  	[spmem:s2] =	stream.indirect.scatter.add.f32 [tilespmem:s29], [sflag:$0x3], $0x80, s26, s28, $0xb8;
	[tilespmem:$0x18C00] =	vst v63  }
0x34: {  	_ =	swait.ge [sflag:s25], $0x6400  }
0x35: {  	[sflag:s25] =	ssyncset.done $0x0  }
0x36: {  	[sflag:s25] =	ssyncadd.s32 $0xFFFF9C00  }
0x37: {  	_ =	swait.ge [sflag:s5], $0x6400  }
0x38: {  	[sflag:s5] =	ssyncset.done $0x0  }
0x39: {  	[sflag:s5] =	ssyncadd.s32 $0xFFFF9C00  }
0x3a: {  	[spmem:s2] =	stream.indirect.scatter.add.f32 [tilespmem:s0], [sflag:$0x3], $0x80, s31, s28, $0xb8;
	[tilespmem:$0x18C00] =	vst v63  }
0x3b: {  	_ =	swait.ge [sflag:s25], $0x6400  }
0x3c: {  	[sflag:s25] =	ssyncset.done $0x0  }
0x3d: {  	[sflag:s25] =	ssyncadd.s32 $0xFFFF9C00  }
.LBB2_8:
0x3e: {  	[bflag:$0x0] =	sbarrier.arrive $0xFFFF  }
0x3f: {  	[tilespmem:s24], [sflag:$0x3] =	stream.linear.gather [spmem:s6], $0x1800, $0x38;
	[tilespmem:$0x18C00] =	vst v63  }
0x40: {  	_ =	swait.ge [sflag:s25], $0x1800  }
0x41: {  	[sflag:s25] =	ssyncset.done $0x0  }
0x42: {  	s14 =	rddreg [dreg:$0x5];
	[sflag:s25] =	ssyncadd.s32 $0xFFFFE800  }
0x43: {  	[hbm4b:s14+s3] =	stream.linear.scatter [tilespmem:s24], [sflag:$0x3], $0x1800, $0x38;
	[tilespmem:$0x18C00] =	vst v63  }
0x44: {  	_ =	swait.ge [sflag:s25], $0x1800  }
0x45: {  	[sflag:s25] =	ssyncset.done $0x0  }
0x46: {  	[sflag:s25] =	ssyncadd.s32 $0xFFFFE800  }
0x47: {  	[tilespmem:s24], [sflag:$0x3] =	stream.linear.gather [spmem:s8], $0x1800, $0x38;
	[tilespmem:$0x18C00] =	vst v63  }
0x48: {  	_ =	swait.ge [sflag:s25], $0x1800  }
0x49: {  	[sflag:s25] =	ssyncset.done $0x0  }
0x4a: {  	s18 =	rddreg [dreg:$0x6];
	[sflag:s25] =	ssyncadd.s32 $0xFFFFE800  }
0x4b: {  	[hbm4b:s18+s3] =	stream.linear.scatter [tilespmem:s24], [sflag:$0x3], $0x1800, $0x38;
	[tilespmem:$0x18C00] =	vst v63  }
0x4c: {  	_ =	swait.ge [sflag:s25], $0x1800  }
0x4d: {  	[sflag:s25] =	ssyncset.done $0x0  }
0x4e: {  	[sflag:s25] =	ssyncadd.s32 $0xFFFFE800  }
0x4f: {  	[tilespmem:s24], [sflag:$0x3] =	stream.linear.gather [spmem:s9], $0x1800, $0x38;
	[tilespmem:$0x18C00] =	vst v63  }
0x50: {  	_ =	swait.ge [sflag:s25], $0x1800  }
0x51: {  	[sflag:s25] =	ssyncset.done $0x0  }
0x52: {  	s15 =	rddreg [dreg:$0x7];
	[sflag:s25] =	ssyncadd.s32 $0xFFFFE800  }
0x53: {  	[hbm4b:s15+s3] =	stream.linear.scatter [tilespmem:s24], [sflag:$0x3], $0x1800, $0x38;
	[tilespmem:$0x18C00] =	vst v63  }
0x54: {  	_ =	swait.ge [sflag:s25], $0x1800  }
0x55: {  	[sflag:s25] =	ssyncset.done $0x0  }
0x56: {  	[sflag:s25] =	ssyncadd.s32 $0xFFFFE800  }
0x57: {  	[tilespmem:s24], [sflag:$0x3] =	stream.linear.gather [spmem:s10], $0x1800, $0x38;
	[tilespmem:$0x18C00] =	vst v63  }
0x58: {  	_ =	swait.ge [sflag:s25], $0x1800  }
0x59: {  	[sflag:s25] =	ssyncset.done $0x0  }
0x5a: {  	s16 =	rddreg [dreg:$0x8];
	[sflag:s25] =	ssyncadd.s32 $0xFFFFE800  }
0x5b: {  	[hbm4b:s16+s3] =	stream.linear.scatter [tilespmem:s24], [sflag:$0x3], $0x1800, $0x38;
	[tilespmem:$0x18C00] =	vst v63  }
0x5c: {  	_ =	swait.ge [sflag:s25], $0x1800  }
0x5d: {  	[sflag:s25] =	ssyncset.done $0x0  }
0x5e: {  	[sflag:s25] =	ssyncadd.s32 $0xFFFFE800  }
0x5f: {  	[tilespmem:s24], [sflag:$0x3] =	stream.linear.gather [spmem:s11], $0x1800, $0x38;
	[tilespmem:$0x18C00] =	vst v63  }
0x60: {  	_ =	swait.ge [sflag:s25], $0x1800  }
0x61: {  	[sflag:s25] =	ssyncset.done $0x0  }
0x62: {  	s17 =	rddreg [dreg:$0x9];
	[sflag:s25] =	ssyncadd.s32 $0xFFFFE800  }
0x63: {  	[hbm4b:s17+s3] =	stream.linear.scatter [tilespmem:s24], [sflag:$0x3], $0x1800, $0x38;
	[tilespmem:$0x18C00] =	vst v63  }
0x64: {  	_ =	swait.ge [sflag:s25], $0x1800  }
0x65: {  	[sflag:s25] =	ssyncset.done $0x0  }
0x66: {  	[sflag:s25] =	ssyncadd.s32 $0xFFFFE800  }
0x67: {  	[tilespmem:s24], [sflag:$0x3] =	stream.linear.gather [spmem:s12], $0x1800, $0x38;
	[tilespmem:$0x18C00] =	vst v63  }
0x68: {  	_ =	swait.ge [sflag:s25], $0x1800  }
0x69: {  	[sflag:s25] =	ssyncset.done $0x0  }
0x6a: {  	[sflag:s25] =	ssyncadd.s32 $0xFFFFE800  }
0x6b: {  	[hbm4b:s19+s3] =	stream.linear.scatter [tilespmem:s24], [sflag:$0x3], $0x1800, $0x38;
	[tilespmem:$0x18C00] =	vst v63  }
0x6c: {  	_ =	swait.ge [sflag:s25], $0x1800  }
0x6d: {  	[sflag:s25] =	ssyncset.done $0x0  }
0x6e: {  	[sflag:s25] =	ssyncadd.s32 $0xFFFFE800  }
0x6f: {  	[tilespmem:s24], [sflag:$0x3] =	stream.linear.gather [spmem:s13], $0x1800, $0x38;
	[tilespmem:$0x18C00] =	vst v63  }
0x70: {  	_ =	swait.ge [sflag:s25], $0x1800  }
0x71: {  	[sflag:s25] =	ssyncset.done $0x0  }
0x72: {  	[sflag:s25] =	ssyncadd.s32 $0xFFFFE800  }
0x73: {  	[hbm4b:s20+s3] =	stream.linear.scatter [tilespmem:s24], [sflag:$0x3], $0x1800, $0x38;
	[tilespmem:$0x18C00] =	vst v63  }
0x74: {  	_ =	swait.ge [sflag:s25], $0x1800  }
0x75: {  	s7 =	sadd.s32 $0x1, s7;
	s18 =	rddreg [dreg:$0x4]  }
0x76: {  	p1 =	sne.s32 s7, s18  }
.Ltmp1:
0x77: {  	_ = 	snop;
	(pc) =	sbr.rel @!p1 .LBB2_9-.Ltmp1, $3  }
0x78: {  	_ =	sdelay $0x1  }
0x79: {  	[sflag:s25] =	ssyncset.done $0x0  }
0x7a: {  	[sflag:s25] =	ssyncadd.s32 $0xFFFFE800  }
.LBB2_1:
0x7b: {  	s14 =	rddreg [dreg:$0x3]  }
0x7c: {  	[tilespmem:s24], [sflag:$0x3] =	stream.linear.gather [hbm4b:s14+s3], $0x1800, $0x38;
	[tilespmem:$0x18C00] =	vst v63  }
0x7d: {  	_ =	swait.ge [sflag:s25], $0x1800  }
0x7e: {  	[sflag:s25] =	ssyncset.done $0x0  }
0x7f: {  	[sflag:s25] =	ssyncadd.s32 $0xFFFFE800  }
0x80: {  	[spmem:s6] =	stream.linear.scatter [tilespmem:s24], [sflag:$0x3], $0x1800, $0x38;
	[tilespmem:$0x18C00] =	vst v63  }
0x81: {  	_ =	swait.ge [sflag:s25], $0x1800  }
0x82: {  	[sflag:s25] =	ssyncset.done $0x0  }
0x83: {  	[sflag:s25] =	ssyncadd.s32 $0xFFFFE800  }
0x84: {  	[spmem:s8] =	stream.linear.scatter [tilespmem:s24], [sflag:$0x3], $0x1800, $0x38;
	[tilespmem:$0x18C00] =	vst v63  }
0x85: {  	_ =	swait.ge [sflag:s25], $0x1800  }
0x86: {  	[sflag:s25] =	ssyncset.done $0x0  }
0x87: {  	[sflag:s25] =	ssyncadd.s32 $0xFFFFE800  }
0x88: {  	[spmem:s9] =	stream.linear.scatter [tilespmem:s24], [sflag:$0x3], $0x1800, $0x38;
	[tilespmem:$0x18C00] =	vst v63  }
0x89: {  	_ =	swait.ge [sflag:s25], $0x1800  }
0x8a: {  	[sflag:s25] =	ssyncset.done $0x0  }
0x8b: {  	[sflag:s25] =	ssyncadd.s32 $0xFFFFE800  }
0x8c: {  	[spmem:s10] =	stream.linear.scatter [tilespmem:s24], [sflag:$0x3], $0x1800, $0x38;
	[tilespmem:$0x18C00] =	vst v63  }
0x8d: {  	_ =	swait.ge [sflag:s25], $0x1800  }
0x8e: {  	[sflag:s25] =	ssyncset.done $0x0  }
0x8f: {  	[sflag:s25] =	ssyncadd.s32 $0xFFFFE800  }
0x90: {  	[spmem:s11] =	stream.linear.scatter [tilespmem:s24], [sflag:$0x3], $0x1800, $0x38;
	[tilespmem:$0x18C00] =	vst v63  }
0x91: {  	_ =	swait.ge [sflag:s25], $0x1800  }
0x92: {  	[sflag:s25] =	ssyncset.done $0x0  }
0x93: {  	[sflag:s25] =	ssyncadd.s32 $0xFFFFE800  }
0x94: {  	[spmem:s12] =	stream.linear.scatter [tilespmem:s24], [sflag:$0x3], $0x1800, $0x38;
	[tilespmem:$0x18C00] =	vst v63  }
0x95: {  	_ =	swait.ge [sflag:s25], $0x1800  }
0x96: {  	[sflag:s25] =	ssyncset.done $0x0  }
0x97: {  	[sflag:s25] =	ssyncadd.s32 $0xFFFFE800  }
0x98: {  	[spmem:s13] =	stream.linear.scatter [tilespmem:s24], [sflag:$0x3], $0x1800, $0x38;
	[tilespmem:$0x18C00] =	vst v63  }
.Ltmp2:
0x99: {  	_ =	swait.ge [sflag:s25], $0x1800;
	(pc) =	sbr.rel @!p0 .LBB2_2-.Ltmp2, $4  }
0x9a: {  	[sflag:s25] =	ssyncset.done $0x0  }
0x9b: {  	[sflag:s25] =	ssyncadd.s32 $0xFFFFE800  }
0x9c: {  	[bflag:$0x0] =	sbarrier.arrive $0xFFFF  }
0x9d: {  	s14 =	sadd.s32 $0x0, s22  }
0x9e: {  	[tilespmem:s3], [sflag:$0x3] =	stream.linear.gather [hbm4b:s14+s3], $0xC8, $0x38;
	[tilespmem:$0x18C00] =	vst v63  }
0x9f: {  	_ =	swait.ge [sflag:s25], $0xC8  }
0xa0: {  	[sflag:s25] =	ssyncset.done $0x0  }
0xa1: {  	s15 =	sadd.s32 $0x0, s23;
	[sflag:s25] =	ssyncadd.s32 $0xFFFFFF38  }
0xa2: {  	[tilespmem:s26], [sflag:$0x3] =	stream.linear.gather [hbm4b:s15+s3], $0xC8, $0x38;
	[tilespmem:$0x18C00] =	vst v63  }
0xa3: {  	_ =	swait.ge [sflag:s25], $0xC8  }
0xa4: {  	[sflag:s25] =	ssyncset.done $0x0  }
0xa5: {  	[sflag:s25] =	ssyncadd.s32 $0xFFFFFF38  }
0xa6: {  	[tilespmem:s29], [sflag:$0x1] =	stream.indirect.gather [hbm4b:s4+s28], $0x80, s3, s28, $0xb8;
	[tilespmem:$0x18C00] =	vst v63  }
0xa7: {  	s17 =	sadd.s32 $0x19, s14  }
0xa8: {  	[tilespmem:s30], [sflag:$0x3] =	stream.linear.gather [hbm4b:s17+s3], $0xC8, $0x38;
	[tilespmem:$0x18C00] =	vst v63  }
0xa9: {  	_ =	swait.ge [sflag:s25], $0xC8  }
0xaa: {  	[sflag:s25] =	ssyncset.done $0x0  }
0xab: {  	s18 =	sadd.s32 $0x19, s15;
	[sflag:s25] =	ssyncadd.s32 $0xFFFFFF38  }
0xac: {  	[tilespmem:s31], [sflag:$0x3] =	stream.linear.gather [hbm4b:s18+s3], $0xC8, $0x38;
	[tilespmem:$0x18C00] =	vst v63  }
0xad: {  	_ =	swait.ge [sflag:s25], $0xC8  }
0xae: {  	[sflag:s25] =	ssyncset.done $0x0  }
0xaf: {  	[sflag:s25] =	ssyncadd.s32 $0xFFFFFF38  }
0xb0: {  	[tilespmem:s0], [sflag:$0x2] =	stream.indirect.gather [hbm4b:s4+s28], $0x80, s30, s28, $0xb8;
	[tilespmem:$0x18C00] =	vst v63  }
0xb1: {  	_ =	swait.ge [sflag:s1], $0x6400  }
0xb2: {  	[sflag:s1] =	ssyncset.done $0x0  }
0xb3: {  	[sflag:s1] =	ssyncadd.s32 $0xFFFF9C00  }
0xb4: {  	[spmem:s2] =	stream.indirect.scatter.add.f32 [tilespmem:s29], [sflag:$0x3], $0x80, s26, s28, $0xb8;
	[tilespmem:$0x18C00] =	vst v63  }
0xb5: {  	_ =	swait.ge [sflag:s25], $0x6400  }
0xb6: {  	[sflag:s25] =	ssyncset.done $0x0  }
0xb7: {  	[sflag:s25] =	ssyncadd.s32 $0xFFFF9C00  }
0xb8: {  	_ =	swait.ge [sflag:s5], $0x6400  }
0xb9: {  	[sflag:s5] =	ssyncset.done $0x0  }
0xba: {  	[sflag:s5] =	ssyncadd.s32 $0xFFFF9C00  }
0xbb: {  	[spmem:s2] =	stream.indirect.scatter.add.f32 [tilespmem:s0], [sflag:$0x3], $0x80, s31, s28, $0xb8;
	[tilespmem:$0x18C00] =	vst v63  }
0xbc: {  	_ =	swait.ge [sflag:s25], $0x6400  }
0xbd: {  	s14 =	simm.s32 $0x32;
	s16 =	simm.s32 $0x64;
	[sflag:s25] =	ssyncset.done $0x0  }
.LBB2_6:
0xbe: {  	s17 =	sadd.s32 s14, s22  }
0xbf: {  	[sflag:s25] =	ssyncadd.s32 $0xFFFF9C00;
	s18 =	smov.u32 s16;
	s15 =	sadd.s32 $0x32, s16  }
0xc0: {  	[tilespmem:s3], [sflag:$0x3] =	stream.linear.gather [hbm4b:s17+s3], $0xC8, $0x38;
	[tilespmem:$0x18C00] =	vst v63  }
0xc1: {  	p1 =	sne.s32 s16, $0x992;
	_ =	swait.ge [sflag:s25], $0xC8  }
0xc2: {  	[sflag:s25] =	ssyncset.done $0x0  }
0xc3: {  	s16 =	sadd.s32 s14, s23;
	s14 =	smov.u32 s18;
	[sflag:s25] =	ssyncadd.s32 $0xFFFFFF38  }
0xc4: {  	[tilespmem:s26], [sflag:$0x3] =	stream.linear.gather [hbm4b:s16+s3], $0xC8, $0x38;
	[tilespmem:$0x18C00] =	vst v63  }
0xc5: {  	_ =	swait.ge [sflag:s25], $0xC8  }
0xc6: {  	[sflag:s25] =	ssyncset.done $0x0  }
0xc7: {  	[sflag:s25] =	ssyncadd.s32 $0xFFFFFF38  }
0xc8: {  	[tilespmem:s29], [sflag:$0x1] =	stream.indirect.gather [hbm4b:s4+s28], $0x80, s3, s28, $0xb8;
	[tilespmem:$0x18C00] =	vst v63  }
0xc9: {  	s17 =	sadd.s32 $0x19, s17  }
0xca: {  	[tilespmem:s30], [sflag:$0x3] =	stream.linear.gather [hbm4b:s17+s3], $0xC8, $0x38;
	[tilespmem:$0x18C00] =	vst v63  }
0xcb: {  	_ =	swait.ge [sflag:s25], $0xC8  }
0xcc: {  	[sflag:s25] =	ssyncset.done $0x0  }
0xcd: {  	s16 =	sadd.s32 $0x19, s16;
	[sflag:s25] =	ssyncadd.s32 $0xFFFFFF38  }
0xce: {  	[tilespmem:s31], [sflag:$0x3] =	stream.linear.gather [hbm4b:s16+s3], $0xC8, $0x38;
	[tilespmem:$0x18C00] =	vst v63  }
0xcf: {  	_ =	swait.ge [sflag:s25], $0xC8  }
0xd0: {  	[sflag:s25] =	ssyncset.done $0x0  }
0xd1: {  	[sflag:s25] =	ssyncadd.s32 $0xFFFFFF38  }
0xd2: {  	[tilespmem:s0], [sflag:$0x2] =	stream.indirect.gather [hbm4b:s4+s28], $0x80, s30, s28, $0xb8;
	[tilespmem:$0x18C00] =	vst v63  }
0xd3: {  	_ =	swait.ge [sflag:s1], $0x6400  }
0xd4: {  	[sflag:s1] =	ssyncset.done $0x0  }
0xd5: {  	[sflag:s1] =	ssyncadd.s32 $0xFFFF9C00  }
0xd6: {  	[spmem:s2] =	stream.indirect.scatter.add.f32 [tilespmem:s29], [sflag:$0x3], $0x80, s26, s28, $0xb8;
	[tilespmem:$0x18C00] =	vst v63  }
0xd7: {  	_ =	swait.ge [sflag:s25], $0x6400  }
0xd8: {  	[sflag:s25] =	ssyncset.done $0x0  }
0xd9: {  	[sflag:s25] =	ssyncadd.s32 $0xFFFF9C00  }
0xda: {  	_ =	swait.ge [sflag:s5], $0x6400  }
.Ltmp3:
0xdb: {  	[sflag:s5] =	ssyncset.done $0x0;
	(pc) =	sbr.rel @p1 .LBB2_6-.Ltmp3, $4  }
0xdc: {  	[sflag:s5] =	ssyncadd.s32 $0xFFFF9C00  }
0xdd: {  	[spmem:s2] =	stream.indirect.scatter.add.f32 [tilespmem:s0], [sflag:$0x3], $0x80, s31, s28, $0xb8;
	[tilespmem:$0x18C00] =	vst v63  }
0xde: {  	_ =	swait.ge [sflag:s25], $0x6400  }
0xdf: {  	s16 =	smov.u32 s15;
	[sflag:s25] =	ssyncset.done $0x0  }
.Ltmp4:
0xe0: {  	_ = 	snop;
	(pc) =	sbr.rel .LBB2_7-.Ltmp4, $1  }
0xe1: {  	_ =	sdelay $0x3  }
.LBB2_2:
0xe2: {  	[tilespmem:s3], [sflag:$0x3] =	stream.linear.gather [hbm4b:s14+s3], $0xC8, $0x38;
	[tilespmem:$0x18C00] =	vst v63  }
0xe3: {  	_ =	swait.ge [sflag:s25], $0xC8  }
0xe4: {  	[sflag:s25] =	ssyncset.done $0x0  }
0xe5: {  	s15 =	sadd.s32 $0x0, s21;
	[sflag:s25] =	ssyncadd.s32 $0xFFFFFF38  }
0xe6: {  	[tilespmem:s26], [sflag:$0x3] =	stream.linear.gather [hbm4b:s15+s3], $0xC8, $0x38;
	[tilespmem:$0x18C00] =	vst v63  }
0xe7: {  	_ =	swait.ge [sflag:s25], $0xC8  }
0xe8: {  	[sflag:s25] =	ssyncset.done $0x0  }
0xe9: {  	[sflag:s25] =	ssyncadd.s32 $0xFFFFFF38  }
0xea: {  	[tilespmem:s29], [sflag:$0x1] =	stream.indirect.gather [hbm4b:s4+s28], $0x80, s3, s28, $0xb8;
	[tilespmem:$0x18C00] =	vst v63  }
0xeb: {  	s17 =	sadd.s32 $0x19, s14  }
0xec: {  	[tilespmem:s30], [sflag:$0x3] =	stream.linear.gather [hbm4b:s17+s3], $0xC8, $0x38;
	[tilespmem:$0x18C00] =	vst v63  }
0xed: {  	_ =	swait.ge [sflag:s25], $0xC8  }
0xee: {  	[sflag:s25] =	ssyncset.done $0x0  }
0xef: {  	s18 =	sadd.s32 $0x19, s15;
	[sflag:s25] =	ssyncadd.s32 $0xFFFFFF38  }
0xf0: {  	[tilespmem:s31], [sflag:$0x3] =	stream.linear.gather [hbm4b:s18+s3], $0xC8, $0x38;
	[tilespmem:$0x18C00] =	vst v63  }
0xf1: {  	_ =	swait.ge [sflag:s25], $0xC8  }
0xf2: {  	[sflag:s25] =	ssyncset.done $0x0  }
0xf3: {  	[sflag:s25] =	ssyncadd.s32 $0xFFFFFF38  }
0xf4: {  	[tilespmem:s0], [sflag:$0x2] =	stream.indirect.gather [hbm4b:s4+s28], $0x80, s30, s28, $0xb8;
	[tilespmem:$0x18C00] =	vst v63  }
0xf5: {  	_ =	swait.ge [sflag:s1], $0x6400  }
0xf6: {  	[sflag:s1] =	ssyncset.done $0x0  }
0xf7: {  	[sflag:s1] =	ssyncadd.s32 $0xFFFF9C00  }
0xf8: {  	[spmem:s2] =	stream.indirect.scatter.add.f32 [tilespmem:s29], [sflag:$0x3], $0x80, s26, s28, $0xb8;
	[tilespmem:$0x18C00] =	vst v63  }
0xf9: {  	_ =	swait.ge [sflag:s25], $0x6400  }
0xfa: {  	[sflag:s25] =	ssyncset.done $0x0  }
0xfb: {  	[sflag:s25] =	ssyncadd.s32 $0xFFFF9C00  }
0xfc: {  	_ =	swait.ge [sflag:s5], $0x6400  }
0xfd: {  	[sflag:s5] =	ssyncset.done $0x0  }
0xfe: {  	[sflag:s5] =	ssyncadd.s32 $0xFFFF9C00  }
0xff: {  	[spmem:s2] =	stream.indirect.scatter.add.f32 [tilespmem:s0], [sflag:$0x3], $0x80, s31, s28, $0xb8;
	[tilespmem:$0x18C00] =	vst v63  }
0x100: {  	_ =	swait.ge [sflag:s25], $0x6400  }
0x101: {  	s14 =	simm.s32 $0x32;
	s15 =	simm.s32 $0x64;
	[sflag:s25] =	ssyncset.done $0x0  }
.LBB2_3:
0x102: {  	s17 =	sadd.s32 s14, s22  }
0x103: {  	[sflag:s25] =	ssyncadd.s32 $0xFFFF9C00;
	s18 =	smov.u32 s15;
	s16 =	sadd.s32 $0x32, s15  }
0x104: {  	[tilespmem:s3], [sflag:$0x3] =	stream.linear.gather [hbm4b:s17+s3], $0xC8, $0x38;
	[tilespmem:$0x18C00] =	vst v63  }
0x105: {  	p1 =	seq.s32 s15, $0x992;
	_ =	swait.ge [sflag:s25], $0xC8  }
0x106: {  	[sflag:s25] =	ssyncset.done $0x0  }
0x107: {  	s15 =	sadd.s32 s14, s21;
	s14 =	smov.u32 s18;
	[sflag:s25] =	ssyncadd.s32 $0xFFFFFF38  }
0x108: {  	[tilespmem:s26], [sflag:$0x3] =	stream.linear.gather [hbm4b:s15+s3], $0xC8, $0x38;
	[tilespmem:$0x18C00] =	vst v63  }
0x109: {  	_ =	swait.ge [sflag:s25], $0xC8  }
0x10a: {  	[sflag:s25] =	ssyncset.done $0x0  }
0x10b: {  	[sflag:s25] =	ssyncadd.s32 $0xFFFFFF38  }
0x10c: {  	[tilespmem:s29], [sflag:$0x1] =	stream.indirect.gather [hbm4b:s4+s28], $0x80, s3, s28, $0xb8;
	[tilespmem:$0x18C00] =	vst v63  }
0x10d: {  	s17 =	sadd.s32 $0x19, s17  }
0x10e: {  	[tilespmem:s30], [sflag:$0x3] =	stream.linear.gather [hbm4b:s17+s3], $0xC8, $0x38;
	[tilespmem:$0x18C00] =	vst v63  }
0x10f: {  	_ =	swait.ge [sflag:s25], $0xC8  }
0x110: {  	[sflag:s25] =	ssyncset.done $0x0  }
0x111: {  	s15 =	sadd.s32 $0x19, s15;
	[sflag:s25] =	ssyncadd.s32 $0xFFFFFF38  }
0x112: {  	[tilespmem:s31], [sflag:$0x3] =	stream.linear.gather [hbm4b:s15+s3], $0xC8, $0x38;
	[tilespmem:$0x18C00] =	vst v63  }
0x113: {  	_ =	swait.ge [sflag:s25], $0xC8  }
0x114: {  	[sflag:s25] =	ssyncset.done $0x0  }
0x115: {  	[sflag:s25] =	ssyncadd.s32 $0xFFFFFF38  }
0x116: {  	[tilespmem:s0], [sflag:$0x2] =	stream.indirect.gather [hbm4b:s4+s28], $0x80, s30, s28, $0xb8;
	[tilespmem:$0x18C00] =	vst v63  }
0x117: {  	_ =	swait.ge [sflag:s1], $0x6400  }
0x118: {  	[sflag:s1] =	ssyncset.done $0x0  }
0x119: {  	[sflag:s1] =	ssyncadd.s32 $0xFFFF9C00  }
0x11a: {  	[spmem:s2] =	stream.indirect.scatter.add.f32 [tilespmem:s29], [sflag:$0x3], $0x80, s26, s28, $0xb8;
	[tilespmem:$0x18C00] =	vst v63  }
0x11b: {  	_ =	swait.ge [sflag:s25], $0x6400  }
0x11c: {  	[sflag:s25] =	ssyncset.done $0x0  }
0x11d: {  	[sflag:s25] =	ssyncadd.s32 $0xFFFF9C00  }
0x11e: {  	_ =	swait.ge [sflag:s5], $0x6400  }
.Ltmp5:
0x11f: {  	[sflag:s5] =	ssyncset.done $0x0;
	(pc) =	sbr.rel @!p1 .LBB2_3-.Ltmp5, $4  }
0x120: {  	[sflag:s5] =	ssyncadd.s32 $0xFFFF9C00  }
0x121: {  	[spmem:s2] =	stream.indirect.scatter.add.f32 [tilespmem:s0], [sflag:$0x3], $0x80, s31, s28, $0xb8;
	[tilespmem:$0x18C00] =	vst v63  }
0x122: {  	_ =	swait.ge [sflag:s25], $0x6400  }
0x123: {  	s15 =	smov.u32 s16;
	[sflag:s25] =	ssyncset.done $0x0  }
0x124: {  	s15 =	sadd.s32 s14, s22;
	[sflag:s25] =	ssyncadd.s32 $0xFFFF9C00  }
0x125: {  	[tilespmem:s3], [sflag:$0x3] =	stream.linear.gather [hbm4b:s15+s3], $0xC8, $0x38;
	[tilespmem:$0x18C00] =	vst v63  }
0x126: {  	_ =	swait.ge [sflag:s25], $0xC8  }
0x127: {  	[sflag:s25] =	ssyncset.done $0x0  }
0x128: {  	s18 =	sadd.s32 s14, s21;
	[sflag:s25] =	ssyncadd.s32 $0xFFFFFF38  }
0x129: {  	[tilespmem:s26], [sflag:$0x3] =	stream.linear.gather [hbm4b:s18+s3], $0xC8, $0x38;
	[tilespmem:$0x18C00] =	vst v63  }
0x12a: {  	_ =	swait.ge [sflag:s25], $0xC8  }
0x12b: {  	[sflag:s25] =	ssyncset.done $0x0  }
0x12c: {  	[sflag:s25] =	ssyncadd.s32 $0xFFFFFF38  }
0x12d: {  	[tilespmem:s29], [sflag:$0x1] =	stream.indirect.gather [hbm4b:s4+s28], $0x80, s3, s28, $0xb8;
	[tilespmem:$0x18C00] =	vst v63  }
0x12e: {  	s15 =	sadd.s32 $0x19, s15  }
0x12f: {  	[tilespmem:s30], [sflag:$0x3] =	stream.linear.gather [hbm4b:s15+s3], $0xC8, $0x38;
	[tilespmem:$0x18C00] =	vst v63  }
0x130: {  	_ =	swait.ge [sflag:s25], $0xC8  }
0x131: {  	[sflag:s25] =	ssyncset.done $0x0  }
0x132: {  	s14 =	sadd.s32 $0x19, s18;
	[sflag:s25] =	ssyncadd.s32 $0xFFFFFF38  }
0x133: {  	[tilespmem:s31], [sflag:$0x3] =	stream.linear.gather [hbm4b:s14+s3], $0xC8, $0x38;
	[tilespmem:$0x18C00] =	vst v63  }
0x134: {  	_ =	swait.ge [sflag:s25], $0xC8  }
0x135: {  	[sflag:s25] =	ssyncset.done $0x0  }
0x136: {  	[sflag:s25] =	ssyncadd.s32 $0xFFFFFF38  }
0x137: {  	[tilespmem:s0], [sflag:$0x2] =	stream.indirect.gather [hbm4b:s4+s28], $0x80, s30, s28, $0xb8;
	[tilespmem:$0x18C00] =	vst v63  }
0x138: {  	_ =	swait.ge [sflag:s1], $0x6400  }
0x139: {  	[sflag:s1] =	ssyncset.done $0x0  }
0x13a: {  	[sflag:s1] =	ssyncadd.s32 $0xFFFF9C00  }
0x13b: {  	[spmem:s2] =	stream.indirect.scatter.add.f32 [tilespmem:s29], [sflag:$0x3], $0x80, s26, s28, $0xb8;
	[tilespmem:$0x18C00] =	vst v63  }
0x13c: {  	_ =	swait.ge [sflag:s25], $0x6400  }
0x13d: {  	[sflag:s25] =	ssyncset.done $0x0  }
0x13e: {  	[sflag:s25] =	ssyncadd.s32 $0xFFFF9C00  }
0x13f: {  	_ =	swait.ge [sflag:s5], $0x6400  }
0x140: {  	[sflag:s5] =	ssyncset.done $0x0  }
.Ltmp6:
0x141: {  	[sflag:s5] =	ssyncadd.s32 $0xFFFF9C00;
	(pc) =	sbr.rel .LBB2_8-.Ltmp6, $4  }
0x142: {  	[spmem:s2] =	stream.indirect.scatter.add.f32 [tilespmem:s0], [sflag:$0x3], $0x80, s31, s28, $0xb8;
	[tilespmem:$0x18C00] =	vst v63  }
0x143: {  	_ =	swait.ge [sflag:s25], $0x6400  }
0x144: {  	[sflag:s25] =	ssyncset.done $0x0  }
0x145: {  	[sflag:s25] =	ssyncadd.s32 $0xFFFF9C00  }
.LBB2_9:
0x146: {  	_ =	sfence.sel $0x180000  }
0x147: {  	[bflag:$0x0] =	sbarrier.arrive $0xFFFF  }
0x148: {  	_ =	strace $0x9000004D  }
0x149: {  	s0 =	stileid.u32;
	[bflag:$0x2] =	sbarrier.arrive $0xFFFF  }
0x14a: {  	p0 =	sne.s32 s0, $0x0;
	s0 =	rddreg [dreg:$0x2]  }
0x14b: {  	s0 =	sadd.s32 @!p0 $0x100000, s0  }
0x14c: {  	[sflag:s0] =	ssyncadd.tile.s32 @!p0 $0x1;
	_ =	shalt  }
.Lfunc_end2:
_tile_overlayer_lowered:
.L_overlay_start_2:
0x14d: {  	(tag) =	ssettag $0x2  }
0x14e: {  	s0 =	rddreg [dreg:$0x0];
	s2 =	stileid.u32  }
0x14f: {  	s1 =	rddreg [dreg:$0x1];
	p0 =	sne.s32 s2, $0x0  }
0x150: {  	s3 =	rddreg [dreg:$0x2];
	[bflag:$0x3] =	sbarrier.arrive $0xFFFF;
	s2 =	simm.s32 @!p0 $0x1C03  }
0x151: {  	[timem:s3], [sflag:s2] =	dma.local @!p0 [hbm:s0], s1  }
0x152: {  	s0 =	simm.s32 @!p0 $0x3  }
0x153: {  	_ =	swait.ge @!p0 [sflag:s0], s1  }
0x154: {  	s1 =	ssub.s32 @!p0 $0x0, s1;
	[sflag:s0] =	ssyncset.done @!p0 $0x0  }
0x155: {  	[sflag:s0] =	ssyncadd.s32 @!p0 s1  }
0x156: {  	[bflag:$0x3] =	sbarrier.arrive $0xFFFF  }
0x157: {  	_ =	shalt  }

// kernel: kernel.24.cloned.1.call-start
scs
__scs_entry_jumppad:
0x0: {  	(pc) =	sbr.rel $0x88, $3  }
0x1: {  	(tag) =	ssettag $0x0;
	lr =	simm.s32 $0x1  }
0x2: {  	[smem:$0x3F8B] =	sst lr;
	_ =	strace $0xD0000000  }
0x3: {  	_ = 	snop  }
0x4: {  	_ = 	snop  }
0x5: {  	_ = 	snop  }
0x6: {  	_ = 	snop  }
0x7: {  	_ = 	snop  }
__scs_overlays_trampoline_lowered:
0x8: {  	[smem:$0x3F9A] =	sst s0  }
0x9: {  	[smem:$0x3F9B] =	sst s1  }
0xa: {  	[smem:$0x3F9C] =	sst s2  }
0xb: {  	[smem:$0x3F9D] =	sst s3  }
0xc: {  	[smem:$0x3F9E] =	sst s4  }
0xd: {  	[smem:$0x3F9F] =	sst s5  }
0xe: {  	[smem:$0x3FA0] =	sst s6  }
0xf: {  	[smem:$0x3FA1] =	sst s7  }
0x10: {  	[smem:$0x3FA2] =	sst s8  }
0x11: {  	[smem:$0x3FA3] =	sst s9;
	s0 =	simm.s32 @!p0 $0x0  }
0x12: {  	s1 =	sld [smem:$0x3F89];
	s0 =	simm.s32 @p0 $0x1  }
0x13: {  	[smem:$0x3FA4] =	sst s0;
	s0 =	simm.s32 @!p1 $0x0  }
0x14: {  	s2 =	sld [smem:$0x3F88];
	s0 =	simm.s32 @p1 $0x1  }
0x15: {  	[smem:$0x3FA5] =	sst s0;
	s0 =	simm.s32 @!p2 $0x0  }
0x16: {  	s3 =	sld [smem:$0x3FDB];
	s0 =	simm.s32 @p2 $0x1  }
0x17: {  	s4 =	simm.s32 $0x1BF5;
	[smem:$0x3FA7] =	sst s0  }
0x18: {  	s0 =	sld [smem:$0x3F8A];
	_ =	swait.ge [sflag:s4], $0x0  }
0x19: {  	s7 =	sld [smem:$0x3F8B]  }
0x1a: {  	s8 =	sadd.s32 $0xFFFFE003, lr  }
0x1b: {  	s9 =	sadd.s32 $0xFFFFFEF7, lr;
	s5 =	simm.s32 $0xFFFFFFFF;
	p2 =	slt.u32 s8, $0xFFFFF086  }
0x1c: {  	p1 =	slt.u32 s9, $0xF7A;
	s5 =	simm.s32 @!p2 $0x0  }
0x1d: {  	s5 =	simm.s32 @p1 $0x1;
	p0 =	seq.s32 s7, s2  }
0x1e: {  	s7 =	smul.u32 @!p0 $0xF7A, s2;
	p2 =	seq.s32 @!p0 s5, $0x0  }
0x1f: {  	s9 =	smul.u32 $0xF7A, s1;
	s8 =	simm.s32 @!p0 $0x1BF5;
	p2 =	por !p2, p0  }
0x20: {  	[sflag:s8] =	ssyncset.s32 @!p0 $0xFFFFF086;
	s6 =	sadd.s32 @!p0 s3, s7;
	s7 =	simm.s32 @!p0 $0x108  }
0x21: {  	s3 =	sadd.s32 s3, s9;
	s6 =	sadd.s32 @!p0 $0x88, s6;
	s7 =	simm.s32 @p2 $0x1082  }
0x22: {  	[simem:s7], [sflag:s8] =	dma.local @!p0 [hbm:s6], $0xF7A  }
0x23: {  	s9 =	sor.u32 $0xD0000000, s2;
	s6 =	simm.s32 $0x108;
	_ =	swait.ge @!p0 [sflag:s8], $0x0  }
0x24: {  	s3 =	sadd.s32 $0x88, s3;
	s6 =	simm.s32 @!p1 $0x1082;
	[sflag:s4] =	ssyncset.s32 $0xFFFFF086  }
0x25: {  	[simem:s6], [sflag:s4] =	dma.local [hbm:s3], $0xF7A  }
0x26: {  	[smem:$0x3F8B] =	sst s1;
	(tag) =	ssettag s2;
	_ =	strace s9  }
0x27: {  	s1 =	sld [smem:$0x3F9B]  }
0x28: {  	s2 =	sld [smem:$0x3F9C]  }
0x29: {  	s4 =	sld [smem:$0x3F9E]  }
0x2a: {  	p0 =	seq.s32 s5, $0x0;
	s5 =	sld [smem:$0x3F9F]  }
0x2b: {  	s6 =	sld [smem:$0x3FA0]  }
0x2c: {  	s7 =	sld [smem:$0x3FA1]  }
0x2d: {  	s3 =	simm.s32 $0x108;
	s8 =	sld [smem:$0x3FA2]  }
0x2e: {  	s3 =	simm.s32 @!p0 $0x1082;
	s9 =	sld [smem:$0x3FA3]  }
0x2f: {  	lr =	sadd.s32 s0, s3;
	s0 =	sld [smem:$0x3F9A]  }
0x30: {  	s3 =	sld [smem:$0x3F9D]  }
0x31: {  	[smem:$0x3FA6] =	sst s10  }
0x32: {  	s10 =	sld [smem:$0x3FA4];
	_ =	sdelay $0x3  }
0x33: {  	p0 =	seq.s32 s10, $0x1;
	s10 =	sld [smem:$0x3FA6];
	_ =	sdelay $0x3  }
0x34: {  	[smem:$0x3FA6] =	sst s10  }
0x35: {  	s10 =	sld [smem:$0x3FA5];
	_ =	sdelay $0x3  }
0x36: {  	p1 =	seq.s32 s10, $0x1;
	s10 =	sld [smem:$0x3FA6];
	_ =	sdelay $0x3  }
0x37: {  	[smem:$0x3FA6] =	sst s10  }
0x38: {  	s10 =	sld [smem:$0x3FA7]  }
0x39: {  	_ = 	snop;
	(pc) =	sbr.ind lr, $3  }
0x3a: {  	_ = 	snop  }
0x3b: {  	_ = 	snop  }
0x3c: {  	p2 =	seq.s32 s10, $0x1;
	s10 =	sld [smem:$0x3FA6]  }
0x3d: {  	_ =	shalt  }
0x3e: {  	_ =	shalt  }
0x3f: {  	_ =	shalt  }
0x40: {  	_ =	shalt  }
0x41: {  	_ =	shalt  }
0x42: {  	_ =	shalt  }
0x43: {  	_ =	shalt  }
0x44: {  	_ =	shalt  }
0x45: {  	_ =	shalt  }
0x46: {  	_ =	shalt  }
0x47: {  	_ =	shalt  }
0x48: {  	_ =	shalt  }
0x49: {  	_ =	shalt  }
0x4a: {  	_ =	shalt  }
0x4b: {  	_ =	shalt  }
0x4c: {  	_ =	shalt  }
0x4d: {  	_ =	shalt  }
0x4e: {  	_ =	shalt  }
0x4f: {  	_ =	shalt  }
0x50: {  	_ =	shalt  }
0x51: {  	_ =	shalt  }
0x52: {  	_ =	shalt  }
0x53: {  	_ =	shalt  }
0x54: {  	_ =	shalt  }
0x55: {  	_ =	shalt  }
0x56: {  	_ =	shalt  }
0x57: {  	_ =	shalt  }
0x58: {  	_ =	shalt  }
0x59: {  	_ =	shalt  }
0x5a: {  	_ =	shalt  }
0x5b: {  	_ =	shalt  }
0x5c: {  	_ =	shalt  }
0x5d: {  	_ =	shalt  }
0x5e: {  	_ =	shalt  }
0x5f: {  	_ =	shalt  }
0x60: {  	_ =	shalt  }
0x61: {  	_ =	shalt  }
0x62: {  	_ =	shalt  }
0x63: {  	_ =	shalt  }
0x64: {  	_ =	shalt  }
0x65: {  	_ =	shalt  }
0x66: {  	_ =	shalt  }
0x67: {  	_ =	shalt  }
0x68: {  	_ =	shalt  }
0x69: {  	_ =	shalt  }
0x6a: {  	_ =	shalt  }
0x6b: {  	_ =	shalt  }
0x6c: {  	_ =	shalt  }
0x6d: {  	_ =	shalt  }
0x6e: {  	_ =	shalt  }
0x6f: {  	_ =	shalt  }
0x70: {  	_ =	shalt  }
0x71: {  	_ =	shalt  }
0x72: {  	_ =	shalt  }
0x73: {  	_ =	shalt  }
0x74: {  	_ =	shalt  }
0x75: {  	_ =	shalt  }
0x76: {  	_ =	shalt  }
0x77: {  	_ =	shalt  }
0x78: {  	_ =	shalt  }
0x79: {  	_ =	shalt  }
0x7a: {  	_ =	shalt  }
0x7b: {  	_ =	shalt  }
0x7c: {  	_ =	shalt  }
0x7d: {  	_ =	shalt  }
0x7e: {  	_ =	shalt  }
0x7f: {  	_ =	shalt  }
0x80: {  	_ =	shalt  }
0x81: {  	_ =	shalt  }
0x82: {  	_ =	shalt  }
0x83: {  	_ =	shalt  }
0x84: {  	_ =	shalt  }
0x85: {  	_ =	shalt  }
0x86: {  	_ =	shalt  }
0x87: {  	_ =	shalt  }
.Lfunc_end0:
.L_simem_size_0:
called_computation.3_lowered:
.L_overlay_start_0:
0x88: {  	s2 =	sld [smem:$0x3FD9]  }
0x89: {  	s3 =	sld [smem:$0x3FFE];
	_ =	sdelay $0x1  }
0x8a: {  	s1 =	srdreg.scid  }
0x8b: {  	s0 =	sand.u32 $0x1, s1  }
0x8c: {  	s16 =	sshll.u32 s0, $0xA;
	s2 =	sadd.s32 s3, s2  }
0x8d: {  	s2 =	sadd.s32 s2, s16  }
0x8e: {  	[smem:$0x3FB2] =	sst s2  }
0x8f: {  	_ = 	snop  }
0x90: {  	(tm) =	ssettm $0x1  }
0x91: {  	s17 =	sld [smem:$0x3FFB];
	_ =	sdelay $0x3  }
0x92: {  	_ =	strace s17  }
0x93: {  	s2 =	sld [smem:$0x3FFC];
	_ =	sdelay $0x3  }
0x94: {  	_ =	strace s2  }
0x95: {  	s2 =	sld [smem:$0x3FFD];
	_ =	sdelay $0x3  }
0x96: {  	_ =	strace s2  }
0x97: {  	_ =	strace $0x8FFFFFFF  }
0x98: {  	s18 =	sld [smem:$0x3FDB];
	_ =	sdelay $0x1  }
0x99: {  	s19 =	simm.s32 $_scs_section_size  }
0x9a: {  	s4 =	simm.s32 $_size__tile_overlayer_lowered;
	s5 =	simm.s32 $_tile_overlayer_lowered  }
0x9b: {  	s22 =	simm.s32 $0x1BFF;
	s21 =	sshll.u32 s5, $0x1;
	s2 =	sadd.s32 s19, s18  }
0x9c: {  	s6 =	simm.s32 $0x0;
	s20 =	sshll.u32 s4, $0x1;
	s4 =	sadd.s32 s21, s2  }
0x9d: {  	[timem:s6], [sflag:s22] =	dma.local [hbm:s4], s20  }
0x9e: {  	_ =	swait.ge [sflag:s22], s20  }
0x9f: {  	s3 =	ssub.s32 $0x0, s20;
	[sflag:s22] =	ssyncset.done $0x0  }
0xa0: {  	[sflag:s22] =	ssyncadd.s32 s3;
	_ =	sdelay $0x1  }
0xa1: {  	s23 =	simm.s32 $0x1B8B  }
0xa2: {  	_ =	swait.ge [sflag:s23], $0x1  }
0xa3: {  	[sflag:s23] =	ssyncset.done $0x0  }
0xa4: {  	s25 =	simm.s32 $0x1B8E;
	s24 =	sld [smem:$0x3FFE];
	[sflag:s23] =	ssyncadd.s32 $0xFFFFFFFF  }
0xa5: {  	s26 =	simm.s32 $execute0_lowered;
	[smem:$0x3FD2] =	sst s25  }
0xa6: {  	s4 =	sshll.u32 s26, $0x1;
	_ =	strace $0x8000004F;
	[dreg:$0x1] =	wrdreg $0xFFFFFFFF  }
0xa7: {  	s28 =	simm.s32 $_size_execute0_lowered;
	s2 =	sadd.s32 s2, s4;
	[dreg:$0x0] =	wrdreg $0x0  }
0xa8: {  	s4 =	sshll.u32 s28, $0x1;
	[dreg:$0x2] =	wrdreg s2  }
0xa9: {  	[dreg:$0x3] =	wrdreg s4  }
0xaa: {  	[dreg:$0x4] =	wrdreg $0xC0  }
0xab: {  	_ =	task [dreg:s6], $0x5FFFF  }
0xac: {  	[dreg:$0x1] =	wrdreg $0xFFFFFFFF  }
0xad: {  	[dreg:$0x0] =	wrdreg $0x60  }
0xae: {  	[dreg:$0x2] =	wrdreg s24  }
0xaf: {  	[dreg:$0x3] =	wrdreg $0xE4000  }
0xb0: {  	[dreg:$0x4] =	wrdreg $0x9  }
0xb1: {  	_ =	task.clear_ibuf [dreg:s6], $0x5FFFF;
	_ =	strace $0x9000004F  }
0xb2: {  	s29 =	simm.s32 $0x9;
	_ =	strace $0x80000051  }
0xb3: {  	_ =	swait.ge [sflag:s29], $0x1  }
0xb4: {  	[sflag:s29] =	ssyncadd.s32 $0xFFFFFFFF  }
0xb5: {  	_ =	strace $0x90000051  }
0xb6: {  	_ =	sfence  }
0xb7: {  	s30 =	sld [smem:$0x0];
	_ =	sdelay $0x2  }
0xb8: {  	s31 =	sshll.u32 s1, $0xD;
	s1 =	sshrl.u32 s1, $0x2  }
0xb9: {  	s3 =	sand.u32 $0x4000, s31;
	s1 =	sadd.s32 s1, s30  }
0xba: {  	s0 =	sor.u32 s3, s0;
	s1 =	sshll.u32 s1, $0x11  }
0xbb: {  	s0 =	sor.u32 s1, s0  }
0xbc: {  	s0 =	sadd.s32 $0x8F2B, s0  }
0xbd: {  	[sflag:s0] =	ssyncadd.remote.s32 $0x1  }
0xbe: {  	_ =	sfence.sel $0xFFFF  }
0xbf: {  	[dreg:$0x0] =	wrdreg $0xFFFFFFFF;
	(pc) =	sbr.abs _section_cstart, $3  }
0xc0: {  	[dreg:$0x1] =	wrdreg $0xFFFFFFFF  }
0xc1: {  	_ =	task.clear_ibuf [dreg:s6], $0x2FFFF;
	_ =	strace $0x9FFFFFFF  }
0xc2: {  	(tm) =	ssettm $0x7FFFFFFF  }
0xc3: {  	_ =	shalt  }
tec
execute0_lowered:
.L_overlay_start_1:
0x0: {  	(tag) =	ssettag $0x1  }
0x1: {  	s0 =	rddreg [dreg:$0x0]  }
0x2: {  	s2 =	rddreg [dreg:$0x1];
	s3 =	simm.s32 $0x0  }
0x3: {  	s9 =	stileid.u32;
	s5 =	srdreg.scid;
	s28 =	simm.s32 $0xC8  }
0x4: {  	s29 =	simm.s32 $0x400;
	s30 =	simm.s32 $0x200;
	s31 =	simm.s32 $0x300  }
0x5: {  	[smem:$0x7FF] =	sst s3;
	s1 =	smul.u32 $0x9C4, s9;
	s4 =	sadd.s32 $0x4D000, s0  }
0x6: {  	s5 =	sand.u32 $0x1, s5;
	s7 =	smul.u32 $0x2A000, s9;
	s8 =	sadd.s32 $0x4CC00, s0  }
0x7: {  	s12 =	smul.u32 $0xA800, s9;
	_ =	strace $0x80000050;
	s6 =	ssub.s32 $0x2, s5  }
0x8: {  	[dreg:$0x3] =	wrdreg s8;
	p0 =	seq.s32 s5, $0x1;
	s5 =	smul.u32 $0xA8000, s5  }
0x9: {  	s1 =	sadd.s32 s1, s0;
	s20 =	sshrl.u32 s6, $0x1;
	s0 =	sadd.s32 $0x75000, s0  }
0xa: {  	s21 =	sshrl.u32 s7, $0x2;
	s22 =	sadd.s32 $0x1800, s12;
	s14 =	sadd.s32 $0x3000, s12  }
0xb: {  	s15 =	sadd.s32 $0x4800, s12;
	s16 =	sadd.s32 $0x6000, s12;
	s18 =	sadd.s32 $0x7800, s12  }
0xc: {  	s19 =	sadd.s32 $0x9000, s12;
	s8 =	ssub.s32 s6, s20;
	s6 =	sadd.s32 s21, s2  }
0xd: {  	s9 =	sadd.s32 s14, s2;
	s10 =	sadd.s32 s15, s2;
	s11 =	sadd.s32 s16, s2  }
0xe: {  	s17 =	sadd.s32 s5, s12;
	s12 =	sadd.s32 s18, s2;
	s13 =	sadd.s32 s19, s2  }
0xf: {  	s7 =	sadd.s32 s5, s22;
	s14 =	sadd.s32 s5, s14;
	s15 =	sadd.s32 s5, s15  }
0x10: {  	s25 =	sadd.s32 s5, s16;
	s26 =	sadd.s32 s5, s18;
	s5 =	sadd.s32 s5, s19  }
0x11: {  	s21 =	sadd.s32 $0x1AE00, s1;
	s8 =	smax.u32 s8, $0x1;
	s17 =	sshrl.u32 s17, $0x3  }
0x12: {  	s7 =	sshrl.u32 s7, $0x3;
	s14 =	sshrl.u32 s14, $0x3;
	s24 =	sshrl.u32 s15, $0x3  }
0x13: {  	s5 =	sshrl.u32 s5, $0x3;
	[dreg:$0x4] =	wrdreg s8;
	s8 =	sadd.s32 s22, s2  }
0x14: {  	s17 =	sadd.s32 s0, s17;
	s7 =	sadd.s32 s0, s7;
	s23 =	sadd.s32 s0, s14  }
0x15: {  	s14 =	sshrl.u32 s26, $0x3;
	s20 =	sadd.s32 s0, s5;
	[dreg:$0x5] =	wrdreg s17  }
0x16: {  	s22 =	sadd.s32 $0x7200, s1;
	s26 =	simm.s32 $0x100;
	[dreg:$0x6] =	wrdreg s7  }
.Ltmp0:
0x17: {  	s5 =	simm.s32 $0x2;
	[dreg:$0x7] =	wrdreg s23;
	(pc) =	sbr.rel .LBB2_1-.Ltmp0, $4  }
0x18: {  	s7 =	sadd.s32 s0, s24;
	s19 =	sadd.s32 s0, s14;
	s23 =	sadd.s32 $0x11000, s1  }
0x19: {  	s24 =	simm.s32 $0xCC00;
	[dreg:$0x8] =	wrdreg s7;
	s7 =	sshrl.u32 s25, $0x3  }
0x1a: {  	s1 =	simm.s32 $0x1;
	s25 =	simm.s32 $0x3;
	s7 =	sadd.s32 s0, s7  }
0x1b: {  	s0 =	simm.s32 $0x6800;
	[dreg:$0x9] =	wrdreg s7;
	s7 =	simm.s32 $0x0  }
.LBB2_7:
0x1c: {  	s15 =	sadd.s32 s14, s22;
	[sflag:s25] =	ssyncadd.s32 $0xFFFF9C00  }
0x1d: {  	[tilespmem:s3], [sflag:$0x3] =	stream.linear.gather [hbm4b:s15+s3], $0xC8, $0x38;
	[tilespmem:$0x18C00] =	vst v63  }
0x1e: {  	_ =	swait.ge [sflag:s25], $0xC8  }
0x1f: {  	[sflag:s25] =	ssyncset.done $0x0  }
0x20: {  	s18 =	sadd.s32 s14, s23;
	[sflag:s25] =	ssyncadd.s32 $0xFFFFFF38  }
0x21: {  	[tilespmem:s26], [sflag:$0x3] =	stream.linear.gather [hbm4b:s18+s3], $0xC8, $0x38;
	[tilespmem:$0x18C00] =	vst v63  }
0x22: {  	_ =	swait.ge [sflag:s25], $0xC8  }
0x23: {  	[sflag:s25] =	ssyncset.done $0x0  }
0x24: {  	[sflag:s25] =	ssyncadd.s32 $0xFFFFFF38  }
0x25: {  	[tilespmem:s29], [sflag:$0x1] =	stream.indirect.gather [hbm4b:s4+s28], $0x80, s3, s28, $0xb8;
	[tilespmem:$0x18C00] =	vst v63  }
0x26: {  	s15 =	sadd.s32 $0x19, s15  }
0x27: {  	[tilespmem:s30], [sflag:$0x3] =	stream.linear.gather [hbm4b:s15+s3], $0xC8, $0x38;
	[tilespmem:$0x18C00] =	vst v63  }
0x28: {  	_ =	swait.ge [sflag:s25], $0xC8  }
0x29: {  	[sflag:s25] =	ssyncset.done $0x0  }
0x2a: {  	s14 =	sadd.s32 $0x19, s18;
	[sflag:s25] =	ssyncadd.s32 $0xFFFFFF38  }
0x2b: {  	[tilespmem:s31], [sflag:$0x3] =	stream.linear.gather [hbm4b:s14+s3], $0xC8, $0x38;
	[tilespmem:$0x18C00] =	vst v63  }
0x2c: {  	_ =	swait.ge [sflag:s25], $0xC8  }
0x2d: {  	[sflag:s25] =	ssyncset.done $0x0  }
0x2e: {  	[sflag:s25] =	ssyncadd.s32 $0xFFFFFF38  }
0x2f: {  	[tilespmem:s0], [sflag:$0x2] =	stream.indirect.gather [hbm4b:s4+s28], $0x80, s30, s28, $0xb8;
	[tilespmem:$0x18C00] =	vst v63  }
0x30: {  	_ =	swait.ge [sflag:s1], $0x6400  }
0x31: {  	[sflag:s1] =	ssyncset.done $0x0  }
0x32: {  	[sflag:s1] =	ssyncadd.s32 $0xFFFF9C00  }
0x33: {  	[spmem:s2] =	stream.indirect.scatter.add.f32 [tilespmem:s29], [sflag:$0x3], $0x80, s26, s28, $0xb8;
	[tilespmem:$0x18C00] =	vst v63  }
0x34: {  	_ =	swait.ge [sflag:s25], $0x6400  }
0x35: {  	[sflag:s25] =	ssyncset.done $0x0  }
0x36: {  	[sflag:s25] =	ssyncadd.s32 $0xFFFF9C00  }
0x37: {  	_ =	swait.ge [sflag:s5], $0x6400  }
0x38: {  	[sflag:s5] =	ssyncset.done $0x0  }
0x39: {  	[sflag:s5] =	ssyncadd.s32 $0xFFFF9C00  }
0x3a: {  	[spmem:s2] =	stream.indirect.scatter.add.f32 [tilespmem:s0], [sflag:$0x3], $0x80, s31, s28, $0xb8;
	[tilespmem:$0x18C00] =	vst v63  }
0x3b: {  	_ =	swait.ge [sflag:s25], $0x6400  }
0x3c: {  	[sflag:s25] =	ssyncset.done $0x0  }
0x3d: {  	[sflag:s25] =	ssyncadd.s32 $0xFFFF9C00  }
.LBB2_8:
0x3e: {  	[bflag:$0x0] =	sbarrier.arrive $0xFFFF  }
0x3f: {  	[tilespmem:s24], [sflag:$0x3] =	stream.linear.gather [spmem:s6], $0x1800, $0x38;
	[tilespmem:$0x18C00] =	vst v63  }
0x40: {  	_ =	swait.ge [sflag:s25], $0x1800  }
0x41: {  	[sflag:s25] =	ssyncset.done $0x0  }
0x42: {  	s14 =	rddreg [dreg:$0x5];
	[sflag:s25] =	ssyncadd.s32 $0xFFFFE800  }
0x43: {  	[hbm4b:s14+s3] =	stream.linear.scatter [tilespmem:s24], [sflag:$0x3], $0x1800, $0x38;
	[tilespmem:$0x18C00] =	vst v63  }
0x44: {  	_ =	swait.ge [sflag:s25], $0x1800  }
0x45: {  	[sflag:s25] =	ssyncset.done $0x0  }
0x46: {  	[sflag:s25] =	ssyncadd.s32 $0xFFFFE800  }
0x47: {  	[tilespmem:s24], [sflag:$0x3] =	stream.linear.gather [spmem:s8], $0x1800, $0x38;
	[tilespmem:$0x18C00] =	vst v63  }
0x48: {  	_ =	swait.ge [sflag:s25], $0x1800  }
0x49: {  	[sflag:s25] =	ssyncset.done $0x0  }
0x4a: {  	s18 =	rddreg [dreg:$0x6];
	[sflag:s25] =	ssyncadd.s32 $0xFFFFE800  }
0x4b: {  	[hbm4b:s18+s3] =	stream.linear.scatter [tilespmem:s24], [sflag:$0x3], $0x1800, $0x38;
	[tilespmem:$0x18C00] =	vst v63  }
0x4c: {  	_ =	swait.ge [sflag:s25], $0x1800  }
0x4d: {  	[sflag:s25] =	ssyncset.done $0x0  }
0x4e: {  	[sflag:s25] =	ssyncadd.s32 $0xFFFFE800  }
0x4f: {  	[tilespmem:s24], [sflag:$0x3] =	stream.linear.gather [spmem:s9], $0x1800, $0x38;
	[tilespmem:$0x18C00] =	vst v63  }
0x50: {  	_ =	swait.ge [sflag:s25], $0x1800  }
0x51: {  	[sflag:s25] =	ssyncset.done $0x0  }
0x52: {  	s15 =	rddreg [dreg:$0x7];
	[sflag:s25] =	ssyncadd.s32 $0xFFFFE800  }
0x53: {  	[hbm4b:s15+s3] =	stream.linear.scatter [tilespmem:s24], [sflag:$0x3], $0x1800, $0x38;
	[tilespmem:$0x18C00] =	vst v63  }
0x54: {  	_ =	swait.ge [sflag:s25], $0x1800  }
0x55: {  	[sflag:s25] =	ssyncset.done $0x0  }
0x56: {  	[sflag:s25] =	ssyncadd.s32 $0xFFFFE800  }
0x57: {  	[tilespmem:s24], [sflag:$0x3] =	stream.linear.gather [spmem:s10], $0x1800, $0x38;
	[tilespmem:$0x18C00] =	vst v63  }
0x58: {  	_ =	swait.ge [sflag:s25], $0x1800  }
0x59: {  	[sflag:s25] =	ssyncset.done $0x0  }
0x5a: {  	s16 =	rddreg [dreg:$0x8];
	[sflag:s25] =	ssyncadd.s32 $0xFFFFE800  }
0x5b: {  	[hbm4b:s16+s3] =	stream.linear.scatter [tilespmem:s24], [sflag:$0x3], $0x1800, $0x38;
	[tilespmem:$0x18C00] =	vst v63  }
0x5c: {  	_ =	swait.ge [sflag:s25], $0x1800  }
0x5d: {  	[sflag:s25] =	ssyncset.done $0x0  }
0x5e: {  	[sflag:s25] =	ssyncadd.s32 $0xFFFFE800  }
0x5f: {  	[tilespmem:s24], [sflag:$0x3] =	stream.linear.gather [spmem:s11], $0x1800, $0x38;
	[tilespmem:$0x18C00] =	vst v63  }
0x60: {  	_ =	swait.ge [sflag:s25], $0x1800  }
0x61: {  	[sflag:s25] =	ssyncset.done $0x0  }
0x62: {  	s17 =	rddreg [dreg:$0x9];
	[sflag:s25] =	ssyncadd.s32 $0xFFFFE800  }
0x63: {  	[hbm4b:s17+s3] =	stream.linear.scatter [tilespmem:s24], [sflag:$0x3], $0x1800, $0x38;
	[tilespmem:$0x18C00] =	vst v63  }
0x64: {  	_ =	swait.ge [sflag:s25], $0x1800  }
0x65: {  	[sflag:s25] =	ssyncset.done $0x0  }
0x66: {  	[sflag:s25] =	ssyncadd.s32 $0xFFFFE800  }
0x67: {  	[tilespmem:s24], [sflag:$0x3] =	stream.linear.gather [spmem:s12], $0x1800, $0x38;
	[tilespmem:$0x18C00] =	vst v63  }
0x68: {  	_ =	swait.ge [sflag:s25], $0x1800  }
0x69: {  	[sflag:s25] =	ssyncset.done $0x0  }
0x6a: {  	[sflag:s25] =	ssyncadd.s32 $0xFFFFE800  }
0x6b: {  	[hbm4b:s19+s3] =	stream.linear.scatter [tilespmem:s24], [sflag:$0x3], $0x1800, $0x38;
	[tilespmem:$0x18C00] =	vst v63  }
0x6c: {  	_ =	swait.ge [sflag:s25], $0x1800  }
0x6d: {  	[sflag:s25] =	ssyncset.done $0x0  }
0x6e: {  	[sflag:s25] =	ssyncadd.s32 $0xFFFFE800  }
0x6f: {  	[tilespmem:s24], [sflag:$0x3] =	stream.linear.gather [spmem:s13], $0x1800, $0x38;
	[tilespmem:$0x18C00] =	vst v63  }
0x70: {  	_ =	swait.ge [sflag:s25], $0x1800  }
0x71: {  	[sflag:s25] =	ssyncset.done $0x0  }
0x72: {  	[sflag:s25] =	ssyncadd.s32 $0xFFFFE800  }
0x73: {  	[hbm4b:s20+s3] =	stream.linear.scatter [tilespmem:s24], [sflag:$0x3], $0x1800, $0x38;
	[tilespmem:$0x18C00] =	vst v63  }
0x74: {  	_ =	swait.ge [sflag:s25], $0x1800  }
0x75: {  	s7 =	sadd.s32 $0x1, s7;
	s18 =	rddreg [dreg:$0x4]  }
0x76: {  	p1 =	sne.s32 s7, s18  }
.Ltmp1:
0x77: {  	_ = 	snop;
	(pc) =	sbr.rel @!p1 .LBB2_9-.Ltmp1, $3  }
0x78: {  	_ =	sdelay $0x1  }
0x79: {  	[sflag:s25] =	ssyncset.done $0x0  }
0x7a: {  	[sflag:s25] =	ssyncadd.s32 $0xFFFFE800  }
.LBB2_1:
0x7b: {  	s14 =	rddreg [dreg:$0x3]  }
0x7c: {  	[tilespmem:s24], [sflag:$0x3] =	stream.linear.gather [hbm4b:s14+s3], $0x1800, $0x38;
	[tilespmem:$0x18C00] =	vst v63  }
0x7d: {  	_ =	swait.ge [sflag:s25], $0x1800  }
0x7e: {  	[sflag:s25] =	ssyncset.done $0x0  }
0x7f: {  	[sflag:s25] =	ssyncadd.s32 $0xFFFFE800  }
0x80: {  	[spmem:s6] =	stream.linear.scatter [tilespmem:s24], [sflag:$0x3], $0x1800, $0x38;
	[tilespmem:$0x18C00] =	vst v63  }
0x81: {  	_ =	swait.ge [sflag:s25], $0x1800  }
0x82: {  	[sflag:s25] =	ssyncset.done $0x0  }
0x83: {  	[sflag:s25] =	ssyncadd.s32 $0xFFFFE800  }
0x84: {  	[spmem:s8] =	stream.linear.scatter [tilespmem:s24], [sflag:$0x3], $0x1800, $0x38;
	[tilespmem:$0x18C00] =	vst v63  }
0x85: {  	_ =	swait.ge [sflag:s25], $0x1800  }
0x86: {  	[sflag:s25] =	ssyncset.done $0x0  }
0x87: {  	[sflag:s25] =	ssyncadd.s32 $0xFFFFE800  }
0x88: {  	[spmem:s9] =	stream.linear.scatter [tilespmem:s24], [sflag:$0x3], $0x1800, $0x38;
	[tilespmem:$0x18C00] =	vst v63  }
0x89: {  	_ =	swait.ge [sflag:s25], $0x1800  }
0x8a: {  	[sflag:s25] =	ssyncset.done $0x0  }
0x8b: {  	[sflag:s25] =	ssyncadd.s32 $0xFFFFE800  }
0x8c: {  	[spmem:s10] =	stream.linear.scatter [tilespmem:s24], [sflag:$0x3], $0x1800, $0x38;
	[tilespmem:$0x18C00] =	vst v63  }
0x8d: {  	_ =	swait.ge [sflag:s25], $0x1800  }
0x8e: {  	[sflag:s25] =	ssyncset.done $0x0  }
0x8f: {  	[sflag:s25] =	ssyncadd.s32 $0xFFFFE800  }
0x90: {  	[spmem:s11] =	stream.linear.scatter [tilespmem:s24], [sflag:$0x3], $0x1800, $0x38;
	[tilespmem:$0x18C00] =	vst v63  }
0x91: {  	_ =	swait.ge [sflag:s25], $0x1800  }
0x92: {  	[sflag:s25] =	ssyncset.done $0x0  }
0x93: {  	[sflag:s25] =	ssyncadd.s32 $0xFFFFE800  }
0x94: {  	[spmem:s12] =	stream.linear.scatter [tilespmem:s24], [sflag:$0x3], $0x1800, $0x38;
	[tilespmem:$0x18C00] =	vst v63  }
0x95: {  	_ =	swait.ge [sflag:s25], $0x1800  }
0x96: {  	[sflag:s25] =	ssyncset.done $0x0  }
0x97: {  	[sflag:s25] =	ssyncadd.s32 $0xFFFFE800  }
0x98: {  	[spmem:s13] =	stream.linear.scatter [tilespmem:s24], [sflag:$0x3], $0x1800, $0x38;
	[tilespmem:$0x18C00] =	vst v63  }
.Ltmp2:
0x99: {  	_ =	swait.ge [sflag:s25], $0x1800;
	(pc) =	sbr.rel @!p0 .LBB2_2-.Ltmp2, $4  }
0x9a: {  	[sflag:s25] =	ssyncset.done $0x0  }
0x9b: {  	[sflag:s25] =	ssyncadd.s32 $0xFFFFE800  }
0x9c: {  	[bflag:$0x0] =	sbarrier.arrive $0xFFFF  }
0x9d: {  	s14 =	sadd.s32 $0x0, s22  }
0x9e: {  	[tilespmem:s3], [sflag:$0x3] =	stream.linear.gather [hbm4b:s14+s3], $0xC8, $0x38;
	[tilespmem:$0x18C00] =	vst v63  }
0x9f: {  	_ =	swait.ge [sflag:s25], $0xC8  }
0xa0: {  	[sflag:s25] =	ssyncset.done $0x0  }
0xa1: {  	s15 =	sadd.s32 $0x0, s23;
	[sflag:s25] =	ssyncadd.s32 $0xFFFFFF38  }
0xa2: {  	[tilespmem:s26], [sflag:$0x3] =	stream.linear.gather [hbm4b:s15+s3], $0xC8, $0x38;
	[tilespmem:$0x18C00] =	vst v63  }
0xa3: {  	_ =	swait.ge [sflag:s25], $0xC8  }
0xa4: {  	[sflag:s25] =	ssyncset.done $0x0  }
0xa5: {  	[sflag:s25] =	ssyncadd.s32 $0xFFFFFF38  }
0xa6: {  	[tilespmem:s29], [sflag:$0x1] =	stream.indirect.gather [hbm4b:s4+s28], $0x80, s3, s28, $0xb8;
	[tilespmem:$0x18C00] =	vst v63  }
0xa7: {  	s17 =	sadd.s32 $0x19, s14  }
0xa8: {  	[tilespmem:s30], [sflag:$0x3] =	stream.linear.gather [hbm4b:s17+s3], $0xC8, $0x38;
	[tilespmem:$0x18C00] =	vst v63  }
0xa9: {  	_ =	swait.ge [sflag:s25], $0xC8  }
0xaa: {  	[sflag:s25] =	ssyncset.done $0x0  }
0xab: {  	s18 =	sadd.s32 $0x19, s15;
	[sflag:s25] =	ssyncadd.s32 $0xFFFFFF38  }
0xac: {  	[tilespmem:s31], [sflag:$0x3] =	stream.linear.gather [hbm4b:s18+s3], $0xC8, $0x38;
	[tilespmem:$0x18C00] =	vst v63  }
0xad: {  	_ =	swait.ge [sflag:s25], $0xC8  }
0xae: {  	[sflag:s25] =	ssyncset.done $0x0  }
0xaf: {  	[sflag:s25] =	ssyncadd.s32 $0xFFFFFF38  }
0xb0: {  	[tilespmem:s0], [sflag:$0x2] =	stream.indirect.gather [hbm4b:s4+s28], $0x80, s30, s28, $0xb8;
	[tilespmem:$0x18C00] =	vst v63  }
0xb1: {  	_ =	swait.ge [sflag:s1], $0x6400  }
0xb2: {  	[sflag:s1] =	ssyncset.done $0x0  }
0xb3: {  	[sflag:s1] =	ssyncadd.s32 $0xFFFF9C00  }
0xb4: {  	[spmem:s2] =	stream.indirect.scatter.add.f32 [tilespmem:s29], [sflag:$0x3], $0x80, s26, s28, $0xb8;
	[tilespmem:$0x18C00] =	vst v63  }
0xb5: {  	_ =	swait.ge [sflag:s25], $0x6400  }
0xb6: {  	[sflag:s25] =	ssyncset.done $0x0  }
0xb7: {  	[sflag:s25] =	ssyncadd.s32 $0xFFFF9C00  }
0xb8: {  	_ =	swait.ge [sflag:s5], $0x6400  }
0xb9: {  	[sflag:s5] =	ssyncset.done $0x0  }
0xba: {  	[sflag:s5] =	ssyncadd.s32 $0xFFFF9C00  }
0xbb: {  	[spmem:s2] =	stream.indirect.scatter.add.f32 [tilespmem:s0], [sflag:$0x3], $0x80, s31, s28, $0xb8;
	[tilespmem:$0x18C00] =	vst v63  }
0xbc: {  	_ =	swait.ge [sflag:s25], $0x6400  }
0xbd: {  	s14 =	simm.s32 $0x32;
	s16 =	simm.s32 $0x64;
	[sflag:s25] =	ssyncset.done $0x0  }
.LBB2_6:
0xbe: {  	s17 =	sadd.s32 s14, s22  }
0xbf: {  	[sflag:s25] =	ssyncadd.s32 $0xFFFF9C00;
	s18 =	smov.u32 s16;
	s15 =	sadd.s32 $0x32, s16  }
0xc0: {  	[tilespmem:s3], [sflag:$0x3] =	stream.linear.gather [hbm4b:s17+s3], $0xC8, $0x38;
	[tilespmem:$0x18C00] =	vst v63  }
0xc1: {  	p1 =	sne.s32 s16, $0x992;
	_ =	swait.ge [sflag:s25], $0xC8  }
0xc2: {  	[sflag:s25] =	ssyncset.done $0x0  }
0xc3: {  	s16 =	sadd.s32 s14, s23;
	s14 =	smov.u32 s18;
	[sflag:s25] =	ssyncadd.s32 $0xFFFFFF38  }
0xc4: {  	[tilespmem:s26], [sflag:$0x3] =	stream.linear.gather [hbm4b:s16+s3], $0xC8, $0x38;
	[tilespmem:$0x18C00] =	vst v63  }
0xc5: {  	_ =	swait.ge [sflag:s25], $0xC8  }
0xc6: {  	[sflag:s25] =	ssyncset.done $0x0  }
0xc7: {  	[sflag:s25] =	ssyncadd.s32 $0xFFFFFF38  }
0xc8: {  	[tilespmem:s29], [sflag:$0x1] =	stream.indirect.gather [hbm4b:s4+s28], $0x80, s3, s28, $0xb8;
	[tilespmem:$0x18C00] =	vst v63  }
0xc9: {  	s17 =	sadd.s32 $0x19, s17  }
0xca: {  	[tilespmem:s30], [sflag:$0x3] =	stream.linear.gather [hbm4b:s17+s3], $0xC8, $0x38;
	[tilespmem:$0x18C00] =	vst v63  }
0xcb: {  	_ =	swait.ge [sflag:s25], $0xC8  }
0xcc: {  	[sflag:s25] =	ssyncset.done $0x0  }
0xcd: {  	s16 =	sadd.s32 $0x19, s16;
	[sflag:s25] =	ssyncadd.s32 $0xFFFFFF38  }
0xce: {  	[tilespmem:s31], [sflag:$0x3] =	stream.linear.gather [hbm4b:s16+s3], $0xC8, $0x38;
	[tilespmem:$0x18C00] =	vst v63  }
0xcf: {  	_ =	swait.ge [sflag:s25], $0xC8  }
0xd0: {  	[sflag:s25] =	ssyncset.done $0x0  }
0xd1: {  	[sflag:s25] =	ssyncadd.s32 $0xFFFFFF38  }
0xd2: {  	[tilespmem:s0], [sflag:$0x2] =	stream.indirect.gather [hbm4b:s4+s28], $0x80, s30, s28, $0xb8;
	[tilespmem:$0x18C00] =	vst v63  }
0xd3: {  	_ =	swait.ge [sflag:s1], $0x6400  }
0xd4: {  	[sflag:s1] =	ssyncset.done $0x0  }
0xd5: {  	[sflag:s1] =	ssyncadd.s32 $0xFFFF9C00  }
0xd6: {  	[spmem:s2] =	stream.indirect.scatter.add.f32 [tilespmem:s29], [sflag:$0x3], $0x80, s26, s28, $0xb8;
	[tilespmem:$0x18C00] =	vst v63  }
0xd7: {  	_ =	swait.ge [sflag:s25], $0x6400  }
0xd8: {  	[sflag:s25] =	ssyncset.done $0x0  }
0xd9: {  	[sflag:s25] =	ssyncadd.s32 $0xFFFF9C00  }
0xda: {  	_ =	swait.ge [sflag:s5], $0x6400  }
.Ltmp3:
0xdb: {  	[sflag:s5] =	ssyncset.done $0x0;
	(pc) =	sbr.rel @p1 .LBB2_6-.Ltmp3, $4  }
0xdc: {  	[sflag:s5] =	ssyncadd.s32 $0xFFFF9C00  }
0xdd: {  	[spmem:s2] =	stream.indirect.scatter.add.f32 [tilespmem:s0], [sflag:$0x3], $0x80, s31, s28, $0xb8;
	[tilespmem:$0x18C00] =	vst v63  }
0xde: {  	_ =	swait.ge [sflag:s25], $0x6400  }
0xdf: {  	s16 =	smov.u32 s15;
	[sflag:s25] =	ssyncset.done $0x0  }
.Ltmp4:
0xe0: {  	_ = 	snop;
	(pc) =	sbr.rel .LBB2_7-.Ltmp4, $1  }
0xe1: {  	_ =	sdelay $0x3  }
.LBB2_2:
0xe2: {  	[tilespmem:s3], [sflag:$0x3] =	stream.linear.gather [hbm4b:s14+s3], $0xC8, $0x38;
	[tilespmem:$0x18C00] =	vst v63  }
0xe3: {  	_ =	swait.ge [sflag:s25], $0xC8  }
0xe4: {  	[sflag:s25] =	ssyncset.done $0x0  }
0xe5: {  	s15 =	sadd.s32 $0x0, s21;
	[sflag:s25] =	ssyncadd.s32 $0xFFFFFF38  }
0xe6: {  	[tilespmem:s26], [sflag:$0x3] =	stream.linear.gather [hbm4b:s15+s3], $0xC8, $0x38;
	[tilespmem:$0x18C00] =	vst v63  }
0xe7: {  	_ =	swait.ge [sflag:s25], $0xC8  }
0xe8: {  	[sflag:s25] =	ssyncset.done $0x0  }
0xe9: {  	[sflag:s25] =	ssyncadd.s32 $0xFFFFFF38  }
0xea: {  	[tilespmem:s29], [sflag:$0x1] =	stream.indirect.gather [hbm4b:s4+s28], $0x80, s3, s28, $0xb8;
	[tilespmem:$0x18C00] =	vst v63  }
0xeb: {  	s17 =	sadd.s32 $0x19, s14  }
0xec: {  	[tilespmem:s30], [sflag:$0x3] =	stream.linear.gather [hbm4b:s17+s3], $0xC8, $0x38;
	[tilespmem:$0x18C00] =	vst v63  }
0xed: {  	_ =	swait.ge [sflag:s25], $0xC8  }
0xee: {  	[sflag:s25] =	ssyncset.done $0x0  }
0xef: {  	s18 =	sadd.s32 $0x19, s15;
	[sflag:s25] =	ssyncadd.s32 $0xFFFFFF38  }
0xf0: {  	[tilespmem:s31], [sflag:$0x3] =	stream.linear.gather [hbm4b:s18+s3], $0xC8, $0x38;
	[tilespmem:$0x18C00] =	vst v63  }
0xf1: {  	_ =	swait.ge [sflag:s25], $0xC8  }
0xf2: {  	[sflag:s25] =	ssyncset.done $0x0  }
0xf3: {  	[sflag:s25] =	ssyncadd.s32 $0xFFFFFF38  }
0xf4: {  	[tilespmem:s0], [sflag:$0x2] =	stream.indirect.gather [hbm4b:s4+s28], $0x80, s30, s28, $0xb8;
	[tilespmem:$0x18C00] =	vst v63  }
0xf5: {  	_ =	swait.ge [sflag:s1], $0x6400  }
0xf6: {  	[sflag:s1] =	ssyncset.done $0x0  }
0xf7: {  	[sflag:s1] =	ssyncadd.s32 $0xFFFF9C00  }
0xf8: {  	[spmem:s2] =	stream.indirect.scatter.add.f32 [tilespmem:s29], [sflag:$0x3], $0x80, s26, s28, $0xb8;
	[tilespmem:$0x18C00] =	vst v63  }
0xf9: {  	_ =	swait.ge [sflag:s25], $0x6400  }
0xfa: {  	[sflag:s25] =	ssyncset.done $0x0  }
0xfb: {  	[sflag:s25] =	ssyncadd.s32 $0xFFFF9C00  }
0xfc: {  	_ =	swait.ge [sflag:s5], $0x6400  }
0xfd: {  	[sflag:s5] =	ssyncset.done $0x0  }
0xfe: {  	[sflag:s5] =	ssyncadd.s32 $0xFFFF9C00  }
0xff: {  	[spmem:s2] =	stream.indirect.scatter.add.f32 [tilespmem:s0], [sflag:$0x3], $0x80, s31, s28, $0xb8;
	[tilespmem:$0x18C00] =	vst v63  }
0x100: {  	_ =	swait.ge [sflag:s25], $0x6400  }
0x101: {  	s14 =	simm.s32 $0x32;
	s15 =	simm.s32 $0x64;
	[sflag:s25] =	ssyncset.done $0x0  }
.LBB2_3:
0x102: {  	s17 =	sadd.s32 s14, s22  }
0x103: {  	[sflag:s25] =	ssyncadd.s32 $0xFFFF9C00;
	s18 =	smov.u32 s15;
	s16 =	sadd.s32 $0x32, s15  }
0x104: {  	[tilespmem:s3], [sflag:$0x3] =	stream.linear.gather [hbm4b:s17+s3], $0xC8, $0x38;
	[tilespmem:$0x18C00] =	vst v63  }
0x105: {  	p1 =	seq.s32 s15, $0x992;
	_ =	swait.ge [sflag:s25], $0xC8  }
0x106: {  	[sflag:s25] =	ssyncset.done $0x0  }
0x107: {  	s15 =	sadd.s32 s14, s21;
	s14 =	smov.u32 s18;
	[sflag:s25] =	ssyncadd.s32 $0xFFFFFF38  }
0x108: {  	[tilespmem:s26], [sflag:$0x3] =	stream.linear.gather [hbm4b:s15+s3], $0xC8, $0x38;
	[tilespmem:$0x18C00] =	vst v63  }
0x109: {  	_ =	swait.ge [sflag:s25], $0xC8  }
0x10a: {  	[sflag:s25] =	ssyncset.done $0x0  }
0x10b: {  	[sflag:s25] =	ssyncadd.s32 $0xFFFFFF38  }
0x10c: {  	[tilespmem:s29], [sflag:$0x1] =	stream.indirect.gather [hbm4b:s4+s28], $0x80, s3, s28, $0xb8;
	[tilespmem:$0x18C00] =	vst v63  }
0x10d: {  	s17 =	sadd.s32 $0x19, s17  }
0x10e: {  	[tilespmem:s30], [sflag:$0x3] =	stream.linear.gather [hbm4b:s17+s3], $0xC8, $0x38;
	[tilespmem:$0x18C00] =	vst v63  }
0x10f: {  	_ =	swait.ge [sflag:s25], $0xC8  }
0x110: {  	[sflag:s25] =	ssyncset.done $0x0  }
0x111: {  	s15 =	sadd.s32 $0x19, s15;
	[sflag:s25] =	ssyncadd.s32 $0xFFFFFF38  }
0x112: {  	[tilespmem:s31], [sflag:$0x3] =	stream.linear.gather [hbm4b:s15+s3], $0xC8, $0x38;
	[tilespmem:$0x18C00] =	vst v63  }
0x113: {  	_ =	swait.ge [sflag:s25], $0xC8  }
0x114: {  	[sflag:s25] =	ssyncset.done $0x0  }
0x115: {  	[sflag:s25] =	ssyncadd.s32 $0xFFFFFF38  }
0x116: {  	[tilespmem:s0], [sflag:$0x2] =	stream.indirect.gather [hbm4b:s4+s28], $0x80, s30, s28, $0xb8;
	[tilespmem:$0x18C00] =	vst v63  }
0x117: {  	_ =	swait.ge [sflag:s1], $0x6400  }
0x118: {  	[sflag:s1] =	ssyncset.done $0x0  }
0x119: {  	[sflag:s1] =	ssyncadd.s32 $0xFFFF9C00  }
0x11a: {  	[spmem:s2] =	stream.indirect.scatter.add.f32 [tilespmem:s29], [sflag:$0x3], $0x80, s26, s28, $0xb8;
	[tilespmem:$0x18C00] =	vst v63  }
0x11b: {  	_ =	swait.ge [sflag:s25], $0x6400  }
0x11c: {  	[sflag:s25] =	ssyncset.done $0x0  }
0x11d: {  	[sflag:s25] =	ssyncadd.s32 $0xFFFF9C00  }
0x11e: {  	_ =	swait.ge [sflag:s5], $0x6400  }
.Ltmp5:
0x11f: {  	[sflag:s5] =	ssyncset.done $0x0;
	(pc) =	sbr.rel @!p1 .LBB2_3-.Ltmp5, $4  }
0x120: {  	[sflag:s5] =	ssyncadd.s32 $0xFFFF9C00  }
0x121: {  	[spmem:s2] =	stream.indirect.scatter.add.f32 [tilespmem:s0], [sflag:$0x3], $0x80, s31, s28, $0xb8;
	[tilespmem:$0x18C00] =	vst v63  }
0x122: {  	_ =	swait.ge [sflag:s25], $0x6400  }
0x123: {  	s15 =	smov.u32 s16;
	[sflag:s25] =	ssyncset.done $0x0  }
0x124: {  	s15 =	sadd.s32 s14, s22;
	[sflag:s25] =	ssyncadd.s32 $0xFFFF9C00  }
0x125: {  	[tilespmem:s3], [sflag:$0x3] =	stream.linear.gather [hbm4b:s15+s3], $0xC8, $0x38;
	[tilespmem:$0x18C00] =	vst v63  }
0x126: {  	_ =	swait.ge [sflag:s25], $0xC8  }
0x127: {  	[sflag:s25] =	ssyncset.done $0x0  }
0x128: {  	s18 =	sadd.s32 s14, s21;
	[sflag:s25] =	ssyncadd.s32 $0xFFFFFF38  }
0x129: {  	[tilespmem:s26], [sflag:$0x3] =	stream.linear.gather [hbm4b:s18+s3], $0xC8, $0x38;
	[tilespmem:$0x18C00] =	vst v63  }
0x12a: {  	_ =	swait.ge [sflag:s25], $0xC8  }
0x12b: {  	[sflag:s25] =	ssyncset.done $0x0  }
0x12c: {  	[sflag:s25] =	ssyncadd.s32 $0xFFFFFF38  }
0x12d: {  	[tilespmem:s29], [sflag:$0x1] =	stream.indirect.gather [hbm4b:s4+s28], $0x80, s3, s28, $0xb8;
	[tilespmem:$0x18C00] =	vst v63  }
0x12e: {  	s15 =	sadd.s32 $0x19, s15  }
0x12f: {  	[tilespmem:s30], [sflag:$0x3] =	stream.linear.gather [hbm4b:s15+s3], $0xC8, $0x38;
	[tilespmem:$0x18C00] =	vst v63  }
0x130: {  	_ =	swait.ge [sflag:s25], $0xC8  }
0x131: {  	[sflag:s25] =	ssyncset.done $0x0  }
0x132: {  	s14 =	sadd.s32 $0x19, s18;
	[sflag:s25] =	ssyncadd.s32 $0xFFFFFF38  }
0x133: {  	[tilespmem:s31], [sflag:$0x3] =	stream.linear.gather [hbm4b:s14+s3], $0xC8, $0x38;
	[tilespmem:$0x18C00] =	vst v63  }
0x134: {  	_ =	swait.ge [sflag:s25], $0xC8  }
0x135: {  	[sflag:s25] =	ssyncset.done $0x0  }
0x136: {  	[sflag:s25] =	ssyncadd.s32 $0xFFFFFF38  }
0x137: {  	[tilespmem:s0], [sflag:$0x2] =	stream.indirect.gather [hbm4b:s4+s28], $0x80, s30, s28, $0xb8;
	[tilespmem:$0x18C00] =	vst v63  }
0x138: {  	_ =	swait.ge [sflag:s1], $0x6400  }
0x139: {  	[sflag:s1] =	ssyncset.done $0x0  }
0x13a: {  	[sflag:s1] =	ssyncadd.s32 $0xFFFF9C00  }
0x13b: {  	[spmem:s2] =	stream.indirect.scatter.add.f32 [tilespmem:s29], [sflag:$0x3], $0x80, s26, s28, $0xb8;
	[tilespmem:$0x18C00] =	vst v63  }
0x13c: {  	_ =	swait.ge [sflag:s25], $0x6400  }
0x13d: {  	[sflag:s25] =	ssyncset.done $0x0  }
0x13e: {  	[sflag:s25] =	ssyncadd.s32 $0xFFFF9C00  }
0x13f: {  	_ =	swait.ge [sflag:s5], $0x6400  }
0x140: {  	[sflag:s5] =	ssyncset.done $0x0  }
.Ltmp6:
0x141: {  	[sflag:s5] =	ssyncadd.s32 $0xFFFF9C00;
	(pc) =	sbr.rel .LBB2_8-.Ltmp6, $4  }
0x142: {  	[spmem:s2] =	stream.indirect.scatter.add.f32 [tilespmem:s0], [sflag:$0x3], $0x80, s31, s28, $0xb8;
	[tilespmem:$0x18C00] =	vst v63  }
0x143: {  	_ =	swait.ge [sflag:s25], $0x6400  }
0x144: {  	[sflag:s25] =	ssyncset.done $0x0  }
0x145: {  	[sflag:s25] =	ssyncadd.s32 $0xFFFF9C00  }
.LBB2_9:
0x146: {  	_ =	sfence.sel $0x180000  }
0x147: {  	[bflag:$0x0] =	sbarrier.arrive $0xFFFF  }
0x148: {  	_ =	strace $0x90000050  }
0x149: {  	s0 =	stileid.u32;
	[bflag:$0x2] =	sbarrier.arrive $0xFFFF  }
0x14a: {  	p0 =	sne.s32 s0, $0x0;
	s0 =	rddreg [dreg:$0x2]  }
0x14b: {  	s0 =	sadd.s32 @!p0 $0x100000, s0  }
0x14c: {  	[sflag:s0] =	ssyncadd.tile.s32 @!p0 $0x1;
	_ =	shalt  }
.Lfunc_end2:
_tile_overlayer_lowered:
.L_overlay_start_2:
0x14d: {  	(tag) =	ssettag $0x2  }
0x14e: {  	s0 =	rddreg [dreg:$0x0];
	s2 =	stileid.u32  }
0x14f: {  	s1 =	rddreg [dreg:$0x1];
	p0 =	sne.s32 s2, $0x0  }
0x150: {  	s3 =	rddreg [dreg:$0x2];
	[bflag:$0x3] =	sbarrier.arrive $0xFFFF;
	s2 =	simm.s32 @!p0 $0x1C03  }
0x151: {  	[timem:s3], [sflag:s2] =	dma.local @!p0 [hbm:s0], s1  }
0x152: {  	s0 =	simm.s32 @!p0 $0x3  }
0x153: {  	_ =	swait.ge @!p0 [sflag:s0], s1  }
0x154: {  	s1 =	ssub.s32 @!p0 $0x0, s1;
	[sflag:s0] =	ssyncset.done @!p0 $0x0  }
0x155: {  	[sflag:s0] =	ssyncadd.s32 @!p0 s1  }
0x156: {  	[bflag:$0x3] =	sbarrier.arrive $0xFFFF  }
0x157: {  	_ =	shalt  }

// kernel: kernel.27.cloned.1.call-start
scs
__scs_entry_jumppad:
0x0: {  	(pc) =	sbr.rel $0x88, $3  }
0x1: {  	(tag) =	ssettag $0x0;
	lr =	simm.s32 $0x1  }
0x2: {  	[smem:$0x3F8B] =	sst lr;
	_ =	strace $0xD0000000  }
0x3: {  	_ = 	snop  }
0x4: {  	_ = 	snop  }
0x5: {  	_ = 	snop  }
0x6: {  	_ = 	snop  }
0x7: {  	_ = 	snop  }
__scs_overlays_trampoline_lowered:
0x8: {  	[smem:$0x3F9A] =	sst s0  }
0x9: {  	[smem:$0x3F9B] =	sst s1  }
0xa: {  	[smem:$0x3F9C] =	sst s2  }
0xb: {  	[smem:$0x3F9D] =	sst s3  }
0xc: {  	[smem:$0x3F9E] =	sst s4  }
0xd: {  	[smem:$0x3F9F] =	sst s5  }
0xe: {  	[smem:$0x3FA0] =	sst s6  }
0xf: {  	[smem:$0x3FA1] =	sst s7  }
0x10: {  	[smem:$0x3FA2] =	sst s8  }
0x11: {  	[smem:$0x3FA3] =	sst s9;
	s0 =	simm.s32 @!p0 $0x0  }
0x12: {  	s1 =	sld [smem:$0x3F89];
	s0 =	simm.s32 @p0 $0x1  }
0x13: {  	[smem:$0x3FA4] =	sst s0;
	s0 =	simm.s32 @!p1 $0x0  }
0x14: {  	s2 =	sld [smem:$0x3F88];
	s0 =	simm.s32 @p1 $0x1  }
0x15: {  	[smem:$0x3FA5] =	sst s0;
	s0 =	simm.s32 @!p2 $0x0  }
0x16: {  	s3 =	sld [smem:$0x3FDB];
	s0 =	simm.s32 @p2 $0x1  }
0x17: {  	s4 =	simm.s32 $0x1BF5;
	[smem:$0x3FA7] =	sst s0  }
0x18: {  	s0 =	sld [smem:$0x3F8A];
	_ =	swait.ge [sflag:s4], $0x0  }
0x19: {  	s7 =	sld [smem:$0x3F8B]  }
0x1a: {  	s8 =	sadd.s32 $0xFFFFE003, lr  }
0x1b: {  	s9 =	sadd.s32 $0xFFFFFEF7, lr;
	s5 =	simm.s32 $0xFFFFFFFF;
	p2 =	slt.u32 s8, $0xFFFFF086  }
0x1c: {  	p1 =	slt.u32 s9, $0xF7A;
	s5 =	simm.s32 @!p2 $0x0  }
0x1d: {  	s5 =	simm.s32 @p1 $0x1;
	p0 =	seq.s32 s7, s2  }
0x1e: {  	s7 =	smul.u32 @!p0 $0xF7A, s2;
	p2 =	seq.s32 @!p0 s5, $0x0  }
0x1f: {  	s9 =	smul.u32 $0xF7A, s1;
	s8 =	simm.s32 @!p0 $0x1BF5;
	p2 =	por !p2, p0  }
0x20: {  	[sflag:s8] =	ssyncset.s32 @!p0 $0xFFFFF086;
	s6 =	sadd.s32 @!p0 s3, s7;
	s7 =	simm.s32 @!p0 $0x108  }
0x21: {  	s3 =	sadd.s32 s3, s9;
	s6 =	sadd.s32 @!p0 $0x88, s6;
	s7 =	simm.s32 @p2 $0x1082  }
0x22: {  	[simem:s7], [sflag:s8] =	dma.local @!p0 [hbm:s6], $0xF7A  }
0x23: {  	s9 =	sor.u32 $0xD0000000, s2;
	s6 =	simm.s32 $0x108;
	_ =	swait.ge @!p0 [sflag:s8], $0x0  }
0x24: {  	s3 =	sadd.s32 $0x88, s3;
	s6 =	simm.s32 @!p1 $0x1082;
	[sflag:s4] =	ssyncset.s32 $0xFFFFF086  }
0x25: {  	[simem:s6], [sflag:s4] =	dma.local [hbm:s3], $0xF7A  }
0x26: {  	[smem:$0x3F8B] =	sst s1;
	(tag) =	ssettag s2;
	_ =	strace s9  }
0x27: {  	s1 =	sld [smem:$0x3F9B]  }
0x28: {  	s2 =	sld [smem:$0x3F9C]  }
0x29: {  	s4 =	sld [smem:$0x3F9E]  }
0x2a: {  	p0 =	seq.s32 s5, $0x0;
	s5 =	sld [smem:$0x3F9F]  }
0x2b: {  	s6 =	sld [smem:$0x3FA0]  }
0x2c: {  	s7 =	sld [smem:$0x3FA1]  }
0x2d: {  	s3 =	simm.s32 $0x108;
	s8 =	sld [smem:$0x3FA2]  }
0x2e: {  	s3 =	simm.s32 @!p0 $0x1082;
	s9 =	sld [smem:$0x3FA3]  }
0x2f: {  	lr =	sadd.s32 s0, s3;
	s0 =	sld [smem:$0x3F9A]  }
0x30: {  	s3 =	sld [smem:$0x3F9D]  }
0x31: {  	[smem:$0x3FA6] =	sst s10  }
0x32: {  	s10 =	sld [smem:$0x3FA4];
	_ =	sdelay $0x3  }
0x33: {  	p0 =	seq.s32 s10, $0x1;
	s10 =	sld [smem:$0x3FA6];
	_ =	sdelay $0x3  }
0x34: {  	[smem:$0x3FA6] =	sst s10  }
0x35: {  	s10 =	sld [smem:$0x3FA5];
	_ =	sdelay $0x3  }
0x36: {  	p1 =	seq.s32 s10, $0x1;
	s10 =	sld [smem:$0x3FA6];
	_ =	sdelay $0x3  }
0x37: {  	[smem:$0x3FA6] =	sst s10  }
0x38: {  	s10 =	sld [smem:$0x3FA7]  }
0x39: {  	_ = 	snop;
	(pc) =	sbr.ind lr, $3  }
0x3a: {  	_ = 	snop  }
0x3b: {  	_ = 	snop  }
0x3c: {  	p2 =	seq.s32 s10, $0x1;
	s10 =	sld [smem:$0x3FA6]  }
0x3d: {  	_ =	shalt  }
0x3e: {  	_ =	shalt  }
0x3f: {  	_ =	shalt  }
0x40: {  	_ =	shalt  }
0x41: {  	_ =	shalt  }
0x42: {  	_ =	shalt  }
0x43: {  	_ =	shalt  }
0x44: {  	_ =	shalt  }
0x45: {  	_ =	shalt  }
0x46: {  	_ =	shalt  }
0x47: {  	_ =	shalt  }
0x48: {  	_ =	shalt  }
0x49: {  	_ =	shalt  }
0x4a: {  	_ =	shalt  }
0x4b: {  	_ =	shalt  }
0x4c: {  	_ =	shalt  }
0x4d: {  	_ =	shalt  }
0x4e: {  	_ =	shalt  }
0x4f: {  	_ =	shalt  }
0x50: {  	_ =	shalt  }
0x51: {  	_ =	shalt  }
0x52: {  	_ =	shalt  }
0x53: {  	_ =	shalt  }
0x54: {  	_ =	shalt  }
0x55: {  	_ =	shalt  }
0x56: {  	_ =	shalt  }
0x57: {  	_ =	shalt  }
0x58: {  	_ =	shalt  }
0x59: {  	_ =	shalt  }
0x5a: {  	_ =	shalt  }
0x5b: {  	_ =	shalt  }
0x5c: {  	_ =	shalt  }
0x5d: {  	_ =	shalt  }
0x5e: {  	_ =	shalt  }
0x5f: {  	_ =	shalt  }
0x60: {  	_ =	shalt  }
0x61: {  	_ =	shalt  }
0x62: {  	_ =	shalt  }
0x63: {  	_ =	shalt  }
0x64: {  	_ =	shalt  }
0x65: {  	_ =	shalt  }
0x66: {  	_ =	shalt  }
0x67: {  	_ =	shalt  }
0x68: {  	_ =	shalt  }
0x69: {  	_ =	shalt  }
0x6a: {  	_ =	shalt  }
0x6b: {  	_ =	shalt  }
0x6c: {  	_ =	shalt  }
0x6d: {  	_ =	shalt  }
0x6e: {  	_ =	shalt  }
0x6f: {  	_ =	shalt  }
0x70: {  	_ =	shalt  }
0x71: {  	_ =	shalt  }
0x72: {  	_ =	shalt  }
0x73: {  	_ =	shalt  }
0x74: {  	_ =	shalt  }
0x75: {  	_ =	shalt  }
0x76: {  	_ =	shalt  }
0x77: {  	_ =	shalt  }
0x78: {  	_ =	shalt  }
0x79: {  	_ =	shalt  }
0x7a: {  	_ =	shalt  }
0x7b: {  	_ =	shalt  }
0x7c: {  	_ =	shalt  }
0x7d: {  	_ =	shalt  }
0x7e: {  	_ =	shalt  }
0x7f: {  	_ =	shalt  }
0x80: {  	_ =	shalt  }
0x81: {  	_ =	shalt  }
0x82: {  	_ =	shalt  }
0x83: {  	_ =	shalt  }
0x84: {  	_ =	shalt  }
0x85: {  	_ =	shalt  }
0x86: {  	_ =	shalt  }
0x87: {  	_ =	shalt  }
.Lfunc_end0:
.L_simem_size_0:
called_computation.4_lowered:
.L_overlay_start_0:
0x88: {  	s2 =	sld [smem:$0x3FD9]  }
0x89: {  	s3 =	sld [smem:$0x3FFE];
	_ =	sdelay $0x1  }
0x8a: {  	s1 =	srdreg.scid  }
0x8b: {  	s0 =	sand.u32 $0x1, s1  }
0x8c: {  	s16 =	sshll.u32 s0, $0xA;
	s2 =	sadd.s32 s3, s2  }
0x8d: {  	s2 =	sadd.s32 s2, s16  }
0x8e: {  	[smem:$0x3FB2] =	sst s2  }
0x8f: {  	_ = 	snop  }
0x90: {  	(tm) =	ssettm $0x1  }
0x91: {  	s17 =	sld [smem:$0x3FFB];
	_ =	sdelay $0x3  }
0x92: {  	_ =	strace s17  }
0x93: {  	s2 =	sld [smem:$0x3FFC];
	_ =	sdelay $0x3  }
0x94: {  	_ =	strace s2  }
0x95: {  	s2 =	sld [smem:$0x3FFD];
	_ =	sdelay $0x3  }
0x96: {  	_ =	strace s2  }
0x97: {  	_ =	strace $0x8FFFFFFF  }
0x98: {  	s18 =	sld [smem:$0x3FDB];
	_ =	sdelay $0x1  }
0x99: {  	s19 =	simm.s32 $_scs_section_size  }
0x9a: {  	s4 =	simm.s32 $_size__tile_overlayer_lowered;
	s5 =	simm.s32 $_tile_overlayer_lowered  }
0x9b: {  	s22 =	simm.s32 $0x1BFF;
	s21 =	sshll.u32 s5, $0x1;
	s2 =	sadd.s32 s19, s18  }
0x9c: {  	s6 =	simm.s32 $0x0;
	s20 =	sshll.u32 s4, $0x1;
	s4 =	sadd.s32 s21, s2  }
0x9d: {  	[timem:s6], [sflag:s22] =	dma.local [hbm:s4], s20  }
0x9e: {  	_ =	swait.ge [sflag:s22], s20  }
0x9f: {  	s3 =	ssub.s32 $0x0, s20;
	[sflag:s22] =	ssyncset.done $0x0  }
0xa0: {  	[sflag:s22] =	ssyncadd.s32 s3;
	_ =	sdelay $0x1  }
0xa1: {  	s23 =	simm.s32 $0x1B8B  }
0xa2: {  	_ =	swait.ge [sflag:s23], $0x1  }
0xa3: {  	[sflag:s23] =	ssyncset.done $0x0  }
0xa4: {  	s25 =	simm.s32 $0x1B8E;
	s24 =	sld [smem:$0x3FFE];
	[sflag:s23] =	ssyncadd.s32 $0xFFFFFFFF  }
0xa5: {  	s26 =	simm.s32 $execute0_lowered;
	[smem:$0x3FD2] =	sst s25  }
0xa6: {  	s4 =	sshll.u32 s26, $0x1;
	_ =	strace $0x80000052;
	[dreg:$0x1] =	wrdreg $0xFFFFFFFF  }
0xa7: {  	s28 =	simm.s32 $_size_execute0_lowered;
	s2 =	sadd.s32 s2, s4;
	[dreg:$0x0] =	wrdreg $0x0  }
0xa8: {  	s4 =	sshll.u32 s28, $0x1;
	[dreg:$0x2] =	wrdreg s2  }
0xa9: {  	[dreg:$0x3] =	wrdreg s4  }
0xaa: {  	[dreg:$0x4] =	wrdreg $0xC0  }
0xab: {  	_ =	task [dreg:s6], $0x5FFFF  }
0xac: {  	[dreg:$0x1] =	wrdreg $0xFFFFFFFF  }
0xad: {  	[dreg:$0x0] =	wrdreg $0x60  }
0xae: {  	[dreg:$0x2] =	wrdreg s24  }
0xaf: {  	[dreg:$0x3] =	wrdreg $0xE4000  }
0xb0: {  	[dreg:$0x4] =	wrdreg $0x9  }
0xb1: {  	_ =	task.clear_ibuf [dreg:s6], $0x5FFFF;
	_ =	strace $0x90000052  }
0xb2: {  	s29 =	simm.s32 $0x9;
	_ =	strace $0x80000054  }
0xb3: {  	_ =	swait.ge [sflag:s29], $0x1  }
0xb4: {  	[sflag:s29] =	ssyncadd.s32 $0xFFFFFFFF  }
0xb5: {  	_ =	strace $0x90000054  }
0xb6: {  	_ =	sfence  }
0xb7: {  	s30 =	sld [smem:$0x0];
	_ =	sdelay $0x2  }
0xb8: {  	s31 =	sshll.u32 s1, $0xD;
	s1 =	sshrl.u32 s1, $0x2  }
0xb9: {  	s3 =	sand.u32 $0x4000, s31;
	s1 =	sadd.s32 s1, s30  }
0xba: {  	s0 =	sor.u32 s3, s0;
	s1 =	sshll.u32 s1, $0x11  }
0xbb: {  	s0 =	sor.u32 s1, s0  }
0xbc: {  	s0 =	sadd.s32 $0x8F2B, s0  }
0xbd: {  	[sflag:s0] =	ssyncadd.remote.s32 $0x1  }
0xbe: {  	_ =	sfence.sel $0xFFFF  }
0xbf: {  	[dreg:$0x0] =	wrdreg $0xFFFFFFFF;
	(pc) =	sbr.abs _section_cstart, $3  }
0xc0: {  	[dreg:$0x1] =	wrdreg $0xFFFFFFFF  }
0xc1: {  	_ =	task.clear_ibuf [dreg:s6], $0x2FFFF;
	_ =	strace $0x9FFFFFFF  }
0xc2: {  	(tm) =	ssettm $0x7FFFFFFF  }
0xc3: {  	_ =	shalt  }
tec
execute0_lowered:
.L_overlay_start_1:
0x0: {  	(tag) =	ssettag $0x1  }
0x1: {  	s0 =	rddreg [dreg:$0x0]  }
0x2: {  	s2 =	rddreg [dreg:$0x1];
	s3 =	simm.s32 $0x0  }
0x3: {  	s9 =	stileid.u32;
	s5 =	srdreg.scid;
	s28 =	simm.s32 $0xC8  }
0x4: {  	s29 =	simm.s32 $0x400;
	s30 =	simm.s32 $0x200;
	s31 =	simm.s32 $0x300  }
0x5: {  	[smem:$0x7FF] =	sst s3;
	s1 =	smul.u32 $0x9C4, s9;
	s4 =	sadd.s32 $0xC5000, s0  }
0x6: {  	s5 =	sand.u32 $0x1, s5;
	s7 =	smul.u32 $0x2A000, s9;
	s8 =	sadd.s32 $0x4CC00, s0  }
0x7: {  	s12 =	smul.u32 $0xA800, s9;
	_ =	strace $0x80000053;
	s6 =	ssub.s32 $0x2, s5  }
0x8: {  	[dreg:$0x3] =	wrdreg s8;
	p0 =	seq.s32 s5, $0x1;
	s5 =	smul.u32 $0xA8000, s5  }
0x9: {  	s1 =	sadd.s32 s1, s0;
	s20 =	sshrl.u32 s6, $0x1;
	s0 =	sadd.s32 $0xED000, s0  }
0xa: {  	s21 =	sshrl.u32 s7, $0x2;
	s22 =	sadd.s32 $0x1800, s12;
	s14 =	sadd.s32 $0x3000, s12  }
0xb: {  	s15 =	sadd.s32 $0x4800, s12;
	s16 =	sadd.s32 $0x6000, s12;
	s18 =	sadd.s32 $0x7800, s12  }
0xc: {  	s19 =	sadd.s32 $0x9000, s12;
	s8 =	ssub.s32 s6, s20;
	s6 =	sadd.s32 s21, s2  }
0xd: {  	s9 =	sadd.s32 s14, s2;
	s10 =	sadd.s32 s15, s2;
	s11 =	sadd.s32 s16, s2  }
0xe: {  	s17 =	sadd.s32 s5, s12;
	s12 =	sadd.s32 s18, s2;
	s13 =	sadd.s32 s19, s2  }
0xf: {  	s7 =	sadd.s32 s5, s22;
	s14 =	sadd.s32 s5, s14;
	s15 =	sadd.s32 s5, s15  }
0x10: {  	s25 =	sadd.s32 s5, s16;
	s26 =	sadd.s32 s5, s18;
	s5 =	sadd.s32 s5, s19  }
0x11: {  	s21 =	sadd.s32 $0x1AE00, s1;
	s8 =	smax.u32 s8, $0x1;
	s17 =	sshrl.u32 s17, $0x3  }
0x12: {  	s7 =	sshrl.u32 s7, $0x3;
	s14 =	sshrl.u32 s14, $0x3;
	s24 =	sshrl.u32 s15, $0x3  }
0x13: {  	s5 =	sshrl.u32 s5, $0x3;
	[dreg:$0x4] =	wrdreg s8;
	s8 =	sadd.s32 s22, s2  }
0x14: {  	s17 =	sadd.s32 s0, s17;
	s7 =	sadd.s32 s0, s7;
	s23 =	sadd.s32 s0, s14  }
0x15: {  	s14 =	sshrl.u32 s26, $0x3;
	s20 =	sadd.s32 s0, s5;
	[dreg:$0x5] =	wrdreg s17  }
0x16: {  	s22 =	sadd.s32 $0x7200, s1;
	s26 =	simm.s32 $0x100;
	[dreg:$0x6] =	wrdreg s7  }
.Ltmp0:
0x17: {  	s5 =	simm.s32 $0x2;
	[dreg:$0x7] =	wrdreg s23;
	(pc) =	sbr.rel .LBB2_1-.Ltmp0, $4  }
0x18: {  	s7 =	sadd.s32 s0, s24;
	s19 =	sadd.s32 s0, s14;
	s23 =	sadd.s32 $0x11000, s1  }
0x19: {  	s24 =	simm.s32 $0xCC00;
	[dreg:$0x8] =	wrdreg s7;
	s7 =	sshrl.u32 s25, $0x3  }
0x1a: {  	s1 =	simm.s32 $0x1;
	s25 =	simm.s32 $0x3;
	s7 =	sadd.s32 s0, s7  }
0x1b: {  	s0 =	simm.s32 $0x6800;
	[dreg:$0x9] =	wrdreg s7;
	s7 =	simm.s32 $0x0  }
.LBB2_7:
0x1c: {  	s15 =	sadd.s32 s14, s22;
	[sflag:s25] =	ssyncadd.s32 $0xFFFF9C00  }
0x1d: {  	[tilespmem:s3], [sflag:$0x3] =	stream.linear.gather [hbm4b:s15+s3], $0xC8, $0x38;
	[tilespmem:$0x18C00] =	vst v63  }
0x1e: {  	_ =	swait.ge [sflag:s25], $0xC8  }
0x1f: {  	[sflag:s25] =	ssyncset.done $0x0  }
0x20: {  	s18 =	sadd.s32 s14, s23;
	[sflag:s25] =	ssyncadd.s32 $0xFFFFFF38  }
0x21: {  	[tilespmem:s26], [sflag:$0x3] =	stream.linear.gather [hbm4b:s18+s3], $0xC8, $0x38;
	[tilespmem:$0x18C00] =	vst v63  }
0x22: {  	_ =	swait.ge [sflag:s25], $0xC8  }
0x23: {  	[sflag:s25] =	ssyncset.done $0x0  }
0x24: {  	[sflag:s25] =	ssyncadd.s32 $0xFFFFFF38  }
0x25: {  	[tilespmem:s29], [sflag:$0x1] =	stream.indirect.gather [hbm4b:s4+s28], $0x80, s3, s28, $0xb8;
	[tilespmem:$0x18C00] =	vst v63  }
0x26: {  	s15 =	sadd.s32 $0x19, s15  }
0x27: {  	[tilespmem:s30], [sflag:$0x3] =	stream.linear.gather [hbm4b:s15+s3], $0xC8, $0x38;
	[tilespmem:$0x18C00] =	vst v63  }
0x28: {  	_ =	swait.ge [sflag:s25], $0xC8  }
0x29: {  	[sflag:s25] =	ssyncset.done $0x0  }
0x2a: {  	s14 =	sadd.s32 $0x19, s18;
	[sflag:s25] =	ssyncadd.s32 $0xFFFFFF38  }
0x2b: {  	[tilespmem:s31], [sflag:$0x3] =	stream.linear.gather [hbm4b:s14+s3], $0xC8, $0x38;
	[tilespmem:$0x18C00] =	vst v63  }
0x2c: {  	_ =	swait.ge [sflag:s25], $0xC8  }
0x2d: {  	[sflag:s25] =	ssyncset.done $0x0  }
0x2e: {  	[sflag:s25] =	ssyncadd.s32 $0xFFFFFF38  }
0x2f: {  	[tilespmem:s0], [sflag:$0x2] =	stream.indirect.gather [hbm4b:s4+s28], $0x80, s30, s28, $0xb8;
	[tilespmem:$0x18C00] =	vst v63  }
0x30: {  	_ =	swait.ge [sflag:s1], $0x6400  }
0x31: {  	[sflag:s1] =	ssyncset.done $0x0  }
0x32: {  	[sflag:s1] =	ssyncadd.s32 $0xFFFF9C00  }
0x33: {  	[spmem:s2] =	stream.indirect.scatter.add.f32 [tilespmem:s29], [sflag:$0x3], $0x80, s26, s28, $0xb8;
	[tilespmem:$0x18C00] =	vst v63  }
0x34: {  	_ =	swait.ge [sflag:s25], $0x6400  }
0x35: {  	[sflag:s25] =	ssyncset.done $0x0  }
0x36: {  	[sflag:s25] =	ssyncadd.s32 $0xFFFF9C00  }
0x37: {  	_ =	swait.ge [sflag:s5], $0x6400  }
0x38: {  	[sflag:s5] =	ssyncset.done $0x0  }
0x39: {  	[sflag:s5] =	ssyncadd.s32 $0xFFFF9C00  }
0x3a: {  	[spmem:s2] =	stream.indirect.scatter.add.f32 [tilespmem:s0], [sflag:$0x3], $0x80, s31, s28, $0xb8;
	[tilespmem:$0x18C00] =	vst v63  }
0x3b: {  	_ =	swait.ge [sflag:s25], $0x6400  }
0x3c: {  	[sflag:s25] =	ssyncset.done $0x0  }
0x3d: {  	[sflag:s25] =	ssyncadd.s32 $0xFFFF9C00  }
.LBB2_8:
0x3e: {  	[bflag:$0x0] =	sbarrier.arrive $0xFFFF  }
0x3f: {  	[tilespmem:s24], [sflag:$0x3] =	stream.linear.gather [spmem:s6], $0x1800, $0x38;
	[tilespmem:$0x18C00] =	vst v63  }
0x40: {  	_ =	swait.ge [sflag:s25], $0x1800  }
0x41: {  	[sflag:s25] =	ssyncset.done $0x0  }
0x42: {  	s14 =	rddreg [dreg:$0x5];
	[sflag:s25] =	ssyncadd.s32 $0xFFFFE800  }
0x43: {  	[hbm4b:s14+s3] =	stream.linear.scatter [tilespmem:s24], [sflag:$0x3], $0x1800, $0x38;
	[tilespmem:$0x18C00] =	vst v63  }
0x44: {  	_ =	swait.ge [sflag:s25], $0x1800  }
0x45: {  	[sflag:s25] =	ssyncset.done $0x0  }
0x46: {  	[sflag:s25] =	ssyncadd.s32 $0xFFFFE800  }
0x47: {  	[tilespmem:s24], [sflag:$0x3] =	stream.linear.gather [spmem:s8], $0x1800, $0x38;
	[tilespmem:$0x18C00] =	vst v63  }
0x48: {  	_ =	swait.ge [sflag:s25], $0x1800  }
0x49: {  	[sflag:s25] =	ssyncset.done $0x0  }
0x4a: {  	s18 =	rddreg [dreg:$0x6];
	[sflag:s25] =	ssyncadd.s32 $0xFFFFE800  }
0x4b: {  	[hbm4b:s18+s3] =	stream.linear.scatter [tilespmem:s24], [sflag:$0x3], $0x1800, $0x38;
	[tilespmem:$0x18C00] =	vst v63  }
0x4c: {  	_ =	swait.ge [sflag:s25], $0x1800  }
0x4d: {  	[sflag:s25] =	ssyncset.done $0x0  }
0x4e: {  	[sflag:s25] =	ssyncadd.s32 $0xFFFFE800  }
0x4f: {  	[tilespmem:s24], [sflag:$0x3] =	stream.linear.gather [spmem:s9], $0x1800, $0x38;
	[tilespmem:$0x18C00] =	vst v63  }
0x50: {  	_ =	swait.ge [sflag:s25], $0x1800  }
0x51: {  	[sflag:s25] =	ssyncset.done $0x0  }
0x52: {  	s15 =	rddreg [dreg:$0x7];
	[sflag:s25] =	ssyncadd.s32 $0xFFFFE800  }
0x53: {  	[hbm4b:s15+s3] =	stream.linear.scatter [tilespmem:s24], [sflag:$0x3], $0x1800, $0x38;
	[tilespmem:$0x18C00] =	vst v63  }
0x54: {  	_ =	swait.ge [sflag:s25], $0x1800  }
0x55: {  	[sflag:s25] =	ssyncset.done $0x0  }
0x56: {  	[sflag:s25] =	ssyncadd.s32 $0xFFFFE800  }
0x57: {  	[tilespmem:s24], [sflag:$0x3] =	stream.linear.gather [spmem:s10], $0x1800, $0x38;
	[tilespmem:$0x18C00] =	vst v63  }
0x58: {  	_ =	swait.ge [sflag:s25], $0x1800  }
0x59: {  	[sflag:s25] =	ssyncset.done $0x0  }
0x5a: {  	s16 =	rddreg [dreg:$0x8];
	[sflag:s25] =	ssyncadd.s32 $0xFFFFE800  }
0x5b: {  	[hbm4b:s16+s3] =	stream.linear.scatter [tilespmem:s24], [sflag:$0x3], $0x1800, $0x38;
	[tilespmem:$0x18C00] =	vst v63  }
0x5c: {  	_ =	swait.ge [sflag:s25], $0x1800  }
0x5d: {  	[sflag:s25] =	ssyncset.done $0x0  }
0x5e: {  	[sflag:s25] =	ssyncadd.s32 $0xFFFFE800  }
0x5f: {  	[tilespmem:s24], [sflag:$0x3] =	stream.linear.gather [spmem:s11], $0x1800, $0x38;
	[tilespmem:$0x18C00] =	vst v63  }
0x60: {  	_ =	swait.ge [sflag:s25], $0x1800  }
0x61: {  	[sflag:s25] =	ssyncset.done $0x0  }
0x62: {  	s17 =	rddreg [dreg:$0x9];
	[sflag:s25] =	ssyncadd.s32 $0xFFFFE800  }
0x63: {  	[hbm4b:s17+s3] =	stream.linear.scatter [tilespmem:s24], [sflag:$0x3], $0x1800, $0x38;
	[tilespmem:$0x18C00] =	vst v63  }
0x64: {  	_ =	swait.ge [sflag:s25], $0x1800  }
0x65: {  	[sflag:s25] =	ssyncset.done $0x0  }
0x66: {  	[sflag:s25] =	ssyncadd.s32 $0xFFFFE800  }
0x67: {  	[tilespmem:s24], [sflag:$0x3] =	stream.linear.gather [spmem:s12], $0x1800, $0x38;
	[tilespmem:$0x18C00] =	vst v63  }
0x68: {  	_ =	swait.ge [sflag:s25], $0x1800  }
0x69: {  	[sflag:s25] =	ssyncset.done $0x0  }
0x6a: {  	[sflag:s25] =	ssyncadd.s32 $0xFFFFE800  }
0x6b: {  	[hbm4b:s19+s3] =	stream.linear.scatter [tilespmem:s24], [sflag:$0x3], $0x1800, $0x38;
	[tilespmem:$0x18C00] =	vst v63  }
0x6c: {  	_ =	swait.ge [sflag:s25], $0x1800  }
0x6d: {  	[sflag:s25] =	ssyncset.done $0x0  }
0x6e: {  	[sflag:s25] =	ssyncadd.s32 $0xFFFFE800  }
0x6f: {  	[tilespmem:s24], [sflag:$0x3] =	stream.linear.gather [spmem:s13], $0x1800, $0x38;
	[tilespmem:$0x18C00] =	vst v63  }
0x70: {  	_ =	swait.ge [sflag:s25], $0x1800  }
0x71: {  	[sflag:s25] =	ssyncset.done $0x0  }
0x72: {  	[sflag:s25] =	ssyncadd.s32 $0xFFFFE800  }
0x73: {  	[hbm4b:s20+s3] =	stream.linear.scatter [tilespmem:s24], [sflag:$0x3], $0x1800, $0x38;
	[tilespmem:$0x18C00] =	vst v63  }
0x74: {  	_ =	swait.ge [sflag:s25], $0x1800  }
0x75: {  	s7 =	sadd.s32 $0x1, s7;
	s18 =	rddreg [dreg:$0x4]  }
0x76: {  	p1 =	sne.s32 s7, s18  }
.Ltmp1:
0x77: {  	_ = 	snop;
	(pc) =	sbr.rel @!p1 .LBB2_9-.Ltmp1, $3  }
0x78: {  	_ =	sdelay $0x1  }
0x79: {  	[sflag:s25] =	ssyncset.done $0x0  }
0x7a: {  	[sflag:s25] =	ssyncadd.s32 $0xFFFFE800  }
.LBB2_1:
0x7b: {  	s14 =	rddreg [dreg:$0x3]  }
0x7c: {  	[tilespmem:s24], [sflag:$0x3] =	stream.linear.gather [hbm4b:s14+s3], $0x1800, $0x38;
	[tilespmem:$0x18C00] =	vst v63  }
0x7d: {  	_ =	swait.ge [sflag:s25], $0x1800  }
0x7e: {  	[sflag:s25] =	ssyncset.done $0x0  }
0x7f: {  	[sflag:s25] =	ssyncadd.s32 $0xFFFFE800  }
0x80: {  	[spmem:s6] =	stream.linear.scatter [tilespmem:s24], [sflag:$0x3], $0x1800, $0x38;
	[tilespmem:$0x18C00] =	vst v63  }
0x81: {  	_ =	swait.ge [sflag:s25], $0x1800  }
0x82: {  	[sflag:s25] =	ssyncset.done $0x0  }
0x83: {  	[sflag:s25] =	ssyncadd.s32 $0xFFFFE800  }
0x84: {  	[spmem:s8] =	stream.linear.scatter [tilespmem:s24], [sflag:$0x3], $0x1800, $0x38;
	[tilespmem:$0x18C00] =	vst v63  }
0x85: {  	_ =	swait.ge [sflag:s25], $0x1800  }
0x86: {  	[sflag:s25] =	ssyncset.done $0x0  }
0x87: {  	[sflag:s25] =	ssyncadd.s32 $0xFFFFE800  }
0x88: {  	[spmem:s9] =	stream.linear.scatter [tilespmem:s24], [sflag:$0x3], $0x1800, $0x38;
	[tilespmem:$0x18C00] =	vst v63  }
0x89: {  	_ =	swait.ge [sflag:s25], $0x1800  }
0x8a: {  	[sflag:s25] =	ssyncset.done $0x0  }
0x8b: {  	[sflag:s25] =	ssyncadd.s32 $0xFFFFE800  }
0x8c: {  	[spmem:s10] =	stream.linear.scatter [tilespmem:s24], [sflag:$0x3], $0x1800, $0x38;
	[tilespmem:$0x18C00] =	vst v63  }
0x8d: {  	_ =	swait.ge [sflag:s25], $0x1800  }
0x8e: {  	[sflag:s25] =	ssyncset.done $0x0  }
0x8f: {  	[sflag:s25] =	ssyncadd.s32 $0xFFFFE800  }
0x90: {  	[spmem:s11] =	stream.linear.scatter [tilespmem:s24], [sflag:$0x3], $0x1800, $0x38;
	[tilespmem:$0x18C00] =	vst v63  }
0x91: {  	_ =	swait.ge [sflag:s25], $0x1800  }
0x92: {  	[sflag:s25] =	ssyncset.done $0x0  }
0x93: {  	[sflag:s25] =	ssyncadd.s32 $0xFFFFE800  }
0x94: {  	[spmem:s12] =	stream.linear.scatter [tilespmem:s24], [sflag:$0x3], $0x1800, $0x38;
	[tilespmem:$0x18C00] =	vst v63  }
0x95: {  	_ =	swait.ge [sflag:s25], $0x1800  }
0x96: {  	[sflag:s25] =	ssyncset.done $0x0  }
0x97: {  	[sflag:s25] =	ssyncadd.s32 $0xFFFFE800  }
0x98: {  	[spmem:s13] =	stream.linear.scatter [tilespmem:s24], [sflag:$0x3], $0x1800, $0x38;
	[tilespmem:$0x18C00] =	vst v63  }
.Ltmp2:
0x99: {  	_ =	swait.ge [sflag:s25], $0x1800;
	(pc) =	sbr.rel @!p0 .LBB2_2-.Ltmp2, $4  }
0x9a: {  	[sflag:s25] =	ssyncset.done $0x0  }
0x9b: {  	[sflag:s25] =	ssyncadd.s32 $0xFFFFE800  }
0x9c: {  	[bflag:$0x0] =	sbarrier.arrive $0xFFFF  }
0x9d: {  	s14 =	sadd.s32 $0x0, s22  }
0x9e: {  	[tilespmem:s3], [sflag:$0x3] =	stream.linear.gather [hbm4b:s14+s3], $0xC8, $0x38;
	[tilespmem:$0x18C00] =	vst v63  }
0x9f: {  	_ =	swait.ge [sflag:s25], $0xC8  }
0xa0: {  	[sflag:s25] =	ssyncset.done $0x0  }
0xa1: {  	s15 =	sadd.s32 $0x0, s23;
	[sflag:s25] =	ssyncadd.s32 $0xFFFFFF38  }
0xa2: {  	[tilespmem:s26], [sflag:$0x3] =	stream.linear.gather [hbm4b:s15+s3], $0xC8, $0x38;
	[tilespmem:$0x18C00] =	vst v63  }
0xa3: {  	_ =	swait.ge [sflag:s25], $0xC8  }
0xa4: {  	[sflag:s25] =	ssyncset.done $0x0  }
0xa5: {  	[sflag:s25] =	ssyncadd.s32 $0xFFFFFF38  }
0xa6: {  	[tilespmem:s29], [sflag:$0x1] =	stream.indirect.gather [hbm4b:s4+s28], $0x80, s3, s28, $0xb8;
	[tilespmem:$0x18C00] =	vst v63  }
0xa7: {  	s17 =	sadd.s32 $0x19, s14  }
0xa8: {  	[tilespmem:s30], [sflag:$0x3] =	stream.linear.gather [hbm4b:s17+s3], $0xC8, $0x38;
	[tilespmem:$0x18C00] =	vst v63  }
0xa9: {  	_ =	swait.ge [sflag:s25], $0xC8  }
0xaa: {  	[sflag:s25] =	ssyncset.done $0x0  }
0xab: {  	s18 =	sadd.s32 $0x19, s15;
	[sflag:s25] =	ssyncadd.s32 $0xFFFFFF38  }
0xac: {  	[tilespmem:s31], [sflag:$0x3] =	stream.linear.gather [hbm4b:s18+s3], $0xC8, $0x38;
	[tilespmem:$0x18C00] =	vst v63  }
0xad: {  	_ =	swait.ge [sflag:s25], $0xC8  }
0xae: {  	[sflag:s25] =	ssyncset.done $0x0  }
0xaf: {  	[sflag:s25] =	ssyncadd.s32 $0xFFFFFF38  }
0xb0: {  	[tilespmem:s0], [sflag:$0x2] =	stream.indirect.gather [hbm4b:s4+s28], $0x80, s30, s28, $0xb8;
	[tilespmem:$0x18C00] =	vst v63  }
0xb1: {  	_ =	swait.ge [sflag:s1], $0x6400  }
0xb2: {  	[sflag:s1] =	ssyncset.done $0x0  }
0xb3: {  	[sflag:s1] =	ssyncadd.s32 $0xFFFF9C00  }
0xb4: {  	[spmem:s2] =	stream.indirect.scatter.add.f32 [tilespmem:s29], [sflag:$0x3], $0x80, s26, s28, $0xb8;
	[tilespmem:$0x18C00] =	vst v63  }
0xb5: {  	_ =	swait.ge [sflag:s25], $0x6400  }
0xb6: {  	[sflag:s25] =	ssyncset.done $0x0  }
0xb7: {  	[sflag:s25] =	ssyncadd.s32 $0xFFFF9C00  }
0xb8: {  	_ =	swait.ge [sflag:s5], $0x6400  }
0xb9: {  	[sflag:s5] =	ssyncset.done $0x0  }
0xba: {  	[sflag:s5] =	ssyncadd.s32 $0xFFFF9C00  }
0xbb: {  	[spmem:s2] =	stream.indirect.scatter.add.f32 [tilespmem:s0], [sflag:$0x3], $0x80, s31, s28, $0xb8;
	[tilespmem:$0x18C00] =	vst v63  }
0xbc: {  	_ =	swait.ge [sflag:s25], $0x6400  }
0xbd: {  	s14 =	simm.s32 $0x32;
	s16 =	simm.s32 $0x64;
	[sflag:s25] =	ssyncset.done $0x0  }
.LBB2_6:
0xbe: {  	s17 =	sadd.s32 s14, s22  }
0xbf: {  	[sflag:s25] =	ssyncadd.s32 $0xFFFF9C00;
	s18 =	smov.u32 s16;
	s15 =	sadd.s32 $0x32, s16  }
0xc0: {  	[tilespmem:s3], [sflag:$0x3] =	stream.linear.gather [hbm4b:s17+s3], $0xC8, $0x38;
	[tilespmem:$0x18C00] =	vst v63  }
0xc1: {  	p1 =	sne.s32 s16, $0x992;
	_ =	swait.ge [sflag:s25], $0xC8  }
0xc2: {  	[sflag:s25] =	ssyncset.done $0x0  }
0xc3: {  	s16 =	sadd.s32 s14, s23;
	s14 =	smov.u32 s18;
	[sflag:s25] =	ssyncadd.s32 $0xFFFFFF38  }
0xc4: {  	[tilespmem:s26], [sflag:$0x3] =	stream.linear.gather [hbm4b:s16+s3], $0xC8, $0x38;
	[tilespmem:$0x18C00] =	vst v63  }
0xc5: {  	_ =	swait.ge [sflag:s25], $0xC8  }
0xc6: {  	[sflag:s25] =	ssyncset.done $0x0  }
0xc7: {  	[sflag:s25] =	ssyncadd.s32 $0xFFFFFF38  }
0xc8: {  	[tilespmem:s29], [sflag:$0x1] =	stream.indirect.gather [hbm4b:s4+s28], $0x80, s3, s28, $0xb8;
	[tilespmem:$0x18C00] =	vst v63  }
0xc9: {  	s17 =	sadd.s32 $0x19, s17  }
0xca: {  	[tilespmem:s30], [sflag:$0x3] =	stream.linear.gather [hbm4b:s17+s3], $0xC8, $0x38;
	[tilespmem:$0x18C00] =	vst v63  }
0xcb: {  	_ =	swait.ge [sflag:s25], $0xC8  }
0xcc: {  	[sflag:s25] =	ssyncset.done $0x0  }
0xcd: {  	s16 =	sadd.s32 $0x19, s16;
	[sflag:s25] =	ssyncadd.s32 $0xFFFFFF38  }
0xce: {  	[tilespmem:s31], [sflag:$0x3] =	stream.linear.gather [hbm4b:s16+s3], $0xC8, $0x38;
	[tilespmem:$0x18C00] =	vst v63  }
0xcf: {  	_ =	swait.ge [sflag:s25], $0xC8  }
0xd0: {  	[sflag:s25] =	ssyncset.done $0x0  }
0xd1: {  	[sflag:s25] =	ssyncadd.s32 $0xFFFFFF38  }
0xd2: {  	[tilespmem:s0], [sflag:$0x2] =	stream.indirect.gather [hbm4b:s4+s28], $0x80, s30, s28, $0xb8;
	[tilespmem:$0x18C00] =	vst v63  }
0xd3: {  	_ =	swait.ge [sflag:s1], $0x6400  }
0xd4: {  	[sflag:s1] =	ssyncset.done $0x0  }
0xd5: {  	[sflag:s1] =	ssyncadd.s32 $0xFFFF9C00  }
0xd6: {  	[spmem:s2] =	stream.indirect.scatter.add.f32 [tilespmem:s29], [sflag:$0x3], $0x80, s26, s28, $0xb8;
	[tilespmem:$0x18C00] =	vst v63  }
0xd7: {  	_ =	swait.ge [sflag:s25], $0x6400  }
0xd8: {  	[sflag:s25] =	ssyncset.done $0x0  }
0xd9: {  	[sflag:s25] =	ssyncadd.s32 $0xFFFF9C00  }
0xda: {  	_ =	swait.ge [sflag:s5], $0x6400  }
.Ltmp3:
0xdb: {  	[sflag:s5] =	ssyncset.done $0x0;
	(pc) =	sbr.rel @p1 .LBB2_6-.Ltmp3, $4  }
0xdc: {  	[sflag:s5] =	ssyncadd.s32 $0xFFFF9C00  }
0xdd: {  	[spmem:s2] =	stream.indirect.scatter.add.f32 [tilespmem:s0], [sflag:$0x3], $0x80, s31, s28, $0xb8;
	[tilespmem:$0x18C00] =	vst v63  }
0xde: {  	_ =	swait.ge [sflag:s25], $0x6400  }
0xdf: {  	s16 =	smov.u32 s15;
	[sflag:s25] =	ssyncset.done $0x0  }
.Ltmp4:
0xe0: {  	_ = 	snop;
	(pc) =	sbr.rel .LBB2_7-.Ltmp4, $1  }
0xe1: {  	_ =	sdelay $0x3  }
.LBB2_2:
0xe2: {  	[tilespmem:s3], [sflag:$0x3] =	stream.linear.gather [hbm4b:s14+s3], $0xC8, $0x38;
	[tilespmem:$0x18C00] =	vst v63  }
0xe3: {  	_ =	swait.ge [sflag:s25], $0xC8  }
0xe4: {  	[sflag:s25] =	ssyncset.done $0x0  }
0xe5: {  	s15 =	sadd.s32 $0x0, s21;
	[sflag:s25] =	ssyncadd.s32 $0xFFFFFF38  }
0xe6: {  	[tilespmem:s26], [sflag:$0x3] =	stream.linear.gather [hbm4b:s15+s3], $0xC8, $0x38;
	[tilespmem:$0x18C00] =	vst v63  }
0xe7: {  	_ =	swait.ge [sflag:s25], $0xC8  }
0xe8: {  	[sflag:s25] =	ssyncset.done $0x0  }
0xe9: {  	[sflag:s25] =	ssyncadd.s32 $0xFFFFFF38  }
0xea: {  	[tilespmem:s29], [sflag:$0x1] =	stream.indirect.gather [hbm4b:s4+s28], $0x80, s3, s28, $0xb8;
	[tilespmem:$0x18C00] =	vst v63  }
0xeb: {  	s17 =	sadd.s32 $0x19, s14  }
0xec: {  	[tilespmem:s30], [sflag:$0x3] =	stream.linear.gather [hbm4b:s17+s3], $0xC8, $0x38;
	[tilespmem:$0x18C00] =	vst v63  }
0xed: {  	_ =	swait.ge [sflag:s25], $0xC8  }
0xee: {  	[sflag:s25] =	ssyncset.done $0x0  }
0xef: {  	s18 =	sadd.s32 $0x19, s15;
	[sflag:s25] =	ssyncadd.s32 $0xFFFFFF38  }
0xf0: {  	[tilespmem:s31], [sflag:$0x3] =	stream.linear.gather [hbm4b:s18+s3], $0xC8, $0x38;
	[tilespmem:$0x18C00] =	vst v63  }
0xf1: {  	_ =	swait.ge [sflag:s25], $0xC8  }
0xf2: {  	[sflag:s25] =	ssyncset.done $0x0  }
0xf3: {  	[sflag:s25] =	ssyncadd.s32 $0xFFFFFF38  }
0xf4: {  	[tilespmem:s0], [sflag:$0x2] =	stream.indirect.gather [hbm4b:s4+s28], $0x80, s30, s28, $0xb8;
	[tilespmem:$0x18C00] =	vst v63  }
0xf5: {  	_ =	swait.ge [sflag:s1], $0x6400  }
0xf6: {  	[sflag:s1] =	ssyncset.done $0x0  }
0xf7: {  	[sflag:s1] =	ssyncadd.s32 $0xFFFF9C00  }
0xf8: {  	[spmem:s2] =	stream.indirect.scatter.add.f32 [tilespmem:s29], [sflag:$0x3], $0x80, s26, s28, $0xb8;
	[tilespmem:$0x18C00] =	vst v63  }
0xf9: {  	_ =	swait.ge [sflag:s25], $0x6400  }
0xfa: {  	[sflag:s25] =	ssyncset.done $0x0  }
0xfb: {  	[sflag:s25] =	ssyncadd.s32 $0xFFFF9C00  }
0xfc: {  	_ =	swait.ge [sflag:s5], $0x6400  }
0xfd: {  	[sflag:s5] =	ssyncset.done $0x0  }
0xfe: {  	[sflag:s5] =	ssyncadd.s32 $0xFFFF9C00  }
0xff: {  	[spmem:s2] =	stream.indirect.scatter.add.f32 [tilespmem:s0], [sflag:$0x3], $0x80, s31, s28, $0xb8;
	[tilespmem:$0x18C00] =	vst v63  }
0x100: {  	_ =	swait.ge [sflag:s25], $0x6400  }
0x101: {  	s14 =	simm.s32 $0x32;
	s15 =	simm.s32 $0x64;
	[sflag:s25] =	ssyncset.done $0x0  }
.LBB2_3:
0x102: {  	s17 =	sadd.s32 s14, s22  }
0x103: {  	[sflag:s25] =	ssyncadd.s32 $0xFFFF9C00;
	s18 =	smov.u32 s15;
	s16 =	sadd.s32 $0x32, s15  }
0x104: {  	[tilespmem:s3], [sflag:$0x3] =	stream.linear.gather [hbm4b:s17+s3], $0xC8, $0x38;
	[tilespmem:$0x18C00] =	vst v63  }
0x105: {  	p1 =	seq.s32 s15, $0x992;
	_ =	swait.ge [sflag:s25], $0xC8  }
0x106: {  	[sflag:s25] =	ssyncset.done $0x0  }
0x107: {  	s15 =	sadd.s32 s14, s21;
	s14 =	smov.u32 s18;
	[sflag:s25] =	ssyncadd.s32 $0xFFFFFF38  }
0x108: {  	[tilespmem:s26], [sflag:$0x3] =	stream.linear.gather [hbm4b:s15+s3], $0xC8, $0x38;
	[tilespmem:$0x18C00] =	vst v63  }
0x109: {  	_ =	swait.ge [sflag:s25], $0xC8  }
0x10a: {  	[sflag:s25] =	ssyncset.done $0x0  }
0x10b: {  	[sflag:s25] =	ssyncadd.s32 $0xFFFFFF38  }
0x10c: {  	[tilespmem:s29], [sflag:$0x1] =	stream.indirect.gather [hbm4b:s4+s28], $0x80, s3, s28, $0xb8;
	[tilespmem:$0x18C00] =	vst v63  }
0x10d: {  	s17 =	sadd.s32 $0x19, s17  }
0x10e: {  	[tilespmem:s30], [sflag:$0x3] =	stream.linear.gather [hbm4b:s17+s3], $0xC8, $0x38;
	[tilespmem:$0x18C00] =	vst v63  }
0x10f: {  	_ =	swait.ge [sflag:s25], $0xC8  }
0x110: {  	[sflag:s25] =	ssyncset.done $0x0  }
0x111: {  	s15 =	sadd.s32 $0x19, s15;
	[sflag:s25] =	ssyncadd.s32 $0xFFFFFF38  }
0x112: {  	[tilespmem:s31], [sflag:$0x3] =	stream.linear.gather [hbm4b:s15+s3], $0xC8, $0x38;
	[tilespmem:$0x18C00] =	vst v63  }
0x113: {  	_ =	swait.ge [sflag:s25], $0xC8  }
0x114: {  	[sflag:s25] =	ssyncset.done $0x0  }
0x115: {  	[sflag:s25] =	ssyncadd.s32 $0xFFFFFF38  }
0x116: {  	[tilespmem:s0], [sflag:$0x2] =	stream.indirect.gather [hbm4b:s4+s28], $0x80, s30, s28, $0xb8;
	[tilespmem:$0x18C00] =	vst v63  }
0x117: {  	_ =	swait.ge [sflag:s1], $0x6400  }
0x118: {  	[sflag:s1] =	ssyncset.done $0x0  }
0x119: {  	[sflag:s1] =	ssyncadd.s32 $0xFFFF9C00  }
0x11a: {  	[spmem:s2] =	stream.indirect.scatter.add.f32 [tilespmem:s29], [sflag:$0x3], $0x80, s26, s28, $0xb8;
	[tilespmem:$0x18C00] =	vst v63  }
0x11b: {  	_ =	swait.ge [sflag:s25], $0x6400  }
0x11c: {  	[sflag:s25] =	ssyncset.done $0x0  }
0x11d: {  	[sflag:s25] =	ssyncadd.s32 $0xFFFF9C00  }
0x11e: {  	_ =	swait.ge [sflag:s5], $0x6400  }
.Ltmp5:
0x11f: {  	[sflag:s5] =	ssyncset.done $0x0;
	(pc) =	sbr.rel @!p1 .LBB2_3-.Ltmp5, $4  }
0x120: {  	[sflag:s5] =	ssyncadd.s32 $0xFFFF9C00  }
0x121: {  	[spmem:s2] =	stream.indirect.scatter.add.f32 [tilespmem:s0], [sflag:$0x3], $0x80, s31, s28, $0xb8;
	[tilespmem:$0x18C00] =	vst v63  }
0x122: {  	_ =	swait.ge [sflag:s25], $0x6400  }
0x123: {  	s15 =	smov.u32 s16;
	[sflag:s25] =	ssyncset.done $0x0  }
0x124: {  	s15 =	sadd.s32 s14, s22;
	[sflag:s25] =	ssyncadd.s32 $0xFFFF9C00  }
0x125: {  	[tilespmem:s3], [sflag:$0x3] =	stream.linear.gather [hbm4b:s15+s3], $0xC8, $0x38;
	[tilespmem:$0x18C00] =	vst v63  }
0x126: {  	_ =	swait.ge [sflag:s25], $0xC8  }
0x127: {  	[sflag:s25] =	ssyncset.done $0x0  }
0x128: {  	s18 =	sadd.s32 s14, s21;
	[sflag:s25] =	ssyncadd.s32 $0xFFFFFF38  }
0x129: {  	[tilespmem:s26], [sflag:$0x3] =	stream.linear.gather [hbm4b:s18+s3], $0xC8, $0x38;
	[tilespmem:$0x18C00] =	vst v63  }
0x12a: {  	_ =	swait.ge [sflag:s25], $0xC8  }
0x12b: {  	[sflag:s25] =	ssyncset.done $0x0  }
0x12c: {  	[sflag:s25] =	ssyncadd.s32 $0xFFFFFF38  }
0x12d: {  	[tilespmem:s29], [sflag:$0x1] =	stream.indirect.gather [hbm4b:s4+s28], $0x80, s3, s28, $0xb8;
	[tilespmem:$0x18C00] =	vst v63  }
0x12e: {  	s15 =	sadd.s32 $0x19, s15  }
0x12f: {  	[tilespmem:s30], [sflag:$0x3] =	stream.linear.gather [hbm4b:s15+s3], $0xC8, $0x38;
	[tilespmem:$0x18C00] =	vst v63  }
0x130: {  	_ =	swait.ge [sflag:s25], $0xC8  }
0x131: {  	[sflag:s25] =	ssyncset.done $0x0  }
0x132: {  	s14 =	sadd.s32 $0x19, s18;
	[sflag:s25] =	ssyncadd.s32 $0xFFFFFF38  }
0x133: {  	[tilespmem:s31], [sflag:$0x3] =	stream.linear.gather [hbm4b:s14+s3], $0xC8, $0x38;
	[tilespmem:$0x18C00] =	vst v63  }
0x134: {  	_ =	swait.ge [sflag:s25], $0xC8  }
0x135: {  	[sflag:s25] =	ssyncset.done $0x0  }
0x136: {  	[sflag:s25] =	ssyncadd.s32 $0xFFFFFF38  }
0x137: {  	[tilespmem:s0], [sflag:$0x2] =	stream.indirect.gather [hbm4b:s4+s28], $0x80, s30, s28, $0xb8;
	[tilespmem:$0x18C00] =	vst v63  }
0x138: {  	_ =	swait.ge [sflag:s1], $0x6400  }
0x139: {  	[sflag:s1] =	ssyncset.done $0x0  }
0x13a: {  	[sflag:s1] =	ssyncadd.s32 $0xFFFF9C00  }
0x13b: {  	[spmem:s2] =	stream.indirect.scatter.add.f32 [tilespmem:s29], [sflag:$0x3], $0x80, s26, s28, $0xb8;
	[tilespmem:$0x18C00] =	vst v63  }
0x13c: {  	_ =	swait.ge [sflag:s25], $0x6400  }
0x13d: {  	[sflag:s25] =	ssyncset.done $0x0  }
0x13e: {  	[sflag:s25] =	ssyncadd.s32 $0xFFFF9C00  }
0x13f: {  	_ =	swait.ge [sflag:s5], $0x6400  }
0x140: {  	[sflag:s5] =	ssyncset.done $0x0  }
.Ltmp6:
0x141: {  	[sflag:s5] =	ssyncadd.s32 $0xFFFF9C00;
	(pc) =	sbr.rel .LBB2_8-.Ltmp6, $4  }
0x142: {  	[spmem:s2] =	stream.indirect.scatter.add.f32 [tilespmem:s0], [sflag:$0x3], $0x80, s31, s28, $0xb8;
	[tilespmem:$0x18C00] =	vst v63  }
0x143: {  	_ =	swait.ge [sflag:s25], $0x6400  }
0x144: {  	[sflag:s25] =	ssyncset.done $0x0  }
0x145: {  	[sflag:s25] =	ssyncadd.s32 $0xFFFF9C00  }
.LBB2_9:
0x146: {  	_ =	sfence.sel $0x180000  }
0x147: {  	[bflag:$0x0] =	sbarrier.arrive $0xFFFF  }
0x148: {  	_ =	strace $0x90000053  }
0x149: {  	s0 =	stileid.u32;
	[bflag:$0x2] =	sbarrier.arrive $0xFFFF  }
0x14a: {  	p0 =	sne.s32 s0, $0x0;
	s0 =	rddreg [dreg:$0x2]  }
0x14b: {  	s0 =	sadd.s32 @!p0 $0x100000, s0  }
0x14c: {  	[sflag:s0] =	ssyncadd.tile.s32 @!p0 $0x1;
	_ =	shalt  }
.Lfunc_end2:
_tile_overlayer_lowered:
.L_overlay_start_2:
0x14d: {  	(tag) =	ssettag $0x2  }
0x14e: {  	s0 =	rddreg [dreg:$0x0];
	s2 =	stileid.u32  }
0x14f: {  	s1 =	rddreg [dreg:$0x1];
	p0 =	sne.s32 s2, $0x0  }
0x150: {  	s3 =	rddreg [dreg:$0x2];
	[bflag:$0x3] =	sbarrier.arrive $0xFFFF;
	s2 =	simm.s32 @!p0 $0x1C03  }
0x151: {  	[timem:s3], [sflag:s2] =	dma.local @!p0 [hbm:s0], s1  }
0x152: {  	s0 =	simm.s32 @!p0 $0x3  }
0x153: {  	_ =	swait.ge @!p0 [sflag:s0], s1  }
0x154: {  	s1 =	ssub.s32 @!p0 $0x0, s1;
	[sflag:s0] =	ssyncset.done @!p0 $0x0  }
0x155: {  	[sflag:s0] =	ssyncadd.s32 @!p0 s1  }
0x156: {  	[bflag:$0x3] =	sbarrier.arrive $0xFFFF  }
0x157: {  	_ =	shalt  }

// kernel: kernel.30.cloned.1.call-start
scs
__scs_entry_jumppad:
0x0: {  	(pc) =	sbr.rel $0x88, $3  }
0x1: {  	(tag) =	ssettag $0x0;
	lr =	simm.s32 $0x1  }
0x2: {  	[smem:$0x3F8B] =	sst lr;
	_ =	strace $0xD0000000  }
0x3: {  	_ = 	snop  }
0x4: {  	_ = 	snop  }
0x5: {  	_ = 	snop  }
0x6: {  	_ = 	snop  }
0x7: {  	_ = 	snop  }
__scs_overlays_trampoline_lowered:
0x8: {  	[smem:$0x3F9A] =	sst s0  }
0x9: {  	[smem:$0x3F9B] =	sst s1  }
0xa: {  	[smem:$0x3F9C] =	sst s2  }
0xb: {  	[smem:$0x3F9D] =	sst s3  }
0xc: {  	[smem:$0x3F9E] =	sst s4  }
0xd: {  	[smem:$0x3F9F] =	sst s5  }
0xe: {  	[smem:$0x3FA0] =	sst s6  }
0xf: {  	[smem:$0x3FA1] =	sst s7  }
0x10: {  	[smem:$0x3FA2] =	sst s8  }
0x11: {  	[smem:$0x3FA3] =	sst s9;
	s0 =	simm.s32 @!p0 $0x0  }
0x12: {  	s1 =	sld [smem:$0x3F89];
	s0 =	simm.s32 @p0 $0x1  }
0x13: {  	[smem:$0x3FA4] =	sst s0;
	s0 =	simm.s32 @!p1 $0x0  }
0x14: {  	s2 =	sld [smem:$0x3F88];
	s0 =	simm.s32 @p1 $0x1  }
0x15: {  	[smem:$0x3FA5] =	sst s0;
	s0 =	simm.s32 @!p2 $0x0  }
0x16: {  	s3 =	sld [smem:$0x3FDB];
	s0 =	simm.s32 @p2 $0x1  }
0x17: {  	s4 =	simm.s32 $0x1BF5;
	[smem:$0x3FA7] =	sst s0  }
0x18: {  	s0 =	sld [smem:$0x3F8A];
	_ =	swait.ge [sflag:s4], $0x0  }
0x19: {  	s7 =	sld [smem:$0x3F8B]  }
0x1a: {  	s8 =	sadd.s32 $0xFFFFE003, lr  }
0x1b: {  	s9 =	sadd.s32 $0xFFFFFEF7, lr;
	s5 =	simm.s32 $0xFFFFFFFF;
	p2 =	slt.u32 s8, $0xFFFFF086  }
0x1c: {  	p1 =	slt.u32 s9, $0xF7A;
	s5 =	simm.s32 @!p2 $0x0  }
0x1d: {  	s5 =	simm.s32 @p1 $0x1;
	p0 =	seq.s32 s7, s2  }
0x1e: {  	s7 =	smul.u32 @!p0 $0xF7A, s2;
	p2 =	seq.s32 @!p0 s5, $0x0  }
0x1f: {  	s9 =	smul.u32 $0xF7A, s1;
	s8 =	simm.s32 @!p0 $0x1BF5;
	p2 =	por !p2, p0  }
0x20: {  	[sflag:s8] =	ssyncset.s32 @!p0 $0xFFFFF086;
	s6 =	sadd.s32 @!p0 s3, s7;
	s7 =	simm.s32 @!p0 $0x108  }
0x21: {  	s3 =	sadd.s32 s3, s9;
	s6 =	sadd.s32 @!p0 $0x88, s6;
	s7 =	simm.s32 @p2 $0x1082  }
0x22: {  	[simem:s7], [sflag:s8] =	dma.local @!p0 [hbm:s6], $0xF7A  }
0x23: {  	s9 =	sor.u32 $0xD0000000, s2;
	s6 =	simm.s32 $0x108;
	_ =	swait.ge @!p0 [sflag:s8], $0x0  }
0x24: {  	s3 =	sadd.s32 $0x88, s3;
	s6 =	simm.s32 @!p1 $0x1082;
	[sflag:s4] =	ssyncset.s32 $0xFFFFF086  }
0x25: {  	[simem:s6], [sflag:s4] =	dma.local [hbm:s3], $0xF7A  }
0x26: {  	[smem:$0x3F8B] =	sst s1;
	(tag) =	ssettag s2;
	_ =	strace s9  }
0x27: {  	s1 =	sld [smem:$0x3F9B]  }
0x28: {  	s2 =	sld [smem:$0x3F9C]  }
0x29: {  	s4 =	sld [smem:$0x3F9E]  }
0x2a: {  	p0 =	seq.s32 s5, $0x0;
	s5 =	sld [smem:$0x3F9F]  }
0x2b: {  	s6 =	sld [smem:$0x3FA0]  }
0x2c: {  	s7 =	sld [smem:$0x3FA1]  }
0x2d: {  	s3 =	simm.s32 $0x108;
	s8 =	sld [smem:$0x3FA2]  }
0x2e: {  	s3 =	simm.s32 @!p0 $0x1082;
	s9 =	sld [smem:$0x3FA3]  }
0x2f: {  	lr =	sadd.s32 s0, s3;
	s0 =	sld [smem:$0x3F9A]  }
0x30: {  	s3 =	sld [smem:$0x3F9D]  }
0x31: {  	[smem:$0x3FA6] =	sst s10  }
0x32: {  	s10 =	sld [smem:$0x3FA4];
	_ =	sdelay $0x3  }
0x33: {  	p0 =	seq.s32 s10, $0x1;
	s10 =	sld [smem:$0x3FA6];
	_ =	sdelay $0x3  }
0x34: {  	[smem:$0x3FA6] =	sst s10  }
0x35: {  	s10 =	sld [smem:$0x3FA5];
	_ =	sdelay $0x3  }
0x36: {  	p1 =	seq.s32 s10, $0x1;
	s10 =	sld [smem:$0x3FA6];
	_ =	sdelay $0x3  }
0x37: {  	[smem:$0x3FA6] =	sst s10  }
0x38: {  	s10 =	sld [smem:$0x3FA7]  }
0x39: {  	_ = 	snop;
	(pc) =	sbr.ind lr, $3  }
0x3a: {  	_ = 	snop  }
0x3b: {  	_ = 	snop  }
0x3c: {  	p2 =	seq.s32 s10, $0x1;
	s10 =	sld [smem:$0x3FA6]  }
0x3d: {  	_ =	shalt  }
0x3e: {  	_ =	shalt  }
0x3f: {  	_ =	shalt  }
0x40: {  	_ =	shalt  }
0x41: {  	_ =	shalt  }
0x42: {  	_ =	shalt  }
0x43: {  	_ =	shalt  }
0x44: {  	_ =	shalt  }
0x45: {  	_ =	shalt  }
0x46: {  	_ =	shalt  }
0x47: {  	_ =	shalt  }
0x48: {  	_ =	shalt  }
0x49: {  	_ =	shalt  }
0x4a: {  	_ =	shalt  }
0x4b: {  	_ =	shalt  }
0x4c: {  	_ =	shalt  }
0x4d: {  	_ =	shalt  }
0x4e: {  	_ =	shalt  }
0x4f: {  	_ =	shalt  }
0x50: {  	_ =	shalt  }
0x51: {  	_ =	shalt  }
0x52: {  	_ =	shalt  }
0x53: {  	_ =	shalt  }
0x54: {  	_ =	shalt  }
0x55: {  	_ =	shalt  }
0x56: {  	_ =	shalt  }
0x57: {  	_ =	shalt  }
0x58: {  	_ =	shalt  }
0x59: {  	_ =	shalt  }
0x5a: {  	_ =	shalt  }
0x5b: {  	_ =	shalt  }
0x5c: {  	_ =	shalt  }
0x5d: {  	_ =	shalt  }
0x5e: {  	_ =	shalt  }
0x5f: {  	_ =	shalt  }
0x60: {  	_ =	shalt  }
0x61: {  	_ =	shalt  }
0x62: {  	_ =	shalt  }
0x63: {  	_ =	shalt  }
0x64: {  	_ =	shalt  }
0x65: {  	_ =	shalt  }
0x66: {  	_ =	shalt  }
0x67: {  	_ =	shalt  }
0x68: {  	_ =	shalt  }
0x69: {  	_ =	shalt  }
0x6a: {  	_ =	shalt  }
0x6b: {  	_ =	shalt  }
0x6c: {  	_ =	shalt  }
0x6d: {  	_ =	shalt  }
0x6e: {  	_ =	shalt  }
0x6f: {  	_ =	shalt  }
0x70: {  	_ =	shalt  }
0x71: {  	_ =	shalt  }
0x72: {  	_ =	shalt  }
0x73: {  	_ =	shalt  }
0x74: {  	_ =	shalt  }
0x75: {  	_ =	shalt  }
0x76: {  	_ =	shalt  }
0x77: {  	_ =	shalt  }
0x78: {  	_ =	shalt  }
0x79: {  	_ =	shalt  }
0x7a: {  	_ =	shalt  }
0x7b: {  	_ =	shalt  }
0x7c: {  	_ =	shalt  }
0x7d: {  	_ =	shalt  }
0x7e: {  	_ =	shalt  }
0x7f: {  	_ =	shalt  }
0x80: {  	_ =	shalt  }
0x81: {  	_ =	shalt  }
0x82: {  	_ =	shalt  }
0x83: {  	_ =	shalt  }
0x84: {  	_ =	shalt  }
0x85: {  	_ =	shalt  }
0x86: {  	_ =	shalt  }
0x87: {  	_ =	shalt  }
.Lfunc_end0:
.L_simem_size_0:
called_computation.5_lowered:
.L_overlay_start_0:
0x88: {  	s2 =	sld [smem:$0x3FD9]  }
0x89: {  	s3 =	sld [smem:$0x3FFE];
	_ =	sdelay $0x1  }
0x8a: {  	s1 =	srdreg.scid  }
0x8b: {  	s0 =	sand.u32 $0x1, s1  }
0x8c: {  	s16 =	sshll.u32 s0, $0xA;
	s2 =	sadd.s32 s3, s2  }
0x8d: {  	s2 =	sadd.s32 s2, s16  }
0x8e: {  	[smem:$0x3FB2] =	sst s2  }
0x8f: {  	_ = 	snop  }
0x90: {  	(tm) =	ssettm $0x1  }
0x91: {  	s17 =	sld [smem:$0x3FFB];
	_ =	sdelay $0x3  }
0x92: {  	_ =	strace s17  }
0x93: {  	s2 =	sld [smem:$0x3FFC];
	_ =	sdelay $0x3  }
0x94: {  	_ =	strace s2  }
0x95: {  	s2 =	sld [smem:$0x3FFD];
	_ =	sdelay $0x3  }
0x96: {  	_ =	strace s2  }
0x97: {  	_ =	strace $0x8FFFFFFF  }
0x98: {  	s18 =	sld [smem:$0x3FDB];
	_ =	sdelay $0x1  }
0x99: {  	s19 =	simm.s32 $_scs_section_size  }
0x9a: {  	s4 =	simm.s32 $_size__tile_overlayer_lowered;
	s5 =	simm.s32 $_tile_overlayer_lowered  }
0x9b: {  	s22 =	simm.s32 $0x1BFF;
	s21 =	sshll.u32 s5, $0x1;
	s2 =	sadd.s32 s19, s18  }
0x9c: {  	s6 =	simm.s32 $0x0;
	s20 =	sshll.u32 s4, $0x1;
	s4 =	sadd.s32 s21, s2  }
0x9d: {  	[timem:s6], [sflag:s22] =	dma.local [hbm:s4], s20  }
0x9e: {  	_ =	swait.ge [sflag:s22], s20  }
0x9f: {  	s3 =	ssub.s32 $0x0, s20;
	[sflag:s22] =	ssyncset.done $0x0  }
0xa0: {  	[sflag:s22] =	ssyncadd.s32 s3;
	_ =	sdelay $0x1  }
0xa1: {  	s23 =	simm.s32 $0x1B8B  }
0xa2: {  	_ =	swait.ge [sflag:s23], $0x1  }
0xa3: {  	[sflag:s23] =	ssyncset.done $0x0  }
0xa4: {  	s25 =	simm.s32 $0x1B8E;
	s24 =	sld [smem:$0x3FFE];
	[sflag:s23] =	ssyncadd.s32 $0xFFFFFFFF  }
0xa5: {  	s26 =	simm.s32 $execute0_lowered;
	[smem:$0x3FD2] =	sst s25  }
0xa6: {  	s4 =	sshll.u32 s26, $0x1;
	_ =	strace $0x80000055;
	[dreg:$0x1] =	wrdreg $0xFFFFFFFF  }
0xa7: {  	s28 =	simm.s32 $_size_execute0_lowered;
	s2 =	sadd.s32 s2, s4;
	[dreg:$0x0] =	wrdreg $0x0  }
0xa8: {  	s4 =	sshll.u32 s28, $0x1;
	[dreg:$0x2] =	wrdreg s2  }
0xa9: {  	[dreg:$0x3] =	wrdreg s4  }
0xaa: {  	[dreg:$0x4] =	wrdreg $0xC0  }
0xab: {  	_ =	task [dreg:s6], $0x5FFFF  }
0xac: {  	[dreg:$0x1] =	wrdreg $0xFFFFFFFF  }
0xad: {  	[dreg:$0x0] =	wrdreg $0x60  }
0xae: {  	[dreg:$0x2] =	wrdreg s24  }
0xaf: {  	[dreg:$0x3] =	wrdreg $0xE4000  }
0xb0: {  	[dreg:$0x4] =	wrdreg $0x9  }
0xb1: {  	_ =	task.clear_ibuf [dreg:s6], $0x5FFFF;
	_ =	strace $0x90000055  }
0xb2: {  	s29 =	simm.s32 $0x9;
	_ =	strace $0x80000057  }
0xb3: {  	_ =	swait.ge [sflag:s29], $0x1  }
0xb4: {  	[sflag:s29] =	ssyncadd.s32 $0xFFFFFFFF  }
0xb5: {  	_ =	strace $0x90000057  }
0xb6: {  	_ =	sfence  }
0xb7: {  	s30 =	sld [smem:$0x0];
	_ =	sdelay $0x2  }
0xb8: {  	s31 =	sshll.u32 s1, $0xD;
	s1 =	sshrl.u32 s1, $0x2  }
0xb9: {  	s3 =	sand.u32 $0x4000, s31;
	s1 =	sadd.s32 s1, s30  }
0xba: {  	s0 =	sor.u32 s3, s0;
	s1 =	sshll.u32 s1, $0x11  }
0xbb: {  	s0 =	sor.u32 s1, s0  }
0xbc: {  	s0 =	sadd.s32 $0x8F2B, s0  }
0xbd: {  	[sflag:s0] =	ssyncadd.remote.s32 $0x1  }
0xbe: {  	_ =	sfence.sel $0xFFFF  }
0xbf: {  	[dreg:$0x0] =	wrdreg $0xFFFFFFFF;
	(pc) =	sbr.abs _section_cstart, $3  }
0xc0: {  	[dreg:$0x1] =	wrdreg $0xFFFFFFFF  }
0xc1: {  	_ =	task.clear_ibuf [dreg:s6], $0x2FFFF;
	_ =	strace $0x9FFFFFFF  }
0xc2: {  	(tm) =	ssettm $0x7FFFFFFF  }
0xc3: {  	_ =	shalt  }
tec
execute0_lowered:
.L_overlay_start_1:
0x0: {  	(tag) =	ssettag $0x1  }
0x1: {  	s0 =	rddreg [dreg:$0x0]  }
0x2: {  	s2 =	rddreg [dreg:$0x1];
	s3 =	simm.s32 $0x0  }
0x3: {  	s9 =	stileid.u32;
	s5 =	srdreg.scid;
	s28 =	simm.s32 $0xC8  }
0x4: {  	s29 =	simm.s32 $0x400;
	s30 =	simm.s32 $0x200;
	s31 =	simm.s32 $0x300  }
0x5: {  	[smem:$0x7FF] =	sst s3;
	s1 =	smul.u32 $0x9C4, s9;
	s4 =	sadd.s32 $0x4D000, s0  }
0x6: {  	s5 =	sand.u32 $0x1, s5;
	s7 =	smul.u32 $0x2A000, s9;
	s8 =	sadd.s32 $0x4CC00, s0  }
0x7: {  	s12 =	smul.u32 $0xA800, s9;
	_ =	strace $0x80000056;
	s6 =	ssub.s32 $0x2, s5  }
0x8: {  	[dreg:$0x3] =	wrdreg s8;
	p0 =	seq.s32 s5, $0x1;
	s5 =	smul.u32 $0xA8000, s5  }
0x9: {  	s1 =	sadd.s32 s1, s0;
	s20 =	sshrl.u32 s6, $0x1;
	s0 =	sadd.s32 $0x75000, s0  }
0xa: {  	s21 =	sshrl.u32 s7, $0x2;
	s22 =	sadd.s32 $0x1800, s12;
	s14 =	sadd.s32 $0x3000, s12  }
0xb: {  	s15 =	sadd.s32 $0x4800, s12;
	s16 =	sadd.s32 $0x6000, s12;
	s18 =	sadd.s32 $0x7800, s12  }
0xc: {  	s19 =	sadd.s32 $0x9000, s12;
	s8 =	ssub.s32 s6, s20;
	s6 =	sadd.s32 s21, s2  }
0xd: {  	s9 =	sadd.s32 s14, s2;
	s10 =	sadd.s32 s15, s2;
	s11 =	sadd.s32 s16, s2  }
0xe: {  	s17 =	sadd.s32 s5, s12;
	s12 =	sadd.s32 s18, s2;
	s13 =	sadd.s32 s19, s2  }
0xf: {  	s7 =	sadd.s32 s5, s22;
	s14 =	sadd.s32 s5, s14;
	s15 =	sadd.s32 s5, s15  }
0x10: {  	s25 =	sadd.s32 s5, s16;
	s26 =	sadd.s32 s5, s18;
	s5 =	sadd.s32 s5, s19  }
0x11: {  	s21 =	sadd.s32 $0x1AE00, s1;
	s8 =	smax.u32 s8, $0x1;
	s17 =	sshrl.u32 s17, $0x3  }
0x12: {  	s7 =	sshrl.u32 s7, $0x3;
	s14 =	sshrl.u32 s14, $0x3;
	s24 =	sshrl.u32 s15, $0x3  }
0x13: {  	s5 =	sshrl.u32 s5, $0x3;
	[dreg:$0x4] =	wrdreg s8;
	s8 =	sadd.s32 s22, s2  }
0x14: {  	s17 =	sadd.s32 s0, s17;
	s7 =	sadd.s32 s0, s7;
	s23 =	sadd.s32 s0, s14  }
0x15: {  	s14 =	sshrl.u32 s26, $0x3;
	s20 =	sadd.s32 s0, s5;
	[dreg:$0x5] =	wrdreg s17  }
0x16: {  	s22 =	sadd.s32 $0x7200, s1;
	s26 =	simm.s32 $0x100;
	[dreg:$0x6] =	wrdreg s7  }
.Ltmp0:
0x17: {  	s5 =	simm.s32 $0x2;
	[dreg:$0x7] =	wrdreg s23;
	(pc) =	sbr.rel .LBB2_1-.Ltmp0, $4  }
0x18: {  	s7 =	sadd.s32 s0, s24;
	s19 =	sadd.s32 s0, s14;
	s23 =	sadd.s32 $0x11000, s1  }
0x19: {  	s24 =	simm.s32 $0xCC00;
	[dreg:$0x8] =	wrdreg s7;
	s7 =	sshrl.u32 s25, $0x3  }
0x1a: {  	s1 =	simm.s32 $0x1;
	s25 =	simm.s32 $0x3;
	s7 =	sadd.s32 s0, s7  }
0x1b: {  	s0 =	simm.s32 $0x6800;
	[dreg:$0x9] =	wrdreg s7;
	s7 =	simm.s32 $0x0  }
.LBB2_7:
0x1c: {  	s15 =	sadd.s32 s14, s22;
	[sflag:s25] =	ssyncadd.s32 $0xFFFF9C00  }
0x1d: {  	[tilespmem:s3], [sflag:$0x3] =	stream.linear.gather [hbm4b:s15+s3], $0xC8, $0x38;
	[tilespmem:$0x18C00] =	vst v63  }
0x1e: {  	_ =	swait.ge [sflag:s25], $0xC8  }
0x1f: {  	[sflag:s25] =	ssyncset.done $0x0  }
0x20: {  	s18 =	sadd.s32 s14, s23;
	[sflag:s25] =	ssyncadd.s32 $0xFFFFFF38  }
0x21: {  	[tilespmem:s26], [sflag:$0x3] =	stream.linear.gather [hbm4b:s18+s3], $0xC8, $0x38;
	[tilespmem:$0x18C00] =	vst v63  }
0x22: {  	_ =	swait.ge [sflag:s25], $0xC8  }
0x23: {  	[sflag:s25] =	ssyncset.done $0x0  }
0x24: {  	[sflag:s25] =	ssyncadd.s32 $0xFFFFFF38  }
0x25: {  	[tilespmem:s29], [sflag:$0x1] =	stream.indirect.gather [hbm4b:s4+s28], $0x80, s3, s28, $0xb8;
	[tilespmem:$0x18C00] =	vst v63  }
0x26: {  	s15 =	sadd.s32 $0x19, s15  }
0x27: {  	[tilespmem:s30], [sflag:$0x3] =	stream.linear.gather [hbm4b:s15+s3], $0xC8, $0x38;
	[tilespmem:$0x18C00] =	vst v63  }
0x28: {  	_ =	swait.ge [sflag:s25], $0xC8  }
0x29: {  	[sflag:s25] =	ssyncset.done $0x0  }
0x2a: {  	s14 =	sadd.s32 $0x19, s18;
	[sflag:s25] =	ssyncadd.s32 $0xFFFFFF38  }
0x2b: {  	[tilespmem:s31], [sflag:$0x3] =	stream.linear.gather [hbm4b:s14+s3], $0xC8, $0x38;
	[tilespmem:$0x18C00] =	vst v63  }
0x2c: {  	_ =	swait.ge [sflag:s25], $0xC8  }
0x2d: {  	[sflag:s25] =	ssyncset.done $0x0  }
0x2e: {  	[sflag:s25] =	ssyncadd.s32 $0xFFFFFF38  }
0x2f: {  	[tilespmem:s0], [sflag:$0x2] =	stream.indirect.gather [hbm4b:s4+s28], $0x80, s30, s28, $0xb8;
	[tilespmem:$0x18C00] =	vst v63  }
0x30: {  	_ =	swait.ge [sflag:s1], $0x6400  }
0x31: {  	[sflag:s1] =	ssyncset.done $0x0  }
0x32: {  	[sflag:s1] =	ssyncadd.s32 $0xFFFF9C00  }
0x33: {  	[spmem:s2] =	stream.indirect.scatter.add.f32 [tilespmem:s29], [sflag:$0x3], $0x80, s26, s28, $0xb8;
	[tilespmem:$0x18C00] =	vst v63  }
0x34: {  	_ =	swait.ge [sflag:s25], $0x6400  }
0x35: {  	[sflag:s25] =	ssyncset.done $0x0  }
0x36: {  	[sflag:s25] =	ssyncadd.s32 $0xFFFF9C00  }
0x37: {  	_ =	swait.ge [sflag:s5], $0x6400  }
0x38: {  	[sflag:s5] =	ssyncset.done $0x0  }
0x39: {  	[sflag:s5] =	ssyncadd.s32 $0xFFFF9C00  }
0x3a: {  	[spmem:s2] =	stream.indirect.scatter.add.f32 [tilespmem:s0], [sflag:$0x3], $0x80, s31, s28, $0xb8;
	[tilespmem:$0x18C00] =	vst v63  }
0x3b: {  	_ =	swait.ge [sflag:s25], $0x6400  }
0x3c: {  	[sflag:s25] =	ssyncset.done $0x0  }
0x3d: {  	[sflag:s25] =	ssyncadd.s32 $0xFFFF9C00  }
.LBB2_8:
0x3e: {  	[bflag:$0x0] =	sbarrier.arrive $0xFFFF  }
0x3f: {  	[tilespmem:s24], [sflag:$0x3] =	stream.linear.gather [spmem:s6], $0x1800, $0x38;
	[tilespmem:$0x18C00] =	vst v63  }
0x40: {  	_ =	swait.ge [sflag:s25], $0x1800  }
0x41: {  	[sflag:s25] =	ssyncset.done $0x0  }
0x42: {  	s14 =	rddreg [dreg:$0x5];
	[sflag:s25] =	ssyncadd.s32 $0xFFFFE800  }
0x43: {  	[hbm4b:s14+s3] =	stream.linear.scatter [tilespmem:s24], [sflag:$0x3], $0x1800, $0x38;
	[tilespmem:$0x18C00] =	vst v63  }
0x44: {  	_ =	swait.ge [sflag:s25], $0x1800  }
0x45: {  	[sflag:s25] =	ssyncset.done $0x0  }
0x46: {  	[sflag:s25] =	ssyncadd.s32 $0xFFFFE800  }
0x47: {  	[tilespmem:s24], [sflag:$0x3] =	stream.linear.gather [spmem:s8], $0x1800, $0x38;
	[tilespmem:$0x18C00] =	vst v63  }
0x48: {  	_ =	swait.ge [sflag:s25], $0x1800  }
0x49: {  	[sflag:s25] =	ssyncset.done $0x0  }
0x4a: {  	s18 =	rddreg [dreg:$0x6];
	[sflag:s25] =	ssyncadd.s32 $0xFFFFE800  }
0x4b: {  	[hbm4b:s18+s3] =	stream.linear.scatter [tilespmem:s24], [sflag:$0x3], $0x1800, $0x38;
	[tilespmem:$0x18C00] =	vst v63  }
0x4c: {  	_ =	swait.ge [sflag:s25], $0x1800  }
0x4d: {  	[sflag:s25] =	ssyncset.done $0x0  }
0x4e: {  	[sflag:s25] =	ssyncadd.s32 $0xFFFFE800  }
0x4f: {  	[tilespmem:s24], [sflag:$0x3] =	stream.linear.gather [spmem:s9], $0x1800, $0x38;
	[tilespmem:$0x18C00] =	vst v63  }
0x50: {  	_ =	swait.ge [sflag:s25], $0x1800  }
0x51: {  	[sflag:s25] =	ssyncset.done $0x0  }
0x52: {  	s15 =	rddreg [dreg:$0x7];
	[sflag:s25] =	ssyncadd.s32 $0xFFFFE800  }
0x53: {  	[hbm4b:s15+s3] =	stream.linear.scatter [tilespmem:s24], [sflag:$0x3], $0x1800, $0x38;
	[tilespmem:$0x18C00] =	vst v63  }
0x54: {  	_ =	swait.ge [sflag:s25], $0x1800  }
0x55: {  	[sflag:s25] =	ssyncset.done $0x0  }
0x56: {  	[sflag:s25] =	ssyncadd.s32 $0xFFFFE800  }
0x57: {  	[tilespmem:s24], [sflag:$0x3] =	stream.linear.gather [spmem:s10], $0x1800, $0x38;
	[tilespmem:$0x18C00] =	vst v63  }
0x58: {  	_ =	swait.ge [sflag:s25], $0x1800  }
0x59: {  	[sflag:s25] =	ssyncset.done $0x0  }
0x5a: {  	s16 =	rddreg [dreg:$0x8];
	[sflag:s25] =	ssyncadd.s32 $0xFFFFE800  }
0x5b: {  	[hbm4b:s16+s3] =	stream.linear.scatter [tilespmem:s24], [sflag:$0x3], $0x1800, $0x38;
	[tilespmem:$0x18C00] =	vst v63  }
0x5c: {  	_ =	swait.ge [sflag:s25], $0x1800  }
0x5d: {  	[sflag:s25] =	ssyncset.done $0x0  }
0x5e: {  	[sflag:s25] =	ssyncadd.s32 $0xFFFFE800  }
0x5f: {  	[tilespmem:s24], [sflag:$0x3] =	stream.linear.gather [spmem:s11], $0x1800, $0x38;
	[tilespmem:$0x18C00] =	vst v63  }
0x60: {  	_ =	swait.ge [sflag:s25], $0x1800  }
0x61: {  	[sflag:s25] =	ssyncset.done $0x0  }
0x62: {  	s17 =	rddreg [dreg:$0x9];
	[sflag:s25] =	ssyncadd.s32 $0xFFFFE800  }
0x63: {  	[hbm4b:s17+s3] =	stream.linear.scatter [tilespmem:s24], [sflag:$0x3], $0x1800, $0x38;
	[tilespmem:$0x18C00] =	vst v63  }
0x64: {  	_ =	swait.ge [sflag:s25], $0x1800  }
0x65: {  	[sflag:s25] =	ssyncset.done $0x0  }
0x66: {  	[sflag:s25] =	ssyncadd.s32 $0xFFFFE800  }
0x67: {  	[tilespmem:s24], [sflag:$0x3] =	stream.linear.gather [spmem:s12], $0x1800, $0x38;
	[tilespmem:$0x18C00] =	vst v63  }
0x68: {  	_ =	swait.ge [sflag:s25], $0x1800  }
0x69: {  	[sflag:s25] =	ssyncset.done $0x0  }
0x6a: {  	[sflag:s25] =	ssyncadd.s32 $0xFFFFE800  }
0x6b: {  	[hbm4b:s19+s3] =	stream.linear.scatter [tilespmem:s24], [sflag:$0x3], $0x1800, $0x38;
	[tilespmem:$0x18C00] =	vst v63  }
0x6c: {  	_ =	swait.ge [sflag:s25], $0x1800  }
0x6d: {  	[sflag:s25] =	ssyncset.done $0x0  }
0x6e: {  	[sflag:s25] =	ssyncadd.s32 $0xFFFFE800  }
0x6f: {  	[tilespmem:s24], [sflag:$0x3] =	stream.linear.gather [spmem:s13], $0x1800, $0x38;
	[tilespmem:$0x18C00] =	vst v63  }
0x70: {  	_ =	swait.ge [sflag:s25], $0x1800  }
0x71: {  	[sflag:s25] =	ssyncset.done $0x0  }
0x72: {  	[sflag:s25] =	ssyncadd.s32 $0xFFFFE800  }
0x73: {  	[hbm4b:s20+s3] =	stream.linear.scatter [tilespmem:s24], [sflag:$0x3], $0x1800, $0x38;
	[tilespmem:$0x18C00] =	vst v63  }
0x74: {  	_ =	swait.ge [sflag:s25], $0x1800  }
0x75: {  	s7 =	sadd.s32 $0x1, s7;
	s18 =	rddreg [dreg:$0x4]  }
0x76: {  	p1 =	sne.s32 s7, s18  }
.Ltmp1:
0x77: {  	_ = 	snop;
	(pc) =	sbr.rel @!p1 .LBB2_9-.Ltmp1, $3  }
0x78: {  	_ =	sdelay $0x1  }
0x79: {  	[sflag:s25] =	ssyncset.done $0x0  }
0x7a: {  	[sflag:s25] =	ssyncadd.s32 $0xFFFFE800  }
.LBB2_1:
0x7b: {  	s14 =	rddreg [dreg:$0x3]  }
0x7c: {  	[tilespmem:s24], [sflag:$0x3] =	stream.linear.gather [hbm4b:s14+s3], $0x1800, $0x38;
	[tilespmem:$0x18C00] =	vst v63  }
0x7d: {  	_ =	swait.ge [sflag:s25], $0x1800  }
0x7e: {  	[sflag:s25] =	ssyncset.done $0x0  }
0x7f: {  	[sflag:s25] =	ssyncadd.s32 $0xFFFFE800  }
0x80: {  	[spmem:s6] =	stream.linear.scatter [tilespmem:s24], [sflag:$0x3], $0x1800, $0x38;
	[tilespmem:$0x18C00] =	vst v63  }
0x81: {  	_ =	swait.ge [sflag:s25], $0x1800  }
0x82: {  	[sflag:s25] =	ssyncset.done $0x0  }
0x83: {  	[sflag:s25] =	ssyncadd.s32 $0xFFFFE800  }
0x84: {  	[spmem:s8] =	stream.linear.scatter [tilespmem:s24], [sflag:$0x3], $0x1800, $0x38;
	[tilespmem:$0x18C00] =	vst v63  }
0x85: {  	_ =	swait.ge [sflag:s25], $0x1800  }
0x86: {  	[sflag:s25] =	ssyncset.done $0x0  }
0x87: {  	[sflag:s25] =	ssyncadd.s32 $0xFFFFE800  }
0x88: {  	[spmem:s9] =	stream.linear.scatter [tilespmem:s24], [sflag:$0x3], $0x1800, $0x38;
	[tilespmem:$0x18C00] =	vst v63  }
0x89: {  	_ =	swait.ge [sflag:s25], $0x1800  }
0x8a: {  	[sflag:s25] =	ssyncset.done $0x0  }
0x8b: {  	[sflag:s25] =	ssyncadd.s32 $0xFFFFE800  }
0x8c: {  	[spmem:s10] =	stream.linear.scatter [tilespmem:s24], [sflag:$0x3], $0x1800, $0x38;
	[tilespmem:$0x18C00] =	vst v63  }
0x8d: {  	_ =	swait.ge [sflag:s25], $0x1800  }
0x8e: {  	[sflag:s25] =	ssyncset.done $0x0  }
0x8f: {  	[sflag:s25] =	ssyncadd.s32 $0xFFFFE800  }
0x90: {  	[spmem:s11] =	stream.linear.scatter [tilespmem:s24], [sflag:$0x3], $0x1800, $0x38;
	[tilespmem:$0x18C00] =	vst v63  }
0x91: {  	_ =	swait.ge [sflag:s25], $0x1800  }
0x92: {  	[sflag:s25] =	ssyncset.done $0x0  }
0x93: {  	[sflag:s25] =	ssyncadd.s32 $0xFFFFE800  }
0x94: {  	[spmem:s12] =	stream.linear.scatter [tilespmem:s24], [sflag:$0x3], $0x1800, $0x38;
	[tilespmem:$0x18C00] =	vst v63  }
0x95: {  	_ =	swait.ge [sflag:s25], $0x1800  }
0x96: {  	[sflag:s25] =	ssyncset.done $0x0  }
0x97: {  	[sflag:s25] =	ssyncadd.s32 $0xFFFFE800  }
0x98: {  	[spmem:s13] =	stream.linear.scatter [tilespmem:s24], [sflag:$0x3], $0x1800, $0x38;
	[tilespmem:$0x18C00] =	vst v63  }
.Ltmp2:
0x99: {  	_ =	swait.ge [sflag:s25], $0x1800;
	(pc) =	sbr.rel @!p0 .LBB2_2-.Ltmp2, $4  }
0x9a: {  	[sflag:s25] =	ssyncset.done $0x0  }
0x9b: {  	[sflag:s25] =	ssyncadd.s32 $0xFFFFE800  }
0x9c: {  	[bflag:$0x0] =	sbarrier.arrive $0xFFFF  }
0x9d: {  	s14 =	sadd.s32 $0x0, s22  }
0x9e: {  	[tilespmem:s3], [sflag:$0x3] =	stream.linear.gather [hbm4b:s14+s3], $0xC8, $0x38;
	[tilespmem:$0x18C00] =	vst v63  }
0x9f: {  	_ =	swait.ge [sflag:s25], $0xC8  }
0xa0: {  	[sflag:s25] =	ssyncset.done $0x0  }
0xa1: {  	s15 =	sadd.s32 $0x0, s23;
	[sflag:s25] =	ssyncadd.s32 $0xFFFFFF38  }
0xa2: {  	[tilespmem:s26], [sflag:$0x3] =	stream.linear.gather [hbm4b:s15+s3], $0xC8, $0x38;
	[tilespmem:$0x18C00] =	vst v63  }
0xa3: {  	_ =	swait.ge [sflag:s25], $0xC8  }
0xa4: {  	[sflag:s25] =	ssyncset.done $0x0  }
0xa5: {  	[sflag:s25] =	ssyncadd.s32 $0xFFFFFF38  }
0xa6: {  	[tilespmem:s29], [sflag:$0x1] =	stream.indirect.gather [hbm4b:s4+s28], $0x80, s3, s28, $0xb8;
	[tilespmem:$0x18C00] =	vst v63  }
0xa7: {  	s17 =	sadd.s32 $0x19, s14  }
0xa8: {  	[tilespmem:s30], [sflag:$0x3] =	stream.linear.gather [hbm4b:s17+s3], $0xC8, $0x38;
	[tilespmem:$0x18C00] =	vst v63  }
0xa9: {  	_ =	swait.ge [sflag:s25], $0xC8  }
0xaa: {  	[sflag:s25] =	ssyncset.done $0x0  }
0xab: {  	s18 =	sadd.s32 $0x19, s15;
	[sflag:s25] =	ssyncadd.s32 $0xFFFFFF38  }
0xac: {  	[tilespmem:s31], [sflag:$0x3] =	stream.linear.gather [hbm4b:s18+s3], $0xC8, $0x38;
	[tilespmem:$0x18C00] =	vst v63  }
0xad: {  	_ =	swait.ge [sflag:s25], $0xC8  }
0xae: {  	[sflag:s25] =	ssyncset.done $0x0  }
0xaf: {  	[sflag:s25] =	ssyncadd.s32 $0xFFFFFF38  }
0xb0: {  	[tilespmem:s0], [sflag:$0x2] =	stream.indirect.gather [hbm4b:s4+s28], $0x80, s30, s28, $0xb8;
	[tilespmem:$0x18C00] =	vst v63  }
0xb1: {  	_ =	swait.ge [sflag:s1], $0x6400  }
0xb2: {  	[sflag:s1] =	ssyncset.done $0x0  }
0xb3: {  	[sflag:s1] =	ssyncadd.s32 $0xFFFF9C00  }
0xb4: {  	[spmem:s2] =	stream.indirect.scatter.add.f32 [tilespmem:s29], [sflag:$0x3], $0x80, s26, s28, $0xb8;
	[tilespmem:$0x18C00] =	vst v63  }
0xb5: {  	_ =	swait.ge [sflag:s25], $0x6400  }
0xb6: {  	[sflag:s25] =	ssyncset.done $0x0  }
0xb7: {  	[sflag:s25] =	ssyncadd.s32 $0xFFFF9C00  }
0xb8: {  	_ =	swait.ge [sflag:s5], $0x6400  }
0xb9: {  	[sflag:s5] =	ssyncset.done $0x0  }
0xba: {  	[sflag:s5] =	ssyncadd.s32 $0xFFFF9C00  }
0xbb: {  	[spmem:s2] =	stream.indirect.scatter.add.f32 [tilespmem:s0], [sflag:$0x3], $0x80, s31, s28, $0xb8;
	[tilespmem:$0x18C00] =	vst v63  }
0xbc: {  	_ =	swait.ge [sflag:s25], $0x6400  }
0xbd: {  	s14 =	simm.s32 $0x32;
	s16 =	simm.s32 $0x64;
	[sflag:s25] =	ssyncset.done $0x0  }
.LBB2_6:
0xbe: {  	s17 =	sadd.s32 s14, s22  }
0xbf: {  	[sflag:s25] =	ssyncadd.s32 $0xFFFF9C00;
	s18 =	smov.u32 s16;
	s15 =	sadd.s32 $0x32, s16  }
0xc0: {  	[tilespmem:s3], [sflag:$0x3] =	stream.linear.gather [hbm4b:s17+s3], $0xC8, $0x38;
	[tilespmem:$0x18C00] =	vst v63  }
0xc1: {  	p1 =	sne.s32 s16, $0x992;
	_ =	swait.ge [sflag:s25], $0xC8  }
0xc2: {  	[sflag:s25] =	ssyncset.done $0x0  }
0xc3: {  	s16 =	sadd.s32 s14, s23;
	s14 =	smov.u32 s18;
	[sflag:s25] =	ssyncadd.s32 $0xFFFFFF38  }
0xc4: {  	[tilespmem:s26], [sflag:$0x3] =	stream.linear.gather [hbm4b:s16+s3], $0xC8, $0x38;
	[tilespmem:$0x18C00] =	vst v63  }
0xc5: {  	_ =	swait.ge [sflag:s25], $0xC8  }
0xc6: {  	[sflag:s25] =	ssyncset.done $0x0  }
0xc7: {  	[sflag:s25] =	ssyncadd.s32 $0xFFFFFF38  }
0xc8: {  	[tilespmem:s29], [sflag:$0x1] =	stream.indirect.gather [hbm4b:s4+s28], $0x80, s3, s28, $0xb8;
	[tilespmem:$0x18C00] =	vst v63  }
0xc9: {  	s17 =	sadd.s32 $0x19, s17  }
0xca: {  	[tilespmem:s30], [sflag:$0x3] =	stream.linear.gather [hbm4b:s17+s3], $0xC8, $0x38;
	[tilespmem:$0x18C00] =	vst v63  }
0xcb: {  	_ =	swait.ge [sflag:s25], $0xC8  }
0xcc: {  	[sflag:s25] =	ssyncset.done $0x0  }
0xcd: {  	s16 =	sadd.s32 $0x19, s16;
	[sflag:s25] =	ssyncadd.s32 $0xFFFFFF38  }
0xce: {  	[tilespmem:s31], [sflag:$0x3] =	stream.linear.gather [hbm4b:s16+s3], $0xC8, $0x38;
	[tilespmem:$0x18C00] =	vst v63  }
0xcf: {  	_ =	swait.ge [sflag:s25], $0xC8  }
0xd0: {  	[sflag:s25] =	ssyncset.done $0x0  }
0xd1: {  	[sflag:s25] =	ssyncadd.s32 $0xFFFFFF38  }
0xd2: {  	[tilespmem:s0], [sflag:$0x2] =	stream.indirect.gather [hbm4b:s4+s28], $0x80, s30, s28, $0xb8;
	[tilespmem:$0x18C00] =	vst v63  }
0xd3: {  	_ =	swait.ge [sflag:s1], $0x6400  }
0xd4: {  	[sflag:s1] =	ssyncset.done $0x0  }
0xd5: {  	[sflag:s1] =	ssyncadd.s32 $0xFFFF9C00  }
0xd6: {  	[spmem:s2] =	stream.indirect.scatter.add.f32 [tilespmem:s29], [sflag:$0x3], $0x80, s26, s28, $0xb8;
	[tilespmem:$0x18C00] =	vst v63  }
0xd7: {  	_ =	swait.ge [sflag:s25], $0x6400  }
0xd8: {  	[sflag:s25] =	ssyncset.done $0x0  }
0xd9: {  	[sflag:s25] =	ssyncadd.s32 $0xFFFF9C00  }
0xda: {  	_ =	swait.ge [sflag:s5], $0x6400  }
.Ltmp3:
0xdb: {  	[sflag:s5] =	ssyncset.done $0x0;
	(pc) =	sbr.rel @p1 .LBB2_6-.Ltmp3, $4  }
0xdc: {  	[sflag:s5] =	ssyncadd.s32 $0xFFFF9C00  }
0xdd: {  	[spmem:s2] =	stream.indirect.scatter.add.f32 [tilespmem:s0], [sflag:$0x3], $0x80, s31, s28, $0xb8;
	[tilespmem:$0x18C00] =	vst v63  }
0xde: {  	_ =	swait.ge [sflag:s25], $0x6400  }
0xdf: {  	s16 =	smov.u32 s15;
	[sflag:s25] =	ssyncset.done $0x0  }
.Ltmp4:
0xe0: {  	_ = 	snop;
	(pc) =	sbr.rel .LBB2_7-.Ltmp4, $1  }
0xe1: {  	_ =	sdelay $0x3  }
.LBB2_2:
0xe2: {  	[tilespmem:s3], [sflag:$0x3] =	stream.linear.gather [hbm4b:s14+s3], $0xC8, $0x38;
	[tilespmem:$0x18C00] =	vst v63  }
0xe3: {  	_ =	swait.ge [sflag:s25], $0xC8  }
0xe4: {  	[sflag:s25] =	ssyncset.done $0x0  }
0xe5: {  	s15 =	sadd.s32 $0x0, s21;
	[sflag:s25] =	ssyncadd.s32 $0xFFFFFF38  }
0xe6: {  	[tilespmem:s26], [sflag:$0x3] =	stream.linear.gather [hbm4b:s15+s3], $0xC8, $0x38;
	[tilespmem:$0x18C00] =	vst v63  }
0xe7: {  	_ =	swait.ge [sflag:s25], $0xC8  }
0xe8: {  	[sflag:s25] =	ssyncset.done $0x0  }
0xe9: {  	[sflag:s25] =	ssyncadd.s32 $0xFFFFFF38  }
0xea: {  	[tilespmem:s29], [sflag:$0x1] =	stream.indirect.gather [hbm4b:s4+s28], $0x80, s3, s28, $0xb8;
	[tilespmem:$0x18C00] =	vst v63  }
0xeb: {  	s17 =	sadd.s32 $0x19, s14  }
0xec: {  	[tilespmem:s30], [sflag:$0x3] =	stream.linear.gather [hbm4b:s17+s3], $0xC8, $0x38;
	[tilespmem:$0x18C00] =	vst v63  }
0xed: {  	_ =	swait.ge [sflag:s25], $0xC8  }
0xee: {  	[sflag:s25] =	ssyncset.done $0x0  }
0xef: {  	s18 =	sadd.s32 $0x19, s15;
	[sflag:s25] =	ssyncadd.s32 $0xFFFFFF38  }
0xf0: {  	[tilespmem:s31], [sflag:$0x3] =	stream.linear.gather [hbm4b:s18+s3], $0xC8, $0x38;
	[tilespmem:$0x18C00] =	vst v63  }
0xf1: {  	_ =	swait.ge [sflag:s25], $0xC8  }
0xf2: {  	[sflag:s25] =	ssyncset.done $0x0  }
0xf3: {  	[sflag:s25] =	ssyncadd.s32 $0xFFFFFF38  }
0xf4: {  	[tilespmem:s0], [sflag:$0x2] =	stream.indirect.gather [hbm4b:s4+s28], $0x80, s30, s28, $0xb8;
	[tilespmem:$0x18C00] =	vst v63  }
0xf5: {  	_ =	swait.ge [sflag:s1], $0x6400  }
0xf6: {  	[sflag:s1] =	ssyncset.done $0x0  }
0xf7: {  	[sflag:s1] =	ssyncadd.s32 $0xFFFF9C00  }
0xf8: {  	[spmem:s2] =	stream.indirect.scatter.add.f32 [tilespmem:s29], [sflag:$0x3], $0x80, s26, s28, $0xb8;
	[tilespmem:$0x18C00] =	vst v63  }
0xf9: {  	_ =	swait.ge [sflag:s25], $0x6400  }
0xfa: {  	[sflag:s25] =	ssyncset.done $0x0  }
0xfb: {  	[sflag:s25] =	ssyncadd.s32 $0xFFFF9C00  }
0xfc: {  	_ =	swait.ge [sflag:s5], $0x6400  }
0xfd: {  	[sflag:s5] =	ssyncset.done $0x0  }
0xfe: {  	[sflag:s5] =	ssyncadd.s32 $0xFFFF9C00  }
0xff: {  	[spmem:s2] =	stream.indirect.scatter.add.f32 [tilespmem:s0], [sflag:$0x3], $0x80, s31, s28, $0xb8;
	[tilespmem:$0x18C00] =	vst v63  }
0x100: {  	_ =	swait.ge [sflag:s25], $0x6400  }
0x101: {  	s14 =	simm.s32 $0x32;
	s15 =	simm.s32 $0x64;
	[sflag:s25] =	ssyncset.done $0x0  }
.LBB2_3:
0x102: {  	s17 =	sadd.s32 s14, s22  }
0x103: {  	[sflag:s25] =	ssyncadd.s32 $0xFFFF9C00;
	s18 =	smov.u32 s15;
	s16 =	sadd.s32 $0x32, s15  }
0x104: {  	[tilespmem:s3], [sflag:$0x3] =	stream.linear.gather [hbm4b:s17+s3], $0xC8, $0x38;
	[tilespmem:$0x18C00] =	vst v63  }
0x105: {  	p1 =	seq.s32 s15, $0x992;
	_ =	swait.ge [sflag:s25], $0xC8  }
0x106: {  	[sflag:s25] =	ssyncset.done $0x0  }
0x107: {  	s15 =	sadd.s32 s14, s21;
	s14 =	smov.u32 s18;
	[sflag:s25] =	ssyncadd.s32 $0xFFFFFF38  }
0x108: {  	[tilespmem:s26], [sflag:$0x3] =	stream.linear.gather [hbm4b:s15+s3], $0xC8, $0x38;
	[tilespmem:$0x18C00] =	vst v63  }
0x109: {  	_ =	swait.ge [sflag:s25], $0xC8  }
0x10a: {  	[sflag:s25] =	ssyncset.done $0x0  }
0x10b: {  	[sflag:s25] =	ssyncadd.s32 $0xFFFFFF38  }
0x10c: {  	[tilespmem:s29], [sflag:$0x1] =	stream.indirect.gather [hbm4b:s4+s28], $0x80, s3, s28, $0xb8;
	[tilespmem:$0x18C00] =	vst v63  }
0x10d: {  	s17 =	sadd.s32 $0x19, s17  }
0x10e: {  	[tilespmem:s30], [sflag:$0x3] =	stream.linear.gather [hbm4b:s17+s3], $0xC8, $0x38;
	[tilespmem:$0x18C00] =	vst v63  }
0x10f: {  	_ =	swait.ge [sflag:s25], $0xC8  }
0x110: {  	[sflag:s25] =	ssyncset.done $0x0  }
0x111: {  	s15 =	sadd.s32 $0x19, s15;
	[sflag:s25] =	ssyncadd.s32 $0xFFFFFF38  }
0x112: {  	[tilespmem:s31], [sflag:$0x3] =	stream.linear.gather [hbm4b:s15+s3], $0xC8, $0x38;
	[tilespmem:$0x18C00] =	vst v63  }
0x113: {  	_ =	swait.ge [sflag:s25], $0xC8  }
0x114: {  	[sflag:s25] =	ssyncset.done $0x0  }
0x115: {  	[sflag:s25] =	ssyncadd.s32 $0xFFFFFF38  }
0x116: {  	[tilespmem:s0], [sflag:$0x2] =	stream.indirect.gather [hbm4b:s4+s28], $0x80, s30, s28, $0xb8;
	[tilespmem:$0x18C00] =	vst v63  }
0x117: {  	_ =	swait.ge [sflag:s1], $0x6400  }
0x118: {  	[sflag:s1] =	ssyncset.done $0x0  }
0x119: {  	[sflag:s1] =	ssyncadd.s32 $0xFFFF9C00  }
0x11a: {  	[spmem:s2] =	stream.indirect.scatter.add.f32 [tilespmem:s29], [sflag:$0x3], $0x80, s26, s28, $0xb8;
	[tilespmem:$0x18C00] =	vst v63  }
0x11b: {  	_ =	swait.ge [sflag:s25], $0x6400  }
0x11c: {  	[sflag:s25] =	ssyncset.done $0x0  }
0x11d: {  	[sflag:s25] =	ssyncadd.s32 $0xFFFF9C00  }
0x11e: {  	_ =	swait.ge [sflag:s5], $0x6400  }
.Ltmp5:
0x11f: {  	[sflag:s5] =	ssyncset.done $0x0;
	(pc) =	sbr.rel @!p1 .LBB2_3-.Ltmp5, $4  }
0x120: {  	[sflag:s5] =	ssyncadd.s32 $0xFFFF9C00  }
0x121: {  	[spmem:s2] =	stream.indirect.scatter.add.f32 [tilespmem:s0], [sflag:$0x3], $0x80, s31, s28, $0xb8;
	[tilespmem:$0x18C00] =	vst v63  }
0x122: {  	_ =	swait.ge [sflag:s25], $0x6400  }
0x123: {  	s15 =	smov.u32 s16;
	[sflag:s25] =	ssyncset.done $0x0  }
0x124: {  	s15 =	sadd.s32 s14, s22;
	[sflag:s25] =	ssyncadd.s32 $0xFFFF9C00  }
0x125: {  	[tilespmem:s3], [sflag:$0x3] =	stream.linear.gather [hbm4b:s15+s3], $0xC8, $0x38;
	[tilespmem:$0x18C00] =	vst v63  }
0x126: {  	_ =	swait.ge [sflag:s25], $0xC8  }
0x127: {  	[sflag:s25] =	ssyncset.done $0x0  }
0x128: {  	s18 =	sadd.s32 s14, s21;
	[sflag:s25] =	ssyncadd.s32 $0xFFFFFF38  }
0x129: {  	[tilespmem:s26], [sflag:$0x3] =	stream.linear.gather [hbm4b:s18+s3], $0xC8, $0x38;
	[tilespmem:$0x18C00] =	vst v63  }
0x12a: {  	_ =	swait.ge [sflag:s25], $0xC8  }
0x12b: {  	[sflag:s25] =	ssyncset.done $0x0  }
0x12c: {  	[sflag:s25] =	ssyncadd.s32 $0xFFFFFF38  }
0x12d: {  	[tilespmem:s29], [sflag:$0x1] =	stream.indirect.gather [hbm4b:s4+s28], $0x80, s3, s28, $0xb8;
	[tilespmem:$0x18C00] =	vst v63  }
0x12e: {  	s15 =	sadd.s32 $0x19, s15  }
0x12f: {  	[tilespmem:s30], [sflag:$0x3] =	stream.linear.gather [hbm4b:s15+s3], $0xC8, $0x38;
	[tilespmem:$0x18C00] =	vst v63  }
0x130: {  	_ =	swait.ge [sflag:s25], $0xC8  }
0x131: {  	[sflag:s25] =	ssyncset.done $0x0  }
0x132: {  	s14 =	sadd.s32 $0x19, s18;
	[sflag:s25] =	ssyncadd.s32 $0xFFFFFF38  }
0x133: {  	[tilespmem:s31], [sflag:$0x3] =	stream.linear.gather [hbm4b:s14+s3], $0xC8, $0x38;
	[tilespmem:$0x18C00] =	vst v63  }
0x134: {  	_ =	swait.ge [sflag:s25], $0xC8  }
0x135: {  	[sflag:s25] =	ssyncset.done $0x0  }
0x136: {  	[sflag:s25] =	ssyncadd.s32 $0xFFFFFF38  }
0x137: {  	[tilespmem:s0], [sflag:$0x2] =	stream.indirect.gather [hbm4b:s4+s28], $0x80, s30, s28, $0xb8;
	[tilespmem:$0x18C00] =	vst v63  }
0x138: {  	_ =	swait.ge [sflag:s1], $0x6400  }
0x139: {  	[sflag:s1] =	ssyncset.done $0x0  }
0x13a: {  	[sflag:s1] =	ssyncadd.s32 $0xFFFF9C00  }
0x13b: {  	[spmem:s2] =	stream.indirect.scatter.add.f32 [tilespmem:s29], [sflag:$0x3], $0x80, s26, s28, $0xb8;
	[tilespmem:$0x18C00] =	vst v63  }
0x13c: {  	_ =	swait.ge [sflag:s25], $0x6400  }
0x13d: {  	[sflag:s25] =	ssyncset.done $0x0  }
0x13e: {  	[sflag:s25] =	ssyncadd.s32 $0xFFFF9C00  }
0x13f: {  	_ =	swait.ge [sflag:s5], $0x6400  }
0x140: {  	[sflag:s5] =	ssyncset.done $0x0  }
.Ltmp6:
0x141: {  	[sflag:s5] =	ssyncadd.s32 $0xFFFF9C00;
	(pc) =	sbr.rel .LBB2_8-.Ltmp6, $4  }
0x142: {  	[spmem:s2] =	stream.indirect.scatter.add.f32 [tilespmem:s0], [sflag:$0x3], $0x80, s31, s28, $0xb8;
	[tilespmem:$0x18C00] =	vst v63  }
0x143: {  	_ =	swait.ge [sflag:s25], $0x6400  }
0x144: {  	[sflag:s25] =	ssyncset.done $0x0  }
0x145: {  	[sflag:s25] =	ssyncadd.s32 $0xFFFF9C00  }
.LBB2_9:
0x146: {  	_ =	sfence.sel $0x180000  }
0x147: {  	[bflag:$0x0] =	sbarrier.arrive $0xFFFF  }
0x148: {  	_ =	strace $0x90000056  }
0x149: {  	s0 =	stileid.u32;
	[bflag:$0x2] =	sbarrier.arrive $0xFFFF  }
0x14a: {  	p0 =	sne.s32 s0, $0x0;
	s0 =	rddreg [dreg:$0x2]  }
0x14b: {  	s0 =	sadd.s32 @!p0 $0x100000, s0  }
0x14c: {  	[sflag:s0] =	ssyncadd.tile.s32 @!p0 $0x1;
	_ =	shalt  }
.Lfunc_end2:
_tile_overlayer_lowered:
.L_overlay_start_2:
0x14d: {  	(tag) =	ssettag $0x2  }
0x14e: {  	s0 =	rddreg [dreg:$0x0];
	s2 =	stileid.u32  }
0x14f: {  	s1 =	rddreg [dreg:$0x1];
	p0 =	sne.s32 s2, $0x0  }
0x150: {  	s3 =	rddreg [dreg:$0x2];
	[bflag:$0x3] =	sbarrier.arrive $0xFFFF;
	s2 =	simm.s32 @!p0 $0x1C03  }
0x151: {  	[timem:s3], [sflag:s2] =	dma.local @!p0 [hbm:s0], s1  }
0x152: {  	s0 =	simm.s32 @!p0 $0x3  }
0x153: {  	_ =	swait.ge @!p0 [sflag:s0], s1  }
0x154: {  	s1 =	ssub.s32 @!p0 $0x0, s1;
	[sflag:s0] =	ssyncset.done @!p0 $0x0  }
0x155: {  	[sflag:s0] =	ssyncadd.s32 @!p0 s1  }
0x156: {  	[bflag:$0x3] =	sbarrier.arrive $0xFFFF  }
0x157: {  	_ =	shalt  }

</sc_bundles>
